<compile_context>
chip_gen: v7x
topology: tpu7x:2x2x1
jax: 0.10.2.dev20260603
libtpu: 0.0.44.dev20260713+nightly
codegen_flags: <defaults>
</compile_context>

<pallas_src>
import functools

import jax
import jax.numpy as jnp
from jax import lax
from jax.experimental import pallas as pl
from jax.experimental.pallas import tpu as pltpu
from jax.experimental.pallas import tpu_sc as plsc

_NS = 16
_CB = 80
_BN = 2000
_NL = 16
_NP = 3


def _dot_t(a, w):
    return lax.dot_general(a, w, (((1,), (1,)), ((), ())),
                           preferred_element_type=jnp.float32)


def _matmul2_call(x, wn, wr, br):
    n, d = x.shape

    def body(x_ref, wn_ref, wr_ref, b_ref, y_ref, r_ref):
        xb = x_ref[...]
        y_ref[...] = _dot_t(xb, wn_ref[...])
        r_ref[...] = _dot_t(xb, wr_ref[...]) + b_ref[...]

    return pl.pallas_call(
        body,
        grid=(n // _BN,),
        in_specs=[
            pl.BlockSpec((_BN, d), lambda i: (i, 0)),
            pl.BlockSpec((d, d), lambda i: (0, 0)),
            pl.BlockSpec((d, d), lambda i: (0, 0)),
            pl.BlockSpec((1, d), lambda i: (0, 0)),
        ],
        out_specs=[pl.BlockSpec((_BN, d), lambda i: (i, 0))] * 2,
        out_shape=[jax.ShapeDtypeStruct((n, d), jnp.float32)] * 2,
    )(x, wn, wr, br.reshape(1, d))


def _combine_block(r, a, b, cnt):
    agg = jnp.concatenate([a, b], axis=1)
    dnm = jnp.maximum(cnt[:, 0:1], 1.0)
    o = r + agg / dnm
    nrm = jnp.maximum(jnp.sqrt(jnp.sum(o * o, axis=1, keepdims=True)), 1e-12)
    return o / nrm


def _combine_mm_call(r, a, b, cnt, wn, wr, br):
    n, d = r.shape
    dh = a.shape[1]
    nc = cnt.shape[1]

    def body(r_ref, a_ref, b_ref, c_ref, wn_ref, wr_ref, bias_ref,
             y_ref, r2_ref):
        h = jnp.maximum(
            _combine_block(r_ref[...], a_ref[...], b_ref[...], c_ref[...]),
            0.0)
        y_ref[...] = _dot_t(h, wn_ref[...])
        r2_ref[...] = _dot_t(h, wr_ref[...]) + bias_ref[...]

    return pl.pallas_call(
        body,
        grid=(n // _BN,),
        in_specs=[
            pl.BlockSpec((_BN, d), lambda i: (i, 0)),
            pl.BlockSpec((_BN, dh), lambda i: (i, 0)),
            pl.BlockSpec((_BN, dh), lambda i: (i, 0)),
            pl.BlockSpec((_BN, nc), lambda i: (i, 0)),
            pl.BlockSpec((d, d), lambda i: (0, 0)),
            pl.BlockSpec((d, d), lambda i: (0, 0)),
            pl.BlockSpec((1, d), lambda i: (0, 0)),
        ],
        out_specs=[pl.BlockSpec((_BN, d), lambda i: (i, 0))] * 2,
        out_shape=[jax.ShapeDtypeStruct((n, d), jnp.float32)] * 2,
    )(r, a, b, cnt, wn, wr, br.reshape(1, d))


def _combine_call(r, a, b, cnt):
    n, d = r.shape
    dh = a.shape[1]
    nc = cnt.shape[1]

    def body(r_ref, a_ref, b_ref, c_ref, out_ref):
        out_ref[...] = _combine_block(r_ref[...], a_ref[...], b_ref[...],
                                      c_ref[...])

    return pl.pallas_call(
        body,
        grid=(n // _BN,),
        in_specs=[
            pl.BlockSpec((_BN, d), lambda i: (i, 0)),
            pl.BlockSpec((_BN, dh), lambda i: (i, 0)),
            pl.BlockSpec((_BN, dh), lambda i: (i, 0)),
            pl.BlockSpec((_BN, nc), lambda i: (i, 0)),
        ],
        out_specs=pl.BlockSpec((_BN, d), lambda i: (i, 0)),
        out_shape=jax.ShapeDtypeStruct((n, d), jnp.float32),
    )(r, a, b, cnt)


_SEG_CACHE = {}


def _segsum_call(y2, src_a, src_b, dst3, zrows, with_counts):
    key = (y2.shape, dst3.shape, with_counts)
    if key not in _SEG_CACHE:
        _SEG_CACHE[key] = _build_segsum(y2.shape, dst3.shape, with_counts)
    return _SEG_CACHE[key](y2, src_a, src_b, dst3, zrows)


def _build_segsum(y2_shape, dst3_shape, with_counts):
    n = y2_shape[0] // 2
    dh = y2_shape[1]
    ns, nch, cb = dst3_shape
    nv = -(n // (-8 * _NP)) * 8
    napad = nv + 8
    rpz = napad // ns // 8 * 8
    lastz = napad - (ns - 1) * rpz
    lastv = nv - (ns - 1) * rpz
    nvec = cb // _NL
    assert nch % 2 == 1, "pipelined loop below assumes an odd chunk count"
    assert (_NP - 1) * nv < n <= _NP * nv and n % 8 == 0 and rpz > 0
    assert 0 < lastv <= lastz
    for p in range(_NP):
        vp = min(nv, n - p * nv)
        assert vp - (ns - 1) * rpz > 0 and vp % 8 == 0

    mesh = plsc.VectorSubcoreMesh(core_axis_name="c", subcore_axis_name="s")

    out_type = [jax.ShapeDtypeStruct((n, dh), jnp.float32),
                jax.ShapeDtypeStruct((n, dh), jnp.float32)]
    if with_counts:
        out_type.append(jax.ShapeDtypeStruct((_NP * nv, dh), jnp.float32))

    @functools.partial(
        pl.kernel,
        mesh=mesh,
        out_type=out_type,
        scratch_types=[
            pltpu.VMEM((nch, cb), jnp.int32),
            pltpu.VMEM((nch, cb), jnp.int32),
            pltpu.VMEM((cb, dh), jnp.float32),
            pltpu.VMEM((cb, dh), jnp.float32),
            pltpu.VMEM_SHARED((napad, dh), jnp.float32),
            pltpu.SemaphoreType.DMA,
            pltpu.SemaphoreType.DMA,
        ],
    )
    def seg(y_ref, sa_ref, sb_ref, d_ref, z_ref, agg_a, agg_b, *rest):
        if with_counts:
            cnt_out = rest[0]
            rest = rest[1:]
        (sidx, didx_t, rows_a, rows_b, acc, sem_a, sem_b) = rest
        c = lax.axis_index("c")
        s = lax.axis_index("s")
        arow0 = s * rpz

        @pl.when(c == 0)
        def _():
            pltpu.sync_copy(sa_ref.at[s], sidx)

        @pl.when(c == 1)
        def _():
            pltpu.sync_copy(sb_ref.at[s], sidx)

        def load_transform(lo):
            pltpu.sync_copy(d_ref.at[s], didx_t)

            def transform(j, carry):
                for k in range(nvec):
                    sl = pl.ds(k * _NL, _NL)
                    v = didx_t[j, sl]
                    g = nv + (v & 7)
                    inr = (v >= lo) & (v < lo + nv)
                    didx_t[j, sl] = jnp.where(inr, v - lo, g)
                return carry

            lax.fori_loop(0, nch, transform, 0)

        def zero_acc():
            @pl.when(s < ns - 1)
            def _():
                pltpu.sync_copy(z_ref.at[pl.ds(0, rpz)],
                                acc.at[pl.ds(arow0, rpz)])

            @pl.when(s == ns - 1)
            def _():
                pltpu.sync_copy(z_ref.at[pl.ds(0, lastz)],
                                acc.at[pl.ds(arow0, lastz)])

        def fire(j, buf, sem):
            pltpu.async_copy(y_ref.at[sidx.at[j]], buf, sem)

        def wait(buf, sem):
            pltpu.make_async_copy(y_ref.at[pl.ds(0, cb)], buf, sem).wait()

        def scat(j, buf):
            pltpu.sync_copy(buf, acc.at[didx_t.at[j]], add=True)

        for p in range(_NP):
            vp = min(nv, n - p * nv)
            lastw = vp - (ns - 1) * rpz
            load_transform(p * nv)
            zero_acc()
            plsc.subcore_barrier()

            fire(0, rows_a, sem_a)

            def step(jj, carry):
                j0 = 2 * jj
                fire(j0 + 1, rows_b, sem_b)
                wait(rows_a, sem_a)
                scat(j0, rows_a)
                fire(j0 + 2, rows_a, sem_a)
                wait(rows_b, sem_b)
                scat(j0 + 1, rows_b)
                return carry

            lax.fori_loop(0, (nch - 1) // 2, step, 0)
            wait(rows_a, sem_a)
            scat(nch - 1, rows_a)

            plsc.subcore_barrier()
            orow0 = p * nv + arow0

            def wout(dst_ref):
                @pl.when(s < ns - 1)
                def _():
                    pltpu.sync_copy(acc.at[pl.ds(arow0, rpz)],
                                    dst_ref.at[pl.ds(orow0, rpz)])

                @pl.when(s == ns - 1)
                def _():
                    pltpu.sync_copy(acc.at[pl.ds(arow0, lastw)],
                                    dst_ref.at[pl.ds(orow0, lastw)])

            @pl.when(c == 0)
            def _():
                wout(agg_a)

            @pl.when(c == 1)
            def _():
                wout(agg_b)

        if with_counts:
            def fill_ones(r, carry):
                for k in range(dh // _NL):
                    rows_a[r, pl.ds(k * _NL, _NL)] = jnp.ones((_NL,),
                                                              jnp.float32)
                return carry

            lax.fori_loop(0, cb, fill_ones, 0)

            for q01 in range(2):
                q = jnp.minimum(c * 2 + q01, _NP - 1)
                load_transform(q * nv)
                zero_acc()
                plsc.subcore_barrier()

                def cstep(j, carry):
                    scat(j, rows_a)
                    return carry

                lax.fori_loop(0, nch, cstep, 0)
                plsc.subcore_barrier()
                crow0 = q * nv + arow0

                @pl.when(s < ns - 1)
                def _():
                    pltpu.sync_copy(acc.at[pl.ds(arow0, rpz)],
                                    cnt_out.at[pl.ds(crow0, rpz)])

                @pl.when(s == ns - 1)
                def _():
                    pltpu.sync_copy(acc.at[pl.ds(arow0, lastv)],
                                    cnt_out.at[pl.ds(crow0, lastv)])

    return seg


def kernel(x, edge_index, Wn1, Wr1, br1, Wn2, Wr2, br2):
    n, d = x.shape
    e = edge_index.shape[1]
    dh = d // 2
    ns, cb = _NS, _CB
    ep = e // ns
    nch = ep // cb
    nv = -(n // (-8 * _NP)) * 8
    napad = nv + 8
    rpz = napad // ns // 8 * 8
    lastz = napad - (ns - 1) * rpz

    ei = edge_index.astype(jnp.int32)
    src2 = ei[0] * 2
    src_a = src2.reshape(ns, nch, cb)
    src_b = (src2 + 1).reshape(ns, nch, cb)
    dst3 = ei[1].reshape(ns, nch, cb)
    zrows = jnp.zeros((lastz, dh), jnp.float32)

    y1, r1 = _matmul2_call(x, Wn1, Wr1, br1)
    a1, b1, cnt = _segsum_call(y1.reshape(2 * n, dh), src_a, src_b, dst3,
                               zrows, with_counts=True)
    y2, r2 = _combine_mm_call(r1, a1, b1, cnt, Wn2, Wr2, br2)
    a2, b2 = _segsum_call(y2.reshape(2 * n, dh), src_a, src_b, dst3,
                          zrows, with_counts=False)
    return _combine_call(r2, a2, b2, cnt)

# --- scband reference (transcript-rebuilt; emitter-appended) ---
"""Pipeline reference for scband-graph-sage-10651518894405 (READ-ONLY COPY).

The authoritative reference and input builder live on the scoring server;
editing this copy changes nothing except your own understanding.
"""

import jax, jax.numpy as jnp
import numpy as np

N_NODES = 10000
N_EDGES = 160000
D_IN = 256
D_HID = 256
D_OUT = 256


def _xavier(key, shape):
    fan_out, fan_in = shape
    limit = jnp.sqrt(6.0 / (fan_in + fan_out))
    return jax.random.uniform(key, shape, minval=-limit, maxval=limit, dtype=jnp.float32)


def setup_inputs(seed: int = 0) -> dict:
    key = jax.random.key(seed)
    ks = jax.random.split(key, 8)
    x = jax.random.normal(ks[0], (N_NODES, D_IN), dtype=jnp.float32)
    edge_index = jax.random.randint(ks[1], (2, N_EDGES), 0, N_NODES, dtype=jnp.int64)
    Wn1 = _xavier(ks[2], (D_HID, D_IN))
    Wr1 = _xavier(ks[3], (D_HID, D_IN))
    br1 = jnp.zeros((D_HID,), dtype=jnp.float32)
    Wn2 = _xavier(ks[4], (D_OUT, D_HID))
    Wr2 = _xavier(ks[5], (D_OUT, D_HID))
    br2 = jnp.zeros((D_OUT,), dtype=jnp.float32)
    return {"x": x, "edge_index": edge_index, "Wn1": Wn1, "Wr1": Wr1, "br1": br1,
            "Wn2": Wn2, "Wr2": Wr2, "br2": br2}


def _sage_conv(x, edge_index, Wn, Wr, br):
    src = edge_index[0]
    dst = edge_index[1]
    n = x.shape[0]
    msgs = jnp.take(x, src, axis=0)
    summed = jax.ops.segment_sum(msgs, dst, num_segments=n)
    counts = jax.ops.segment_sum(jnp.ones((edge_index.shape[1],), dtype=x.dtype), dst, num_segments=n)
    x_neigh = summed / jnp.maximum(counts, 1.0)[:, None]
    out = x @ Wr.T + br + x_neigh @ Wn.T
    norm = jnp.maximum(jnp.linalg.norm(out, axis=-1, keepdims=True), 1e-12)
    return out / norm


def reference(x, edge_index, Wn1, Wr1, br1, Wn2, Wr2, br2):
    h = _sage_conv(x, edge_index, Wn1, Wr1, br1)
    h = jax.nn.relu(h)
    # dropout p=0.0 / eval mode -> identity
    out = _sage_conv(h, edge_index, Wn2, Wr2, br2)
    return out

if __name__ == "__main__":
    import jax
    _d = setup_inputs()
    print(jax.jit(kernel)(*tuple(_d.values())))

</pallas_src>

<mosaic_0001>
#map = affine_map<(d0, d1) -> (0, 0)>
#map1 = affine_map<(d0, d1) -> (0, 0, 0)>
module attributes {stable_mosaic.version = 14 : i64} {
  func.func @seg(%arg0: i32, %arg1: i32, %arg2: memref<20000x128xf32, #tpu.memory_space<hbm>>, %arg3: memref<16x125x80xi32, #tpu.memory_space<hbm>>, %arg4: memref<16x125x80xi32, #tpu.memory_space<hbm>>, %arg5: memref<16x125x80xi32, #tpu.memory_space<hbm>>, %arg6: memref<224x128xf32, #tpu.memory_space<hbm>>, %arg7: memref<10000x128xf32, #tpu.memory_space<hbm>>, %arg8: memref<10000x128xf32, #tpu.memory_space<hbm>>, %arg9: memref<125x80xi32, #tpu.memory_space<vmem>>, %arg10: memref<125x80xi32, #tpu.memory_space<vmem>>, %arg11: memref<80x128xf32, #tpu.memory_space<vmem>>, %arg12: memref<80x128xf32, #tpu.memory_space<vmem>>, %arg13: memref<3344x128xf32, #tpu.memory_space<vmem_shared>>, %arg14: memref<!tpu.dma_semaphore, #tpu.memory_space<semaphore_mem>>, %arg15: memref<!tpu.dma_semaphore, #tpu.memory_space<semaphore_mem>>) attributes {dimension_semantics = [#tpu.dimension_semantics<core_parallel>, #tpu.dimension_semantics<subcore_parallel>], iteration_bounds = array<i64: 2, 16>, scalar_prefetch = 0 : i64, scratch_operands = 7 : i64, tpu.core_type = #tpu.core_type<sc_vector_subcore>, window_params = [{transform_indices = #map}, {transform_indices = #map1}, {transform_indices = #map1}, {transform_indices = #map1}, {transform_indices = #map}, {transform_indices = #map}, {transform_indices = #map}]} {
    %mul3A = arith.constant 208 : i32
    %mul3A_0 = arith.muli %arg1, %mul3A : i32
    %eq3A = arith.constant 0 : i32
    %eq3A_1 = arith.cmpi eq, %arg0, %eq3A : i32
    %convert_element_type3A = arith.extui %eq3A_1 : i1 to i32
    %cond3A = arith.constant 0 : i32
    %cond3A_2 = arith.cmpi ne, %convert_element_type3A, %cond3A : i32
    scf.if %cond3A_2 {
      "tpu.region"() ({
        %run_scoped3A_151 = tpu.sem_alloc : memref<!tpu.dma_semaphore, #tpu.memory_space<semaphore_mem>>
        %dma_start3A_152 = arith.constant 0 : i32
        %dma_start3A_153 = arith.constant 0 : i32
        %dma_start3A_154 = tpu.memref_slice %arg3[%arg1, %dma_start3A_152, %dma_start3A_153] : memref<16x125x80xi32, #tpu.memory_space<hbm>> -> memref<1x125x80xi32, #tpu.memory_space<hbm>>
        %dma_start3A_155 = tpu.memref_squeeze %dma_start3A_154 : memref<1x125x80xi32, #tpu.memory_space<hbm>> -> memref<125x80xi32, #tpu.memory_space<hbm>>
        %dma_start3A_156 = arith.constant 0 : i32
        %dma_start3A_157 = arith.constant 0 : i32
        %dma_start3A_158 = tpu.memref_slice %arg3[%arg1, %dma_start3A_156, %dma_start3A_157] : memref<16x125x80xi32, #tpu.memory_space<hbm>> -> memref<1x125x80xi32, #tpu.memory_space<hbm>>
        %dma_start3A_159 = tpu.memref_squeeze %dma_start3A_158 : memref<1x125x80xi32, #tpu.memory_space<hbm>> -> memref<125x80xi32, #tpu.memory_space<hbm>>
        tpu.enqueue_dma source(%dma_start3A_159 : memref<125x80xi32, #tpu.memory_space<hbm>>) target(%arg9 : memref<125x80xi32, #tpu.memory_space<vmem>>) target_semaphore(%run_scoped3A_151 : memref<!tpu.dma_semaphore, #tpu.memory_space<semaphore_mem>>)
        %dma_wait3A_160 = arith.constant 0 : i32
        %dma_wait3A_161 = arith.constant 0 : i32
        %dma_wait3A_162 = tpu.memref_slice %arg3[%arg1, %dma_wait3A_160, %dma_wait3A_161] : memref<16x125x80xi32, #tpu.memory_space<hbm>> -> memref<1x125x80xi32, #tpu.memory_space<hbm>>
        %dma_wait3A_163 = tpu.memref_squeeze %dma_wait3A_162 : memref<1x125x80xi32, #tpu.memory_space<hbm>> -> memref<125x80xi32, #tpu.memory_space<hbm>>
        %dma_wait3A_164 = arith.constant 0 : i32
        %dma_wait3A_165 = arith.constant 0 : i32
        %dma_wait3A_166 = tpu.memref_slice %arg3[%arg1, %dma_wait3A_164, %dma_wait3A_165] : memref<16x125x80xi32, #tpu.memory_space<hbm>> -> memref<1x125x80xi32, #tpu.memory_space<hbm>>
        %dma_wait3A_167 = tpu.memref_squeeze %dma_wait3A_166 : memref<1x125x80xi32, #tpu.memory_space<hbm>> -> memref<125x80xi32, #tpu.memory_space<hbm>>
        tpu.wait_dma2 semaphore(%run_scoped3A_151 : memref<!tpu.dma_semaphore, #tpu.memory_space<semaphore_mem>>) src(%dma_wait3A_167 : memref<125x80xi32, #tpu.memory_space<hbm>>) dst(%arg9 : memref<125x80xi32, #tpu.memory_space<vmem>>)
        tpu.yield
      }) : () -> ()
    } else {
    }
    %eq3A_3 = arith.constant 1 : i32
    %eq3A_4 = arith.cmpi eq, %arg0, %eq3A_3 : i32
    %convert_element_type3A_5 = arith.extui %eq3A_4 : i1 to i32
    %cond3A_6 = arith.constant 0 : i32
    %cond3A_7 = arith.cmpi ne, %convert_element_type3A_5, %cond3A_6 : i32
    scf.if %cond3A_7 {
      "tpu.region"() ({
        %run_scoped3A_151 = tpu.sem_alloc : memref<!tpu.dma_semaphore, #tpu.memory_space<semaphore_mem>>
        %dma_start3A_152 = arith.constant 0 : i32
        %dma_start3A_153 = arith.constant 0 : i32
        %dma_start3A_154 = tpu.memref_slice %arg4[%arg1, %dma_start3A_152, %dma_start3A_153] : memref<16x125x80xi32, #tpu.memory_space<hbm>> -> memref<1x125x80xi32, #tpu.memory_space<hbm>>
        %dma_start3A_155 = tpu.memref_squeeze %dma_start3A_154 : memref<1x125x80xi32, #tpu.memory_space<hbm>> -> memref<125x80xi32, #tpu.memory_space<hbm>>
        %dma_start3A_156 = arith.constant 0 : i32
        %dma_start3A_157 = arith.constant 0 : i32
        %dma_start3A_158 = tpu.memref_slice %arg4[%arg1, %dma_start3A_156, %dma_start3A_157] : memref<16x125x80xi32, #tpu.memory_space<hbm>> -> memref<1x125x80xi32, #tpu.memory_space<hbm>>
        %dma_start3A_159 = tpu.memref_squeeze %dma_start3A_158 : memref<1x125x80xi32, #tpu.memory_space<hbm>> -> memref<125x80xi32, #tpu.memory_space<hbm>>
        tpu.enqueue_dma source(%dma_start3A_159 : memref<125x80xi32, #tpu.memory_space<hbm>>) target(%arg9 : memref<125x80xi32, #tpu.memory_space<vmem>>) target_semaphore(%run_scoped3A_151 : memref<!tpu.dma_semaphore, #tpu.memory_space<semaphore_mem>>)
        %dma_wait3A_160 = arith.constant 0 : i32
        %dma_wait3A_161 = arith.constant 0 : i32
        %dma_wait3A_162 = tpu.memref_slice %arg4[%arg1, %dma_wait3A_160, %dma_wait3A_161] : memref<16x125x80xi32, #tpu.memory_space<hbm>> -> memref<1x125x80xi32, #tpu.memory_space<hbm>>
        %dma_wait3A_163 = tpu.memref_squeeze %dma_wait3A_162 : memref<1x125x80xi32, #tpu.memory_space<hbm>> -> memref<125x80xi32, #tpu.memory_space<hbm>>
        %dma_wait3A_164 = arith.constant 0 : i32
        %dma_wait3A_165 = arith.constant 0 : i32
        %dma_wait3A_166 = tpu.memref_slice %arg4[%arg1, %dma_wait3A_164, %dma_wait3A_165] : memref<16x125x80xi32, #tpu.memory_space<hbm>> -> memref<1x125x80xi32, #tpu.memory_space<hbm>>
        %dma_wait3A_167 = tpu.memref_squeeze %dma_wait3A_166 : memref<1x125x80xi32, #tpu.memory_space<hbm>> -> memref<125x80xi32, #tpu.memory_space<hbm>>
        tpu.wait_dma2 semaphore(%run_scoped3A_151 : memref<!tpu.dma_semaphore, #tpu.memory_space<semaphore_mem>>) src(%dma_wait3A_167 : memref<125x80xi32, #tpu.memory_space<hbm>>) dst(%arg9 : memref<125x80xi32, #tpu.memory_space<vmem>>)
        tpu.yield
      }) : () -> ()
    } else {
    }
    "tpu.region"() ({
      %run_scoped3A_151 = tpu.sem_alloc : memref<!tpu.dma_semaphore, #tpu.memory_space<semaphore_mem>>
      %dma_start3A_152 = arith.constant 0 : i32
      %dma_start3A_153 = arith.constant 0 : i32
      %dma_start3A_154 = tpu.memref_slice %arg5[%arg1, %dma_start3A_152, %dma_start3A_153] : memref<16x125x80xi32, #tpu.memory_space<hbm>> -> memref<1x125x80xi32, #tpu.memory_space<hbm>>
      %dma_start3A_155 = tpu.memref_squeeze %dma_start3A_154 : memref<1x125x80xi32, #tpu.memory_space<hbm>> -> memref<125x80xi32, #tpu.memory_space<hbm>>
      %dma_start3A_156 = arith.constant 0 : i32
      %dma_start3A_157 = arith.constant 0 : i32
      %dma_start3A_158 = tpu.memref_slice %arg5[%arg1, %dma_start3A_156, %dma_start3A_157] : memref<16x125x80xi32, #tpu.memory_space<hbm>> -> memref<1x125x80xi32, #tpu.memory_space<hbm>>
      %dma_start3A_159 = tpu.memref_squeeze %dma_start3A_158 : memref<1x125x80xi32, #tpu.memory_space<hbm>> -> memref<125x80xi32, #tpu.memory_space<hbm>>
      tpu.enqueue_dma source(%dma_start3A_159 : memref<125x80xi32, #tpu.memory_space<hbm>>) target(%arg10 : memref<125x80xi32, #tpu.memory_space<vmem>>) target_semaphore(%run_scoped3A_151 : memref<!tpu.dma_semaphore, #tpu.memory_space<semaphore_mem>>)
      %dma_wait3A_160 = arith.constant 0 : i32
      %dma_wait3A_161 = arith.constant 0 : i32
      %dma_wait3A_162 = tpu.memref_slice %arg5[%arg1, %dma_wait3A_160, %dma_wait3A_161] : memref<16x125x80xi32, #tpu.memory_space<hbm>> -> memref<1x125x80xi32, #tpu.memory_space<hbm>>
      %dma_wait3A_163 = tpu.memref_squeeze %dma_wait3A_162 : memref<1x125x80xi32, #tpu.memory_space<hbm>> -> memref<125x80xi32, #tpu.memory_space<hbm>>
      %dma_wait3A_164 = arith.constant 0 : i32
      %dma_wait3A_165 = arith.constant 0 : i32
      %dma_wait3A_166 = tpu.memref_slice %arg5[%arg1, %dma_wait3A_164, %dma_wait3A_165] : memref<16x125x80xi32, #tpu.memory_space<hbm>> -> memref<1x125x80xi32, #tpu.memory_space<hbm>>
      %dma_wait3A_167 = tpu.memref_squeeze %dma_wait3A_166 : memref<1x125x80xi32, #tpu.memory_space<hbm>> -> memref<125x80xi32, #tpu.memory_space<hbm>>
      tpu.wait_dma2 semaphore(%run_scoped3A_151 : memref<!tpu.dma_semaphore, #tpu.memory_space<semaphore_mem>>) src(%dma_wait3A_167 : memref<125x80xi32, #tpu.memory_space<hbm>>) dst(%arg10 : memref<125x80xi32, #tpu.memory_space<vmem>>)
      tpu.yield
    }) : () -> ()
    %scan3A = arith.constant 0 : i32
    %scan3A_8 = arith.constant 0 : i32
    %scan3A_9 = arith.constant 125 : i32
    %scan3A_10 = arith.addi %scan3A_8, %scan3A_9 : i32
    %scan3A_11 = arith.constant 1 : i32
    scf.for %scan3A_151 = %scan3A_8 to %scan3A_10 step %scan3A_11  : i32 {
      %get3A = arith.index_cast %scan3A_151 : i32 to index
      %get3A_152 = arith.constant 0 : index
      %get3A_153 = tpu.vector_load %arg10[%get3A, %get3A_152] {strides = array<i32>} : memref<125x80xi32, #tpu.memory_space<vmem>>, vector<1x16xi32>,
      %get3A_154 = vector.shape_cast %get3A_153 : vector<1x16xi32> to vector<16xi32>
      %and3A = arith.constant 7 : i32
      %and3A_155 = vector.broadcast %and3A : i32 to vector<16xi32>
      %and3A_156 = arith.andi %get3A_154, %and3A_155 : vector<16xi32>
      %add3A_157 = arith.constant 3336 : i32
      %add3A_158 = vector.broadcast %add3A_157 : i32 to vector<16xi32>
      %add3A_159 = arith.addi %add3A_158, %and3A_156 : vector<16xi32>
      %ge3A = arith.constant 0 : i32
      %ge3A_160 = vector.broadcast %ge3A : i32 to vector<16xi32>
      %ge3A_161 = arith.cmpi sge, %get3A_154, %ge3A_160 : vector<16xi32>
      %lt3A_162 = arith.constant 3336 : i32
      %lt3A_163 = vector.broadcast %lt3A_162 : i32 to vector<16xi32>
      %lt3A_164 = arith.cmpi slt, %get3A_154, %lt3A_163 : vector<16xi32>
      %and3A_165 = arith.andi %ge3A_161, %lt3A_164 : vector<16xi1>
      %sub3A = arith.constant 0 : i32
      %sub3A_166 = vector.broadcast %sub3A : i32 to vector<16xi32>
      %sub3A_167 = arith.subi %get3A_154, %sub3A_166 : vector<16xi32>
      %select_n3A = arith.select %and3A_165, %sub3A_167, %add3A_159 : vector<16xi1>, vector<16xi32>
      %swap3A = arith.index_cast %scan3A_151 : i32 to index
      %swap3A_168 = arith.constant 0 : index
      %swap3A_169 = tpu.vector_load %arg10[%swap3A, %swap3A_168] {strides = array<i32>} : memref<125x80xi32, #tpu.memory_space<vmem>>, vector<1x16xi32>,
      %swap3A_170 = vector.shape_cast %swap3A_169 : vector<1x16xi32> to vector<16xi32>
      %swap3A_171 = vector.shape_cast %select_n3A : vector<16xi32> to vector<1x16xi32>
      tpu.vector_store %arg10[%swap3A, %swap3A_168], %swap3A_171 {strides = array<i32>} : memref<125x80xi32, #tpu.memory_space<vmem>>, vector<1x16xi32>,
      %get3A_172 = arith.index_cast %scan3A_151 : i32 to index
      %get3A_173 = arith.constant 16 : index
      %get3A_174 = tpu.vector_load %arg10[%get3A_172, %get3A_173] {strides = array<i32>} : memref<125x80xi32, #tpu.memory_space<vmem>>, vector<1x16xi32>,
      %get3A_175 = vector.shape_cast %get3A_174 : vector<1x16xi32> to vector<16xi32>
      %and3A_176 = arith.constant 7 : i32
      %and3A_177 = vector.broadcast %and3A_176 : i32 to vector<16xi32>
      %and3A_178 = arith.andi %get3A_175, %and3A_177 : vector<16xi32>
      %add3A_179 = arith.constant 3336 : i32
      %add3A_180 = vector.broadcast %add3A_179 : i32 to vector<16xi32>
      %add3A_181 = arith.addi %add3A_180, %and3A_178 : vector<16xi32>
      %ge3A_182 = arith.constant 0 : i32
      %ge3A_183 = vector.broadcast %ge3A_182 : i32 to vector<16xi32>
      %ge3A_184 = arith.cmpi sge, %get3A_175, %ge3A_183 : vector<16xi32>
      %lt3A_185 = arith.constant 3336 : i32
      %lt3A_186 = vector.broadcast %lt3A_185 : i32 to vector<16xi32>
      %lt3A_187 = arith.cmpi slt, %get3A_175, %lt3A_186 : vector<16xi32>
      %and3A_188 = arith.andi %ge3A_184, %lt3A_187 : vector<16xi1>
      %sub3A_189 = arith.constant 0 : i32
      %sub3A_190 = vector.broadcast %sub3A_189 : i32 to vector<16xi32>
      %sub3A_191 = arith.subi %get3A_175, %sub3A_190 : vector<16xi32>
      %select_n3A_192 = arith.select %and3A_188, %sub3A_191, %add3A_181 : vector<16xi1>, vector<16xi32>
      %swap3A_193 = arith.index_cast %scan3A_151 : i32 to index
      %swap3A_194 = arith.constant 16 : index
      %swap3A_195 = tpu.vector_load %arg10[%swap3A_193, %swap3A_194] {strides = array<i32>} : memref<125x80xi32, #tpu.memory_space<vmem>>, vector<1x16xi32>,
      %swap3A_196 = vector.shape_cast %swap3A_195 : vector<1x16xi32> to vector<16xi32>
      %swap3A_197 = vector.shape_cast %select_n3A_192 : vector<16xi32> to vector<1x16xi32>
      tpu.vector_store %arg10[%swap3A_193, %swap3A_194], %swap3A_197 {strides = array<i32>} : memref<125x80xi32, #tpu.memory_space<vmem>>, vector<1x16xi32>,
      %get3A_198 = arith.index_cast %scan3A_151 : i32 to index
      %get3A_199 = arith.constant 32 : index
      %get3A_200 = tpu.vector_load %arg10[%get3A_198, %get3A_199] {strides = array<i32>} : memref<125x80xi32, #tpu.memory_space<vmem>>, vector<1x16xi32>,
      %get3A_201 = vector.shape_cast %get3A_200 : vector<1x16xi32> to vector<16xi32>
      %and3A_202 = arith.constant 7 : i32
      %and3A_203 = vector.broadcast %and3A_202 : i32 to vector<16xi32>
      %and3A_204 = arith.andi %get3A_201, %and3A_203 : vector<16xi32>
      %add3A_205 = arith.constant 3336 : i32
      %add3A_206 = vector.broadcast %add3A_205 : i32 to vector<16xi32>
      %add3A_207 = arith.addi %add3A_206, %and3A_204 : vector<16xi32>
      %ge3A_208 = arith.constant 0 : i32
      %ge3A_209 = vector.broadcast %ge3A_208 : i32 to vector<16xi32>
      %ge3A_210 = arith.cmpi sge, %get3A_201, %ge3A_209 : vector<16xi32>
      %lt3A_211 = arith.constant 3336 : i32
      %lt3A_212 = vector.broadcast %lt3A_211 : i32 to vector<16xi32>
      %lt3A_213 = arith.cmpi slt, %get3A_201, %lt3A_212 : vector<16xi32>
      %and3A_214 = arith.andi %ge3A_210, %lt3A_213 : vector<16xi1>
      %sub3A_215 = arith.constant 0 : i32
      %sub3A_216 = vector.broadcast %sub3A_215 : i32 to vector<16xi32>
      %sub3A_217 = arith.subi %get3A_201, %sub3A_216 : vector<16xi32>
      %select_n3A_218 = arith.select %and3A_214, %sub3A_217, %add3A_207 : vector<16xi1>, vector<16xi32>
      %swap3A_219 = arith.index_cast %scan3A_151 : i32 to index
      %swap3A_220 = arith.constant 32 : index
      %swap3A_221 = tpu.vector_load %arg10[%swap3A_219, %swap3A_220] {strides = array<i32>} : memref<125x80xi32, #tpu.memory_space<vmem>>, vector<1x16xi32>,
      %swap3A_222 = vector.shape_cast %swap3A_221 : vector<1x16xi32> to vector<16xi32>
      %swap3A_223 = vector.shape_cast %select_n3A_218 : vector<16xi32> to vector<1x16xi32>
      tpu.vector_store %arg10[%swap3A_219, %swap3A_220], %swap3A_223 {strides = array<i32>} : memref<125x80xi32, #tpu.memory_space<vmem>>, vector<1x16xi32>,
      %get3A_224 = arith.index_cast %scan3A_151 : i32 to index
      %get3A_225 = arith.constant 48 : index
      %get3A_226 = tpu.vector_load %arg10[%get3A_224, %get3A_225] {strides = array<i32>} : memref<125x80xi32, #tpu.memory_space<vmem>>, vector<1x16xi32>,
      %get3A_227 = vector.shape_cast %get3A_226 : vector<1x16xi32> to vector<16xi32>
      %and3A_228 = arith.constant 7 : i32
      %and3A_229 = vector.broadcast %and3A_228 : i32 to vector<16xi32>
      %and3A_230 = arith.andi %get3A_227, %and3A_229 : vector<16xi32>
      %add3A_231 = arith.constant 3336 : i32
      %add3A_232 = vector.broadcast %add3A_231 : i32 to vector<16xi32>
      %add3A_233 = arith.addi %add3A_232, %and3A_230 : vector<16xi32>
      %ge3A_234 = arith.constant 0 : i32
      %ge3A_235 = vector.broadcast %ge3A_234 : i32 to vector<16xi32>
      %ge3A_236 = arith.cmpi sge, %get3A_227, %ge3A_235 : vector<16xi32>
      %lt3A_237 = arith.constant 3336 : i32
      %lt3A_238 = vector.broadcast %lt3A_237 : i32 to vector<16xi32>
      %lt3A_239 = arith.cmpi slt, %get3A_227, %lt3A_238 : vector<16xi32>
      %and3A_240 = arith.andi %ge3A_236, %lt3A_239 : vector<16xi1>
      %sub3A_241 = arith.constant 0 : i32
      %sub3A_242 = vector.broadcast %sub3A_241 : i32 to vector<16xi32>
      %sub3A_243 = arith.subi %get3A_227, %sub3A_242 : vector<16xi32>
      %select_n3A_244 = arith.select %and3A_240, %sub3A_243, %add3A_233 : vector<16xi1>, vector<16xi32>
      %swap3A_245 = arith.index_cast %scan3A_151 : i32 to index
      %swap3A_246 = arith.constant 48 : index
      %swap3A_247 = tpu.vector_load %arg10[%swap3A_245, %swap3A_246] {strides = array<i32>} : memref<125x80xi32, #tpu.memory_space<vmem>>, vector<1x16xi32>,
      %swap3A_248 = vector.shape_cast %swap3A_247 : vector<1x16xi32> to vector<16xi32>
      %swap3A_249 = vector.shape_cast %select_n3A_244 : vector<16xi32> to vector<1x16xi32>
      tpu.vector_store %arg10[%swap3A_245, %swap3A_246], %swap3A_249 {strides = array<i32>} : memref<125x80xi32, #tpu.memory_space<vmem>>, vector<1x16xi32>,
      %get3A_250 = arith.index_cast %scan3A_151 : i32 to index
      %get3A_251 = arith.constant 64 : index
      %get3A_252 = tpu.vector_load %arg10[%get3A_250, %get3A_251] {strides = array<i32>} : memref<125x80xi32, #tpu.memory_space<vmem>>, vector<1x16xi32>,
      %get3A_253 = vector.shape_cast %get3A_252 : vector<1x16xi32> to vector<16xi32>
      %and3A_254 = arith.constant 7 : i32
      %and3A_255 = vector.broadcast %and3A_254 : i32 to vector<16xi32>
      %and3A_256 = arith.andi %get3A_253, %and3A_255 : vector<16xi32>
      %add3A_257 = arith.constant 3336 : i32
      %add3A_258 = vector.broadcast %add3A_257 : i32 to vector<16xi32>
      %add3A_259 = arith.addi %add3A_258, %and3A_256 : vector<16xi32>
      %ge3A_260 = arith.constant 0 : i32
      %ge3A_261 = vector.broadcast %ge3A_260 : i32 to vector<16xi32>
      %ge3A_262 = arith.cmpi sge, %get3A_253, %ge3A_261 : vector<16xi32>
      %lt3A_263 = arith.constant 3336 : i32
      %lt3A_264 = vector.broadcast %lt3A_263 : i32 to vector<16xi32>
      %lt3A_265 = arith.cmpi slt, %get3A_253, %lt3A_264 : vector<16xi32>
      %and3A_266 = arith.andi %ge3A_262, %lt3A_265 : vector<16xi1>
      %sub3A_267 = arith.constant 0 : i32
      %sub3A_268 = vector.broadcast %sub3A_267 : i32 to vector<16xi32>
      %sub3A_269 = arith.subi %get3A_253, %sub3A_268 : vector<16xi32>
      %select_n3A_270 = arith.select %and3A_266, %sub3A_269, %add3A_259 : vector<16xi1>, vector<16xi32>
      %swap3A_271 = arith.index_cast %scan3A_151 : i32 to index
      %swap3A_272 = arith.constant 64 : index
      %swap3A_273 = tpu.vector_load %arg10[%swap3A_271, %swap3A_272] {strides = array<i32>} : memref<125x80xi32, #tpu.memory_space<vmem>>, vector<1x16xi32>,
      %swap3A_274 = vector.shape_cast %swap3A_273 : vector<1x16xi32> to vector<16xi32>
      %swap3A_275 = vector.shape_cast %select_n3A_270 : vector<16xi32> to vector<1x16xi32>
      tpu.vector_store %arg10[%swap3A_271, %swap3A_272], %swap3A_275 {strides = array<i32>} : memref<125x80xi32, #tpu.memory_space<vmem>>, vector<1x16xi32>,
    }
    %scan3A_12 = arith.constant 125 : i32
    %lt3A = arith.constant 15 : i32
    %lt3A_13 = arith.cmpi slt, %arg1, %lt3A : i32
    %convert_element_type3A_14 = arith.extui %lt3A_13 : i1 to i32
    %cond3A_15 = arith.constant 0 : i32
    %cond3A_16 = arith.cmpi ne, %convert_element_type3A_14, %cond3A_15 : i32
    scf.if %cond3A_16 {
      "tpu.region"() ({
        %run_scoped3A_151 = tpu.sem_alloc : memref<!tpu.dma_semaphore, #tpu.memory_space<semaphore_mem>>
        %dma_start3A_152 = arith.constant 0 : i32
        %dma_start3A_153 = tpu.memref_slice %arg13[%mul3A_0, %dma_start3A_152] : memref<3344x128xf32, #tpu.memory_space<vmem_shared>> -> memref<208x128xf32, #tpu.memory_space<vmem_shared>>
        %dma_start3A_154 = arith.constant 0 : i32
        %dma_start3A_155 = arith.constant 0 : i32
        %dma_start3A_156 = tpu.memref_slice %arg6[%dma_start3A_154, %dma_start3A_155] : memref<224x128xf32, #tpu.memory_space<hbm>> -> memref<208x128xf32, #tpu.memory_space<hbm>>
        tpu.enqueue_dma source(%dma_start3A_156 : memref<208x128xf32, #tpu.memory_space<hbm>>) target(%dma_start3A_153 : memref<208x128xf32, #tpu.memory_space<vmem_shared>>) target_semaphore(%run_scoped3A_151 : memref<!tpu.dma_semaphore, #tpu.memory_space<semaphore_mem>>)
        %dma_wait3A_157 = arith.constant 0 : i32
        %dma_wait3A_158 = tpu.memref_slice %arg13[%mul3A_0, %dma_wait3A_157] : memref<3344x128xf32, #tpu.memory_space<vmem_shared>> -> memref<208x128xf32, #tpu.memory_space<vmem_shared>>
        %dma_wait3A_159 = arith.constant 0 : i32
        %dma_wait3A_160 = arith.constant 0 : i32
        %dma_wait3A_161 = tpu.memref_slice %arg6[%dma_wait3A_159, %dma_wait3A_160] : memref<224x128xf32, #tpu.memory_space<hbm>> -> memref<208x128xf32, #tpu.memory_space<hbm>>
        tpu.wait_dma2 semaphore(%run_scoped3A_151 : memref<!tpu.dma_semaphore, #tpu.memory_space<semaphore_mem>>) src(%dma_wait3A_161 : memref<208x128xf32, #tpu.memory_space<hbm>>) dst(%dma_wait3A_158 : memref<208x128xf32, #tpu.memory_space<vmem_shared>>)
        tpu.yield
      }) : () -> ()
    } else {
    }
    %eq3A_17 = arith.constant 15 : i32
    %eq3A_18 = arith.cmpi eq, %arg1, %eq3A_17 : i32
    %convert_element_type3A_19 = arith.extui %eq3A_18 : i1 to i32
    %cond3A_20 = arith.constant 0 : i32
    %cond3A_21 = arith.cmpi ne, %convert_element_type3A_19, %cond3A_20 : i32
    scf.if %cond3A_21 {
      "tpu.region"() ({
        %run_scoped3A_151 = tpu.sem_alloc : memref<!tpu.dma_semaphore, #tpu.memory_space<semaphore_mem>>
        %dma_start3A_152 = arith.constant 0 : i32
        %dma_start3A_153 = tpu.memref_slice %arg13[%mul3A_0, %dma_start3A_152] : memref<3344x128xf32, #tpu.memory_space<vmem_shared>> -> memref<224x128xf32, #tpu.memory_space<vmem_shared>>
        %dma_start3A_154 = arith.constant 0 : i32
        %dma_start3A_155 = arith.constant 0 : i32
        %dma_start3A_156 = tpu.memref_slice %arg6[%dma_start3A_154, %dma_start3A_155] : memref<224x128xf32, #tpu.memory_space<hbm>> -> memref<224x128xf32, #tpu.memory_space<hbm>>
        tpu.enqueue_dma source(%dma_start3A_156 : memref<224x128xf32, #tpu.memory_space<hbm>>) target(%dma_start3A_153 : memref<224x128xf32, #tpu.memory_space<vmem_shared>>) target_semaphore(%run_scoped3A_151 : memref<!tpu.dma_semaphore, #tpu.memory_space<semaphore_mem>>)
        %dma_wait3A_157 = arith.constant 0 : i32
        %dma_wait3A_158 = tpu.memref_slice %arg13[%mul3A_0, %dma_wait3A_157] : memref<3344x128xf32, #tpu.memory_space<vmem_shared>> -> memref<224x128xf32, #tpu.memory_space<vmem_shared>>
        %dma_wait3A_159 = arith.constant 0 : i32
        %dma_wait3A_160 = arith.constant 0 : i32
        %dma_wait3A_161 = tpu.memref_slice %arg6[%dma_wait3A_159, %dma_wait3A_160] : memref<224x128xf32, #tpu.memory_space<hbm>> -> memref<224x128xf32, #tpu.memory_space<hbm>>
        tpu.wait_dma2 semaphore(%run_scoped3A_151 : memref<!tpu.dma_semaphore, #tpu.memory_space<semaphore_mem>>) src(%dma_wait3A_161 : memref<224x128xf32, #tpu.memory_space<hbm>>) dst(%dma_wait3A_158 : memref<224x128xf32, #tpu.memory_space<vmem_shared>>)
        tpu.yield
      }) : () -> ()
    } else {
    }
    %barrier3A = arith.constant 0 : index
    tpu.barrier barrier_id(%barrier3A)
    %dma_start3A = arith.constant 0 : i32
    %dma_start3A_22 = arith.constant 0 : i32
    %dma_start3A_23 = tpu.memref_slice %arg9[%dma_start3A, %dma_start3A_22] : memref<125x80xi32, #tpu.memory_space<vmem>> -> memref<1x80xi32, #tpu.memory_space<vmem>>
    %dma_start3A_24 = tpu.memref_squeeze %dma_start3A_23 : memref<1x80xi32, #tpu.memory_space<vmem>> -> memref<80xi32, #tpu.memory_space<vmem>>
    %dma_start3A_25 = arith.constant 0 : i32
    %dma_start3A_26 = arith.constant 0 : i32
    %dma_start3A_27 = tpu.memref_slice %arg2[%dma_start3A_25, %dma_start3A_26] : memref<20000x128xf32, #tpu.memory_space<hbm>> -> memref<20000x128xf32, #tpu.memory_space<hbm>>
    tpu.enqueue_indirect_dma source(%dma_start3A_27 : memref<20000x128xf32, #tpu.memory_space<hbm>>) target(%arg11 : memref<80x128xf32, #tpu.memory_space<vmem>>) offsets(%dma_start3A_24 : memref<80xi32, #tpu.memory_space<vmem>>) semaphore(%arg14 : memref<!tpu.dma_semaphore, #tpu.memory_space<semaphore_mem>>)
    %scan3A_28 = arith.constant 0 : i32
    %scan3A_29 = arith.constant 0 : i32
    %scan3A_30 = arith.constant 62 : i32
    %scan3A_31 = arith.addi %scan3A_29, %scan3A_30 : i32
    %scan3A_32 = arith.constant 1 : i32
    scf.for %scan3A_151 = %scan3A_29 to %scan3A_31 step %scan3A_32  : i32 {
      %mul3A_152 = arith.constant 2 : i32
      %mul3A_153 = arith.muli %mul3A_152, %scan3A_151 : i32
      %add3A_154 = arith.constant 1 : i32
      %add3A_155 = arith.addi %mul3A_153, %add3A_154 : i32
      %dma_start3A_156 = arith.constant 0 : i32
      %dma_start3A_157 = tpu.memref_slice %arg9[%add3A_155, %dma_start3A_156] : memref<125x80xi32, #tpu.memory_space<vmem>> -> memref<1x80xi32, #tpu.memory_space<vmem>>
      %dma_start3A_158 = tpu.memref_squeeze %dma_start3A_157 : memref<1x80xi32, #tpu.memory_space<vmem>> -> memref<80xi32, #tpu.memory_space<vmem>>
      %dma_start3A_159 = arith.constant 0 : i32
      %dma_start3A_160 = arith.constant 0 : i32
      %dma_start3A_161 = tpu.memref_slice %arg2[%dma_start3A_159, %dma_start3A_160] : memref<20000x128xf32, #tpu.memory_space<hbm>> -> memref<20000x128xf32, #tpu.memory_space<hbm>>
      tpu.enqueue_indirect_dma source(%dma_start3A_161 : memref<20000x128xf32, #tpu.memory_space<hbm>>) target(%arg12 : memref<80x128xf32, #tpu.memory_space<vmem>>) offsets(%dma_start3A_158 : memref<80xi32, #tpu.memory_space<vmem>>) semaphore(%arg15 : memref<!tpu.dma_semaphore, #tpu.memory_space<semaphore_mem>>)
      %dma_wait3A_162 = arith.constant 0 : i32
      %dma_wait3A_163 = arith.constant 0 : i32
      %dma_wait3A_164 = tpu.memref_slice %arg2[%dma_wait3A_162, %dma_wait3A_163] : memref<20000x128xf32, #tpu.memory_space<hbm>> -> memref<80x128xf32, #tpu.memory_space<hbm>>
      %dma_wait3A_165 = arith.constant 0 : i32
      %dma_wait3A_166 = arith.constant 0 : i32
      %dma_wait3A_167 = tpu.memref_slice %arg2[%dma_wait3A_165, %dma_wait3A_166] : memref<20000x128xf32, #tpu.memory_space<hbm>> -> memref<80x128xf32, #tpu.memory_space<hbm>>
      tpu.wait_dma2 semaphore(%arg14 : memref<!tpu.dma_semaphore, #tpu.memory_space<semaphore_mem>>) src(%dma_wait3A_167 : memref<80x128xf32, #tpu.memory_space<hbm>>) dst(%arg11 : memref<80x128xf32, #tpu.memory_space<vmem>>)
      "tpu.region"() ({
        %run_scoped3A_184 = tpu.sem_alloc : memref<!tpu.dma_semaphore, #tpu.memory_space<semaphore_mem>>
        %dma_start3A_185 = arith.constant 0 : i32
        %dma_start3A_186 = tpu.memref_slice %arg10[%mul3A_153, %dma_start3A_185] : memref<125x80xi32, #tpu.memory_space<vmem>> -> memref<1x80xi32, #tpu.memory_space<vmem>>
        %dma_start3A_187 = tpu.memref_squeeze %dma_start3A_186 : memref<1x80xi32, #tpu.memory_space<vmem>> -> memref<80xi32, #tpu.memory_space<vmem>>
        %dma_start3A_188 = arith.constant 0 : i32
        %dma_start3A_189 = arith.constant 0 : i32
        %dma_start3A_190 = tpu.memref_slice %arg13[%dma_start3A_188, %dma_start3A_189] : memref<3344x128xf32, #tpu.memory_space<vmem_shared>> -> memref<3344x128xf32, #tpu.memory_space<vmem_shared>>
        tpu.enqueue_indirect_dma source(%arg11 : memref<80x128xf32, #tpu.memory_space<vmem>>) target(%dma_start3A_190 : memref<3344x128xf32, #tpu.memory_space<vmem_shared>>) offsets(%dma_start3A_187 : memref<80xi32, #tpu.memory_space<vmem>>) semaphore(%run_scoped3A_184 : memref<!tpu.dma_semaphore, #tpu.memory_space<semaphore_mem>>) {add = true}
        %dma_wait3A_191 = arith.constant 0 : i32
        %dma_wait3A_192 = tpu.memref_slice %arg10[%mul3A_153, %dma_wait3A_191] : memref<125x80xi32, #tpu.memory_space<vmem>> -> memref<1x80xi32, #tpu.memory_space<vmem>>
        %dma_wait3A_193 = tpu.memref_squeeze %dma_wait3A_192 : memref<1x80xi32, #tpu.memory_space<vmem>> -> memref<80xi32, #tpu.memory_space<vmem>>
        %dma_wait3A_194 = arith.constant 0 : i32
        %dma_wait3A_195 = arith.constant 0 : i32
        %dma_wait3A_196 = tpu.memref_slice %arg13[%dma_wait3A_194, %dma_wait3A_195] : memref<3344x128xf32, #tpu.memory_space<vmem_shared>> -> memref<3344x128xf32, #tpu.memory_space<vmem_shared>>
        tpu.wait_indirect_dma semaphore(%run_scoped3A_184 : memref<!tpu.dma_semaphore, #tpu.memory_space<semaphore_mem>>) src(%arg11 : memref<80x128xf32, #tpu.memory_space<vmem>>) dst(%dma_wait3A_196 : memref<3344x128xf32, #tpu.memory_space<vmem_shared>>)
        tpu.yield
      }) : () -> ()
      %add3A_168 = arith.constant 2 : i32
      %add3A_169 = arith.addi %mul3A_153, %add3A_168 : i32
      %dma_start3A_170 = arith.constant 0 : i32
      %dma_start3A_171 = tpu.memref_slice %arg9[%add3A_169, %dma_start3A_170] : memref<125x80xi32, #tpu.memory_space<vmem>> -> memref<1x80xi32, #tpu.memory_space<vmem>>
      %dma_start3A_172 = tpu.memref_squeeze %dma_start3A_171 : memref<1x80xi32, #tpu.memory_space<vmem>> -> memref<80xi32, #tpu.memory_space<vmem>>
      %dma_start3A_173 = arith.constant 0 : i32
      %dma_start3A_174 = arith.constant 0 : i32
      %dma_start3A_175 = tpu.memref_slice %arg2[%dma_start3A_173, %dma_start3A_174] : memref<20000x128xf32, #tpu.memory_space<hbm>> -> memref<20000x128xf32, #tpu.memory_space<hbm>>
      tpu.enqueue_indirect_dma source(%dma_start3A_175 : memref<20000x128xf32, #tpu.memory_space<hbm>>) target(%arg11 : memref<80x128xf32, #tpu.memory_space<vmem>>) offsets(%dma_start3A_172 : memref<80xi32, #tpu.memory_space<vmem>>) semaphore(%arg14 : memref<!tpu.dma_semaphore, #tpu.memory_space<semaphore_mem>>)
      %dma_wait3A_176 = arith.constant 0 : i32
      %dma_wait3A_177 = arith.constant 0 : i32
      %dma_wait3A_178 = tpu.memref_slice %arg2[%dma_wait3A_176, %dma_wait3A_177] : memref<20000x128xf32, #tpu.memory_space<hbm>> -> memref<80x128xf32, #tpu.memory_space<hbm>>
      %dma_wait3A_179 = arith.constant 0 : i32
      %dma_wait3A_180 = arith.constant 0 : i32
      %dma_wait3A_181 = tpu.memref_slice %arg2[%dma_wait3A_179, %dma_wait3A_180] : memref<20000x128xf32, #tpu.memory_space<hbm>> -> memref<80x128xf32, #tpu.memory_space<hbm>>
      tpu.wait_dma2 semaphore(%arg15 : memref<!tpu.dma_semaphore, #tpu.memory_space<semaphore_mem>>) src(%dma_wait3A_181 : memref<80x128xf32, #tpu.memory_space<hbm>>) dst(%arg12 : memref<80x128xf32, #tpu.memory_space<vmem>>)
      %add3A_182 = arith.constant 1 : i32
      %add3A_183 = arith.addi %mul3A_153, %add3A_182 : i32
      "tpu.region"() ({
        %run_scoped3A_184 = tpu.sem_alloc : memref<!tpu.dma_semaphore, #tpu.memory_space<semaphore_mem>>
        %dma_start3A_185 = arith.constant 0 : i32
        %dma_start3A_186 = tpu.memref_slice %arg10[%add3A_183, %dma_start3A_185] : memref<125x80xi32, #tpu.memory_space<vmem>> -> memref<1x80xi32, #tpu.memory_space<vmem>>
        %dma_start3A_187 = tpu.memref_squeeze %dma_start3A_186 : memref<1x80xi32, #tpu.memory_space<vmem>> -> memref<80xi32, #tpu.memory_space<vmem>>
        %dma_start3A_188 = arith.constant 0 : i32
        %dma_start3A_189 = arith.constant 0 : i32
        %dma_start3A_190 = tpu.memref_slice %arg13[%dma_start3A_188, %dma_start3A_189] : memref<3344x128xf32, #tpu.memory_space<vmem_shared>> -> memref<3344x128xf32, #tpu.memory_space<vmem_shared>>
        tpu.enqueue_indirect_dma source(%arg12 : memref<80x128xf32, #tpu.memory_space<vmem>>) target(%dma_start3A_190 : memref<3344x128xf32, #tpu.memory_space<vmem_shared>>) offsets(%dma_start3A_187 : memref<80xi32, #tpu.memory_space<vmem>>) semaphore(%run_scoped3A_184 : memref<!tpu.dma_semaphore, #tpu.memory_space<semaphore_mem>>) {add = true}
        %dma_wait3A_191 = arith.constant 0 : i32
        %dma_wait3A_192 = tpu.memref_slice %arg10[%add3A_183, %dma_wait3A_191] : memref<125x80xi32, #tpu.memory_space<vmem>> -> memref<1x80xi32, #tpu.memory_space<vmem>>
        %dma_wait3A_193 = tpu.memref_squeeze %dma_wait3A_192 : memref<1x80xi32, #tpu.memory_space<vmem>> -> memref<80xi32, #tpu.memory_space<vmem>>
        %dma_wait3A_194 = arith.constant 0 : i32
        %dma_wait3A_195 = arith.constant 0 : i32
        %dma_wait3A_196 = tpu.memref_slice %arg13[%dma_wait3A_194, %dma_wait3A_195] : memref<3344x128xf32, #tpu.memory_space<vmem_shared>> -> memref<3344x128xf32, #tpu.memory_space<vmem_shared>>
        tpu.wait_indirect_dma semaphore(%run_scoped3A_184 : memref<!tpu.dma_semaphore, #tpu.memory_space<semaphore_mem>>) src(%arg12 : memref<80x128xf32, #tpu.memory_space<vmem>>) dst(%dma_wait3A_196 : memref<3344x128xf32, #tpu.memory_space<vmem_shared>>)
        tpu.yield
      }) : () -> ()
    }
    %scan3A_33 = arith.constant 62 : i32
    %dma_wait3A = arith.constant 0 : i32
    %dma_wait3A_34 = arith.constant 0 : i32
    %dma_wait3A_35 = tpu.memref_slice %arg2[%dma_wait3A, %dma_wait3A_34] : memref<20000x128xf32, #tpu.memory_space<hbm>> -> memref<80x128xf32, #tpu.memory_space<hbm>>
    %dma_wait3A_36 = arith.constant 0 : i32
    %dma_wait3A_37 = arith.constant 0 : i32
    %dma_wait3A_38 = tpu.memref_slice %arg2[%dma_wait3A_36, %dma_wait3A_37] : memref<20000x128xf32, #tpu.memory_space<hbm>> -> memref<80x128xf32, #tpu.memory_space<hbm>>
    tpu.wait_dma2 semaphore(%arg14 : memref<!tpu.dma_semaphore, #tpu.memory_space<semaphore_mem>>) src(%dma_wait3A_38 : memref<80x128xf32, #tpu.memory_space<hbm>>) dst(%arg11 : memref<80x128xf32, #tpu.memory_space<vmem>>)
    %run_scoped3A = arith.constant 124 : i32
    "tpu.region"() ({
      %run_scoped3A_151 = tpu.sem_alloc : memref<!tpu.dma_semaphore, #tpu.memory_space<semaphore_mem>>
      %dma_start3A_152 = arith.constant 0 : i32
      %dma_start3A_153 = tpu.memref_slice %arg10[%run_scoped3A, %dma_start3A_152] : memref<125x80xi32, #tpu.memory_space<vmem>> -> memref<1x80xi32, #tpu.memory_space<vmem>>
      %dma_start3A_154 = tpu.memref_squeeze %dma_start3A_153 : memref<1x80xi32, #tpu.memory_space<vmem>> -> memref<80xi32, #tpu.memory_space<vmem>>
      %dma_start3A_155 = arith.constant 0 : i32
      %dma_start3A_156 = arith.constant 0 : i32
      %dma_start3A_157 = tpu.memref_slice %arg13[%dma_start3A_155, %dma_start3A_156] : memref<3344x128xf32, #tpu.memory_space<vmem_shared>> -> memref<3344x128xf32, #tpu.memory_space<vmem_shared>>
      tpu.enqueue_indirect_dma source(%arg11 : memref<80x128xf32, #tpu.memory_space<vmem>>) target(%dma_start3A_157 : memref<3344x128xf32, #tpu.memory_space<vmem_shared>>) offsets(%dma_start3A_154 : memref<80xi32, #tpu.memory_space<vmem>>) semaphore(%run_scoped3A_151 : memref<!tpu.dma_semaphore, #tpu.memory_space<semaphore_mem>>) {add = true}
      %dma_wait3A_158 = arith.constant 0 : i32
      %dma_wait3A_159 = tpu.memref_slice %arg10[%run_scoped3A, %dma_wait3A_158] : memref<125x80xi32, #tpu.memory_space<vmem>> -> memref<1x80xi32, #tpu.memory_space<vmem>>
      %dma_wait3A_160 = tpu.memref_squeeze %dma_wait3A_159 : memref<1x80xi32, #tpu.memory_space<vmem>> -> memref<80xi32, #tpu.memory_space<vmem>>
      %dma_wait3A_161 = arith.constant 0 : i32
      %dma_wait3A_162 = arith.constant 0 : i32
      %dma_wait3A_163 = tpu.memref_slice %arg13[%dma_wait3A_161, %dma_wait3A_162] : memref<3344x128xf32, #tpu.memory_space<vmem_shared>> -> memref<3344x128xf32, #tpu.memory_space<vmem_shared>>
      tpu.wait_indirect_dma semaphore(%run_scoped3A_151 : memref<!tpu.dma_semaphore, #tpu.memory_space<semaphore_mem>>) src(%arg11 : memref<80x128xf32, #tpu.memory_space<vmem>>) dst(%dma_wait3A_163 : memref<3344x128xf32, #tpu.memory_space<vmem_shared>>)
      tpu.yield
    }) : () -> ()
    %barrier3A_39 = arith.constant 0 : index
    tpu.barrier barrier_id(%barrier3A_39)
    %add3A = arith.constant 0 : i32
    %add3A_40 = arith.addi %add3A, %mul3A_0 : i32
    %eq3A_41 = arith.constant 0 : i32
    %eq3A_42 = arith.cmpi eq, %arg0, %eq3A_41 : i32
    %convert_element_type3A_43 = arith.extui %eq3A_42 : i1 to i32
    %cond3A_44 = arith.constant 0 : i32
    %cond3A_45 = arith.cmpi ne, %convert_element_type3A_43, %cond3A_44 : i32
    scf.if %cond3A_45 {
      %lt3A_151 = arith.constant 15 : i32
      %lt3A_152 = arith.cmpi slt, %arg1, %lt3A_151 : i32
      %convert_element_type3A_153 = arith.extui %lt3A_152 : i1 to i32
      %cond3A_154 = arith.constant 0 : i32
      %cond3A_155 = arith.cmpi ne, %convert_element_type3A_153, %cond3A_154 : i32
      scf.if %cond3A_155 {
        "tpu.region"() ({
          %run_scoped3A_161 = tpu.sem_alloc : memref<!tpu.dma_semaphore, #tpu.memory_space<semaphore_mem>>
          %dma_start3A_162 = arith.constant 0 : i32
          %dma_start3A_163 = tpu.memref_slice %arg7[%add3A_40, %dma_start3A_162] : memref<10000x128xf32, #tpu.memory_space<hbm>> -> memref<208x128xf32, #tpu.memory_space<hbm>>
          %dma_start3A_164 = arith.constant 0 : i32
          %dma_start3A_165 = tpu.memref_slice %arg13[%mul3A_0, %dma_start3A_164] : memref<3344x128xf32, #tpu.memory_space<vmem_shared>> -> memref<208x128xf32, #tpu.memory_space<vmem_shared>>
          tpu.enqueue_dma source(%dma_start3A_165 : memref<208x128xf32, #tpu.memory_space<vmem_shared>>) target(%dma_start3A_163 : memref<208x128xf32, #tpu.memory_space<hbm>>) target_semaphore(%run_scoped3A_161 : memref<!tpu.dma_semaphore, #tpu.memory_space<semaphore_mem>>)
          %dma_wait3A_166 = arith.constant 0 : i32
          %dma_wait3A_167 = tpu.memref_slice %arg7[%add3A_40, %dma_wait3A_166] : memref<10000x128xf32, #tpu.memory_space<hbm>> -> memref<208x128xf32, #tpu.memory_space<hbm>>
          %dma_wait3A_168 = arith.constant 0 : i32
          %dma_wait3A_169 = tpu.memref_slice %arg13[%mul3A_0, %dma_wait3A_168] : memref<3344x128xf32, #tpu.memory_space<vmem_shared>> -> memref<208x128xf32, #tpu.memory_space<vmem_shared>>
          tpu.wait_dma2 semaphore(%run_scoped3A_161 : memref<!tpu.dma_semaphore, #tpu.memory_space<semaphore_mem>>) src(%dma_wait3A_169 : memref<208x128xf32, #tpu.memory_space<vmem_shared>>) dst(%dma_wait3A_167 : memref<208x128xf32, #tpu.memory_space<hbm>>)
          tpu.yield
        }) : () -> ()
      } else {
      }
      %eq3A_156 = arith.constant 15 : i32
      %eq3A_157 = arith.cmpi eq, %arg1, %eq3A_156 : i32
      %convert_element_type3A_158 = arith.extui %eq3A_157 : i1 to i32
      %cond3A_159 = arith.constant 0 : i32
      %cond3A_160 = arith.cmpi ne, %convert_element_type3A_158, %cond3A_159 : i32
      scf.if %cond3A_160 {
        "tpu.region"() ({
          %run_scoped3A_161 = tpu.sem_alloc : memref<!tpu.dma_semaphore, #tpu.memory_space<semaphore_mem>>
          %dma_start3A_162 = arith.constant 0 : i32
          %dma_start3A_163 = tpu.memref_slice %arg7[%add3A_40, %dma_start3A_162] : memref<10000x128xf32, #tpu.memory_space<hbm>> -> memref<216x128xf32, #tpu.memory_space<hbm>>
          %dma_start3A_164 = arith.constant 0 : i32
          %dma_start3A_165 = tpu.memref_slice %arg13[%mul3A_0, %dma_start3A_164] : memref<3344x128xf32, #tpu.memory_space<vmem_shared>> -> memref<216x128xf32, #tpu.memory_space<vmem_shared>>
          tpu.enqueue_dma source(%dma_start3A_165 : memref<216x128xf32, #tpu.memory_space<vmem_shared>>) target(%dma_start3A_163 : memref<216x128xf32, #tpu.memory_space<hbm>>) target_semaphore(%run_scoped3A_161 : memref<!tpu.dma_semaphore, #tpu.memory_space<semaphore_mem>>)
          %dma_wait3A_166 = arith.constant 0 : i32
          %dma_wait3A_167 = tpu.memref_slice %arg7[%add3A_40, %dma_wait3A_166] : memref<10000x128xf32, #tpu.memory_space<hbm>> -> memref<216x128xf32, #tpu.memory_space<hbm>>
          %dma_wait3A_168 = arith.constant 0 : i32
          %dma_wait3A_169 = tpu.memref_slice %arg13[%mul3A_0, %dma_wait3A_168] : memref<3344x128xf32, #tpu.memory_space<vmem_shared>> -> memref<216x128xf32, #tpu.memory_space<vmem_shared>>
          tpu.wait_dma2 semaphore(%run_scoped3A_161 : memref<!tpu.dma_semaphore, #tpu.memory_space<semaphore_mem>>) src(%dma_wait3A_169 : memref<216x128xf32, #tpu.memory_space<vmem_shared>>) dst(%dma_wait3A_167 : memref<216x128xf32, #tpu.memory_space<hbm>>)
          tpu.yield
        }) : () -> ()
      } else {
      }
    } else {
    }
    %eq3A_46 = arith.constant 1 : i32
    %eq3A_47 = arith.cmpi eq, %arg0, %eq3A_46 : i32
    %convert_element_type3A_48 = arith.extui %eq3A_47 : i1 to i32
    %cond3A_49 = arith.constant 0 : i32
    %cond3A_50 = arith.cmpi ne, %convert_element_type3A_48, %cond3A_49 : i32
    scf.if %cond3A_50 {
      %lt3A_151 = arith.constant 15 : i32
      %lt3A_152 = arith.cmpi slt, %arg1, %lt3A_151 : i32
      %convert_element_type3A_153 = arith.extui %lt3A_152 : i1 to i32
      %cond3A_154 = arith.constant 0 : i32
      %cond3A_155 = arith.cmpi ne, %convert_element_type3A_153, %cond3A_154 : i32
      scf.if %cond3A_155 {
        "tpu.region"() ({
          %run_scoped3A_161 = tpu.sem_alloc : memref<!tpu.dma_semaphore, #tpu.memory_space<semaphore_mem>>
          %dma_start3A_162 = arith.constant 0 : i32
          %dma_start3A_163 = tpu.memref_slice %arg8[%add3A_40, %dma_start3A_162] : memref<10000x128xf32, #tpu.memory_space<hbm>> -> memref<208x128xf32, #tpu.memory_space<hbm>>
          %dma_start3A_164 = arith.constant 0 : i32
          %dma_start3A_165 = tpu.memref_slice %arg13[%mul3A_0, %dma_start3A_164] : memref<3344x128xf32, #tpu.memory_space<vmem_shared>> -> memref<208x128xf32, #tpu.memory_space<vmem_shared>>
          tpu.enqueue_dma source(%dma_start3A_165 : memref<208x128xf32, #tpu.memory_space<vmem_shared>>) target(%dma_start3A_163 : memref<208x128xf32, #tpu.memory_space<hbm>>) target_semaphore(%run_scoped3A_161 : memref<!tpu.dma_semaphore, #tpu.memory_space<semaphore_mem>>)
          %dma_wait3A_166 = arith.constant 0 : i32
          %dma_wait3A_167 = tpu.memref_slice %arg8[%add3A_40, %dma_wait3A_166] : memref<10000x128xf32, #tpu.memory_space<hbm>> -> memref<208x128xf32, #tpu.memory_space<hbm>>
          %dma_wait3A_168 = arith.constant 0 : i32
          %dma_wait3A_169 = tpu.memref_slice %arg13[%mul3A_0, %dma_wait3A_168] : memref<3344x128xf32, #tpu.memory_space<vmem_shared>> -> memref<208x128xf32, #tpu.memory_space<vmem_shared>>
          tpu.wait_dma2 semaphore(%run_scoped3A_161 : memref<!tpu.dma_semaphore, #tpu.memory_space<semaphore_mem>>) src(%dma_wait3A_169 : memref<208x128xf32, #tpu.memory_space<vmem_shared>>) dst(%dma_wait3A_167 : memref<208x128xf32, #tpu.memory_space<hbm>>)
          tpu.yield
        }) : () -> ()
      } else {
      }
      %eq3A_156 = arith.constant 15 : i32
      %eq3A_157 = arith.cmpi eq, %arg1, %eq3A_156 : i32
      %convert_element_type3A_158 = arith.extui %eq3A_157 : i1 to i32
      %cond3A_159 = arith.constant 0 : i32
      %cond3A_160 = arith.cmpi ne, %convert_element_type3A_158, %cond3A_159 : i32
      scf.if %cond3A_160 {
        "tpu.region"() ({
          %run_scoped3A_161 = tpu.sem_alloc : memref<!tpu.dma_semaphore, #tpu.memory_space<semaphore_mem>>
          %dma_start3A_162 = arith.constant 0 : i32
          %dma_start3A_163 = tpu.memref_slice %arg8[%add3A_40, %dma_start3A_162] : memref<10000x128xf32, #tpu.memory_space<hbm>> -> memref<216x128xf32, #tpu.memory_space<hbm>>
          %dma_start3A_164 = arith.constant 0 : i32
          %dma_start3A_165 = tpu.memref_slice %arg13[%mul3A_0, %dma_start3A_164] : memref<3344x128xf32, #tpu.memory_space<vmem_shared>> -> memref<216x128xf32, #tpu.memory_space<vmem_shared>>
          tpu.enqueue_dma source(%dma_start3A_165 : memref<216x128xf32, #tpu.memory_space<vmem_shared>>) target(%dma_start3A_163 : memref<216x128xf32, #tpu.memory_space<hbm>>) target_semaphore(%run_scoped3A_161 : memref<!tpu.dma_semaphore, #tpu.memory_space<semaphore_mem>>)
          %dma_wait3A_166 = arith.constant 0 : i32
          %dma_wait3A_167 = tpu.memref_slice %arg8[%add3A_40, %dma_wait3A_166] : memref<10000x128xf32, #tpu.memory_space<hbm>> -> memref<216x128xf32, #tpu.memory_space<hbm>>
          %dma_wait3A_168 = arith.constant 0 : i32
          %dma_wait3A_169 = tpu.memref_slice %arg13[%mul3A_0, %dma_wait3A_168] : memref<3344x128xf32, #tpu.memory_space<vmem_shared>> -> memref<216x128xf32, #tpu.memory_space<vmem_shared>>
          tpu.wait_dma2 semaphore(%run_scoped3A_161 : memref<!tpu.dma_semaphore, #tpu.memory_space<semaphore_mem>>) src(%dma_wait3A_169 : memref<216x128xf32, #tpu.memory_space<vmem_shared>>) dst(%dma_wait3A_167 : memref<216x128xf32, #tpu.memory_space<hbm>>)
          tpu.yield
        }) : () -> ()
      } else {
      }
    } else {
    }
    "tpu.region"() ({
      %run_scoped3A_151 = tpu.sem_alloc : memref<!tpu.dma_semaphore, #tpu.memory_space<semaphore_mem>>
      %dma_start3A_152 = arith.constant 0 : i32
      %dma_start3A_153 = arith.constant 0 : i32
      %dma_start3A_154 = tpu.memref_slice %arg5[%arg1, %dma_start3A_152, %dma_start3A_153] : memref<16x125x80xi32, #tpu.memory_space<hbm>> -> memref<1x125x80xi32, #tpu.memory_space<hbm>>
      %dma_start3A_155 = tpu.memref_squeeze %dma_start3A_154 : memref<1x125x80xi32, #tpu.memory_space<hbm>> -> memref<125x80xi32, #tpu.memory_space<hbm>>
      %dma_start3A_156 = arith.constant 0 : i32
      %dma_start3A_157 = arith.constant 0 : i32
      %dma_start3A_158 = tpu.memref_slice %arg5[%arg1, %dma_start3A_156, %dma_start3A_157] : memref<16x125x80xi32, #tpu.memory_space<hbm>> -> memref<1x125x80xi32, #tpu.memory_space<hbm>>
      %dma_start3A_159 = tpu.memref_squeeze %dma_start3A_158 : memref<1x125x80xi32, #tpu.memory_space<hbm>> -> memref<125x80xi32, #tpu.memory_space<hbm>>
      tpu.enqueue_dma source(%dma_start3A_159 : memref<125x80xi32, #tpu.memory_space<hbm>>) target(%arg10 : memref<125x80xi32, #tpu.memory_space<vmem>>) target_semaphore(%run_scoped3A_151 : memref<!tpu.dma_semaphore, #tpu.memory_space<semaphore_mem>>)
      %dma_wait3A_160 = arith.constant 0 : i32
      %dma_wait3A_161 = arith.constant 0 : i32
      %dma_wait3A_162 = tpu.memref_slice %arg5[%arg1, %dma_wait3A_160, %dma_wait3A_161] : memref<16x125x80xi32, #tpu.memory_space<hbm>> -> memref<1x125x80xi32, #tpu.memory_space<hbm>>
      %dma_wait3A_163 = tpu.memref_squeeze %dma_wait3A_162 : memref<1x125x80xi32, #tpu.memory_space<hbm>> -> memref<125x80xi32, #tpu.memory_space<hbm>>
      %dma_wait3A_164 = arith.constant 0 : i32
      %dma_wait3A_165 = arith.constant 0 : i32
      %dma_wait3A_166 = tpu.memref_slice %arg5[%arg1, %dma_wait3A_164, %dma_wait3A_165] : memref<16x125x80xi32, #tpu.memory_space<hbm>> -> memref<1x125x80xi32, #tpu.memory_space<hbm>>
      %dma_wait3A_167 = tpu.memref_squeeze %dma_wait3A_166 : memref<1x125x80xi32, #tpu.memory_space<hbm>> -> memref<125x80xi32, #tpu.memory_space<hbm>>
      tpu.wait_dma2 semaphore(%run_scoped3A_151 : memref<!tpu.dma_semaphore, #tpu.memory_space<semaphore_mem>>) src(%dma_wait3A_167 : memref<125x80xi32, #tpu.memory_space<hbm>>) dst(%arg10 : memref<125x80xi32, #tpu.memory_space<vmem>>)
      tpu.yield
    }) : () -> ()
    %scan3A_51 = arith.constant 0 : i32
    %scan3A_52 = arith.constant 0 : i32
    %scan3A_53 = arith.constant 125 : i32
    %scan3A_54 = arith.addi %scan3A_52, %scan3A_53 : i32
    %scan3A_55 = arith.constant 1 : i32
    scf.for %scan3A_151 = %scan3A_52 to %scan3A_54 step %scan3A_55  : i32 {
      %get3A = arith.index_cast %scan3A_151 : i32 to index
      %get3A_152 = arith.constant 0 : index
      %get3A_153 = tpu.vector_load %arg10[%get3A, %get3A_152] {strides = array<i32>} : memref<125x80xi32, #tpu.memory_space<vmem>>, vector<1x16xi32>,
      %get3A_154 = vector.shape_cast %get3A_153 : vector<1x16xi32> to vector<16xi32>
      %and3A = arith.constant 7 : i32
      %and3A_155 = vector.broadcast %and3A : i32 to vector<16xi32>
      %and3A_156 = arith.andi %get3A_154, %and3A_155 : vector<16xi32>
      %add3A_157 = arith.constant 3336 : i32
      %add3A_158 = vector.broadcast %add3A_157 : i32 to vector<16xi32>
      %add3A_159 = arith.addi %add3A_158, %and3A_156 : vector<16xi32>
      %ge3A = arith.constant 3336 : i32
      %ge3A_160 = vector.broadcast %ge3A : i32 to vector<16xi32>
      %ge3A_161 = arith.cmpi sge, %get3A_154, %ge3A_160 : vector<16xi32>
      %lt3A_162 = arith.constant 6672 : i32
      %lt3A_163 = vector.broadcast %lt3A_162 : i32 to vector<16xi32>
      %lt3A_164 = arith.cmpi slt, %get3A_154, %lt3A_163 : vector<16xi32>
      %and3A_165 = arith.andi %ge3A_161, %lt3A_164 : vector<16xi1>
      %sub3A = arith.constant 3336 : i32
      %sub3A_166 = vector.broadcast %sub3A : i32 to vector<16xi32>
      %sub3A_167 = arith.subi %get3A_154, %sub3A_166 : vector<16xi32>
      %select_n3A = arith.select %and3A_165, %sub3A_167, %add3A_159 : vector<16xi1>, vector<16xi32>
      %swap3A = arith.index_cast %scan3A_151 : i32 to index
      %swap3A_168 = arith.constant 0 : index
      %swap3A_169 = tpu.vector_load %arg10[%swap3A, %swap3A_168] {strides = array<i32>} : memref<125x80xi32, #tpu.memory_space<vmem>>, vector<1x16xi32>,
      %swap3A_170 = vector.shape_cast %swap3A_169 : vector<1x16xi32> to vector<16xi32>
      %swap3A_171 = vector.shape_cast %select_n3A : vector<16xi32> to vector<1x16xi32>
      tpu.vector_store %arg10[%swap3A, %swap3A_168], %swap3A_171 {strides = array<i32>} : memref<125x80xi32, #tpu.memory_space<vmem>>, vector<1x16xi32>,
      %get3A_172 = arith.index_cast %scan3A_151 : i32 to index
      %get3A_173 = arith.constant 16 : index
      %get3A_174 = tpu.vector_load %arg10[%get3A_172, %get3A_173] {strides = array<i32>} : memref<125x80xi32, #tpu.memory_space<vmem>>, vector<1x16xi32>,
      %get3A_175 = vector.shape_cast %get3A_174 : vector<1x16xi32> to vector<16xi32>
      %and3A_176 = arith.constant 7 : i32
      %and3A_177 = vector.broadcast %and3A_176 : i32 to vector<16xi32>
      %and3A_178 = arith.andi %get3A_175, %and3A_177 : vector<16xi32>
      %add3A_179 = arith.constant 3336 : i32
      %add3A_180 = vector.broadcast %add3A_179 : i32 to vector<16xi32>
      %add3A_181 = arith.addi %add3A_180, %and3A_178 : vector<16xi32>
      %ge3A_182 = arith.constant 3336 : i32
      %ge3A_183 = vector.broadcast %ge3A_182 : i32 to vector<16xi32>
      %ge3A_184 = arith.cmpi sge, %get3A_175, %ge3A_183 : vector<16xi32>
      %lt3A_185 = arith.constant 6672 : i32
      %lt3A_186 = vector.broadcast %lt3A_185 : i32 to vector<16xi32>
      %lt3A_187 = arith.cmpi slt, %get3A_175, %lt3A_186 : vector<16xi32>
      %and3A_188 = arith.andi %ge3A_184, %lt3A_187 : vector<16xi1>
      %sub3A_189 = arith.constant 3336 : i32
      %sub3A_190 = vector.broadcast %sub3A_189 : i32 to vector<16xi32>
      %sub3A_191 = arith.subi %get3A_175, %sub3A_190 : vector<16xi32>
      %select_n3A_192 = arith.select %and3A_188, %sub3A_191, %add3A_181 : vector<16xi1>, vector<16xi32>
      %swap3A_193 = arith.index_cast %scan3A_151 : i32 to index
      %swap3A_194 = arith.constant 16 : index
      %swap3A_195 = tpu.vector_load %arg10[%swap3A_193, %swap3A_194] {strides = array<i32>} : memref<125x80xi32, #tpu.memory_space<vmem>>, vector<1x16xi32>,
      %swap3A_196 = vector.shape_cast %swap3A_195 : vector<1x16xi32> to vector<16xi32>
      %swap3A_197 = vector.shape_cast %select_n3A_192 : vector<16xi32> to vector<1x16xi32>
      tpu.vector_store %arg10[%swap3A_193, %swap3A_194], %swap3A_197 {strides = array<i32>} : memref<125x80xi32, #tpu.memory_space<vmem>>, vector<1x16xi32>,
      %get3A_198 = arith.index_cast %scan3A_151 : i32 to index
      %get3A_199 = arith.constant 32 : index
      %get3A_200 = tpu.vector_load %arg10[%get3A_198, %get3A_199] {strides = array<i32>} : memref<125x80xi32, #tpu.memory_space<vmem>>, vector<1x16xi32>,
      %get3A_201 = vector.shape_cast %get3A_200 : vector<1x16xi32> to vector<16xi32>
      %and3A_202 = arith.constant 7 : i32
      %and3A_203 = vector.broadcast %and3A_202 : i32 to vector<16xi32>
      %and3A_204 = arith.andi %get3A_201, %and3A_203 : vector<16xi32>
      %add3A_205 = arith.constant 3336 : i32
      %add3A_206 = vector.broadcast %add3A_205 : i32 to vector<16xi32>
      %add3A_207 = arith.addi %add3A_206, %and3A_204 : vector<16xi32>
      %ge3A_208 = arith.constant 3336 : i32
      %ge3A_209 = vector.broadcast %ge3A_208 : i32 to vector<16xi32>
      %ge3A_210 = arith.cmpi sge, %get3A_201, %ge3A_209 : vector<16xi32>
      %lt3A_211 = arith.constant 6672 : i32
      %lt3A_212 = vector.broadcast %lt3A_211 : i32 to vector<16xi32>
      %lt3A_213 = arith.cmpi slt, %get3A_201, %lt3A_212 : vector<16xi32>
      %and3A_214 = arith.andi %ge3A_210, %lt3A_213 : vector<16xi1>
      %sub3A_215 = arith.constant 3336 : i32
      %sub3A_216 = vector.broadcast %sub3A_215 : i32 to vector<16xi32>
      %sub3A_217 = arith.subi %get3A_201, %sub3A_216 : vector<16xi32>
      %select_n3A_218 = arith.select %and3A_214, %sub3A_217, %add3A_207 : vector<16xi1>, vector<16xi32>
      %swap3A_219 = arith.index_cast %scan3A_151 : i32 to index
      %swap3A_220 = arith.constant 32 : index
      %swap3A_221 = tpu.vector_load %arg10[%swap3A_219, %swap3A_220] {strides = array<i32>} : memref<125x80xi32, #tpu.memory_space<vmem>>, vector<1x16xi32>,
      %swap3A_222 = vector.shape_cast %swap3A_221 : vector<1x16xi32> to vector<16xi32>
      %swap3A_223 = vector.shape_cast %select_n3A_218 : vector<16xi32> to vector<1x16xi32>
      tpu.vector_store %arg10[%swap3A_219, %swap3A_220], %swap3A_223 {strides = array<i32>} : memref<125x80xi32, #tpu.memory_space<vmem>>, vector<1x16xi32>,
      %get3A_224 = arith.index_cast %scan3A_151 : i32 to index
      %get3A_225 = arith.constant 48 : index
      %get3A_226 = tpu.vector_load %arg10[%get3A_224, %get3A_225] {strides = array<i32>} : memref<125x80xi32, #tpu.memory_space<vmem>>, vector<1x16xi32>,
      %get3A_227 = vector.shape_cast %get3A_226 : vector<1x16xi32> to vector<16xi32>
      %and3A_228 = arith.constant 7 : i32
      %and3A_229 = vector.broadcast %and3A_228 : i32 to vector<16xi32>
      %and3A_230 = arith.andi %get3A_227, %and3A_229 : vector<16xi32>
      %add3A_231 = arith.constant 3336 : i32
      %add3A_232 = vector.broadcast %add3A_231 : i32 to vector<16xi32>
      %add3A_233 = arith.addi %add3A_232, %and3A_230 : vector<16xi32>
      %ge3A_234 = arith.constant 3336 : i32
      %ge3A_235 = vector.broadcast %ge3A_234 : i32 to vector<16xi32>
      %ge3A_236 = arith.cmpi sge, %get3A_227, %ge3A_235 : vector<16xi32>
      %lt3A_237 = arith.constant 6672 : i32
      %lt3A_238 = vector.broadcast %lt3A_237 : i32 to vector<16xi32>
      %lt3A_239 = arith.cmpi slt, %get3A_227, %lt3A_238 : vector<16xi32>
      %and3A_240 = arith.andi %ge3A_236, %lt3A_239 : vector<16xi1>
      %sub3A_241 = arith.constant 3336 : i32
      %sub3A_242 = vector.broadcast %sub3A_241 : i32 to vector<16xi32>
      %sub3A_243 = arith.subi %get3A_227, %sub3A_242 : vector<16xi32>
      %select_n3A_244 = arith.select %and3A_240, %sub3A_243, %add3A_233 : vector<16xi1>, vector<16xi32>
      %swap3A_245 = arith.index_cast %scan3A_151 : i32 to index
      %swap3A_246 = arith.constant 48 : index
      %swap3A_247 = tpu.vector_load %arg10[%swap3A_245, %swap3A_246] {strides = array<i32>} : memref<125x80xi32, #tpu.memory_space<vmem>>, vector<1x16xi32>,
      %swap3A_248 = vector.shape_cast %swap3A_247 : vector<1x16xi32> to vector<16xi32>
      %swap3A_249 = vector.shape_cast %select_n3A_244 : vector<16xi32> to vector<1x16xi32>
      tpu.vector_store %arg10[%swap3A_245, %swap3A_246], %swap3A_249 {strides = array<i32>} : memref<125x80xi32, #tpu.memory_space<vmem>>, vector<1x16xi32>,
      %get3A_250 = arith.index_cast %scan3A_151 : i32 to index
      %get3A_251 = arith.constant 64 : index
      %get3A_252 = tpu.vector_load %arg10[%get3A_250, %get3A_251] {strides = array<i32>} : memref<125x80xi32, #tpu.memory_space<vmem>>, vector<1x16xi32>,
      %get3A_253 = vector.shape_cast %get3A_252 : vector<1x16xi32> to vector<16xi32>
      %and3A_254 = arith.constant 7 : i32
      %and3A_255 = vector.broadcast %and3A_254 : i32 to vector<16xi32>
      %and3A_256 = arith.andi %get3A_253, %and3A_255 : vector<16xi32>
      %add3A_257 = arith.constant 3336 : i32
      %add3A_258 = vector.broadcast %add3A_257 : i32 to vector<16xi32>
      %add3A_259 = arith.addi %add3A_258, %and3A_256 : vector<16xi32>
      %ge3A_260 = arith.constant 3336 : i32
      %ge3A_261 = vector.broadcast %ge3A_260 : i32 to vector<16xi32>
      %ge3A_262 = arith.cmpi sge, %get3A_253, %ge3A_261 : vector<16xi32>
      %lt3A_263 = arith.constant 6672 : i32
      %lt3A_264 = vector.broadcast %lt3A_263 : i32 to vector<16xi32>
      %lt3A_265 = arith.cmpi slt, %get3A_253, %lt3A_264 : vector<16xi32>
      %and3A_266 = arith.andi %ge3A_262, %lt3A_265 : vector<16xi1>
      %sub3A_267 = arith.constant 3336 : i32
      %sub3A_268 = vector.broadcast %sub3A_267 : i32 to vector<16xi32>
      %sub3A_269 = arith.subi %get3A_253, %sub3A_268 : vector<16xi32>
      %select_n3A_270 = arith.select %and3A_266, %sub3A_269, %add3A_259 : vector<16xi1>, vector<16xi32>
      %swap3A_271 = arith.index_cast %scan3A_151 : i32 to index
      %swap3A_272 = arith.constant 64 : index
      %swap3A_273 = tpu.vector_load %arg10[%swap3A_271, %swap3A_272] {strides = array<i32>} : memref<125x80xi32, #tpu.memory_space<vmem>>, vector<1x16xi32>,
      %swap3A_274 = vector.shape_cast %swap3A_273 : vector<1x16xi32> to vector<16xi32>
      %swap3A_275 = vector.shape_cast %select_n3A_270 : vector<16xi32> to vector<1x16xi32>
      tpu.vector_store %arg10[%swap3A_271, %swap3A_272], %swap3A_275 {strides = array<i32>} : memref<125x80xi32, #tpu.memory_space<vmem>>, vector<1x16xi32>,
    }
    %scan3A_56 = arith.constant 125 : i32
    %lt3A_57 = arith.constant 15 : i32
    %lt3A_58 = arith.cmpi slt, %arg1, %lt3A_57 : i32
    %convert_element_type3A_59 = arith.extui %lt3A_58 : i1 to i32
    %cond3A_60 = arith.constant 0 : i32
    %cond3A_61 = arith.cmpi ne, %convert_element_type3A_59, %cond3A_60 : i32
    scf.if %cond3A_61 {
      "tpu.region"() ({
        %run_scoped3A_151 = tpu.sem_alloc : memref<!tpu.dma_semaphore, #tpu.memory_space<semaphore_mem>>
        %dma_start3A_152 = arith.constant 0 : i32
        %dma_start3A_153 = tpu.memref_slice %arg13[%mul3A_0, %dma_start3A_152] : memref<3344x128xf32, #tpu.memory_space<vmem_shared>> -> memref<208x128xf32, #tpu.memory_space<vmem_shared>>
        %dma_start3A_154 = arith.constant 0 : i32
        %dma_start3A_155 = arith.constant 0 : i32
        %dma_start3A_156 = tpu.memref_slice %arg6[%dma_start3A_154, %dma_start3A_155] : memref<224x128xf32, #tpu.memory_space<hbm>> -> memref<208x128xf32, #tpu.memory_space<hbm>>
        tpu.enqueue_dma source(%dma_start3A_156 : memref<208x128xf32, #tpu.memory_space<hbm>>) target(%dma_start3A_153 : memref<208x128xf32, #tpu.memory_space<vmem_shared>>) target_semaphore(%run_scoped3A_151 : memref<!tpu.dma_semaphore, #tpu.memory_space<semaphore_mem>>)
        %dma_wait3A_157 = arith.constant 0 : i32
        %dma_wait3A_158 = tpu.memref_slice %arg13[%mul3A_0, %dma_wait3A_157] : memref<3344x128xf32, #tpu.memory_space<vmem_shared>> -> memref<208x128xf32, #tpu.memory_space<vmem_shared>>
        %dma_wait3A_159 = arith.constant 0 : i32
        %dma_wait3A_160 = arith.constant 0 : i32
        %dma_wait3A_161 = tpu.memref_slice %arg6[%dma_wait3A_159, %dma_wait3A_160] : memref<224x128xf32, #tpu.memory_space<hbm>> -> memref<208x128xf32, #tpu.memory_space<hbm>>
        tpu.wait_dma2 semaphore(%run_scoped3A_151 : memref<!tpu.dma_semaphore, #tpu.memory_space<semaphore_mem>>) src(%dma_wait3A_161 : memref<208x128xf32, #tpu.memory_space<hbm>>) dst(%dma_wait3A_158 : memref<208x128xf32, #tpu.memory_space<vmem_shared>>)
        tpu.yield
      }) : () -> ()
    } else {
    }
    %eq3A_62 = arith.constant 15 : i32
    %eq3A_63 = arith.cmpi eq, %arg1, %eq3A_62 : i32
    %convert_element_type3A_64 = arith.extui %eq3A_63 : i1 to i32
    %cond3A_65 = arith.constant 0 : i32
    %cond3A_66 = arith.cmpi ne, %convert_element_type3A_64, %cond3A_65 : i32
    scf.if %cond3A_66 {
      "tpu.region"() ({
        %run_scoped3A_151 = tpu.sem_alloc : memref<!tpu.dma_semaphore, #tpu.memory_space<semaphore_mem>>
        %dma_start3A_152 = arith.constant 0 : i32
        %dma_start3A_153 = tpu.memref_slice %arg13[%mul3A_0, %dma_start3A_152] : memref<3344x128xf32, #tpu.memory_space<vmem_shared>> -> memref<224x128xf32, #tpu.memory_space<vmem_shared>>
        %dma_start3A_154 = arith.constant 0 : i32
        %dma_start3A_155 = arith.constant 0 : i32
        %dma_start3A_156 = tpu.memref_slice %arg6[%dma_start3A_154, %dma_start3A_155] : memref<224x128xf32, #tpu.memory_space<hbm>> -> memref<224x128xf32, #tpu.memory_space<hbm>>
        tpu.enqueue_dma source(%dma_start3A_156 : memref<224x128xf32, #tpu.memory_space<hbm>>) target(%dma_start3A_153 : memref<224x128xf32, #tpu.memory_space<vmem_shared>>) target_semaphore(%run_scoped3A_151 : memref<!tpu.dma_semaphore, #tpu.memory_space<semaphore_mem>>)
        %dma_wait3A_157 = arith.constant 0 : i32
        %dma_wait3A_158 = tpu.memref_slice %arg13[%mul3A_0, %dma_wait3A_157] : memref<3344x128xf32, #tpu.memory_space<vmem_shared>> -> memref<224x128xf32, #tpu.memory_space<vmem_shared>>
        %dma_wait3A_159 = arith.constant 0 : i32
        %dma_wait3A_160 = arith.constant 0 : i32
        %dma_wait3A_161 = tpu.memref_slice %arg6[%dma_wait3A_159, %dma_wait3A_160] : memref<224x128xf32, #tpu.memory_space<hbm>> -> memref<224x128xf32, #tpu.memory_space<hbm>>
        tpu.wait_dma2 semaphore(%run_scoped3A_151 : memref<!tpu.dma_semaphore, #tpu.memory_space<semaphore_mem>>) src(%dma_wait3A_161 : memref<224x128xf32, #tpu.memory_space<hbm>>) dst(%dma_wait3A_158 : memref<224x128xf32, #tpu.memory_space<vmem_shared>>)
        tpu.yield
      }) : () -> ()
    } else {
    }
    %barrier3A_67 = arith.constant 0 : index
    tpu.barrier barrier_id(%barrier3A_67)
    %dma_start3A_68 = arith.constant 0 : i32
    %dma_start3A_69 = arith.constant 0 : i32
    %dma_start3A_70 = tpu.memref_slice %arg9[%dma_start3A_68, %dma_start3A_69] : memref<125x80xi32, #tpu.memory_space<vmem>> -> memref<1x80xi32, #tpu.memory_space<vmem>>
    %dma_start3A_71 = tpu.memref_squeeze %dma_start3A_70 : memref<1x80xi32, #tpu.memory_space<vmem>> -> memref<80xi32, #tpu.memory_space<vmem>>
    %dma_start3A_72 = arith.constant 0 : i32
    %dma_start3A_73 = arith.constant 0 : i32
    %dma_start3A_74 = tpu.memref_slice %arg2[%dma_start3A_72, %dma_start3A_73] : memref<20000x128xf32, #tpu.memory_space<hbm>> -> memref<20000x128xf32, #tpu.memory_space<hbm>>
    tpu.enqueue_indirect_dma source(%dma_start3A_74 : memref<20000x128xf32, #tpu.memory_space<hbm>>) target(%arg11 : memref<80x128xf32, #tpu.memory_space<vmem>>) offsets(%dma_start3A_71 : memref<80xi32, #tpu.memory_space<vmem>>) semaphore(%arg14 : memref<!tpu.dma_semaphore, #tpu.memory_space<semaphore_mem>>)
    %scan3A_75 = arith.constant 0 : i32
    %scan3A_76 = arith.constant 0 : i32
    %scan3A_77 = arith.constant 62 : i32
    %scan3A_78 = arith.addi %scan3A_76, %scan3A_77 : i32
    %scan3A_79 = arith.constant 1 : i32
    scf.for %scan3A_151 = %scan3A_76 to %scan3A_78 step %scan3A_79  : i32 {
      %mul3A_152 = arith.constant 2 : i32
      %mul3A_153 = arith.muli %mul3A_152, %scan3A_151 : i32
      %add3A_154 = arith.constant 1 : i32
      %add3A_155 = arith.addi %mul3A_153, %add3A_154 : i32
      %dma_start3A_156 = arith.constant 0 : i32
      %dma_start3A_157 = tpu.memref_slice %arg9[%add3A_155, %dma_start3A_156] : memref<125x80xi32, #tpu.memory_space<vmem>> -> memref<1x80xi32, #tpu.memory_space<vmem>>
      %dma_start3A_158 = tpu.memref_squeeze %dma_start3A_157 : memref<1x80xi32, #tpu.memory_space<vmem>> -> memref<80xi32, #tpu.memory_space<vmem>>
      %dma_start3A_159 = arith.constant 0 : i32
      %dma_start3A_160 = arith.constant 0 : i32
      %dma_start3A_161 = tpu.memref_slice %arg2[%dma_start3A_159, %dma_start3A_160] : memref<20000x128xf32, #tpu.memory_space<hbm>> -> memref<20000x128xf32, #tpu.memory_space<hbm>>
      tpu.enqueue_indirect_dma source(%dma_start3A_161 : memref<20000x128xf32, #tpu.memory_space<hbm>>) target(%arg12 : memref<80x128xf32, #tpu.memory_space<vmem>>) offsets(%dma_start3A_158 : memref<80xi32, #tpu.memory_space<vmem>>) semaphore(%arg15 : memref<!tpu.dma_semaphore, #tpu.memory_space<semaphore_mem>>)
      %dma_wait3A_162 = arith.constant 0 : i32
      %dma_wait3A_163 = arith.constant 0 : i32
      %dma_wait3A_164 = tpu.memref_slice %arg2[%dma_wait3A_162, %dma_wait3A_163] : memref<20000x128xf32, #tpu.memory_space<hbm>> -> memref<80x128xf32, #tpu.memory_space<hbm>>
      %dma_wait3A_165 = arith.constant 0 : i32
      %dma_wait3A_166 = arith.constant 0 : i32
      %dma_wait3A_167 = tpu.memref_slice %arg2[%dma_wait3A_165, %dma_wait3A_166] : memref<20000x128xf32, #tpu.memory_space<hbm>> -> memref<80x128xf32, #tpu.memory_space<hbm>>
      tpu.wait_dma2 semaphore(%arg14 : memref<!tpu.dma_semaphore, #tpu.memory_space<semaphore_mem>>) src(%dma_wait3A_167 : memref<80x128xf32, #tpu.memory_space<hbm>>) dst(%arg11 : memref<80x128xf32, #tpu.memory_space<vmem>>)
      "tpu.region"() ({
        %run_scoped3A_184 = tpu.sem_alloc : memref<!tpu.dma_semaphore, #tpu.memory_space<semaphore_mem>>
        %dma_start3A_185 = arith.constant 0 : i32
        %dma_start3A_186 = tpu.memref_slice %arg10[%mul3A_153, %dma_start3A_185] : memref<125x80xi32, #tpu.memory_space<vmem>> -> memref<1x80xi32, #tpu.memory_space<vmem>>
        %dma_start3A_187 = tpu.memref_squeeze %dma_start3A_186 : memref<1x80xi32, #tpu.memory_space<vmem>> -> memref<80xi32, #tpu.memory_space<vmem>>
        %dma_start3A_188 = arith.constant 0 : i32
        %dma_start3A_189 = arith.constant 0 : i32
        %dma_start3A_190 = tpu.memref_slice %arg13[%dma_start3A_188, %dma_start3A_189] : memref<3344x128xf32, #tpu.memory_space<vmem_shared>> -> memref<3344x128xf32, #tpu.memory_space<vmem_shared>>
        tpu.enqueue_indirect_dma source(%arg11 : memref<80x128xf32, #tpu.memory_space<vmem>>) target(%dma_start3A_190 : memref<3344x128xf32, #tpu.memory_space<vmem_shared>>) offsets(%dma_start3A_187 : memref<80xi32, #tpu.memory_space<vmem>>) semaphore(%run_scoped3A_184 : memref<!tpu.dma_semaphore, #tpu.memory_space<semaphore_mem>>) {add = true}
        %dma_wait3A_191 = arith.constant 0 : i32
        %dma_wait3A_192 = tpu.memref_slice %arg10[%mul3A_153, %dma_wait3A_191] : memref<125x80xi32, #tpu.memory_space<vmem>> -> memref<1x80xi32, #tpu.memory_space<vmem>>
        %dma_wait3A_193 = tpu.memref_squeeze %dma_wait3A_192 : memref<1x80xi32, #tpu.memory_space<vmem>> -> memref<80xi32, #tpu.memory_space<vmem>>
        %dma_wait3A_194 = arith.constant 0 : i32
        %dma_wait3A_195 = arith.constant 0 : i32
        %dma_wait3A_196 = tpu.memref_slice %arg13[%dma_wait3A_194, %dma_wait3A_195] : memref<3344x128xf32, #tpu.memory_space<vmem_shared>> -> memref<3344x128xf32, #tpu.memory_space<vmem_shared>>
        tpu.wait_indirect_dma semaphore(%run_scoped3A_184 : memref<!tpu.dma_semaphore, #tpu.memory_space<semaphore_mem>>) src(%arg11 : memref<80x128xf32, #tpu.memory_space<vmem>>) dst(%dma_wait3A_196 : memref<3344x128xf32, #tpu.memory_space<vmem_shared>>)
        tpu.yield
      }) : () -> ()
      %add3A_168 = arith.constant 2 : i32
      %add3A_169 = arith.addi %mul3A_153, %add3A_168 : i32
      %dma_start3A_170 = arith.constant 0 : i32
      %dma_start3A_171 = tpu.memref_slice %arg9[%add3A_169, %dma_start3A_170] : memref<125x80xi32, #tpu.memory_space<vmem>> -> memref<1x80xi32, #tpu.memory_space<vmem>>
      %dma_start3A_172 = tpu.memref_squeeze %dma_start3A_171 : memref<1x80xi32, #tpu.memory_space<vmem>> -> memref<80xi32, #tpu.memory_space<vmem>>
      %dma_start3A_173 = arith.constant 0 : i32
      %dma_start3A_174 = arith.constant 0 : i32
      %dma_start3A_175 = tpu.memref_slice %arg2[%dma_start3A_173, %dma_start3A_174] : memref<20000x128xf32, #tpu.memory_space<hbm>> -> memref<20000x128xf32, #tpu.memory_space<hbm>>
      tpu.enqueue_indirect_dma source(%dma_start3A_175 : memref<20000x128xf32, #tpu.memory_space<hbm>>) target(%arg11 : memref<80x128xf32, #tpu.memory_space<vmem>>) offsets(%dma_start3A_172 : memref<80xi32, #tpu.memory_space<vmem>>) semaphore(%arg14 : memref<!tpu.dma_semaphore, #tpu.memory_space<semaphore_mem>>)
      %dma_wait3A_176 = arith.constant 0 : i32
      %dma_wait3A_177 = arith.constant 0 : i32
      %dma_wait3A_178 = tpu.memref_slice %arg2[%dma_wait3A_176, %dma_wait3A_177] : memref<20000x128xf32, #tpu.memory_space<hbm>> -> memref<80x128xf32, #tpu.memory_space<hbm>>
      %dma_wait3A_179 = arith.constant 0 : i32
      %dma_wait3A_180 = arith.constant 0 : i32
      %dma_wait3A_181 = tpu.memref_slice %arg2[%dma_wait3A_179, %dma_wait3A_180] : memref<20000x128xf32, #tpu.memory_space<hbm>> -> memref<80x128xf32, #tpu.memory_space<hbm>>
      tpu.wait_dma2 semaphore(%arg15 : memref<!tpu.dma_semaphore, #tpu.memory_space<semaphore_mem>>) src(%dma_wait3A_181 : memref<80x128xf32, #tpu.memory_space<hbm>>) dst(%arg12 : memref<80x128xf32, #tpu.memory_space<vmem>>)
      %add3A_182 = arith.constant 1 : i32
      %add3A_183 = arith.addi %mul3A_153, %add3A_182 : i32
      "tpu.region"() ({
        %run_scoped3A_184 = tpu.sem_alloc : memref<!tpu.dma_semaphore, #tpu.memory_space<semaphore_mem>>
        %dma_start3A_185 = arith.constant 0 : i32
        %dma_start3A_186 = tpu.memref_slice %arg10[%add3A_183, %dma_start3A_185] : memref<125x80xi32, #tpu.memory_space<vmem>> -> memref<1x80xi32, #tpu.memory_space<vmem>>
        %dma_start3A_187 = tpu.memref_squeeze %dma_start3A_186 : memref<1x80xi32, #tpu.memory_space<vmem>> -> memref<80xi32, #tpu.memory_space<vmem>>
        %dma_start3A_188 = arith.constant 0 : i32
        %dma_start3A_189 = arith.constant 0 : i32
        %dma_start3A_190 = tpu.memref_slice %arg13[%dma_start3A_188, %dma_start3A_189] : memref<3344x128xf32, #tpu.memory_space<vmem_shared>> -> memref<3344x128xf32, #tpu.memory_space<vmem_shared>>
        tpu.enqueue_indirect_dma source(%arg12 : memref<80x128xf32, #tpu.memory_space<vmem>>) target(%dma_start3A_190 : memref<3344x128xf32, #tpu.memory_space<vmem_shared>>) offsets(%dma_start3A_187 : memref<80xi32, #tpu.memory_space<vmem>>) semaphore(%run_scoped3A_184 : memref<!tpu.dma_semaphore, #tpu.memory_space<semaphore_mem>>) {add = true}
        %dma_wait3A_191 = arith.constant 0 : i32
        %dma_wait3A_192 = tpu.memref_slice %arg10[%add3A_183, %dma_wait3A_191] : memref<125x80xi32, #tpu.memory_space<vmem>> -> memref<1x80xi32, #tpu.memory_space<vmem>>
        %dma_wait3A_193 = tpu.memref_squeeze %dma_wait3A_192 : memref<1x80xi32, #tpu.memory_space<vmem>> -> memref<80xi32, #tpu.memory_space<vmem>>
        %dma_wait3A_194 = arith.constant 0 : i32
        %dma_wait3A_195 = arith.constant 0 : i32
        %dma_wait3A_196 = tpu.memref_slice %arg13[%dma_wait3A_194, %dma_wait3A_195] : memref<3344x128xf32, #tpu.memory_space<vmem_shared>> -> memref<3344x128xf32, #tpu.memory_space<vmem_shared>>
        tpu.wait_indirect_dma semaphore(%run_scoped3A_184 : memref<!tpu.dma_semaphore, #tpu.memory_space<semaphore_mem>>) src(%arg12 : memref<80x128xf32, #tpu.memory_space<vmem>>) dst(%dma_wait3A_196 : memref<3344x128xf32, #tpu.memory_space<vmem_shared>>)
        tpu.yield
      }) : () -> ()
    }
    %scan3A_80 = arith.constant 62 : i32
    %dma_wait3A_81 = arith.constant 0 : i32
    %dma_wait3A_82 = arith.constant 0 : i32
    %dma_wait3A_83 = tpu.memref_slice %arg2[%dma_wait3A_81, %dma_wait3A_82] : memref<20000x128xf32, #tpu.memory_space<hbm>> -> memref<80x128xf32, #tpu.memory_space<hbm>>
    %dma_wait3A_84 = arith.constant 0 : i32
    %dma_wait3A_85 = arith.constant 0 : i32
    %dma_wait3A_86 = tpu.memref_slice %arg2[%dma_wait3A_84, %dma_wait3A_85] : memref<20000x128xf32, #tpu.memory_space<hbm>> -> memref<80x128xf32, #tpu.memory_space<hbm>>
    tpu.wait_dma2 semaphore(%arg14 : memref<!tpu.dma_semaphore, #tpu.memory_space<semaphore_mem>>) src(%dma_wait3A_86 : memref<80x128xf32, #tpu.memory_space<hbm>>) dst(%arg11 : memref<80x128xf32, #tpu.memory_space<vmem>>)
    %run_scoped3A_87 = arith.constant 124 : i32
    "tpu.region"() ({
      %run_scoped3A_151 = tpu.sem_alloc : memref<!tpu.dma_semaphore, #tpu.memory_space<semaphore_mem>>
      %dma_start3A_152 = arith.constant 0 : i32
      %dma_start3A_153 = tpu.memref_slice %arg10[%run_scoped3A_87, %dma_start3A_152] : memref<125x80xi32, #tpu.memory_space<vmem>> -> memref<1x80xi32, #tpu.memory_space<vmem>>
      %dma_start3A_154 = tpu.memref_squeeze %dma_start3A_153 : memref<1x80xi32, #tpu.memory_space<vmem>> -> memref<80xi32, #tpu.memory_space<vmem>>
      %dma_start3A_155 = arith.constant 0 : i32
      %dma_start3A_156 = arith.constant 0 : i32
      %dma_start3A_157 = tpu.memref_slice %arg13[%dma_start3A_155, %dma_start3A_156] : memref<3344x128xf32, #tpu.memory_space<vmem_shared>> -> memref<3344x128xf32, #tpu.memory_space<vmem_shared>>
      tpu.enqueue_indirect_dma source(%arg11 : memref<80x128xf32, #tpu.memory_space<vmem>>) target(%dma_start3A_157 : memref<3344x128xf32, #tpu.memory_space<vmem_shared>>) offsets(%dma_start3A_154 : memref<80xi32, #tpu.memory_space<vmem>>) semaphore(%run_scoped3A_151 : memref<!tpu.dma_semaphore, #tpu.memory_space<semaphore_mem>>) {add = true}
      %dma_wait3A_158 = arith.constant 0 : i32
      %dma_wait3A_159 = tpu.memref_slice %arg10[%run_scoped3A_87, %dma_wait3A_158] : memref<125x80xi32, #tpu.memory_space<vmem>> -> memref<1x80xi32, #tpu.memory_space<vmem>>
      %dma_wait3A_160 = tpu.memref_squeeze %dma_wait3A_159 : memref<1x80xi32, #tpu.memory_space<vmem>> -> memref<80xi32, #tpu.memory_space<vmem>>
      %dma_wait3A_161 = arith.constant 0 : i32
      %dma_wait3A_162 = arith.constant 0 : i32
      %dma_wait3A_163 = tpu.memref_slice %arg13[%dma_wait3A_161, %dma_wait3A_162] : memref<3344x128xf32, #tpu.memory_space<vmem_shared>> -> memref<3344x128xf32, #tpu.memory_space<vmem_shared>>
      tpu.wait_indirect_dma semaphore(%run_scoped3A_151 : memref<!tpu.dma_semaphore, #tpu.memory_space<semaphore_mem>>) src(%arg11 : memref<80x128xf32, #tpu.memory_space<vmem>>) dst(%dma_wait3A_163 : memref<3344x128xf32, #tpu.memory_space<vmem_shared>>)
      tpu.yield
    }) : () -> ()
    %barrier3A_88 = arith.constant 0 : index
    tpu.barrier barrier_id(%barrier3A_88)
    %add3A_89 = arith.constant 3336 : i32
    %add3A_90 = arith.addi %add3A_89, %mul3A_0 : i32
    %eq3A_91 = arith.constant 0 : i32
    %eq3A_92 = arith.cmpi eq, %arg0, %eq3A_91 : i32
    %convert_element_type3A_93 = arith.extui %eq3A_92 : i1 to i32
    %cond3A_94 = arith.constant 0 : i32
    %cond3A_95 = arith.cmpi ne, %convert_element_type3A_93, %cond3A_94 : i32
    scf.if %cond3A_95 {
      %lt3A_151 = arith.constant 15 : i32
      %lt3A_152 = arith.cmpi slt, %arg1, %lt3A_151 : i32
      %convert_element_type3A_153 = arith.extui %lt3A_152 : i1 to i32
      %cond3A_154 = arith.constant 0 : i32
      %cond3A_155 = arith.cmpi ne, %convert_element_type3A_153, %cond3A_154 : i32
      scf.if %cond3A_155 {
        "tpu.region"() ({
          %run_scoped3A_161 = tpu.sem_alloc : memref<!tpu.dma_semaphore, #tpu.memory_space<semaphore_mem>>
          %dma_start3A_162 = arith.constant 0 : i32
          %dma_start3A_163 = tpu.memref_slice %arg7[%add3A_90, %dma_start3A_162] : memref<10000x128xf32, #tpu.memory_space<hbm>> -> memref<208x128xf32, #tpu.memory_space<hbm>>
          %dma_start3A_164 = arith.constant 0 : i32
          %dma_start3A_165 = tpu.memref_slice %arg13[%mul3A_0, %dma_start3A_164] : memref<3344x128xf32, #tpu.memory_space<vmem_shared>> -> memref<208x128xf32, #tpu.memory_space<vmem_shared>>
          tpu.enqueue_dma source(%dma_start3A_165 : memref<208x128xf32, #tpu.memory_space<vmem_shared>>) target(%dma_start3A_163 : memref<208x128xf32, #tpu.memory_space<hbm>>) target_semaphore(%run_scoped3A_161 : memref<!tpu.dma_semaphore, #tpu.memory_space<semaphore_mem>>)
          %dma_wait3A_166 = arith.constant 0 : i32
          %dma_wait3A_167 = tpu.memref_slice %arg7[%add3A_90, %dma_wait3A_166] : memref<10000x128xf32, #tpu.memory_space<hbm>> -> memref<208x128xf32, #tpu.memory_space<hbm>>
          %dma_wait3A_168 = arith.constant 0 : i32
          %dma_wait3A_169 = tpu.memref_slice %arg13[%mul3A_0, %dma_wait3A_168] : memref<3344x128xf32, #tpu.memory_space<vmem_shared>> -> memref<208x128xf32, #tpu.memory_space<vmem_shared>>
          tpu.wait_dma2 semaphore(%run_scoped3A_161 : memref<!tpu.dma_semaphore, #tpu.memory_space<semaphore_mem>>) src(%dma_wait3A_169 : memref<208x128xf32, #tpu.memory_space<vmem_shared>>) dst(%dma_wait3A_167 : memref<208x128xf32, #tpu.memory_space<hbm>>)
          tpu.yield
        }) : () -> ()
      } else {
      }
      %eq3A_156 = arith.constant 15 : i32
      %eq3A_157 = arith.cmpi eq, %arg1, %eq3A_156 : i32
      %convert_element_type3A_158 = arith.extui %eq3A_157 : i1 to i32
      %cond3A_159 = arith.constant 0 : i32
      %cond3A_160 = arith.cmpi ne, %convert_element_type3A_158, %cond3A_159 : i32
      scf.if %cond3A_160 {
        "tpu.region"() ({
          %run_scoped3A_161 = tpu.sem_alloc : memref<!tpu.dma_semaphore, #tpu.memory_space<semaphore_mem>>
          %dma_start3A_162 = arith.constant 0 : i32
          %dma_start3A_163 = tpu.memref_slice %arg7[%add3A_90, %dma_start3A_162] : memref<10000x128xf32, #tpu.memory_space<hbm>> -> memref<216x128xf32, #tpu.memory_space<hbm>>
          %dma_start3A_164 = arith.constant 0 : i32
          %dma_start3A_165 = tpu.memref_slice %arg13[%mul3A_0, %dma_start3A_164] : memref<3344x128xf32, #tpu.memory_space<vmem_shared>> -> memref<216x128xf32, #tpu.memory_space<vmem_shared>>
          tpu.enqueue_dma source(%dma_start3A_165 : memref<216x128xf32, #tpu.memory_space<vmem_shared>>) target(%dma_start3A_163 : memref<216x128xf32, #tpu.memory_space<hbm>>) target_semaphore(%run_scoped3A_161 : memref<!tpu.dma_semaphore, #tpu.memory_space<semaphore_mem>>)
          %dma_wait3A_166 = arith.constant 0 : i32
          %dma_wait3A_167 = tpu.memref_slice %arg7[%add3A_90, %dma_wait3A_166] : memref<10000x128xf32, #tpu.memory_space<hbm>> -> memref<216x128xf32, #tpu.memory_space<hbm>>
          %dma_wait3A_168 = arith.constant 0 : i32
          %dma_wait3A_169 = tpu.memref_slice %arg13[%mul3A_0, %dma_wait3A_168] : memref<3344x128xf32, #tpu.memory_space<vmem_shared>> -> memref<216x128xf32, #tpu.memory_space<vmem_shared>>
          tpu.wait_dma2 semaphore(%run_scoped3A_161 : memref<!tpu.dma_semaphore, #tpu.memory_space<semaphore_mem>>) src(%dma_wait3A_169 : memref<216x128xf32, #tpu.memory_space<vmem_shared>>) dst(%dma_wait3A_167 : memref<216x128xf32, #tpu.memory_space<hbm>>)
          tpu.yield
        }) : () -> ()
      } else {
      }
    } else {
    }
    %eq3A_96 = arith.constant 1 : i32
    %eq3A_97 = arith.cmpi eq, %arg0, %eq3A_96 : i32
    %convert_element_type3A_98 = arith.extui %eq3A_97 : i1 to i32
    %cond3A_99 = arith.constant 0 : i32
    %cond3A_100 = arith.cmpi ne, %convert_element_type3A_98, %cond3A_99 : i32
    scf.if %cond3A_100 {
      %lt3A_151 = arith.constant 15 : i32
      %lt3A_152 = arith.cmpi slt, %arg1, %lt3A_151 : i32
      %convert_element_type3A_153 = arith.extui %lt3A_152 : i1 to i32
      %cond3A_154 = arith.constant 0 : i32
      %cond3A_155 = arith.cmpi ne, %convert_element_type3A_153, %cond3A_154 : i32
      scf.if %cond3A_155 {
        "tpu.region"() ({
          %run_scoped3A_161 = tpu.sem_alloc : memref<!tpu.dma_semaphore, #tpu.memory_space<semaphore_mem>>
          %dma_start3A_162 = arith.constant 0 : i32
          %dma_start3A_163 = tpu.memref_slice %arg8[%add3A_90, %dma_start3A_162] : memref<10000x128xf32, #tpu.memory_space<hbm>> -> memref<208x128xf32, #tpu.memory_space<hbm>>
          %dma_start3A_164 = arith.constant 0 : i32
          %dma_start3A_165 = tpu.memref_slice %arg13[%mul3A_0, %dma_start3A_164] : memref<3344x128xf32, #tpu.memory_space<vmem_shared>> -> memref<208x128xf32, #tpu.memory_space<vmem_shared>>
          tpu.enqueue_dma source(%dma_start3A_165 : memref<208x128xf32, #tpu.memory_space<vmem_shared>>) target(%dma_start3A_163 : memref<208x128xf32, #tpu.memory_space<hbm>>) target_semaphore(%run_scoped3A_161 : memref<!tpu.dma_semaphore, #tpu.memory_space<semaphore_mem>>)
          %dma_wait3A_166 = arith.constant 0 : i32
          %dma_wait3A_167 = tpu.memref_slice %arg8[%add3A_90, %dma_wait3A_166] : memref<10000x128xf32, #tpu.memory_space<hbm>> -> memref<208x128xf32, #tpu.memory_space<hbm>>
          %dma_wait3A_168 = arith.constant 0 : i32
          %dma_wait3A_169 = tpu.memref_slice %arg13[%mul3A_0, %dma_wait3A_168] : memref<3344x128xf32, #tpu.memory_space<vmem_shared>> -> memref<208x128xf32, #tpu.memory_space<vmem_shared>>
          tpu.wait_dma2 semaphore(%run_scoped3A_161 : memref<!tpu.dma_semaphore, #tpu.memory_space<semaphore_mem>>) src(%dma_wait3A_169 : memref<208x128xf32, #tpu.memory_space<vmem_shared>>) dst(%dma_wait3A_167 : memref<208x128xf32, #tpu.memory_space<hbm>>)
          tpu.yield
        }) : () -> ()
      } else {
      }
      %eq3A_156 = arith.constant 15 : i32
      %eq3A_157 = arith.cmpi eq, %arg1, %eq3A_156 : i32
      %convert_element_type3A_158 = arith.extui %eq3A_157 : i1 to i32
      %cond3A_159 = arith.constant 0 : i32
      %cond3A_160 = arith.cmpi ne, %convert_element_type3A_158, %cond3A_159 : i32
      scf.if %cond3A_160 {
        "tpu.region"() ({
          %run_scoped3A_161 = tpu.sem_alloc : memref<!tpu.dma_semaphore, #tpu.memory_space<semaphore_mem>>
          %dma_start3A_162 = arith.constant 0 : i32
          %dma_start3A_163 = tpu.memref_slice %arg8[%add3A_90, %dma_start3A_162] : memref<10000x128xf32, #tpu.memory_space<hbm>> -> memref<216x128xf32, #tpu.memory_space<hbm>>
          %dma_start3A_164 = arith.constant 0 : i32
          %dma_start3A_165 = tpu.memref_slice %arg13[%mul3A_0, %dma_start3A_164] : memref<3344x128xf32, #tpu.memory_space<vmem_shared>> -> memref<216x128xf32, #tpu.memory_space<vmem_shared>>
          tpu.enqueue_dma source(%dma_start3A_165 : memref<216x128xf32, #tpu.memory_space<vmem_shared>>) target(%dma_start3A_163 : memref<216x128xf32, #tpu.memory_space<hbm>>) target_semaphore(%run_scoped3A_161 : memref<!tpu.dma_semaphore, #tpu.memory_space<semaphore_mem>>)
          %dma_wait3A_166 = arith.constant 0 : i32
          %dma_wait3A_167 = tpu.memref_slice %arg8[%add3A_90, %dma_wait3A_166] : memref<10000x128xf32, #tpu.memory_space<hbm>> -> memref<216x128xf32, #tpu.memory_space<hbm>>
          %dma_wait3A_168 = arith.constant 0 : i32
          %dma_wait3A_169 = tpu.memref_slice %arg13[%mul3A_0, %dma_wait3A_168] : memref<3344x128xf32, #tpu.memory_space<vmem_shared>> -> memref<216x128xf32, #tpu.memory_space<vmem_shared>>
          tpu.wait_dma2 semaphore(%run_scoped3A_161 : memref<!tpu.dma_semaphore, #tpu.memory_space<semaphore_mem>>) src(%dma_wait3A_169 : memref<216x128xf32, #tpu.memory_space<vmem_shared>>) dst(%dma_wait3A_167 : memref<216x128xf32, #tpu.memory_space<hbm>>)
          tpu.yield
        }) : () -> ()
      } else {
      }
    } else {
    }
    "tpu.region"() ({
      %run_scoped3A_151 = tpu.sem_alloc : memref<!tpu.dma_semaphore, #tpu.memory_space<semaphore_mem>>
      %dma_start3A_152 = arith.constant 0 : i32
      %dma_start3A_153 = arith.constant 0 : i32
      %dma_start3A_154 = tpu.memref_slice %arg5[%arg1, %dma_start3A_152, %dma_start3A_153] : memref<16x125x80xi32, #tpu.memory_space<hbm>> -> memref<1x125x80xi32, #tpu.memory_space<hbm>>
      %dma_start3A_155 = tpu.memref_squeeze %dma_start3A_154 : memref<1x125x80xi32, #tpu.memory_space<hbm>> -> memref<125x80xi32, #tpu.memory_space<hbm>>
      %dma_start3A_156 = arith.constant 0 : i32
      %dma_start3A_157 = arith.constant 0 : i32
      %dma_start3A_158 = tpu.memref_slice %arg5[%arg1, %dma_start3A_156, %dma_start3A_157] : memref<16x125x80xi32, #tpu.memory_space<hbm>> -> memref<1x125x80xi32, #tpu.memory_space<hbm>>
      %dma_start3A_159 = tpu.memref_squeeze %dma_start3A_158 : memref<1x125x80xi32, #tpu.memory_space<hbm>> -> memref<125x80xi32, #tpu.memory_space<hbm>>
      tpu.enqueue_dma source(%dma_start3A_159 : memref<125x80xi32, #tpu.memory_space<hbm>>) target(%arg10 : memref<125x80xi32, #tpu.memory_space<vmem>>) target_semaphore(%run_scoped3A_151 : memref<!tpu.dma_semaphore, #tpu.memory_space<semaphore_mem>>)
      %dma_wait3A_160 = arith.constant 0 : i32
      %dma_wait3A_161 = arith.constant 0 : i32
      %dma_wait3A_162 = tpu.memref_slice %arg5[%arg1, %dma_wait3A_160, %dma_wait3A_161] : memref<16x125x80xi32, #tpu.memory_space<hbm>> -> memref<1x125x80xi32, #tpu.memory_space<hbm>>
      %dma_wait3A_163 = tpu.memref_squeeze %dma_wait3A_162 : memref<1x125x80xi32, #tpu.memory_space<hbm>> -> memref<125x80xi32, #tpu.memory_space<hbm>>
      %dma_wait3A_164 = arith.constant 0 : i32
      %dma_wait3A_165 = arith.constant 0 : i32
      %dma_wait3A_166 = tpu.memref_slice %arg5[%arg1, %dma_wait3A_164, %dma_wait3A_165] : memref<16x125x80xi32, #tpu.memory_space<hbm>> -> memref<1x125x80xi32, #tpu.memory_space<hbm>>
      %dma_wait3A_167 = tpu.memref_squeeze %dma_wait3A_166 : memref<1x125x80xi32, #tpu.memory_space<hbm>> -> memref<125x80xi32, #tpu.memory_space<hbm>>
      tpu.wait_dma2 semaphore(%run_scoped3A_151 : memref<!tpu.dma_semaphore, #tpu.memory_space<semaphore_mem>>) src(%dma_wait3A_167 : memref<125x80xi32, #tpu.memory_space<hbm>>) dst(%arg10 : memref<125x80xi32, #tpu.memory_space<vmem>>)
      tpu.yield
    }) : () -> ()
    %scan3A_101 = arith.constant 0 : i32
    %scan3A_102 = arith.constant 0 : i32
    %scan3A_103 = arith.constant 125 : i32
    %scan3A_104 = arith.addi %scan3A_102, %scan3A_103 : i32
    %scan3A_105 = arith.constant 1 : i32
    scf.for %scan3A_151 = %scan3A_102 to %scan3A_104 step %scan3A_105  : i32 {
      %get3A = arith.index_cast %scan3A_151 : i32 to index
      %get3A_152 = arith.constant 0 : index
      %get3A_153 = tpu.vector_load %arg10[%get3A, %get3A_152] {strides = array<i32>} : memref<125x80xi32, #tpu.memory_space<vmem>>, vector<1x16xi32>,
      %get3A_154 = vector.shape_cast %get3A_153 : vector<1x16xi32> to vector<16xi32>
      %and3A = arith.constant 7 : i32
      %and3A_155 = vector.broadcast %and3A : i32 to vector<16xi32>
      %and3A_156 = arith.andi %get3A_154, %and3A_155 : vector<16xi32>
      %add3A_157 = arith.constant 3336 : i32
      %add3A_158 = vector.broadcast %add3A_157 : i32 to vector<16xi32>
      %add3A_159 = arith.addi %add3A_158, %and3A_156 : vector<16xi32>
      %ge3A = arith.constant 6672 : i32
      %ge3A_160 = vector.broadcast %ge3A : i32 to vector<16xi32>
      %ge3A_161 = arith.cmpi sge, %get3A_154, %ge3A_160 : vector<16xi32>
      %lt3A_162 = arith.constant 10008 : i32
      %lt3A_163 = vector.broadcast %lt3A_162 : i32 to vector<16xi32>
      %lt3A_164 = arith.cmpi slt, %get3A_154, %lt3A_163 : vector<16xi32>
      %and3A_165 = arith.andi %ge3A_161, %lt3A_164 : vector<16xi1>
      %sub3A = arith.constant 6672 : i32
      %sub3A_166 = vector.broadcast %sub3A : i32 to vector<16xi32>
      %sub3A_167 = arith.subi %get3A_154, %sub3A_166 : vector<16xi32>
      %select_n3A = arith.select %and3A_165, %sub3A_167, %add3A_159 : vector<16xi1>, vector<16xi32>
      %swap3A = arith.index_cast %scan3A_151 : i32 to index
      %swap3A_168 = arith.constant 0 : index
      %swap3A_169 = tpu.vector_load %arg10[%swap3A, %swap3A_168] {strides = array<i32>} : memref<125x80xi32, #tpu.memory_space<vmem>>, vector<1x16xi32>,
      %swap3A_170 = vector.shape_cast %swap3A_169 : vector<1x16xi32> to vector<16xi32>
      %swap3A_171 = vector.shape_cast %select_n3A : vector<16xi32> to vector<1x16xi32>
      tpu.vector_store %arg10[%swap3A, %swap3A_168], %swap3A_171 {strides = array<i32>} : memref<125x80xi32, #tpu.memory_space<vmem>>, vector<1x16xi32>,
      %get3A_172 = arith.index_cast %scan3A_151 : i32 to index
      %get3A_173 = arith.constant 16 : index
      %get3A_174 = tpu.vector_load %arg10[%get3A_172, %get3A_173] {strides = array<i32>} : memref<125x80xi32, #tpu.memory_space<vmem>>, vector<1x16xi32>,
      %get3A_175 = vector.shape_cast %get3A_174 : vector<1x16xi32> to vector<16xi32>
      %and3A_176 = arith.constant 7 : i32
      %and3A_177 = vector.broadcast %and3A_176 : i32 to vector<16xi32>
      %and3A_178 = arith.andi %get3A_175, %and3A_177 : vector<16xi32>
      %add3A_179 = arith.constant 3336 : i32
      %add3A_180 = vector.broadcast %add3A_179 : i32 to vector<16xi32>
      %add3A_181 = arith.addi %add3A_180, %and3A_178 : vector<16xi32>
      %ge3A_182 = arith.constant 6672 : i32
      %ge3A_183 = vector.broadcast %ge3A_182 : i32 to vector<16xi32>
      %ge3A_184 = arith.cmpi sge, %get3A_175, %ge3A_183 : vector<16xi32>
      %lt3A_185 = arith.constant 10008 : i32
      %lt3A_186 = vector.broadcast %lt3A_185 : i32 to vector<16xi32>
      %lt3A_187 = arith.cmpi slt, %get3A_175, %lt3A_186 : vector<16xi32>
      %and3A_188 = arith.andi %ge3A_184, %lt3A_187 : vector<16xi1>
      %sub3A_189 = arith.constant 6672 : i32
      %sub3A_190 = vector.broadcast %sub3A_189 : i32 to vector<16xi32>
      %sub3A_191 = arith.subi %get3A_175, %sub3A_190 : vector<16xi32>
      %select_n3A_192 = arith.select %and3A_188, %sub3A_191, %add3A_181 : vector<16xi1>, vector<16xi32>
      %swap3A_193 = arith.index_cast %scan3A_151 : i32 to index
      %swap3A_194 = arith.constant 16 : index
      %swap3A_195 = tpu.vector_load %arg10[%swap3A_193, %swap3A_194] {strides = array<i32>} : memref<125x80xi32, #tpu.memory_space<vmem>>, vector<1x16xi32>,
      %swap3A_196 = vector.shape_cast %swap3A_195 : vector<1x16xi32> to vector<16xi32>
      %swap3A_197 = vector.shape_cast %select_n3A_192 : vector<16xi32> to vector<1x16xi32>
      tpu.vector_store %arg10[%swap3A_193, %swap3A_194], %swap3A_197 {strides = array<i32>} : memref<125x80xi32, #tpu.memory_space<vmem>>, vector<1x16xi32>,
      %get3A_198 = arith.index_cast %scan3A_151 : i32 to index
      %get3A_199 = arith.constant 32 : index
      %get3A_200 = tpu.vector_load %arg10[%get3A_198, %get3A_199] {strides = array<i32>} : memref<125x80xi32, #tpu.memory_space<vmem>>, vector<1x16xi32>,
      %get3A_201 = vector.shape_cast %get3A_200 : vector<1x16xi32> to vector<16xi32>
      %and3A_202 = arith.constant 7 : i32
      %and3A_203 = vector.broadcast %and3A_202 : i32 to vector<16xi32>
      %and3A_204 = arith.andi %get3A_201, %and3A_203 : vector<16xi32>
      %add3A_205 = arith.constant 3336 : i32
      %add3A_206 = vector.broadcast %add3A_205 : i32 to vector<16xi32>
      %add3A_207 = arith.addi %add3A_206, %and3A_204 : vector<16xi32>
      %ge3A_208 = arith.constant 6672 : i32
      %ge3A_209 = vector.broadcast %ge3A_208 : i32 to vector<16xi32>
      %ge3A_210 = arith.cmpi sge, %get3A_201, %ge3A_209 : vector<16xi32>
      %lt3A_211 = arith.constant 10008 : i32
      %lt3A_212 = vector.broadcast %lt3A_211 : i32 to vector<16xi32>
      %lt3A_213 = arith.cmpi slt, %get3A_201, %lt3A_212 : vector<16xi32>
      %and3A_214 = arith.andi %ge3A_210, %lt3A_213 : vector<16xi1>
      %sub3A_215 = arith.constant 6672 : i32
      %sub3A_216 = vector.broadcast %sub3A_215 : i32 to vector<16xi32>
      %sub3A_217 = arith.subi %get3A_201, %sub3A_216 : vector<16xi32>
      %select_n3A_218 = arith.select %and3A_214, %sub3A_217, %add3A_207 : vector<16xi1>, vector<16xi32>
      %swap3A_219 = arith.index_cast %scan3A_151 : i32 to index
      %swap3A_220 = arith.constant 32 : index
      %swap3A_221 = tpu.vector_load %arg10[%swap3A_219, %swap3A_220] {strides = array<i32>} : memref<125x80xi32, #tpu.memory_space<vmem>>, vector<1x16xi32>,
      %swap3A_222 = vector.shape_cast %swap3A_221 : vector<1x16xi32> to vector<16xi32>
      %swap3A_223 = vector.shape_cast %select_n3A_218 : vector<16xi32> to vector<1x16xi32>
      tpu.vector_store %arg10[%swap3A_219, %swap3A_220], %swap3A_223 {strides = array<i32>} : memref<125x80xi32, #tpu.memory_space<vmem>>, vector<1x16xi32>,
      %get3A_224 = arith.index_cast %scan3A_151 : i32 to index
      %get3A_225 = arith.constant 48 : index
      %get3A_226 = tpu.vector_load %arg10[%get3A_224, %get3A_225] {strides = array<i32>} : memref<125x80xi32, #tpu.memory_space<vmem>>, vector<1x16xi32>,
      %get3A_227 = vector.shape_cast %get3A_226 : vector<1x16xi32> to vector<16xi32>
      %and3A_228 = arith.constant 7 : i32
      %and3A_229 = vector.broadcast %and3A_228 : i32 to vector<16xi32>
      %and3A_230 = arith.andi %get3A_227, %and3A_229 : vector<16xi32>
      %add3A_231 = arith.constant 3336 : i32
      %add3A_232 = vector.broadcast %add3A_231 : i32 to vector<16xi32>
      %add3A_233 = arith.addi %add3A_232, %and3A_230 : vector<16xi32>
      %ge3A_234 = arith.constant 6672 : i32
      %ge3A_235 = vector.broadcast %ge3A_234 : i32 to vector<16xi32>
      %ge3A_236 = arith.cmpi sge, %get3A_227, %ge3A_235 : vector<16xi32>
      %lt3A_237 = arith.constant 10008 : i32
      %lt3A_238 = vector.broadcast %lt3A_237 : i32 to vector<16xi32>
      %lt3A_239 = arith.cmpi slt, %get3A_227, %lt3A_238 : vector<16xi32>
      %and3A_240 = arith.andi %ge3A_236, %lt3A_239 : vector<16xi1>
      %sub3A_241 = arith.constant 6672 : i32
      %sub3A_242 = vector.broadcast %sub3A_241 : i32 to vector<16xi32>
      %sub3A_243 = arith.subi %get3A_227, %sub3A_242 : vector<16xi32>
      %select_n3A_244 = arith.select %and3A_240, %sub3A_243, %add3A_233 : vector<16xi1>, vector<16xi32>
      %swap3A_245 = arith.index_cast %scan3A_151 : i32 to index
      %swap3A_246 = arith.constant 48 : index
      %swap3A_247 = tpu.vector_load %arg10[%swap3A_245, %swap3A_246] {strides = array<i32>} : memref<125x80xi32, #tpu.memory_space<vmem>>, vector<1x16xi32>,
      %swap3A_248 = vector.shape_cast %swap3A_247 : vector<1x16xi32> to vector<16xi32>
      %swap3A_249 = vector.shape_cast %select_n3A_244 : vector<16xi32> to vector<1x16xi32>
      tpu.vector_store %arg10[%swap3A_245, %swap3A_246], %swap3A_249 {strides = array<i32>} : memref<125x80xi32, #tpu.memory_space<vmem>>, vector<1x16xi32>,
      %get3A_250 = arith.index_cast %scan3A_151 : i32 to index
      %get3A_251 = arith.constant 64 : index
      %get3A_252 = tpu.vector_load %arg10[%get3A_250, %get3A_251] {strides = array<i32>} : memref<125x80xi32, #tpu.memory_space<vmem>>, vector<1x16xi32>,
      %get3A_253 = vector.shape_cast %get3A_252 : vector<1x16xi32> to vector<16xi32>
      %and3A_254 = arith.constant 7 : i32
      %and3A_255 = vector.broadcast %and3A_254 : i32 to vector<16xi32>
      %and3A_256 = arith.andi %get3A_253, %and3A_255 : vector<16xi32>
      %add3A_257 = arith.constant 3336 : i32
      %add3A_258 = vector.broadcast %add3A_257 : i32 to vector<16xi32>
      %add3A_259 = arith.addi %add3A_258, %and3A_256 : vector<16xi32>
      %ge3A_260 = arith.constant 6672 : i32
      %ge3A_261 = vector.broadcast %ge3A_260 : i32 to vector<16xi32>
      %ge3A_262 = arith.cmpi sge, %get3A_253, %ge3A_261 : vector<16xi32>
      %lt3A_263 = arith.constant 10008 : i32
      %lt3A_264 = vector.broadcast %lt3A_263 : i32 to vector<16xi32>
      %lt3A_265 = arith.cmpi slt, %get3A_253, %lt3A_264 : vector<16xi32>
      %and3A_266 = arith.andi %ge3A_262, %lt3A_265 : vector<16xi1>
      %sub3A_267 = arith.constant 6672 : i32
      %sub3A_268 = vector.broadcast %sub3A_267 : i32 to vector<16xi32>
      %sub3A_269 = arith.subi %get3A_253, %sub3A_268 : vector<16xi32>
      %select_n3A_270 = arith.select %and3A_266, %sub3A_269, %add3A_259 : vector<16xi1>, vector<16xi32>
      %swap3A_271 = arith.index_cast %scan3A_151 : i32 to index
      %swap3A_272 = arith.constant 64 : index
      %swap3A_273 = tpu.vector_load %arg10[%swap3A_271, %swap3A_272] {strides = array<i32>} : memref<125x80xi32, #tpu.memory_space<vmem>>, vector<1x16xi32>,
      %swap3A_274 = vector.shape_cast %swap3A_273 : vector<1x16xi32> to vector<16xi32>
      %swap3A_275 = vector.shape_cast %select_n3A_270 : vector<16xi32> to vector<1x16xi32>
      tpu.vector_store %arg10[%swap3A_271, %swap3A_272], %swap3A_275 {strides = array<i32>} : memref<125x80xi32, #tpu.memory_space<vmem>>, vector<1x16xi32>,
    }
    %scan3A_106 = arith.constant 125 : i32
    %lt3A_107 = arith.constant 15 : i32
    %lt3A_108 = arith.cmpi slt, %arg1, %lt3A_107 : i32
    %convert_element_type3A_109 = arith.extui %lt3A_108 : i1 to i32
    %cond3A_110 = arith.constant 0 : i32
    %cond3A_111 = arith.cmpi ne, %convert_element_type3A_109, %cond3A_110 : i32
    scf.if %cond3A_111 {
      "tpu.region"() ({
        %run_scoped3A_151 = tpu.sem_alloc : memref<!tpu.dma_semaphore, #tpu.memory_space<semaphore_mem>>
        %dma_start3A_152 = arith.constant 0 : i32
        %dma_start3A_153 = tpu.memref_slice %arg13[%mul3A_0, %dma_start3A_152] : memref<3344x128xf32, #tpu.memory_space<vmem_shared>> -> memref<208x128xf32, #tpu.memory_space<vmem_shared>>
        %dma_start3A_154 = arith.constant 0 : i32
        %dma_start3A_155 = arith.constant 0 : i32
        %dma_start3A_156 = tpu.memref_slice %arg6[%dma_start3A_154, %dma_start3A_155] : memref<224x128xf32, #tpu.memory_space<hbm>> -> memref<208x128xf32, #tpu.memory_space<hbm>>
        tpu.enqueue_dma source(%dma_start3A_156 : memref<208x128xf32, #tpu.memory_space<hbm>>) target(%dma_start3A_153 : memref<208x128xf32, #tpu.memory_space<vmem_shared>>) target_semaphore(%run_scoped3A_151 : memref<!tpu.dma_semaphore, #tpu.memory_space<semaphore_mem>>)
        %dma_wait3A_157 = arith.constant 0 : i32
        %dma_wait3A_158 = tpu.memref_slice %arg13[%mul3A_0, %dma_wait3A_157] : memref<3344x128xf32, #tpu.memory_space<vmem_shared>> -> memref<208x128xf32, #tpu.memory_space<vmem_shared>>
        %dma_wait3A_159 = arith.constant 0 : i32
        %dma_wait3A_160 = arith.constant 0 : i32
        %dma_wait3A_161 = tpu.memref_slice %arg6[%dma_wait3A_159, %dma_wait3A_160] : memref<224x128xf32, #tpu.memory_space<hbm>> -> memref<208x128xf32, #tpu.memory_space<hbm>>
        tpu.wait_dma2 semaphore(%run_scoped3A_151 : memref<!tpu.dma_semaphore, #tpu.memory_space<semaphore_mem>>) src(%dma_wait3A_161 : memref<208x128xf32, #tpu.memory_space<hbm>>) dst(%dma_wait3A_158 : memref<208x128xf32, #tpu.memory_space<vmem_shared>>)
        tpu.yield
      }) : () -> ()
    } else {
    }
    %eq3A_112 = arith.constant 15 : i32
    %eq3A_113 = arith.cmpi eq, %arg1, %eq3A_112 : i32
    %convert_element_type3A_114 = arith.extui %eq3A_113 : i1 to i32
    %cond3A_115 = arith.constant 0 : i32
    %cond3A_116 = arith.cmpi ne, %convert_element_type3A_114, %cond3A_115 : i32
    scf.if %cond3A_116 {
      "tpu.region"() ({
        %run_scoped3A_151 = tpu.sem_alloc : memref<!tpu.dma_semaphore, #tpu.memory_space<semaphore_mem>>
        %dma_start3A_152 = arith.constant 0 : i32
        %dma_start3A_153 = tpu.memref_slice %arg13[%mul3A_0, %dma_start3A_152] : memref<3344x128xf32, #tpu.memory_space<vmem_shared>> -> memref<224x128xf32, #tpu.memory_space<vmem_shared>>
        %dma_start3A_154 = arith.constant 0 : i32
        %dma_start3A_155 = arith.constant 0 : i32
        %dma_start3A_156 = tpu.memref_slice %arg6[%dma_start3A_154, %dma_start3A_155] : memref<224x128xf32, #tpu.memory_space<hbm>> -> memref<224x128xf32, #tpu.memory_space<hbm>>
        tpu.enqueue_dma source(%dma_start3A_156 : memref<224x128xf32, #tpu.memory_space<hbm>>) target(%dma_start3A_153 : memref<224x128xf32, #tpu.memory_space<vmem_shared>>) target_semaphore(%run_scoped3A_151 : memref<!tpu.dma_semaphore, #tpu.memory_space<semaphore_mem>>)
        %dma_wait3A_157 = arith.constant 0 : i32
        %dma_wait3A_158 = tpu.memref_slice %arg13[%mul3A_0, %dma_wait3A_157] : memref<3344x128xf32, #tpu.memory_space<vmem_shared>> -> memref<224x128xf32, #tpu.memory_space<vmem_shared>>
        %dma_wait3A_159 = arith.constant 0 : i32
        %dma_wait3A_160 = arith.constant 0 : i32
        %dma_wait3A_161 = tpu.memref_slice %arg6[%dma_wait3A_159, %dma_wait3A_160] : memref<224x128xf32, #tpu.memory_space<hbm>> -> memref<224x128xf32, #tpu.memory_space<hbm>>
        tpu.wait_dma2 semaphore(%run_scoped3A_151 : memref<!tpu.dma_semaphore, #tpu.memory_space<semaphore_mem>>) src(%dma_wait3A_161 : memref<224x128xf32, #tpu.memory_space<hbm>>) dst(%dma_wait3A_158 : memref<224x128xf32, #tpu.memory_space<vmem_shared>>)
        tpu.yield
      }) : () -> ()
    } else {
    }
    %barrier3A_117 = arith.constant 0 : index
    tpu.barrier barrier_id(%barrier3A_117)
    %dma_start3A_118 = arith.constant 0 : i32
    %dma_start3A_119 = arith.constant 0 : i32
    %dma_start3A_120 = tpu.memref_slice %arg9[%dma_start3A_118, %dma_start3A_119] : memref<125x80xi32, #tpu.memory_space<vmem>> -> memref<1x80xi32, #tpu.memory_space<vmem>>
    %dma_start3A_121 = tpu.memref_squeeze %dma_start3A_120 : memref<1x80xi32, #tpu.memory_space<vmem>> -> memref<80xi32, #tpu.memory_space<vmem>>
    %dma_start3A_122 = arith.constant 0 : i32
    %dma_start3A_123 = arith.constant 0 : i32
    %dma_start3A_124 = tpu.memref_slice %arg2[%dma_start3A_122, %dma_start3A_123] : memref<20000x128xf32, #tpu.memory_space<hbm>> -> memref<20000x128xf32, #tpu.memory_space<hbm>>
    tpu.enqueue_indirect_dma source(%dma_start3A_124 : memref<20000x128xf32, #tpu.memory_space<hbm>>) target(%arg11 : memref<80x128xf32, #tpu.memory_space<vmem>>) offsets(%dma_start3A_121 : memref<80xi32, #tpu.memory_space<vmem>>) semaphore(%arg14 : memref<!tpu.dma_semaphore, #tpu.memory_space<semaphore_mem>>)
    %scan3A_125 = arith.constant 0 : i32
    %scan3A_126 = arith.constant 0 : i32
    %scan3A_127 = arith.constant 62 : i32
    %scan3A_128 = arith.addi %scan3A_126, %scan3A_127 : i32
    %scan3A_129 = arith.constant 1 : i32
    scf.for %scan3A_151 = %scan3A_126 to %scan3A_128 step %scan3A_129  : i32 {
      %mul3A_152 = arith.constant 2 : i32
      %mul3A_153 = arith.muli %mul3A_152, %scan3A_151 : i32
      %add3A_154 = arith.constant 1 : i32
      %add3A_155 = arith.addi %mul3A_153, %add3A_154 : i32
      %dma_start3A_156 = arith.constant 0 : i32
      %dma_start3A_157 = tpu.memref_slice %arg9[%add3A_155, %dma_start3A_156] : memref<125x80xi32, #tpu.memory_space<vmem>> -> memref<1x80xi32, #tpu.memory_space<vmem>>
      %dma_start3A_158 = tpu.memref_squeeze %dma_start3A_157 : memref<1x80xi32, #tpu.memory_space<vmem>> -> memref<80xi32, #tpu.memory_space<vmem>>
      %dma_start3A_159 = arith.constant 0 : i32
      %dma_start3A_160 = arith.constant 0 : i32
      %dma_start3A_161 = tpu.memref_slice %arg2[%dma_start3A_159, %dma_start3A_160] : memref<20000x128xf32, #tpu.memory_space<hbm>> -> memref<20000x128xf32, #tpu.memory_space<hbm>>
      tpu.enqueue_indirect_dma source(%dma_start3A_161 : memref<20000x128xf32, #tpu.memory_space<hbm>>) target(%arg12 : memref<80x128xf32, #tpu.memory_space<vmem>>) offsets(%dma_start3A_158 : memref<80xi32, #tpu.memory_space<vmem>>) semaphore(%arg15 : memref<!tpu.dma_semaphore, #tpu.memory_space<semaphore_mem>>)
      %dma_wait3A_162 = arith.constant 0 : i32
      %dma_wait3A_163 = arith.constant 0 : i32
      %dma_wait3A_164 = tpu.memref_slice %arg2[%dma_wait3A_162, %dma_wait3A_163] : memref<20000x128xf32, #tpu.memory_space<hbm>> -> memref<80x128xf32, #tpu.memory_space<hbm>>
      %dma_wait3A_165 = arith.constant 0 : i32
      %dma_wait3A_166 = arith.constant 0 : i32
      %dma_wait3A_167 = tpu.memref_slice %arg2[%dma_wait3A_165, %dma_wait3A_166] : memref<20000x128xf32, #tpu.memory_space<hbm>> -> memref<80x128xf32, #tpu.memory_space<hbm>>
      tpu.wait_dma2 semaphore(%arg14 : memref<!tpu.dma_semaphore, #tpu.memory_space<semaphore_mem>>) src(%dma_wait3A_167 : memref<80x128xf32, #tpu.memory_space<hbm>>) dst(%arg11 : memref<80x128xf32, #tpu.memory_space<vmem>>)
      "tpu.region"() ({
        %run_scoped3A_184 = tpu.sem_alloc : memref<!tpu.dma_semaphore, #tpu.memory_space<semaphore_mem>>
        %dma_start3A_185 = arith.constant 0 : i32
        %dma_start3A_186 = tpu.memref_slice %arg10[%mul3A_153, %dma_start3A_185] : memref<125x80xi32, #tpu.memory_space<vmem>> -> memref<1x80xi32, #tpu.memory_space<vmem>>
        %dma_start3A_187 = tpu.memref_squeeze %dma_start3A_186 : memref<1x80xi32, #tpu.memory_space<vmem>> -> memref<80xi32, #tpu.memory_space<vmem>>
        %dma_start3A_188 = arith.constant 0 : i32
        %dma_start3A_189 = arith.constant 0 : i32
        %dma_start3A_190 = tpu.memref_slice %arg13[%dma_start3A_188, %dma_start3A_189] : memref<3344x128xf32, #tpu.memory_space<vmem_shared>> -> memref<3344x128xf32, #tpu.memory_space<vmem_shared>>
        tpu.enqueue_indirect_dma source(%arg11 : memref<80x128xf32, #tpu.memory_space<vmem>>) target(%dma_start3A_190 : memref<3344x128xf32, #tpu.memory_space<vmem_shared>>) offsets(%dma_start3A_187 : memref<80xi32, #tpu.memory_space<vmem>>) semaphore(%run_scoped3A_184 : memref<!tpu.dma_semaphore, #tpu.memory_space<semaphore_mem>>) {add = true}
        %dma_wait3A_191 = arith.constant 0 : i32
        %dma_wait3A_192 = tpu.memref_slice %arg10[%mul3A_153, %dma_wait3A_191] : memref<125x80xi32, #tpu.memory_space<vmem>> -> memref<1x80xi32, #tpu.memory_space<vmem>>
        %dma_wait3A_193 = tpu.memref_squeeze %dma_wait3A_192 : memref<1x80xi32, #tpu.memory_space<vmem>> -> memref<80xi32, #tpu.memory_space<vmem>>
        %dma_wait3A_194 = arith.constant 0 : i32
        %dma_wait3A_195 = arith.constant 0 : i32
        %dma_wait3A_196 = tpu.memref_slice %arg13[%dma_wait3A_194, %dma_wait3A_195] : memref<3344x128xf32, #tpu.memory_space<vmem_shared>> -> memref<3344x128xf32, #tpu.memory_space<vmem_shared>>
        tpu.wait_indirect_dma semaphore(%run_scoped3A_184 : memref<!tpu.dma_semaphore, #tpu.memory_space<semaphore_mem>>) src(%arg11 : memref<80x128xf32, #tpu.memory_space<vmem>>) dst(%dma_wait3A_196 : memref<3344x128xf32, #tpu.memory_space<vmem_shared>>)
        tpu.yield
      }) : () -> ()
      %add3A_168 = arith.constant 2 : i32
      %add3A_169 = arith.addi %mul3A_153, %add3A_168 : i32
      %dma_start3A_170 = arith.constant 0 : i32
      %dma_start3A_171 = tpu.memref_slice %arg9[%add3A_169, %dma_start3A_170] : memref<125x80xi32, #tpu.memory_space<vmem>> -> memref<1x80xi32, #tpu.memory_space<vmem>>
      %dma_start3A_172 = tpu.memref_squeeze %dma_start3A_171 : memref<1x80xi32, #tpu.memory_space<vmem>> -> memref<80xi32, #tpu.memory_space<vmem>>
      %dma_start3A_173 = arith.constant 0 : i32
      %dma_start3A_174 = arith.constant 0 : i32
      %dma_start3A_175 = tpu.memref_slice %arg2[%dma_start3A_173, %dma_start3A_174] : memref<20000x128xf32, #tpu.memory_space<hbm>> -> memref<20000x128xf32, #tpu.memory_space<hbm>>
      tpu.enqueue_indirect_dma source(%dma_start3A_175 : memref<20000x128xf32, #tpu.memory_space<hbm>>) target(%arg11 : memref<80x128xf32, #tpu.memory_space<vmem>>) offsets(%dma_start3A_172 : memref<80xi32, #tpu.memory_space<vmem>>) semaphore(%arg14 : memref<!tpu.dma_semaphore, #tpu.memory_space<semaphore_mem>>)
      %dma_wait3A_176 = arith.constant 0 : i32
      %dma_wait3A_177 = arith.constant 0 : i32
      %dma_wait3A_178 = tpu.memref_slice %arg2[%dma_wait3A_176, %dma_wait3A_177] : memref<20000x128xf32, #tpu.memory_space<hbm>> -> memref<80x128xf32, #tpu.memory_space<hbm>>
      %dma_wait3A_179 = arith.constant 0 : i32
      %dma_wait3A_180 = arith.constant 0 : i32
      %dma_wait3A_181 = tpu.memref_slice %arg2[%dma_wait3A_179, %dma_wait3A_180] : memref<20000x128xf32, #tpu.memory_space<hbm>> -> memref<80x128xf32, #tpu.memory_space<hbm>>
      tpu.wait_dma2 semaphore(%arg15 : memref<!tpu.dma_semaphore, #tpu.memory_space<semaphore_mem>>) src(%dma_wait3A_181 : memref<80x128xf32, #tpu.memory_space<hbm>>) dst(%arg12 : memref<80x128xf32, #tpu.memory_space<vmem>>)
      %add3A_182 = arith.constant 1 : i32
      %add3A_183 = arith.addi %mul3A_153, %add3A_182 : i32
      "tpu.region"() ({
        %run_scoped3A_184 = tpu.sem_alloc : memref<!tpu.dma_semaphore, #tpu.memory_space<semaphore_mem>>
        %dma_start3A_185 = arith.constant 0 : i32
        %dma_start3A_186 = tpu.memref_slice %arg10[%add3A_183, %dma_start3A_185] : memref<125x80xi32, #tpu.memory_space<vmem>> -> memref<1x80xi32, #tpu.memory_space<vmem>>
        %dma_start3A_187 = tpu.memref_squeeze %dma_start3A_186 : memref<1x80xi32, #tpu.memory_space<vmem>> -> memref<80xi32, #tpu.memory_space<vmem>>
        %dma_start3A_188 = arith.constant 0 : i32
        %dma_start3A_189 = arith.constant 0 : i32
        %dma_start3A_190 = tpu.memref_slice %arg13[%dma_start3A_188, %dma_start3A_189] : memref<3344x128xf32, #tpu.memory_space<vmem_shared>> -> memref<3344x128xf32, #tpu.memory_space<vmem_shared>>
        tpu.enqueue_indirect_dma source(%arg12 : memref<80x128xf32, #tpu.memory_space<vmem>>) target(%dma_start3A_190 : memref<3344x128xf32, #tpu.memory_space<vmem_shared>>) offsets(%dma_start3A_187 : memref<80xi32, #tpu.memory_space<vmem>>) semaphore(%run_scoped3A_184 : memref<!tpu.dma_semaphore, #tpu.memory_space<semaphore_mem>>) {add = true}
        %dma_wait3A_191 = arith.constant 0 : i32
        %dma_wait3A_192 = tpu.memref_slice %arg10[%add3A_183, %dma_wait3A_191] : memref<125x80xi32, #tpu.memory_space<vmem>> -> memref<1x80xi32, #tpu.memory_space<vmem>>
        %dma_wait3A_193 = tpu.memref_squeeze %dma_wait3A_192 : memref<1x80xi32, #tpu.memory_space<vmem>> -> memref<80xi32, #tpu.memory_space<vmem>>
        %dma_wait3A_194 = arith.constant 0 : i32
        %dma_wait3A_195 = arith.constant 0 : i32
        %dma_wait3A_196 = tpu.memref_slice %arg13[%dma_wait3A_194, %dma_wait3A_195] : memref<3344x128xf32, #tpu.memory_space<vmem_shared>> -> memref<3344x128xf32, #tpu.memory_space<vmem_shared>>
        tpu.wait_indirect_dma semaphore(%run_scoped3A_184 : memref<!tpu.dma_semaphore, #tpu.memory_space<semaphore_mem>>) src(%arg12 : memref<80x128xf32, #tpu.memory_space<vmem>>) dst(%dma_wait3A_196 : memref<3344x128xf32, #tpu.memory_space<vmem_shared>>)
        tpu.yield
      }) : () -> ()
    }
    %scan3A_130 = arith.constant 62 : i32
    %dma_wait3A_131 = arith.constant 0 : i32
    %dma_wait3A_132 = arith.constant 0 : i32
    %dma_wait3A_133 = tpu.memref_slice %arg2[%dma_wait3A_131, %dma_wait3A_132] : memref<20000x128xf32, #tpu.memory_space<hbm>> -> memref<80x128xf32, #tpu.memory_space<hbm>>
    %dma_wait3A_134 = arith.constant 0 : i32
    %dma_wait3A_135 = arith.constant 0 : i32
    %dma_wait3A_136 = tpu.memref_slice %arg2[%dma_wait3A_134, %dma_wait3A_135] : memref<20000x128xf32, #tpu.memory_space<hbm>> -> memref<80x128xf32, #tpu.memory_space<hbm>>
    tpu.wait_dma2 semaphore(%arg14 : memref<!tpu.dma_semaphore, #tpu.memory_space<semaphore_mem>>) src(%dma_wait3A_136 : memref<80x128xf32, #tpu.memory_space<hbm>>) dst(%arg11 : memref<80x128xf32, #tpu.memory_space<vmem>>)
    %run_scoped3A_137 = arith.constant 124 : i32
    "tpu.region"() ({
      %run_scoped3A_151 = tpu.sem_alloc : memref<!tpu.dma_semaphore, #tpu.memory_space<semaphore_mem>>
      %dma_start3A_152 = arith.constant 0 : i32
      %dma_start3A_153 = tpu.memref_slice %arg10[%run_scoped3A_137, %dma_start3A_152] : memref<125x80xi32, #tpu.memory_space<vmem>> -> memref<1x80xi32, #tpu.memory_space<vmem>>
      %dma_start3A_154 = tpu.memref_squeeze %dma_start3A_153 : memref<1x80xi32, #tpu.memory_space<vmem>> -> memref<80xi32, #tpu.memory_space<vmem>>
      %dma_start3A_155 = arith.constant 0 : i32
      %dma_start3A_156 = arith.constant 0 : i32
      %dma_start3A_157 = tpu.memref_slice %arg13[%dma_start3A_155, %dma_start3A_156] : memref<3344x128xf32, #tpu.memory_space<vmem_shared>> -> memref<3344x128xf32, #tpu.memory_space<vmem_shared>>
      tpu.enqueue_indirect_dma source(%arg11 : memref<80x128xf32, #tpu.memory_space<vmem>>) target(%dma_start3A_157 : memref<3344x128xf32, #tpu.memory_space<vmem_shared>>) offsets(%dma_start3A_154 : memref<80xi32, #tpu.memory_space<vmem>>) semaphore(%run_scoped3A_151 : memref<!tpu.dma_semaphore, #tpu.memory_space<semaphore_mem>>) {add = true}
      %dma_wait3A_158 = arith.constant 0 : i32
      %dma_wait3A_159 = tpu.memref_slice %arg10[%run_scoped3A_137, %dma_wait3A_158] : memref<125x80xi32, #tpu.memory_space<vmem>> -> memref<1x80xi32, #tpu.memory_space<vmem>>
      %dma_wait3A_160 = tpu.memref_squeeze %dma_wait3A_159 : memref<1x80xi32, #tpu.memory_space<vmem>> -> memref<80xi32, #tpu.memory_space<vmem>>
      %dma_wait3A_161 = arith.constant 0 : i32
      %dma_wait3A_162 = arith.constant 0 : i32
      %dma_wait3A_163 = tpu.memref_slice %arg13[%dma_wait3A_161, %dma_wait3A_162] : memref<3344x128xf32, #tpu.memory_space<vmem_shared>> -> memref<3344x128xf32, #tpu.memory_space<vmem_shared>>
      tpu.wait_indirect_dma semaphore(%run_scoped3A_151 : memref<!tpu.dma_semaphore, #tpu.memory_space<semaphore_mem>>) src(%arg11 : memref<80x128xf32, #tpu.memory_space<vmem>>) dst(%dma_wait3A_163 : memref<3344x128xf32, #tpu.memory_space<vmem_shared>>)
      tpu.yield
    }) : () -> ()
    %barrier3A_138 = arith.constant 0 : index
    tpu.barrier barrier_id(%barrier3A_138)
    %add3A_139 = arith.constant 6672 : i32
    %add3A_140 = arith.addi %add3A_139, %mul3A_0 : i32
    %eq3A_141 = arith.constant 0 : i32
    %eq3A_142 = arith.cmpi eq, %arg0, %eq3A_141 : i32
    %convert_element_type3A_143 = arith.extui %eq3A_142 : i1 to i32
    %cond3A_144 = arith.constant 0 : i32
    %cond3A_145 = arith.cmpi ne, %convert_element_type3A_143, %cond3A_144 : i32
    scf.if %cond3A_145 {
      %lt3A_151 = arith.constant 15 : i32
      %lt3A_152 = arith.cmpi slt, %arg1, %lt3A_151 : i32
      %convert_element_type3A_153 = arith.extui %lt3A_152 : i1 to i32
      %cond3A_154 = arith.constant 0 : i32
      %cond3A_155 = arith.cmpi ne, %convert_element_type3A_153, %cond3A_154 : i32
      scf.if %cond3A_155 {
        "tpu.region"() ({
          %run_scoped3A_161 = tpu.sem_alloc : memref<!tpu.dma_semaphore, #tpu.memory_space<semaphore_mem>>
          %dma_start3A_162 = arith.constant 0 : i32
          %dma_start3A_163 = tpu.memref_slice %arg7[%add3A_140, %dma_start3A_162] : memref<10000x128xf32, #tpu.memory_space<hbm>> -> memref<208x128xf32, #tpu.memory_space<hbm>>
          %dma_start3A_164 = arith.constant 0 : i32
          %dma_start3A_165 = tpu.memref_slice %arg13[%mul3A_0, %dma_start3A_164] : memref<3344x128xf32, #tpu.memory_space<vmem_shared>> -> memref<208x128xf32, #tpu.memory_space<vmem_shared>>
          tpu.enqueue_dma source(%dma_start3A_165 : memref<208x128xf32, #tpu.memory_space<vmem_shared>>) target(%dma_start3A_163 : memref<208x128xf32, #tpu.memory_space<hbm>>) target_semaphore(%run_scoped3A_161 : memref<!tpu.dma_semaphore, #tpu.memory_space<semaphore_mem>>)
          %dma_wait3A_166 = arith.constant 0 : i32
          %dma_wait3A_167 = tpu.memref_slice %arg7[%add3A_140, %dma_wait3A_166] : memref<10000x128xf32, #tpu.memory_space<hbm>> -> memref<208x128xf32, #tpu.memory_space<hbm>>
          %dma_wait3A_168 = arith.constant 0 : i32
          %dma_wait3A_169 = tpu.memref_slice %arg13[%mul3A_0, %dma_wait3A_168] : memref<3344x128xf32, #tpu.memory_space<vmem_shared>> -> memref<208x128xf32, #tpu.memory_space<vmem_shared>>
          tpu.wait_dma2 semaphore(%run_scoped3A_161 : memref<!tpu.dma_semaphore, #tpu.memory_space<semaphore_mem>>) src(%dma_wait3A_169 : memref<208x128xf32, #tpu.memory_space<vmem_shared>>) dst(%dma_wait3A_167 : memref<208x128xf32, #tpu.memory_space<hbm>>)
          tpu.yield
        }) : () -> ()
      } else {
      }
      %eq3A_156 = arith.constant 15 : i32
      %eq3A_157 = arith.cmpi eq, %arg1, %eq3A_156 : i32
      %convert_element_type3A_158 = arith.extui %eq3A_157 : i1 to i32
      %cond3A_159 = arith.constant 0 : i32
      %cond3A_160 = arith.cmpi ne, %convert_element_type3A_158, %cond3A_159 : i32
      scf.if %cond3A_160 {
        "tpu.region"() ({
          %run_scoped3A_161 = tpu.sem_alloc : memref<!tpu.dma_semaphore, #tpu.memory_space<semaphore_mem>>
          %dma_start3A_162 = arith.constant 0 : i32
          %dma_start3A_163 = tpu.memref_slice %arg7[%add3A_140, %dma_start3A_162] : memref<10000x128xf32, #tpu.memory_space<hbm>> -> memref<208x128xf32, #tpu.memory_space<hbm>>
          %dma_start3A_164 = arith.constant 0 : i32
          %dma_start3A_165 = tpu.memref_slice %arg13[%mul3A_0, %dma_start3A_164] : memref<3344x128xf32, #tpu.memory_space<vmem_shared>> -> memref<208x128xf32, #tpu.memory_space<vmem_shared>>
          tpu.enqueue_dma source(%dma_start3A_165 : memref<208x128xf32, #tpu.memory_space<vmem_shared>>) target(%dma_start3A_163 : memref<208x128xf32, #tpu.memory_space<hbm>>) target_semaphore(%run_scoped3A_161 : memref<!tpu.dma_semaphore, #tpu.memory_space<semaphore_mem>>)
          %dma_wait3A_166 = arith.constant 0 : i32
          %dma_wait3A_167 = tpu.memref_slice %arg7[%add3A_140, %dma_wait3A_166] : memref<10000x128xf32, #tpu.memory_space<hbm>> -> memref<208x128xf32, #tpu.memory_space<hbm>>
          %dma_wait3A_168 = arith.constant 0 : i32
          %dma_wait3A_169 = tpu.memref_slice %arg13[%mul3A_0, %dma_wait3A_168] : memref<3344x128xf32, #tpu.memory_space<vmem_shared>> -> memref<208x128xf32, #tpu.memory_space<vmem_shared>>
          tpu.wait_dma2 semaphore(%run_scoped3A_161 : memref<!tpu.dma_semaphore, #tpu.memory_space<semaphore_mem>>) src(%dma_wait3A_169 : memref<208x128xf32, #tpu.memory_space<vmem_shared>>) dst(%dma_wait3A_167 : memref<208x128xf32, #tpu.memory_space<hbm>>)
          tpu.yield
        }) : () -> ()
      } else {
      }
    } else {
    }
    %eq3A_146 = arith.constant 1 : i32
    %eq3A_147 = arith.cmpi eq, %arg0, %eq3A_146 : i32
    %convert_element_type3A_148 = arith.extui %eq3A_147 : i1 to i32
    %cond3A_149 = arith.constant 0 : i32
    %cond3A_150 = arith.cmpi ne, %convert_element_type3A_148, %cond3A_149 : i32
    scf.if %cond3A_150 {
      %lt3A_151 = arith.constant 15 : i32
      %lt3A_152 = arith.cmpi slt, %arg1, %lt3A_151 : i32
      %convert_element_type3A_153 = arith.extui %lt3A_152 : i1 to i32
      %cond3A_154 = arith.constant 0 : i32
      %cond3A_155 = arith.cmpi ne, %convert_element_type3A_153, %cond3A_154 : i32
      scf.if %cond3A_155 {
        "tpu.region"() ({
          %run_scoped3A_161 = tpu.sem_alloc : memref<!tpu.dma_semaphore, #tpu.memory_space<semaphore_mem>>
          %dma_start3A_162 = arith.constant 0 : i32
          %dma_start3A_163 = tpu.memref_slice %arg8[%add3A_140, %dma_start3A_162] : memref<10000x128xf32, #tpu.memory_space<hbm>> -> memref<208x128xf32, #tpu.memory_space<hbm>>
          %dma_start3A_164 = arith.constant 0 : i32
          %dma_start3A_165 = tpu.memref_slice %arg13[%mul3A_0, %dma_start3A_164] : memref<3344x128xf32, #tpu.memory_space<vmem_shared>> -> memref<208x128xf32, #tpu.memory_space<vmem_shared>>
          tpu.enqueue_dma source(%dma_start3A_165 : memref<208x128xf32, #tpu.memory_space<vmem_shared>>) target(%dma_start3A_163 : memref<208x128xf32, #tpu.memory_space<hbm>>) target_semaphore(%run_scoped3A_161 : memref<!tpu.dma_semaphore, #tpu.memory_space<semaphore_mem>>)
          %dma_wait3A_166 = arith.constant 0 : i32
          %dma_wait3A_167 = tpu.memref_slice %arg8[%add3A_140, %dma_wait3A_166] : memref<10000x128xf32, #tpu.memory_space<hbm>> -> memref<208x128xf32, #tpu.memory_space<hbm>>
          %dma_wait3A_168 = arith.constant 0 : i32
          %dma_wait3A_169 = tpu.memref_slice %arg13[%mul3A_0, %dma_wait3A_168] : memref<3344x128xf32, #tpu.memory_space<vmem_shared>> -> memref<208x128xf32, #tpu.memory_space<vmem_shared>>
          tpu.wait_dma2 semaphore(%run_scoped3A_161 : memref<!tpu.dma_semaphore, #tpu.memory_space<semaphore_mem>>) src(%dma_wait3A_169 : memref<208x128xf32, #tpu.memory_space<vmem_shared>>) dst(%dma_wait3A_167 : memref<208x128xf32, #tpu.memory_space<hbm>>)
          tpu.yield
        }) : () -> ()
      } else {
      }
      %eq3A_156 = arith.constant 15 : i32
      %eq3A_157 = arith.cmpi eq, %arg1, %eq3A_156 : i32
      %convert_element_type3A_158 = arith.extui %eq3A_157 : i1 to i32
      %cond3A_159 = arith.constant 0 : i32
      %cond3A_160 = arith.cmpi ne, %convert_element_type3A_158, %cond3A_159 : i32
      scf.if %cond3A_160 {
        "tpu.region"() ({
          %run_scoped3A_161 = tpu.sem_alloc : memref<!tpu.dma_semaphore, #tpu.memory_space<semaphore_mem>>
          %dma_start3A_162 = arith.constant 0 : i32
          %dma_start3A_163 = tpu.memref_slice %arg8[%add3A_140, %dma_start3A_162] : memref<10000x128xf32, #tpu.memory_space<hbm>> -> memref<208x128xf32, #tpu.memory_space<hbm>>
          %dma_start3A_164 = arith.constant 0 : i32
          %dma_start3A_165 = tpu.memref_slice %arg13[%mul3A_0, %dma_start3A_164] : memref<3344x128xf32, #tpu.memory_space<vmem_shared>> -> memref<208x128xf32, #tpu.memory_space<vmem_shared>>
          tpu.enqueue_dma source(%dma_start3A_165 : memref<208x128xf32, #tpu.memory_space<vmem_shared>>) target(%dma_start3A_163 : memref<208x128xf32, #tpu.memory_space<hbm>>) target_semaphore(%run_scoped3A_161 : memref<!tpu.dma_semaphore, #tpu.memory_space<semaphore_mem>>)
          %dma_wait3A_166 = arith.constant 0 : i32
          %dma_wait3A_167 = tpu.memref_slice %arg8[%add3A_140, %dma_wait3A_166] : memref<10000x128xf32, #tpu.memory_space<hbm>> -> memref<208x128xf32, #tpu.memory_space<hbm>>
          %dma_wait3A_168 = arith.constant 0 : i32
          %dma_wait3A_169 = tpu.memref_slice %arg13[%mul3A_0, %dma_wait3A_168] : memref<3344x128xf32, #tpu.memory_space<vmem_shared>> -> memref<208x128xf32, #tpu.memory_space<vmem_shared>>
          tpu.wait_dma2 semaphore(%run_scoped3A_161 : memref<!tpu.dma_semaphore, #tpu.memory_space<semaphore_mem>>) src(%dma_wait3A_169 : memref<208x128xf32, #tpu.memory_space<vmem_shared>>) dst(%dma_wait3A_167 : memref<208x128xf32, #tpu.memory_space<hbm>>)
          tpu.yield
        }) : () -> ()
      } else {
      }
    } else {
    }
    return
  }
}

#map = affine_map<(d0, d1) -> (0, 0)>
#map1 = affine_map<(d0, d1) -> (0, 0, 0)>
module attributes {stable_mosaic.version = 14 : i64} {
  func.func @seg(%arg0: i32, %arg1: i32, %arg2: memref<20000x128xf32, #tpu.memory_space<hbm>>, %arg3: memref<16x125x80xi32, #tpu.memory_space<hbm>>, %arg4: memref<16x125x80xi32, #tpu.memory_space<hbm>>, %arg5: memref<16x125x80xi32, #tpu.memory_space<hbm>>, %arg6: memref<224x128xf32, #tpu.memory_space<hbm>>, %arg7: memref<10000x128xf32, #tpu.memory_space<hbm>>, %arg8: memref<10000x128xf32, #tpu.memory_space<hbm>>, %arg9: memref<10008x128xf32, #tpu.memory_space<hbm>>, %arg10: memref<125x80xi32, #tpu.memory_space<vmem>>, %arg11: memref<125x80xi32, #tpu.memory_space<vmem>>, %arg12: memref<80x128xf32, #tpu.memory_space<vmem>>, %arg13: memref<80x128xf32, #tpu.memory_space<vmem>>, %arg14: memref<3344x128xf32, #tpu.memory_space<vmem_shared>>, %arg15: memref<!tpu.dma_semaphore, #tpu.memory_space<semaphore_mem>>, %arg16: memref<!tpu.dma_semaphore, #tpu.memory_space<semaphore_mem>>) attributes {dimension_semantics = [#tpu.dimension_semantics<core_parallel>, #tpu.dimension_semantics<subcore_parallel>], iteration_bounds = array<i64: 2, 16>, scalar_prefetch = 0 : i64, scratch_operands = 7 : i64, tpu.core_type = #tpu.core_type<sc_vector_subcore>, window_params = [{transform_indices = #map}, {transform_indices = #map1}, {transform_indices = #map1}, {transform_indices = #map1}, {transform_indices = #map}, {transform_indices = #map}, {transform_indices = #map}, {transform_indices = #map}]} {
    %mul3A = arith.constant 208 : i32
    %mul3A_0 = arith.muli %arg1, %mul3A : i32
    %eq3A = arith.constant 0 : i32
    %eq3A_1 = arith.cmpi eq, %arg0, %eq3A : i32
    %convert_element_type3A = arith.extui %eq3A_1 : i1 to i32
    %cond3A = arith.constant 0 : i32
    %cond3A_2 = arith.cmpi ne, %convert_element_type3A, %cond3A : i32
    scf.if %cond3A_2 {
      "tpu.region"() ({
        %run_scoped3A_246 = tpu.sem_alloc : memref<!tpu.dma_semaphore, #tpu.memory_space<semaphore_mem>>
        %dma_start3A_247 = arith.constant 0 : i32
        %dma_start3A_248 = arith.constant 0 : i32
        %dma_start3A_249 = tpu.memref_slice %arg3[%arg1, %dma_start3A_247, %dma_start3A_248] : memref<16x125x80xi32, #tpu.memory_space<hbm>> -> memref<1x125x80xi32, #tpu.memory_space<hbm>>
        %dma_start3A_250 = tpu.memref_squeeze %dma_start3A_249 : memref<1x125x80xi32, #tpu.memory_space<hbm>> -> memref<125x80xi32, #tpu.memory_space<hbm>>
        %dma_start3A_251 = arith.constant 0 : i32
        %dma_start3A_252 = arith.constant 0 : i32
        %dma_start3A_253 = tpu.memref_slice %arg3[%arg1, %dma_start3A_251, %dma_start3A_252] : memref<16x125x80xi32, #tpu.memory_space<hbm>> -> memref<1x125x80xi32, #tpu.memory_space<hbm>>
        %dma_start3A_254 = tpu.memref_squeeze %dma_start3A_253 : memref<1x125x80xi32, #tpu.memory_space<hbm>> -> memref<125x80xi32, #tpu.memory_space<hbm>>
        tpu.enqueue_dma source(%dma_start3A_254 : memref<125x80xi32, #tpu.memory_space<hbm>>) target(%arg10 : memref<125x80xi32, #tpu.memory_space<vmem>>) target_semaphore(%run_scoped3A_246 : memref<!tpu.dma_semaphore, #tpu.memory_space<semaphore_mem>>)
        %dma_wait3A_255 = arith.constant 0 : i32
        %dma_wait3A_256 = arith.constant 0 : i32
        %dma_wait3A_257 = tpu.memref_slice %arg3[%arg1, %dma_wait3A_255, %dma_wait3A_256] : memref<16x125x80xi32, #tpu.memory_space<hbm>> -> memref<1x125x80xi32, #tpu.memory_space<hbm>>
        %dma_wait3A_258 = tpu.memref_squeeze %dma_wait3A_257 : memref<1x125x80xi32, #tpu.memory_space<hbm>> -> memref<125x80xi32, #tpu.memory_space<hbm>>
        %dma_wait3A_259 = arith.constant 0 : i32
        %dma_wait3A_260 = arith.constant 0 : i32
        %dma_wait3A_261 = tpu.memref_slice %arg3[%arg1, %dma_wait3A_259, %dma_wait3A_260] : memref<16x125x80xi32, #tpu.memory_space<hbm>> -> memref<1x125x80xi32, #tpu.memory_space<hbm>>
        %dma_wait3A_262 = tpu.memref_squeeze %dma_wait3A_261 : memref<1x125x80xi32, #tpu.memory_space<hbm>> -> memref<125x80xi32, #tpu.memory_space<hbm>>
        tpu.wait_dma2 semaphore(%run_scoped3A_246 : memref<!tpu.dma_semaphore, #tpu.memory_space<semaphore_mem>>) src(%dma_wait3A_262 : memref<125x80xi32, #tpu.memory_space<hbm>>) dst(%arg10 : memref<125x80xi32, #tpu.memory_space<vmem>>)
        tpu.yield
      }) : () -> ()
    } else {
    }
    %eq3A_3 = arith.constant 1 : i32
    %eq3A_4 = arith.cmpi eq, %arg0, %eq3A_3 : i32
    %convert_element_type3A_5 = arith.extui %eq3A_4 : i1 to i32
    %cond3A_6 = arith.constant 0 : i32
    %cond3A_7 = arith.cmpi ne, %convert_element_type3A_5, %cond3A_6 : i32
    scf.if %cond3A_7 {
      "tpu.region"() ({
        %run_scoped3A_246 = tpu.sem_alloc : memref<!tpu.dma_semaphore, #tpu.memory_space<semaphore_mem>>
        %dma_start3A_247 = arith.constant 0 : i32
        %dma_start3A_248 = arith.constant 0 : i32
        %dma_start3A_249 = tpu.memref_slice %arg4[%arg1, %dma_start3A_247, %dma_start3A_248] : memref<16x125x80xi32, #tpu.memory_space<hbm>> -> memref<1x125x80xi32, #tpu.memory_space<hbm>>
        %dma_start3A_250 = tpu.memref_squeeze %dma_start3A_249 : memref<1x125x80xi32, #tpu.memory_space<hbm>> -> memref<125x80xi32, #tpu.memory_space<hbm>>
        %dma_start3A_251 = arith.constant 0 : i32
        %dma_start3A_252 = arith.constant 0 : i32
        %dma_start3A_253 = tpu.memref_slice %arg4[%arg1, %dma_start3A_251, %dma_start3A_252] : memref<16x125x80xi32, #tpu.memory_space<hbm>> -> memref<1x125x80xi32, #tpu.memory_space<hbm>>
        %dma_start3A_254 = tpu.memref_squeeze %dma_start3A_253 : memref<1x125x80xi32, #tpu.memory_space<hbm>> -> memref<125x80xi32, #tpu.memory_space<hbm>>
        tpu.enqueue_dma source(%dma_start3A_254 : memref<125x80xi32, #tpu.memory_space<hbm>>) target(%arg10 : memref<125x80xi32, #tpu.memory_space<vmem>>) target_semaphore(%run_scoped3A_246 : memref<!tpu.dma_semaphore, #tpu.memory_space<semaphore_mem>>)
        %dma_wait3A_255 = arith.constant 0 : i32
        %dma_wait3A_256 = arith.constant 0 : i32
        %dma_wait3A_257 = tpu.memref_slice %arg4[%arg1, %dma_wait3A_255, %dma_wait3A_256] : memref<16x125x80xi32, #tpu.memory_space<hbm>> -> memref<1x125x80xi32, #tpu.memory_space<hbm>>
        %dma_wait3A_258 = tpu.memref_squeeze %dma_wait3A_257 : memref<1x125x80xi32, #tpu.memory_space<hbm>> -> memref<125x80xi32, #tpu.memory_space<hbm>>
        %dma_wait3A_259 = arith.constant 0 : i32
        %dma_wait3A_260 = arith.constant 0 : i32
        %dma_wait3A_261 = tpu.memref_slice %arg4[%arg1, %dma_wait3A_259, %dma_wait3A_260] : memref<16x125x80xi32, #tpu.memory_space<hbm>> -> memref<1x125x80xi32, #tpu.memory_space<hbm>>
        %dma_wait3A_262 = tpu.memref_squeeze %dma_wait3A_261 : memref<1x125x80xi32, #tpu.memory_space<hbm>> -> memref<125x80xi32, #tpu.memory_space<hbm>>
        tpu.wait_dma2 semaphore(%run_scoped3A_246 : memref<!tpu.dma_semaphore, #tpu.memory_space<semaphore_mem>>) src(%dma_wait3A_262 : memref<125x80xi32, #tpu.memory_space<hbm>>) dst(%arg10 : memref<125x80xi32, #tpu.memory_space<vmem>>)
        tpu.yield
      }) : () -> ()
    } else {
    }
    "tpu.region"() ({
      %run_scoped3A_246 = tpu.sem_alloc : memref<!tpu.dma_semaphore, #tpu.memory_space<semaphore_mem>>
      %dma_start3A_247 = arith.constant 0 : i32
      %dma_start3A_248 = arith.constant 0 : i32
      %dma_start3A_249 = tpu.memref_slice %arg5[%arg1, %dma_start3A_247, %dma_start3A_248] : memref<16x125x80xi32, #tpu.memory_space<hbm>> -> memref<1x125x80xi32, #tpu.memory_space<hbm>>
      %dma_start3A_250 = tpu.memref_squeeze %dma_start3A_249 : memref<1x125x80xi32, #tpu.memory_space<hbm>> -> memref<125x80xi32, #tpu.memory_space<hbm>>
      %dma_start3A_251 = arith.constant 0 : i32
      %dma_start3A_252 = arith.constant 0 : i32
      %dma_start3A_253 = tpu.memref_slice %arg5[%arg1, %dma_start3A_251, %dma_start3A_252] : memref<16x125x80xi32, #tpu.memory_space<hbm>> -> memref<1x125x80xi32, #tpu.memory_space<hbm>>
      %dma_start3A_254 = tpu.memref_squeeze %dma_start3A_253 : memref<1x125x80xi32, #tpu.memory_space<hbm>> -> memref<125x80xi32, #tpu.memory_space<hbm>>
      tpu.enqueue_dma source(%dma_start3A_254 : memref<125x80xi32, #tpu.memory_space<hbm>>) target(%arg11 : memref<125x80xi32, #tpu.memory_space<vmem>>) target_semaphore(%run_scoped3A_246 : memref<!tpu.dma_semaphore, #tpu.memory_space<semaphore_mem>>)
      %dma_wait3A_255 = arith.constant 0 : i32
      %dma_wait3A_256 = arith.constant 0 : i32
      %dma_wait3A_257 = tpu.memref_slice %arg5[%arg1, %dma_wait3A_255, %dma_wait3A_256] : memref<16x125x80xi32, #tpu.memory_space<hbm>> -> memref<1x125x80xi32, #tpu.memory_space<hbm>>
      %dma_wait3A_258 = tpu.memref_squeeze %dma_wait3A_257 : memref<1x125x80xi32, #tpu.memory_space<hbm>> -> memref<125x80xi32, #tpu.memory_space<hbm>>
      %dma_wait3A_259 = arith.constant 0 : i32
      %dma_wait3A_260 = arith.constant 0 : i32
      %dma_wait3A_261 = tpu.memref_slice %arg5[%arg1, %dma_wait3A_259, %dma_wait3A_260] : memref<16x125x80xi32, #tpu.memory_space<hbm>> -> memref<1x125x80xi32, #tpu.memory_space<hbm>>
      %dma_wait3A_262 = tpu.memref_squeeze %dma_wait3A_261 : memref<1x125x80xi32, #tpu.memory_space<hbm>> -> memref<125x80xi32, #tpu.memory_space<hbm>>
      tpu.wait_dma2 semaphore(%run_scoped3A_246 : memref<!tpu.dma_semaphore, #tpu.memory_space<semaphore_mem>>) src(%dma_wait3A_262 : memref<125x80xi32, #tpu.memory_space<hbm>>) dst(%arg11 : memref<125x80xi32, #tpu.memory_space<vmem>>)
      tpu.yield
    }) : () -> ()
    %scan3A = arith.constant 0 : i32
    %scan3A_8 = arith.constant 0 : i32
    %scan3A_9 = arith.constant 125 : i32
    %scan3A_10 = arith.addi %scan3A_8, %scan3A_9 : i32
    %scan3A_11 = arith.constant 1 : i32
    scf.for %scan3A_246 = %scan3A_8 to %scan3A_10 step %scan3A_11  : i32 {
      %get3A = arith.index_cast %scan3A_246 : i32 to index
      %get3A_247 = arith.constant 0 : index
      %get3A_248 = tpu.vector_load %arg11[%get3A, %get3A_247] {strides = array<i32>} : memref<125x80xi32, #tpu.memory_space<vmem>>, vector<1x16xi32>,
      %get3A_249 = vector.shape_cast %get3A_248 : vector<1x16xi32> to vector<16xi32>
      %and3A = arith.constant 7 : i32
      %and3A_250 = vector.broadcast %and3A : i32 to vector<16xi32>
      %and3A_251 = arith.andi %get3A_249, %and3A_250 : vector<16xi32>
      %add3A_252 = arith.constant 3336 : i32
      %add3A_253 = vector.broadcast %add3A_252 : i32 to vector<16xi32>
      %add3A_254 = arith.addi %add3A_253, %and3A_251 : vector<16xi32>
      %ge3A = arith.constant 0 : i32
      %ge3A_255 = vector.broadcast %ge3A : i32 to vector<16xi32>
      %ge3A_256 = arith.cmpi sge, %get3A_249, %ge3A_255 : vector<16xi32>
      %lt3A_257 = arith.constant 3336 : i32
      %lt3A_258 = vector.broadcast %lt3A_257 : i32 to vector<16xi32>
      %lt3A_259 = arith.cmpi slt, %get3A_249, %lt3A_258 : vector<16xi32>
      %and3A_260 = arith.andi %ge3A_256, %lt3A_259 : vector<16xi1>
      %sub3A = arith.constant 0 : i32
      %sub3A_261 = vector.broadcast %sub3A : i32 to vector<16xi32>
      %sub3A_262 = arith.subi %get3A_249, %sub3A_261 : vector<16xi32>
      %select_n3A = arith.select %and3A_260, %sub3A_262, %add3A_254 : vector<16xi1>, vector<16xi32>
      %swap3A = arith.index_cast %scan3A_246 : i32 to index
      %swap3A_263 = arith.constant 0 : index
      %swap3A_264 = tpu.vector_load %arg11[%swap3A, %swap3A_263] {strides = array<i32>} : memref<125x80xi32, #tpu.memory_space<vmem>>, vector<1x16xi32>,
      %swap3A_265 = vector.shape_cast %swap3A_264 : vector<1x16xi32> to vector<16xi32>
      %swap3A_266 = vector.shape_cast %select_n3A : vector<16xi32> to vector<1x16xi32>
      tpu.vector_store %arg11[%swap3A, %swap3A_263], %swap3A_266 {strides = array<i32>} : memref<125x80xi32, #tpu.memory_space<vmem>>, vector<1x16xi32>,
      %get3A_267 = arith.index_cast %scan3A_246 : i32 to index
      %get3A_268 = arith.constant 16 : index
      %get3A_269 = tpu.vector_load %arg11[%get3A_267, %get3A_268] {strides = array<i32>} : memref<125x80xi32, #tpu.memory_space<vmem>>, vector<1x16xi32>,
      %get3A_270 = vector.shape_cast %get3A_269 : vector<1x16xi32> to vector<16xi32>
      %and3A_271 = arith.constant 7 : i32
      %and3A_272 = vector.broadcast %and3A_271 : i32 to vector<16xi32>
      %and3A_273 = arith.andi %get3A_270, %and3A_272 : vector<16xi32>
      %add3A_274 = arith.constant 3336 : i32
      %add3A_275 = vector.broadcast %add3A_274 : i32 to vector<16xi32>
      %add3A_276 = arith.addi %add3A_275, %and3A_273 : vector<16xi32>
      %ge3A_277 = arith.constant 0 : i32
      %ge3A_278 = vector.broadcast %ge3A_277 : i32 to vector<16xi32>
      %ge3A_279 = arith.cmpi sge, %get3A_270, %ge3A_278 : vector<16xi32>
      %lt3A_280 = arith.constant 3336 : i32
      %lt3A_281 = vector.broadcast %lt3A_280 : i32 to vector<16xi32>
      %lt3A_282 = arith.cmpi slt, %get3A_270, %lt3A_281 : vector<16xi32>
      %and3A_283 = arith.andi %ge3A_279, %lt3A_282 : vector<16xi1>
      %sub3A_284 = arith.constant 0 : i32
      %sub3A_285 = vector.broadcast %sub3A_284 : i32 to vector<16xi32>
      %sub3A_286 = arith.subi %get3A_270, %sub3A_285 : vector<16xi32>
      %select_n3A_287 = arith.select %and3A_283, %sub3A_286, %add3A_276 : vector<16xi1>, vector<16xi32>
      %swap3A_288 = arith.index_cast %scan3A_246 : i32 to index
      %swap3A_289 = arith.constant 16 : index
      %swap3A_290 = tpu.vector_load %arg11[%swap3A_288, %swap3A_289] {strides = array<i32>} : memref<125x80xi32, #tpu.memory_space<vmem>>, vector<1x16xi32>,
      %swap3A_291 = vector.shape_cast %swap3A_290 : vector<1x16xi32> to vector<16xi32>
      %swap3A_292 = vector.shape_cast %select_n3A_287 : vector<16xi32> to vector<1x16xi32>
      tpu.vector_store %arg11[%swap3A_288, %swap3A_289], %swap3A_292 {strides = array<i32>} : memref<125x80xi32, #tpu.memory_space<vmem>>, vector<1x16xi32>,
      %get3A_293 = arith.index_cast %scan3A_246 : i32 to index
      %get3A_294 = arith.constant 32 : index
      %get3A_295 = tpu.vector_load %arg11[%get3A_293, %get3A_294] {strides = array<i32>} : memref<125x80xi32, #tpu.memory_space<vmem>>, vector<1x16xi32>,
      %get3A_296 = vector.shape_cast %get3A_295 : vector<1x16xi32> to vector<16xi32>
      %and3A_297 = arith.constant 7 : i32
      %and3A_298 = vector.broadcast %and3A_297 : i32 to vector<16xi32>
      %and3A_299 = arith.andi %get3A_296, %and3A_298 : vector<16xi32>
      %add3A_300 = arith.constant 3336 : i32
      %add3A_301 = vector.broadcast %add3A_300 : i32 to vector<16xi32>
      %add3A_302 = arith.addi %add3A_301, %and3A_299 : vector<16xi32>
      %ge3A_303 = arith.constant 0 : i32
      %ge3A_304 = vector.broadcast %ge3A_303 : i32 to vector<16xi32>
      %ge3A_305 = arith.cmpi sge, %get3A_296, %ge3A_304 : vector<16xi32>
      %lt3A_306 = arith.constant 3336 : i32
      %lt3A_307 = vector.broadcast %lt3A_306 : i32 to vector<16xi32>
      %lt3A_308 = arith.cmpi slt, %get3A_296, %lt3A_307 : vector<16xi32>
      %and3A_309 = arith.andi %ge3A_305, %lt3A_308 : vector<16xi1>
      %sub3A_310 = arith.constant 0 : i32
      %sub3A_311 = vector.broadcast %sub3A_310 : i32 to vector<16xi32>
      %sub3A_312 = arith.subi %get3A_296, %sub3A_311 : vector<16xi32>
      %select_n3A_313 = arith.select %and3A_309, %sub3A_312, %add3A_302 : vector<16xi1>, vector<16xi32>
      %swap3A_314 = arith.index_cast %scan3A_246 : i32 to index
      %swap3A_315 = arith.constant 32 : index
      %swap3A_316 = tpu.vector_load %arg11[%swap3A_314, %swap3A_315] {strides = array<i32>} : memref<125x80xi32, #tpu.memory_space<vmem>>, vector<1x16xi32>,
      %swap3A_317 = vector.shape_cast %swap3A_316 : vector<1x16xi32> to vector<16xi32>
      %swap3A_318 = vector.shape_cast %select_n3A_313 : vector<16xi32> to vector<1x16xi32>
      tpu.vector_store %arg11[%swap3A_314, %swap3A_315], %swap3A_318 {strides = array<i32>} : memref<125x80xi32, #tpu.memory_space<vmem>>, vector<1x16xi32>,
      %get3A_319 = arith.index_cast %scan3A_246 : i32 to index
      %get3A_320 = arith.constant 48 : index
      %get3A_321 = tpu.vector_load %arg11[%get3A_319, %get3A_320] {strides = array<i32>} : memref<125x80xi32, #tpu.memory_space<vmem>>, vector<1x16xi32>,
      %get3A_322 = vector.shape_cast %get3A_321 : vector<1x16xi32> to vector<16xi32>
      %and3A_323 = arith.constant 7 : i32
      %and3A_324 = vector.broadcast %and3A_323 : i32 to vector<16xi32>
      %and3A_325 = arith.andi %get3A_322, %and3A_324 : vector<16xi32>
      %add3A_326 = arith.constant 3336 : i32
      %add3A_327 = vector.broadcast %add3A_326 : i32 to vector<16xi32>
      %add3A_328 = arith.addi %add3A_327, %and3A_325 : vector<16xi32>
      %ge3A_329 = arith.constant 0 : i32
      %ge3A_330 = vector.broadcast %ge3A_329 : i32 to vector<16xi32>
      %ge3A_331 = arith.cmpi sge, %get3A_322, %ge3A_330 : vector<16xi32>
      %lt3A_332 = arith.constant 3336 : i32
      %lt3A_333 = vector.broadcast %lt3A_332 : i32 to vector<16xi32>
      %lt3A_334 = arith.cmpi slt, %get3A_322, %lt3A_333 : vector<16xi32>
      %and3A_335 = arith.andi %ge3A_331, %lt3A_334 : vector<16xi1>
      %sub3A_336 = arith.constant 0 : i32
      %sub3A_337 = vector.broadcast %sub3A_336 : i32 to vector<16xi32>
      %sub3A_338 = arith.subi %get3A_322, %sub3A_337 : vector<16xi32>
      %select_n3A_339 = arith.select %and3A_335, %sub3A_338, %add3A_328 : vector<16xi1>, vector<16xi32>
      %swap3A_340 = arith.index_cast %scan3A_246 : i32 to index
      %swap3A_341 = arith.constant 48 : index
      %swap3A_342 = tpu.vector_load %arg11[%swap3A_340, %swap3A_341] {strides = array<i32>} : memref<125x80xi32, #tpu.memory_space<vmem>>, vector<1x16xi32>,
      %swap3A_343 = vector.shape_cast %swap3A_342 : vector<1x16xi32> to vector<16xi32>
      %swap3A_344 = vector.shape_cast %select_n3A_339 : vector<16xi32> to vector<1x16xi32>
      tpu.vector_store %arg11[%swap3A_340, %swap3A_341], %swap3A_344 {strides = array<i32>} : memref<125x80xi32, #tpu.memory_space<vmem>>, vector<1x16xi32>,
      %get3A_345 = arith.index_cast %scan3A_246 : i32 to index
      %get3A_346 = arith.constant 64 : index
      %get3A_347 = tpu.vector_load %arg11[%get3A_345, %get3A_346] {strides = array<i32>} : memref<125x80xi32, #tpu.memory_space<vmem>>, vector<1x16xi32>,
      %get3A_348 = vector.shape_cast %get3A_347 : vector<1x16xi32> to vector<16xi32>
      %and3A_349 = arith.constant 7 : i32
      %and3A_350 = vector.broadcast %and3A_349 : i32 to vector<16xi32>
      %and3A_351 = arith.andi %get3A_348, %and3A_350 : vector<16xi32>
      %add3A_352 = arith.constant 3336 : i32
      %add3A_353 = vector.broadcast %add3A_352 : i32 to vector<16xi32>
      %add3A_354 = arith.addi %add3A_353, %and3A_351 : vector<16xi32>
      %ge3A_355 = arith.constant 0 : i32
      %ge3A_356 = vector.broadcast %ge3A_355 : i32 to vector<16xi32>
      %ge3A_357 = arith.cmpi sge, %get3A_348, %ge3A_356 : vector<16xi32>
      %lt3A_358 = arith.constant 3336 : i32
      %lt3A_359 = vector.broadcast %lt3A_358 : i32 to vector<16xi32>
      %lt3A_360 = arith.cmpi slt, %get3A_348, %lt3A_359 : vector<16xi32>
      %and3A_361 = arith.andi %ge3A_357, %lt3A_360 : vector<16xi1>
      %sub3A_362 = arith.constant 0 : i32
      %sub3A_363 = vector.broadcast %sub3A_362 : i32 to vector<16xi32>
      %sub3A_364 = arith.subi %get3A_348, %sub3A_363 : vector<16xi32>
      %select_n3A_365 = arith.select %and3A_361, %sub3A_364, %add3A_354 : vector<16xi1>, vector<16xi32>
      %swap3A_366 = arith.index_cast %scan3A_246 : i32 to index
      %swap3A_367 = arith.constant 64 : index
      %swap3A_368 = tpu.vector_load %arg11[%swap3A_366, %swap3A_367] {strides = array<i32>} : memref<125x80xi32, #tpu.memory_space<vmem>>, vector<1x16xi32>,
      %swap3A_369 = vector.shape_cast %swap3A_368 : vector<1x16xi32> to vector<16xi32>
      %swap3A_370 = vector.shape_cast %select_n3A_365 : vector<16xi32> to vector<1x16xi32>
      tpu.vector_store %arg11[%swap3A_366, %swap3A_367], %swap3A_370 {strides = array<i32>} : memref<125x80xi32, #tpu.memory_space<vmem>>, vector<1x16xi32>,
    }
    %scan3A_12 = arith.constant 125 : i32
    %lt3A = arith.constant 15 : i32
    %lt3A_13 = arith.cmpi slt, %arg1, %lt3A : i32
    %convert_element_type3A_14 = arith.extui %lt3A_13 : i1 to i32
    %cond3A_15 = arith.constant 0 : i32
    %cond3A_16 = arith.cmpi ne, %convert_element_type3A_14, %cond3A_15 : i32
    scf.if %cond3A_16 {
      "tpu.region"() ({
        %run_scoped3A_246 = tpu.sem_alloc : memref<!tpu.dma_semaphore, #tpu.memory_space<semaphore_mem>>
        %dma_start3A_247 = arith.constant 0 : i32
        %dma_start3A_248 = tpu.memref_slice %arg14[%mul3A_0, %dma_start3A_247] : memref<3344x128xf32, #tpu.memory_space<vmem_shared>> -> memref<208x128xf32, #tpu.memory_space<vmem_shared>>
        %dma_start3A_249 = arith.constant 0 : i32
        %dma_start3A_250 = arith.constant 0 : i32
        %dma_start3A_251 = tpu.memref_slice %arg6[%dma_start3A_249, %dma_start3A_250] : memref<224x128xf32, #tpu.memory_space<hbm>> -> memref<208x128xf32, #tpu.memory_space<hbm>>
        tpu.enqueue_dma source(%dma_start3A_251 : memref<208x128xf32, #tpu.memory_space<hbm>>) target(%dma_start3A_248 : memref<208x128xf32, #tpu.memory_space<vmem_shared>>) target_semaphore(%run_scoped3A_246 : memref<!tpu.dma_semaphore, #tpu.memory_space<semaphore_mem>>)
        %dma_wait3A_252 = arith.constant 0 : i32
        %dma_wait3A_253 = tpu.memref_slice %arg14[%mul3A_0, %dma_wait3A_252] : memref<3344x128xf32, #tpu.memory_space<vmem_shared>> -> memref<208x128xf32, #tpu.memory_space<vmem_shared>>
        %dma_wait3A_254 = arith.constant 0 : i32
        %dma_wait3A_255 = arith.constant 0 : i32
        %dma_wait3A_256 = tpu.memref_slice %arg6[%dma_wait3A_254, %dma_wait3A_255] : memref<224x128xf32, #tpu.memory_space<hbm>> -> memref<208x128xf32, #tpu.memory_space<hbm>>
        tpu.wait_dma2 semaphore(%run_scoped3A_246 : memref<!tpu.dma_semaphore, #tpu.memory_space<semaphore_mem>>) src(%dma_wait3A_256 : memref<208x128xf32, #tpu.memory_space<hbm>>) dst(%dma_wait3A_253 : memref<208x128xf32, #tpu.memory_space<vmem_shared>>)
        tpu.yield
      }) : () -> ()
    } else {
    }
    %eq3A_17 = arith.constant 15 : i32
    %eq3A_18 = arith.cmpi eq, %arg1, %eq3A_17 : i32
    %convert_element_type3A_19 = arith.extui %eq3A_18 : i1 to i32
    %cond3A_20 = arith.constant 0 : i32
    %cond3A_21 = arith.cmpi ne, %convert_element_type3A_19, %cond3A_20 : i32
    scf.if %cond3A_21 {
      "tpu.region"() ({
        %run_scoped3A_246 = tpu.sem_alloc : memref<!tpu.dma_semaphore, #tpu.memory_space<semaphore_mem>>
        %dma_start3A_247 = arith.constant 0 : i32
        %dma_start3A_248 = tpu.memref_slice %arg14[%mul3A_0, %dma_start3A_247] : memref<3344x128xf32, #tpu.memory_space<vmem_shared>> -> memref<224x128xf32, #tpu.memory_space<vmem_shared>>
        %dma_start3A_249 = arith.constant 0 : i32
        %dma_start3A_250 = arith.constant 0 : i32
        %dma_start3A_251 = tpu.memref_slice %arg6[%dma_start3A_249, %dma_start3A_250] : memref<224x128xf32, #tpu.memory_space<hbm>> -> memref<224x128xf32, #tpu.memory_space<hbm>>
        tpu.enqueue_dma source(%dma_start3A_251 : memref<224x128xf32, #tpu.memory_space<hbm>>) target(%dma_start3A_248 : memref<224x128xf32, #tpu.memory_space<vmem_shared>>) target_semaphore(%run_scoped3A_246 : memref<!tpu.dma_semaphore, #tpu.memory_space<semaphore_mem>>)
        %dma_wait3A_252 = arith.constant 0 : i32
        %dma_wait3A_253 = tpu.memref_slice %arg14[%mul3A_0, %dma_wait3A_252] : memref<3344x128xf32, #tpu.memory_space<vmem_shared>> -> memref<224x128xf32, #tpu.memory_space<vmem_shared>>
        %dma_wait3A_254 = arith.constant 0 : i32
        %dma_wait3A_255 = arith.constant 0 : i32
        %dma_wait3A_256 = tpu.memref_slice %arg6[%dma_wait3A_254, %dma_wait3A_255] : memref<224x128xf32, #tpu.memory_space<hbm>> -> memref<224x128xf32, #tpu.memory_space<hbm>>
        tpu.wait_dma2 semaphore(%run_scoped3A_246 : memref<!tpu.dma_semaphore, #tpu.memory_space<semaphore_mem>>) src(%dma_wait3A_256 : memref<224x128xf32, #tpu.memory_space<hbm>>) dst(%dma_wait3A_253 : memref<224x128xf32, #tpu.memory_space<vmem_shared>>)
        tpu.yield
      }) : () -> ()
    } else {
    }
    %barrier3A = arith.constant 0 : index
    tpu.barrier barrier_id(%barrier3A)
    %dma_start3A = arith.constant 0 : i32
    %dma_start3A_22 = arith.constant 0 : i32
    %dma_start3A_23 = tpu.memref_slice %arg10[%dma_start3A, %dma_start3A_22] : memref<125x80xi32, #tpu.memory_space<vmem>> -> memref<1x80xi32, #tpu.memory_space<vmem>>
    %dma_start3A_24 = tpu.memref_squeeze %dma_start3A_23 : memref<1x80xi32, #tpu.memory_space<vmem>> -> memref<80xi32, #tpu.memory_space<vmem>>
    %dma_start3A_25 = arith.constant 0 : i32
    %dma_start3A_26 = arith.constant 0 : i32
    %dma_start3A_27 = tpu.memref_slice %arg2[%dma_start3A_25, %dma_start3A_26] : memref<20000x128xf32, #tpu.memory_space<hbm>> -> memref<20000x128xf32, #tpu.memory_space<hbm>>
    tpu.enqueue_indirect_dma source(%dma_start3A_27 : memref<20000x128xf32, #tpu.memory_space<hbm>>) target(%arg12 : memref<80x128xf32, #tpu.memory_space<vmem>>) offsets(%dma_start3A_24 : memref<80xi32, #tpu.memory_space<vmem>>) semaphore(%arg15 : memref<!tpu.dma_semaphore, #tpu.memory_space<semaphore_mem>>)
    %scan3A_28 = arith.constant 0 : i32
    %scan3A_29 = arith.constant 0 : i32
    %scan3A_30 = arith.constant 62 : i32
    %scan3A_31 = arith.addi %scan3A_29, %scan3A_30 : i32
    %scan3A_32 = arith.constant 1 : i32
    scf.for %scan3A_246 = %scan3A_29 to %scan3A_31 step %scan3A_32  : i32 {
      %mul3A_247 = arith.constant 2 : i32
      %mul3A_248 = arith.muli %mul3A_247, %scan3A_246 : i32
      %add3A_249 = arith.constant 1 : i32
      %add3A_250 = arith.addi %mul3A_248, %add3A_249 : i32
      %dma_start3A_251 = arith.constant 0 : i32
      %dma_start3A_252 = tpu.memref_slice %arg10[%add3A_250, %dma_start3A_251] : memref<125x80xi32, #tpu.memory_space<vmem>> -> memref<1x80xi32, #tpu.memory_space<vmem>>
      %dma_start3A_253 = tpu.memref_squeeze %dma_start3A_252 : memref<1x80xi32, #tpu.memory_space<vmem>> -> memref<80xi32, #tpu.memory_space<vmem>>
      %dma_start3A_254 = arith.constant 0 : i32
      %dma_start3A_255 = arith.constant 0 : i32
      %dma_start3A_256 = tpu.memref_slice %arg2[%dma_start3A_254, %dma_start3A_255] : memref<20000x128xf32, #tpu.memory_space<hbm>> -> memref<20000x128xf32, #tpu.memory_space<hbm>>
      tpu.enqueue_indirect_dma source(%dma_start3A_256 : memref<20000x128xf32, #tpu.memory_space<hbm>>) target(%arg13 : memref<80x128xf32, #tpu.memory_space<vmem>>) offsets(%dma_start3A_253 : memref<80xi32, #tpu.memory_space<vmem>>) semaphore(%arg16 : memref<!tpu.dma_semaphore, #tpu.memory_space<semaphore_mem>>)
      %dma_wait3A_257 = arith.constant 0 : i32
      %dma_wait3A_258 = arith.constant 0 : i32
      %dma_wait3A_259 = tpu.memref_slice %arg2[%dma_wait3A_257, %dma_wait3A_258] : memref<20000x128xf32, #tpu.memory_space<hbm>> -> memref<80x128xf32, #tpu.memory_space<hbm>>
      %dma_wait3A_260 = arith.constant 0 : i32
      %dma_wait3A_261 = arith.constant 0 : i32
      %dma_wait3A_262 = tpu.memref_slice %arg2[%dma_wait3A_260, %dma_wait3A_261] : memref<20000x128xf32, #tpu.memory_space<hbm>> -> memref<80x128xf32, #tpu.memory_space<hbm>>
      tpu.wait_dma2 semaphore(%arg15 : memref<!tpu.dma_semaphore, #tpu.memory_space<semaphore_mem>>) src(%dma_wait3A_262 : memref<80x128xf32, #tpu.memory_space<hbm>>) dst(%arg12 : memref<80x128xf32, #tpu.memory_space<vmem>>)
      "tpu.region"() ({
        %run_scoped3A_279 = tpu.sem_alloc : memref<!tpu.dma_semaphore, #tpu.memory_space<semaphore_mem>>
        %dma_start3A_280 = arith.constant 0 : i32
        %dma_start3A_281 = tpu.memref_slice %arg11[%mul3A_248, %dma_start3A_280] : memref<125x80xi32, #tpu.memory_space<vmem>> -> memref<1x80xi32, #tpu.memory_space<vmem>>
        %dma_start3A_282 = tpu.memref_squeeze %dma_start3A_281 : memref<1x80xi32, #tpu.memory_space<vmem>> -> memref<80xi32, #tpu.memory_space<vmem>>
        %dma_start3A_283 = arith.constant 0 : i32
        %dma_start3A_284 = arith.constant 0 : i32
        %dma_start3A_285 = tpu.memref_slice %arg14[%dma_start3A_283, %dma_start3A_284] : memref<3344x128xf32, #tpu.memory_space<vmem_shared>> -> memref<3344x128xf32, #tpu.memory_space<vmem_shared>>
        tpu.enqueue_indirect_dma source(%arg12 : memref<80x128xf32, #tpu.memory_space<vmem>>) target(%dma_start3A_285 : memref<3344x128xf32, #tpu.memory_space<vmem_shared>>) offsets(%dma_start3A_282 : memref<80xi32, #tpu.memory_space<vmem>>) semaphore(%run_scoped3A_279 : memref<!tpu.dma_semaphore, #tpu.memory_space<semaphore_mem>>) {add = true}
        %dma_wait3A_286 = arith.constant 0 : i32
        %dma_wait3A_287 = tpu.memref_slice %arg11[%mul3A_248, %dma_wait3A_286] : memref<125x80xi32, #tpu.memory_space<vmem>> -> memref<1x80xi32, #tpu.memory_space<vmem>>
        %dma_wait3A_288 = tpu.memref_squeeze %dma_wait3A_287 : memref<1x80xi32, #tpu.memory_space<vmem>> -> memref<80xi32, #tpu.memory_space<vmem>>
        %dma_wait3A_289 = arith.constant 0 : i32
        %dma_wait3A_290 = arith.constant 0 : i32
        %dma_wait3A_291 = tpu.memref_slice %arg14[%dma_wait3A_289, %dma_wait3A_290] : memref<3344x128xf32, #tpu.memory_space<vmem_shared>> -> memref<3344x128xf32, #tpu.memory_space<vmem_shared>>
        tpu.wait_indirect_dma semaphore(%run_scoped3A_279 : memref<!tpu.dma_semaphore, #tpu.memory_space<semaphore_mem>>) src(%arg12 : memref<80x128xf32, #tpu.memory_space<vmem>>) dst(%dma_wait3A_291 : memref<3344x128xf32, #tpu.memory_space<vmem_shared>>)
        tpu.yield
      }) : () -> ()
      %add3A_263 = arith.constant 2 : i32
      %add3A_264 = arith.addi %mul3A_248, %add3A_263 : i32
      %dma_start3A_265 = arith.constant 0 : i32
      %dma_start3A_266 = tpu.memref_slice %arg10[%add3A_264, %dma_start3A_265] : memref<125x80xi32, #tpu.memory_space<vmem>> -> memref<1x80xi32, #tpu.memory_space<vmem>>
      %dma_start3A_267 = tpu.memref_squeeze %dma_start3A_266 : memref<1x80xi32, #tpu.memory_space<vmem>> -> memref<80xi32, #tpu.memory_space<vmem>>
      %dma_start3A_268 = arith.constant 0 : i32
      %dma_start3A_269 = arith.constant 0 : i32
      %dma_start3A_270 = tpu.memref_slice %arg2[%dma_start3A_268, %dma_start3A_269] : memref<20000x128xf32, #tpu.memory_space<hbm>> -> memref<20000x128xf32, #tpu.memory_space<hbm>>
      tpu.enqueue_indirect_dma source(%dma_start3A_270 : memref<20000x128xf32, #tpu.memory_space<hbm>>) target(%arg12 : memref<80x128xf32, #tpu.memory_space<vmem>>) offsets(%dma_start3A_267 : memref<80xi32, #tpu.memory_space<vmem>>) semaphore(%arg15 : memref<!tpu.dma_semaphore, #tpu.memory_space<semaphore_mem>>)
      %dma_wait3A_271 = arith.constant 0 : i32
      %dma_wait3A_272 = arith.constant 0 : i32
      %dma_wait3A_273 = tpu.memref_slice %arg2[%dma_wait3A_271, %dma_wait3A_272] : memref<20000x128xf32, #tpu.memory_space<hbm>> -> memref<80x128xf32, #tpu.memory_space<hbm>>
      %dma_wait3A_274 = arith.constant 0 : i32
      %dma_wait3A_275 = arith.constant 0 : i32
      %dma_wait3A_276 = tpu.memref_slice %arg2[%dma_wait3A_274, %dma_wait3A_275] : memref<20000x128xf32, #tpu.memory_space<hbm>> -> memref<80x128xf32, #tpu.memory_space<hbm>>
      tpu.wait_dma2 semaphore(%arg16 : memref<!tpu.dma_semaphore, #tpu.memory_space<semaphore_mem>>) src(%dma_wait3A_276 : memref<80x128xf32, #tpu.memory_space<hbm>>) dst(%arg13 : memref<80x128xf32, #tpu.memory_space<vmem>>)
      %add3A_277 = arith.constant 1 : i32
      %add3A_278 = arith.addi %mul3A_248, %add3A_277 : i32
      "tpu.region"() ({
        %run_scoped3A_279 = tpu.sem_alloc : memref<!tpu.dma_semaphore, #tpu.memory_space<semaphore_mem>>
        %dma_start3A_280 = arith.constant 0 : i32
        %dma_start3A_281 = tpu.memref_slice %arg11[%add3A_278, %dma_start3A_280] : memref<125x80xi32, #tpu.memory_space<vmem>> -> memref<1x80xi32, #tpu.memory_space<vmem>>
        %dma_start3A_282 = tpu.memref_squeeze %dma_start3A_281 : memref<1x80xi32, #tpu.memory_space<vmem>> -> memref<80xi32, #tpu.memory_space<vmem>>
        %dma_start3A_283 = arith.constant 0 : i32
        %dma_start3A_284 = arith.constant 0 : i32
        %dma_start3A_285 = tpu.memref_slice %arg14[%dma_start3A_283, %dma_start3A_284] : memref<3344x128xf32, #tpu.memory_space<vmem_shared>> -> memref<3344x128xf32, #tpu.memory_space<vmem_shared>>
        tpu.enqueue_indirect_dma source(%arg13 : memref<80x128xf32, #tpu.memory_space<vmem>>) target(%dma_start3A_285 : memref<3344x128xf32, #tpu.memory_space<vmem_shared>>) offsets(%dma_start3A_282 : memref<80xi32, #tpu.memory_space<vmem>>) semaphore(%run_scoped3A_279 : memref<!tpu.dma_semaphore, #tpu.memory_space<semaphore_mem>>) {add = true}
        %dma_wait3A_286 = arith.constant 0 : i32
        %dma_wait3A_287 = tpu.memref_slice %arg11[%add3A_278, %dma_wait3A_286] : memref<125x80xi32, #tpu.memory_space<vmem>> -> memref<1x80xi32, #tpu.memory_space<vmem>>
        %dma_wait3A_288 = tpu.memref_squeeze %dma_wait3A_287 : memref<1x80xi32, #tpu.memory_space<vmem>> -> memref<80xi32, #tpu.memory_space<vmem>>
        %dma_wait3A_289 = arith.constant 0 : i32
        %dma_wait3A_290 = arith.constant 0 : i32
        %dma_wait3A_291 = tpu.memref_slice %arg14[%dma_wait3A_289, %dma_wait3A_290] : memref<3344x128xf32, #tpu.memory_space<vmem_shared>> -> memref<3344x128xf32, #tpu.memory_space<vmem_shared>>
        tpu.wait_indirect_dma semaphore(%run_scoped3A_279 : memref<!tpu.dma_semaphore, #tpu.memory_space<semaphore_mem>>) src(%arg13 : memref<80x128xf32, #tpu.memory_space<vmem>>) dst(%dma_wait3A_291 : memref<3344x128xf32, #tpu.memory_space<vmem_shared>>)
        tpu.yield
      }) : () -> ()
    }
    %scan3A_33 = arith.constant 62 : i32
    %dma_wait3A = arith.constant 0 : i32
    %dma_wait3A_34 = arith.constant 0 : i32
    %dma_wait3A_35 = tpu.memref_slice %arg2[%dma_wait3A, %dma_wait3A_34] : memref<20000x128xf32, #tpu.memory_space<hbm>> -> memref<80x128xf32, #tpu.memory_space<hbm>>
    %dma_wait3A_36 = arith.constant 0 : i32
    %dma_wait3A_37 = arith.constant 0 : i32
    %dma_wait3A_38 = tpu.memref_slice %arg2[%dma_wait3A_36, %dma_wait3A_37] : memref<20000x128xf32, #tpu.memory_space<hbm>> -> memref<80x128xf32, #tpu.memory_space<hbm>>
    tpu.wait_dma2 semaphore(%arg15 : memref<!tpu.dma_semaphore, #tpu.memory_space<semaphore_mem>>) src(%dma_wait3A_38 : memref<80x128xf32, #tpu.memory_space<hbm>>) dst(%arg12 : memref<80x128xf32, #tpu.memory_space<vmem>>)
    %run_scoped3A = arith.constant 124 : i32
    "tpu.region"() ({
      %run_scoped3A_246 = tpu.sem_alloc : memref<!tpu.dma_semaphore, #tpu.memory_space<semaphore_mem>>
      %dma_start3A_247 = arith.constant 0 : i32
      %dma_start3A_248 = tpu.memref_slice %arg11[%run_scoped3A, %dma_start3A_247] : memref<125x80xi32, #tpu.memory_space<vmem>> -> memref<1x80xi32, #tpu.memory_space<vmem>>
      %dma_start3A_249 = tpu.memref_squeeze %dma_start3A_248 : memref<1x80xi32, #tpu.memory_space<vmem>> -> memref<80xi32, #tpu.memory_space<vmem>>
      %dma_start3A_250 = arith.constant 0 : i32
      %dma_start3A_251 = arith.constant 0 : i32
      %dma_start3A_252 = tpu.memref_slice %arg14[%dma_start3A_250, %dma_start3A_251] : memref<3344x128xf32, #tpu.memory_space<vmem_shared>> -> memref<3344x128xf32, #tpu.memory_space<vmem_shared>>
      tpu.enqueue_indirect_dma source(%arg12 : memref<80x128xf32, #tpu.memory_space<vmem>>) target(%dma_start3A_252 : memref<3344x128xf32, #tpu.memory_space<vmem_shared>>) offsets(%dma_start3A_249 : memref<80xi32, #tpu.memory_space<vmem>>) semaphore(%run_scoped3A_246 : memref<!tpu.dma_semaphore, #tpu.memory_space<semaphore_mem>>) {add = true}
      %dma_wait3A_253 = arith.constant 0 : i32
      %dma_wait3A_254 = tpu.memref_slice %arg11[%run_scoped3A, %dma_wait3A_253] : memref<125x80xi32, #tpu.memory_space<vmem>> -> memref<1x80xi32, #tpu.memory_space<vmem>>
      %dma_wait3A_255 = tpu.memref_squeeze %dma_wait3A_254 : memref<1x80xi32, #tpu.memory_space<vmem>> -> memref<80xi32, #tpu.memory_space<vmem>>
      %dma_wait3A_256 = arith.constant 0 : i32
      %dma_wait3A_257 = arith.constant 0 : i32
      %dma_wait3A_258 = tpu.memref_slice %arg14[%dma_wait3A_256, %dma_wait3A_257] : memref<3344x128xf32, #tpu.memory_space<vmem_shared>> -> memref<3344x128xf32, #tpu.memory_space<vmem_shared>>
      tpu.wait_indirect_dma semaphore(%run_scoped3A_246 : memref<!tpu.dma_semaphore, #tpu.memory_space<semaphore_mem>>) src(%arg12 : memref<80x128xf32, #tpu.memory_space<vmem>>) dst(%dma_wait3A_258 : memref<3344x128xf32, #tpu.memory_space<vmem_shared>>)
      tpu.yield
    }) : () -> ()
    %barrier3A_39 = arith.constant 0 : index
    tpu.barrier barrier_id(%barrier3A_39)
    %add3A = arith.constant 0 : i32
    %add3A_40 = arith.addi %add3A, %mul3A_0 : i32
    %eq3A_41 = arith.constant 0 : i32
    %eq3A_42 = arith.cmpi eq, %arg0, %eq3A_41 : i32
    %convert_element_type3A_43 = arith.extui %eq3A_42 : i1 to i32
    %cond3A_44 = arith.constant 0 : i32
    %cond3A_45 = arith.cmpi ne, %convert_element_type3A_43, %cond3A_44 : i32
    scf.if %cond3A_45 {
      %lt3A_246 = arith.constant 15 : i32
      %lt3A_247 = arith.cmpi slt, %arg1, %lt3A_246 : i32
      %convert_element_type3A_248 = arith.extui %lt3A_247 : i1 to i32
      %cond3A_249 = arith.constant 0 : i32
      %cond3A_250 = arith.cmpi ne, %convert_element_type3A_248, %cond3A_249 : i32
      scf.if %cond3A_250 {
        "tpu.region"() ({
          %run_scoped3A_256 = tpu.sem_alloc : memref<!tpu.dma_semaphore, #tpu.memory_space<semaphore_mem>>
          %dma_start3A_257 = arith.constant 0 : i32
          %dma_start3A_258 = tpu.memref_slice %arg7[%add3A_40, %dma_start3A_257] : memref<10000x128xf32, #tpu.memory_space<hbm>> -> memref<208x128xf32, #tpu.memory_space<hbm>>
          %dma_start3A_259 = arith.constant 0 : i32
          %dma_start3A_260 = tpu.memref_slice %arg14[%mul3A_0, %dma_start3A_259] : memref<3344x128xf32, #tpu.memory_space<vmem_shared>> -> memref<208x128xf32, #tpu.memory_space<vmem_shared>>
          tpu.enqueue_dma source(%dma_start3A_260 : memref<208x128xf32, #tpu.memory_space<vmem_shared>>) target(%dma_start3A_258 : memref<208x128xf32, #tpu.memory_space<hbm>>) target_semaphore(%run_scoped3A_256 : memref<!tpu.dma_semaphore, #tpu.memory_space<semaphore_mem>>)
          %dma_wait3A_261 = arith.constant 0 : i32
          %dma_wait3A_262 = tpu.memref_slice %arg7[%add3A_40, %dma_wait3A_261] : memref<10000x128xf32, #tpu.memory_space<hbm>> -> memref<208x128xf32, #tpu.memory_space<hbm>>
          %dma_wait3A_263 = arith.constant 0 : i32
          %dma_wait3A_264 = tpu.memref_slice %arg14[%mul3A_0, %dma_wait3A_263] : memref<3344x128xf32, #tpu.memory_space<vmem_shared>> -> memref<208x128xf32, #tpu.memory_space<vmem_shared>>
          tpu.wait_dma2 semaphore(%run_scoped3A_256 : memref<!tpu.dma_semaphore, #tpu.memory_space<semaphore_mem>>) src(%dma_wait3A_264 : memref<208x128xf32, #tpu.memory_space<vmem_shared>>) dst(%dma_wait3A_262 : memref<208x128xf32, #tpu.memory_space<hbm>>)
          tpu.yield
        }) : () -> ()
      } else {
      }
      %eq3A_251 = arith.constant 15 : i32
      %eq3A_252 = arith.cmpi eq, %arg1, %eq3A_251 : i32
      %convert_element_type3A_253 = arith.extui %eq3A_252 : i1 to i32
      %cond3A_254 = arith.constant 0 : i32
      %cond3A_255 = arith.cmpi ne, %convert_element_type3A_253, %cond3A_254 : i32
      scf.if %cond3A_255 {
        "tpu.region"() ({
          %run_scoped3A_256 = tpu.sem_alloc : memref<!tpu.dma_semaphore, #tpu.memory_space<semaphore_mem>>
          %dma_start3A_257 = arith.constant 0 : i32
          %dma_start3A_258 = tpu.memref_slice %arg7[%add3A_40, %dma_start3A_257] : memref<10000x128xf32, #tpu.memory_space<hbm>> -> memref<216x128xf32, #tpu.memory_space<hbm>>
          %dma_start3A_259 = arith.constant 0 : i32
          %dma_start3A_260 = tpu.memref_slice %arg14[%mul3A_0, %dma_start3A_259] : memref<3344x128xf32, #tpu.memory_space<vmem_shared>> -> memref<216x128xf32, #tpu.memory_space<vmem_shared>>
          tpu.enqueue_dma source(%dma_start3A_260 : memref<216x128xf32, #tpu.memory_space<vmem_shared>>) target(%dma_start3A_258 : memref<216x128xf32, #tpu.memory_space<hbm>>) target_semaphore(%run_scoped3A_256 : memref<!tpu.dma_semaphore, #tpu.memory_space<semaphore_mem>>)
          %dma_wait3A_261 = arith.constant 0 : i32
          %dma_wait3A_262 = tpu.memref_slice %arg7[%add3A_40, %dma_wait3A_261] : memref<10000x128xf32, #tpu.memory_space<hbm>> -> memref<216x128xf32, #tpu.memory_space<hbm>>
          %dma_wait3A_263 = arith.constant 0 : i32
          %dma_wait3A_264 = tpu.memref_slice %arg14[%mul3A_0, %dma_wait3A_263] : memref<3344x128xf32, #tpu.memory_space<vmem_shared>> -> memref<216x128xf32, #tpu.memory_space<vmem_shared>>
          tpu.wait_dma2 semaphore(%run_scoped3A_256 : memref<!tpu.dma_semaphore, #tpu.memory_space<semaphore_mem>>) src(%dma_wait3A_264 : memref<216x128xf32, #tpu.memory_space<vmem_shared>>) dst(%dma_wait3A_262 : memref<216x128xf32, #tpu.memory_space<hbm>>)
          tpu.yield
        }) : () -> ()
      } else {
      }
    } else {
    }
    %eq3A_46 = arith.constant 1 : i32
    %eq3A_47 = arith.cmpi eq, %arg0, %eq3A_46 : i32
    %convert_element_type3A_48 = arith.extui %eq3A_47 : i1 to i32
    %cond3A_49 = arith.constant 0 : i32
    %cond3A_50 = arith.cmpi ne, %convert_element_type3A_48, %cond3A_49 : i32
    scf.if %cond3A_50 {
      %lt3A_246 = arith.constant 15 : i32
      %lt3A_247 = arith.cmpi slt, %arg1, %lt3A_246 : i32
      %convert_element_type3A_248 = arith.extui %lt3A_247 : i1 to i32
      %cond3A_249 = arith.constant 0 : i32
      %cond3A_250 = arith.cmpi ne, %convert_element_type3A_248, %cond3A_249 : i32
      scf.if %cond3A_250 {
        "tpu.region"() ({
          %run_scoped3A_256 = tpu.sem_alloc : memref<!tpu.dma_semaphore, #tpu.memory_space<semaphore_mem>>
          %dma_start3A_257 = arith.constant 0 : i32
          %dma_start3A_258 = tpu.memref_slice %arg8[%add3A_40, %dma_start3A_257] : memref<10000x128xf32, #tpu.memory_space<hbm>> -> memref<208x128xf32, #tpu.memory_space<hbm>>
          %dma_start3A_259 = arith.constant 0 : i32
          %dma_start3A_260 = tpu.memref_slice %arg14[%mul3A_0, %dma_start3A_259] : memref<3344x128xf32, #tpu.memory_space<vmem_shared>> -> memref<208x128xf32, #tpu.memory_space<vmem_shared>>
          tpu.enqueue_dma source(%dma_start3A_260 : memref<208x128xf32, #tpu.memory_space<vmem_shared>>) target(%dma_start3A_258 : memref<208x128xf32, #tpu.memory_space<hbm>>) target_semaphore(%run_scoped3A_256 : memref<!tpu.dma_semaphore, #tpu.memory_space<semaphore_mem>>)
          %dma_wait3A_261 = arith.constant 0 : i32
          %dma_wait3A_262 = tpu.memref_slice %arg8[%add3A_40, %dma_wait3A_261] : memref<10000x128xf32, #tpu.memory_space<hbm>> -> memref<208x128xf32, #tpu.memory_space<hbm>>
          %dma_wait3A_263 = arith.constant 0 : i32
          %dma_wait3A_264 = tpu.memref_slice %arg14[%mul3A_0, %dma_wait3A_263] : memref<3344x128xf32, #tpu.memory_space<vmem_shared>> -> memref<208x128xf32, #tpu.memory_space<vmem_shared>>
          tpu.wait_dma2 semaphore(%run_scoped3A_256 : memref<!tpu.dma_semaphore, #tpu.memory_space<semaphore_mem>>) src(%dma_wait3A_264 : memref<208x128xf32, #tpu.memory_space<vmem_shared>>) dst(%dma_wait3A_262 : memref<208x128xf32, #tpu.memory_space<hbm>>)
          tpu.yield
        }) : () -> ()
      } else {
      }
      %eq3A_251 = arith.constant 15 : i32
      %eq3A_252 = arith.cmpi eq, %arg1, %eq3A_251 : i32
      %convert_element_type3A_253 = arith.extui %eq3A_252 : i1 to i32
      %cond3A_254 = arith.constant 0 : i32
      %cond3A_255 = arith.cmpi ne, %convert_element_type3A_253, %cond3A_254 : i32
      scf.if %cond3A_255 {
        "tpu.region"() ({
          %run_scoped3A_256 = tpu.sem_alloc : memref<!tpu.dma_semaphore, #tpu.memory_space<semaphore_mem>>
          %dma_start3A_257 = arith.constant 0 : i32
          %dma_start3A_258 = tpu.memref_slice %arg8[%add3A_40, %dma_start3A_257] : memref<10000x128xf32, #tpu.memory_space<hbm>> -> memref<216x128xf32, #tpu.memory_space<hbm>>
          %dma_start3A_259 = arith.constant 0 : i32
          %dma_start3A_260 = tpu.memref_slice %arg14[%mul3A_0, %dma_start3A_259] : memref<3344x128xf32, #tpu.memory_space<vmem_shared>> -> memref<216x128xf32, #tpu.memory_space<vmem_shared>>
          tpu.enqueue_dma source(%dma_start3A_260 : memref<216x128xf32, #tpu.memory_space<vmem_shared>>) target(%dma_start3A_258 : memref<216x128xf32, #tpu.memory_space<hbm>>) target_semaphore(%run_scoped3A_256 : memref<!tpu.dma_semaphore, #tpu.memory_space<semaphore_mem>>)
          %dma_wait3A_261 = arith.constant 0 : i32
          %dma_wait3A_262 = tpu.memref_slice %arg8[%add3A_40, %dma_wait3A_261] : memref<10000x128xf32, #tpu.memory_space<hbm>> -> memref<216x128xf32, #tpu.memory_space<hbm>>
          %dma_wait3A_263 = arith.constant 0 : i32
          %dma_wait3A_264 = tpu.memref_slice %arg14[%mul3A_0, %dma_wait3A_263] : memref<3344x128xf32, #tpu.memory_space<vmem_shared>> -> memref<216x128xf32, #tpu.memory_space<vmem_shared>>
          tpu.wait_dma2 semaphore(%run_scoped3A_256 : memref<!tpu.dma_semaphore, #tpu.memory_space<semaphore_mem>>) src(%dma_wait3A_264 : memref<216x128xf32, #tpu.memory_space<vmem_shared>>) dst(%dma_wait3A_262 : memref<216x128xf32, #tpu.memory_space<hbm>>)
          tpu.yield
        }) : () -> ()
      } else {
      }
    } else {
    }
    "tpu.region"() ({
      %run_scoped3A_246 = tpu.sem_alloc : memref<!tpu.dma_semaphore, #tpu.memory_space<semaphore_mem>>
      %dma_start3A_247 = arith.constant 0 : i32
      %dma_start3A_248 = arith.constant 0 : i32
      %dma_start3A_249 = tpu.memref_slice %arg5[%arg1, %dma_start3A_247, %dma_start3A_248] : memref<16x125x80xi32, #tpu.memory_space<hbm>> -> memref<1x125x80xi32, #tpu.memory_space<hbm>>
      %dma_start3A_250 = tpu.memref_squeeze %dma_start3A_249 : memref<1x125x80xi32, #tpu.memory_space<hbm>> -> memref<125x80xi32, #tpu.memory_space<hbm>>
      %dma_start3A_251 = arith.constant 0 : i32
      %dma_start3A_252 = arith.constant 0 : i32
      %dma_start3A_253 = tpu.memref_slice %arg5[%arg1, %dma_start3A_251, %dma_start3A_252] : memref<16x125x80xi32, #tpu.memory_space<hbm>> -> memref<1x125x80xi32, #tpu.memory_space<hbm>>
      %dma_start3A_254 = tpu.memref_squeeze %dma_start3A_253 : memref<1x125x80xi32, #tpu.memory_space<hbm>> -> memref<125x80xi32, #tpu.memory_space<hbm>>
      tpu.enqueue_dma source(%dma_start3A_254 : memref<125x80xi32, #tpu.memory_space<hbm>>) target(%arg11 : memref<125x80xi32, #tpu.memory_space<vmem>>) target_semaphore(%run_scoped3A_246 : memref<!tpu.dma_semaphore, #tpu.memory_space<semaphore_mem>>)
      %dma_wait3A_255 = arith.constant 0 : i32
      %dma_wait3A_256 = arith.constant 0 : i32
      %dma_wait3A_257 = tpu.memref_slice %arg5[%arg1, %dma_wait3A_255, %dma_wait3A_256] : memref<16x125x80xi32, #tpu.memory_space<hbm>> -> memref<1x125x80xi32, #tpu.memory_space<hbm>>
      %dma_wait3A_258 = tpu.memref_squeeze %dma_wait3A_257 : memref<1x125x80xi32, #tpu.memory_space<hbm>> -> memref<125x80xi32, #tpu.memory_space<hbm>>
      %dma_wait3A_259 = arith.constant 0 : i32
      %dma_wait3A_260 = arith.constant 0 : i32
      %dma_wait3A_261 = tpu.memref_slice %arg5[%arg1, %dma_wait3A_259, %dma_wait3A_260] : memref<16x125x80xi32, #tpu.memory_space<hbm>> -> memref<1x125x80xi32, #tpu.memory_space<hbm>>
      %dma_wait3A_262 = tpu.memref_squeeze %dma_wait3A_261 : memref<1x125x80xi32, #tpu.memory_space<hbm>> -> memref<125x80xi32, #tpu.memory_space<hbm>>
      tpu.wait_dma2 semaphore(%run_scoped3A_246 : memref<!tpu.dma_semaphore, #tpu.memory_space<semaphore_mem>>) src(%dma_wait3A_262 : memref<125x80xi32, #tpu.memory_space<hbm>>) dst(%arg11 : memref<125x80xi32, #tpu.memory_space<vmem>>)
      tpu.yield
    }) : () -> ()
    %scan3A_51 = arith.constant 0 : i32
    %scan3A_52 = arith.constant 0 : i32
    %scan3A_53 = arith.constant 125 : i32
    %scan3A_54 = arith.addi %scan3A_52, %scan3A_53 : i32
    %scan3A_55 = arith.constant 1 : i32
    scf.for %scan3A_246 = %scan3A_52 to %scan3A_54 step %scan3A_55  : i32 {
      %get3A = arith.index_cast %scan3A_246 : i32 to index
      %get3A_247 = arith.constant 0 : index
      %get3A_248 = tpu.vector_load %arg11[%get3A, %get3A_247] {strides = array<i32>} : memref<125x80xi32, #tpu.memory_space<vmem>>, vector<1x16xi32>,
      %get3A_249 = vector.shape_cast %get3A_248 : vector<1x16xi32> to vector<16xi32>
      %and3A = arith.constant 7 : i32
      %and3A_250 = vector.broadcast %and3A : i32 to vector<16xi32>
      %and3A_251 = arith.andi %get3A_249, %and3A_250 : vector<16xi32>
      %add3A_252 = arith.constant 3336 : i32
      %add3A_253 = vector.broadcast %add3A_252 : i32 to vector<16xi32>
      %add3A_254 = arith.addi %add3A_253, %and3A_251 : vector<16xi32>
      %ge3A = arith.constant 3336 : i32
      %ge3A_255 = vector.broadcast %ge3A : i32 to vector<16xi32>
      %ge3A_256 = arith.cmpi sge, %get3A_249, %ge3A_255 : vector<16xi32>
      %lt3A_257 = arith.constant 6672 : i32
      %lt3A_258 = vector.broadcast %lt3A_257 : i32 to vector<16xi32>
      %lt3A_259 = arith.cmpi slt, %get3A_249, %lt3A_258 : vector<16xi32>
      %and3A_260 = arith.andi %ge3A_256, %lt3A_259 : vector<16xi1>
      %sub3A = arith.constant 3336 : i32
      %sub3A_261 = vector.broadcast %sub3A : i32 to vector<16xi32>
      %sub3A_262 = arith.subi %get3A_249, %sub3A_261 : vector<16xi32>
      %select_n3A = arith.select %and3A_260, %sub3A_262, %add3A_254 : vector<16xi1>, vector<16xi32>
      %swap3A = arith.index_cast %scan3A_246 : i32 to index
      %swap3A_263 = arith.constant 0 : index
      %swap3A_264 = tpu.vector_load %arg11[%swap3A, %swap3A_263] {strides = array<i32>} : memref<125x80xi32, #tpu.memory_space<vmem>>, vector<1x16xi32>,
      %swap3A_265 = vector.shape_cast %swap3A_264 : vector<1x16xi32> to vector<16xi32>
      %swap3A_266 = vector.shape_cast %select_n3A : vector<16xi32> to vector<1x16xi32>
      tpu.vector_store %arg11[%swap3A, %swap3A_263], %swap3A_266 {strides = array<i32>} : memref<125x80xi32, #tpu.memory_space<vmem>>, vector<1x16xi32>,
      %get3A_267 = arith.index_cast %scan3A_246 : i32 to index
      %get3A_268 = arith.constant 16 : index
      %get3A_269 = tpu.vector_load %arg11[%get3A_267, %get3A_268] {strides = array<i32>} : memref<125x80xi32, #tpu.memory_space<vmem>>, vector<1x16xi32>,
      %get3A_270 = vector.shape_cast %get3A_269 : vector<1x16xi32> to vector<16xi32>
      %and3A_271 = arith.constant 7 : i32
      %and3A_272 = vector.broadcast %and3A_271 : i32 to vector<16xi32>
      %and3A_273 = arith.andi %get3A_270, %and3A_272 : vector<16xi32>
      %add3A_274 = arith.constant 3336 : i32
      %add3A_275 = vector.broadcast %add3A_274 : i32 to vector<16xi32>
      %add3A_276 = arith.addi %add3A_275, %and3A_273 : vector<16xi32>
      %ge3A_277 = arith.constant 3336 : i32
      %ge3A_278 = vector.broadcast %ge3A_277 : i32 to vector<16xi32>
      %ge3A_279 = arith.cmpi sge, %get3A_270, %ge3A_278 : vector<16xi32>
      %lt3A_280 = arith.constant 6672 : i32
      %lt3A_281 = vector.broadcast %lt3A_280 : i32 to vector<16xi32>
      %lt3A_282 = arith.cmpi slt, %get3A_270, %lt3A_281 : vector<16xi32>
      %and3A_283 = arith.andi %ge3A_279, %lt3A_282 : vector<16xi1>
      %sub3A_284 = arith.constant 3336 : i32
      %sub3A_285 = vector.broadcast %sub3A_284 : i32 to vector<16xi32>
      %sub3A_286 = arith.subi %get3A_270, %sub3A_285 : vector<16xi32>
      %select_n3A_287 = arith.select %and3A_283, %sub3A_286, %add3A_276 : vector<16xi1>, vector<16xi32>
      %swap3A_288 = arith.index_cast %scan3A_246 : i32 to index
      %swap3A_289 = arith.constant 16 : index
      %swap3A_290 = tpu.vector_load %arg11[%swap3A_288, %swap3A_289] {strides = array<i32>} : memref<125x80xi32, #tpu.memory_space<vmem>>, vector<1x16xi32>,
      %swap3A_291 = vector.shape_cast %swap3A_290 : vector<1x16xi32> to vector<16xi32>
      %swap3A_292 = vector.shape_cast %select_n3A_287 : vector<16xi32> to vector<1x16xi32>
      tpu.vector_store %arg11[%swap3A_288, %swap3A_289], %swap3A_292 {strides = array<i32>} : memref<125x80xi32, #tpu.memory_space<vmem>>, vector<1x16xi32>,
      %get3A_293 = arith.index_cast %scan3A_246 : i32 to index
      %get3A_294 = arith.constant 32 : index
      %get3A_295 = tpu.vector_load %arg11[%get3A_293, %get3A_294] {strides = array<i32>} : memref<125x80xi32, #tpu.memory_space<vmem>>, vector<1x16xi32>,
      %get3A_296 = vector.shape_cast %get3A_295 : vector<1x16xi32> to vector<16xi32>
      %and3A_297 = arith.constant 7 : i32
      %and3A_298 = vector.broadcast %and3A_297 : i32 to vector<16xi32>
      %and3A_299 = arith.andi %get3A_296, %and3A_298 : vector<16xi32>
      %add3A_300 = arith.constant 3336 : i32
      %add3A_301 = vector.broadcast %add3A_300 : i32 to vector<16xi32>
      %add3A_302 = arith.addi %add3A_301, %and3A_299 : vector<16xi32>
      %ge3A_303 = arith.constant 3336 : i32
      %ge3A_304 = vector.broadcast %ge3A_303 : i32 to vector<16xi32>
      %ge3A_305 = arith.cmpi sge, %get3A_296, %ge3A_304 : vector<16xi32>
      %lt3A_306 = arith.constant 6672 : i32
      %lt3A_307 = vector.broadcast %lt3A_306 : i32 to vector<16xi32>
      %lt3A_308 = arith.cmpi slt, %get3A_296, %lt3A_307 : vector<16xi32>
      %and3A_309 = arith.andi %ge3A_305, %lt3A_308 : vector<16xi1>
      %sub3A_310 = arith.constant 3336 : i32
      %sub3A_311 = vector.broadcast %sub3A_310 : i32 to vector<16xi32>
      %sub3A_312 = arith.subi %get3A_296, %sub3A_311 : vector<16xi32>
      %select_n3A_313 = arith.select %and3A_309, %sub3A_312, %add3A_302 : vector<16xi1>, vector<16xi32>
      %swap3A_314 = arith.index_cast %scan3A_246 : i32 to index
      %swap3A_315 = arith.constant 32 : index
      %swap3A_316 = tpu.vector_load %arg11[%swap3A_314, %swap3A_315] {strides = array<i32>} : memref<125x80xi32, #tpu.memory_space<vmem>>, vector<1x16xi32>,
      %swap3A_317 = vector.shape_cast %swap3A_316 : vector<1x16xi32> to vector<16xi32>
      %swap3A_318 = vector.shape_cast %select_n3A_313 : vector<16xi32> to vector<1x16xi32>
      tpu.vector_store %arg11[%swap3A_314, %swap3A_315], %swap3A_318 {strides = array<i32>} : memref<125x80xi32, #tpu.memory_space<vmem>>, vector<1x16xi32>,
      %get3A_319 = arith.index_cast %scan3A_246 : i32 to index
      %get3A_320 = arith.constant 48 : index
      %get3A_321 = tpu.vector_load %arg11[%get3A_319, %get3A_320] {strides = array<i32>} : memref<125x80xi32, #tpu.memory_space<vmem>>, vector<1x16xi32>,
      %get3A_322 = vector.shape_cast %get3A_321 : vector<1x16xi32> to vector<16xi32>
      %and3A_323 = arith.constant 7 : i32
      %and3A_324 = vector.broadcast %and3A_323 : i32 to vector<16xi32>
      %and3A_325 = arith.andi %get3A_322, %and3A_324 : vector<16xi32>
      %add3A_326 = arith.constant 3336 : i32
      %add3A_327 = vector.broadcast %add3A_326 : i32 to vector<16xi32>
      %add3A_328 = arith.addi %add3A_327, %and3A_325 : vector<16xi32>
      %ge3A_329 = arith.constant 3336 : i32
      %ge3A_330 = vector.broadcast %ge3A_329 : i32 to vector<16xi32>
      %ge3A_331 = arith.cmpi sge, %get3A_322, %ge3A_330 : vector<16xi32>
      %lt3A_332 = arith.constant 6672 : i32
      %lt3A_333 = vector.broadcast %lt3A_332 : i32 to vector<16xi32>
      %lt3A_334 = arith.cmpi slt, %get3A_322, %lt3A_333 : vector<16xi32>
      %and3A_335 = arith.andi %ge3A_331, %lt3A_334 : vector<16xi1>
      %sub3A_336 = arith.constant 3336 : i32
      %sub3A_337 = vector.broadcast %sub3A_336 : i32 to vector<16xi32>
      %sub3A_338 = arith.subi %get3A_322, %sub3A_337 : vector<16xi32>
      %select_n3A_339 = arith.select %and3A_335, %sub3A_338, %add3A_328 : vector<16xi1>, vector<16xi32>
      %swap3A_340 = arith.index_cast %scan3A_246 : i32 to index
      %swap3A_341 = arith.constant 48 : index
      %swap3A_342 = tpu.vector_load %arg11[%swap3A_340, %swap3A_341] {strides = array<i32>} : memref<125x80xi32, #tpu.memory_space<vmem>>, vector<1x16xi32>,
      %swap3A_343 = vector.shape_cast %swap3A_342 : vector<1x16xi32> to vector<16xi32>
      %swap3A_344 = vector.shape_cast %select_n3A_339 : vector<16xi32> to vector<1x16xi32>
      tpu.vector_store %arg11[%swap3A_340, %swap3A_341], %swap3A_344 {strides = array<i32>} : memref<125x80xi32, #tpu.memory_space<vmem>>, vector<1x16xi32>,
      %get3A_345 = arith.index_cast %scan3A_246 : i32 to index
      %get3A_346 = arith.constant 64 : index
      %get3A_347 = tpu.vector_load %arg11[%get3A_345, %get3A_346] {strides = array<i32>} : memref<125x80xi32, #tpu.memory_space<vmem>>, vector<1x16xi32>,
      %get3A_348 = vector.shape_cast %get3A_347 : vector<1x16xi32> to vector<16xi32>
      %and3A_349 = arith.constant 7 : i32
      %and3A_350 = vector.broadcast %and3A_349 : i32 to vector<16xi32>
      %and3A_351 = arith.andi %get3A_348, %and3A_350 : vector<16xi32>
      %add3A_352 = arith.constant 3336 : i32
      %add3A_353 = vector.broadcast %add3A_352 : i32 to vector<16xi32>
      %add3A_354 = arith.addi %add3A_353, %and3A_351 : vector<16xi32>
      %ge3A_355 = arith.constant 3336 : i32
      %ge3A_356 = vector.broadcast %ge3A_355 : i32 to vector<16xi32>
      %ge3A_357 = arith.cmpi sge, %get3A_348, %ge3A_356 : vector<16xi32>
      %lt3A_358 = arith.constant 6672 : i32
      %lt3A_359 = vector.broadcast %lt3A_358 : i32 to vector<16xi32>
      %lt3A_360 = arith.cmpi slt, %get3A_348, %lt3A_359 : vector<16xi32>
      %and3A_361 = arith.andi %ge3A_357, %lt3A_360 : vector<16xi1>
      %sub3A_362 = arith.constant 3336 : i32
      %sub3A_363 = vector.broadcast %sub3A_362 : i32 to vector<16xi32>
      %sub3A_364 = arith.subi %get3A_348, %sub3A_363 : vector<16xi32>
      %select_n3A_365 = arith.select %and3A_361, %sub3A_364, %add3A_354 : vector<16xi1>, vector<16xi32>
      %swap3A_366 = arith.index_cast %scan3A_246 : i32 to index
      %swap3A_367 = arith.constant 64 : index
      %swap3A_368 = tpu.vector_load %arg11[%swap3A_366, %swap3A_367] {strides = array<i32>} : memref<125x80xi32, #tpu.memory_space<vmem>>, vector<1x16xi32>,
      %swap3A_369 = vector.shape_cast %swap3A_368 : vector<1x16xi32> to vector<16xi32>
      %swap3A_370 = vector.shape_cast %select_n3A_365 : vector<16xi32> to vector<1x16xi32>
      tpu.vector_store %arg11[%swap3A_366, %swap3A_367], %swap3A_370 {strides = array<i32>} : memref<125x80xi32, #tpu.memory_space<vmem>>, vector<1x16xi32>,
    }
    %scan3A_56 = arith.constant 125 : i32
    %lt3A_57 = arith.constant 15 : i32
    %lt3A_58 = arith.cmpi slt, %arg1, %lt3A_57 : i32
    %convert_element_type3A_59 = arith.extui %lt3A_58 : i1 to i32
    %cond3A_60 = arith.constant 0 : i32
    %cond3A_61 = arith.cmpi ne, %convert_element_type3A_59, %cond3A_60 : i32
    scf.if %cond3A_61 {
      "tpu.region"() ({
        %run_scoped3A_246 = tpu.sem_alloc : memref<!tpu.dma_semaphore, #tpu.memory_space<semaphore_mem>>
        %dma_start3A_247 = arith.constant 0 : i32
        %dma_start3A_248 = tpu.memref_slice %arg14[%mul3A_0, %dma_start3A_247] : memref<3344x128xf32, #tpu.memory_space<vmem_shared>> -> memref<208x128xf32, #tpu.memory_space<vmem_shared>>
        %dma_start3A_249 = arith.constant 0 : i32
        %dma_start3A_250 = arith.constant 0 : i32
        %dma_start3A_251 = tpu.memref_slice %arg6[%dma_start3A_249, %dma_start3A_250] : memref<224x128xf32, #tpu.memory_space<hbm>> -> memref<208x128xf32, #tpu.memory_space<hbm>>
        tpu.enqueue_dma source(%dma_start3A_251 : memref<208x128xf32, #tpu.memory_space<hbm>>) target(%dma_start3A_248 : memref<208x128xf32, #tpu.memory_space<vmem_shared>>) target_semaphore(%run_scoped3A_246 : memref<!tpu.dma_semaphore, #tpu.memory_space<semaphore_mem>>)
        %dma_wait3A_252 = arith.constant 0 : i32
        %dma_wait3A_253 = tpu.memref_slice %arg14[%mul3A_0, %dma_wait3A_252] : memref<3344x128xf32, #tpu.memory_space<vmem_shared>> -> memref<208x128xf32, #tpu.memory_space<vmem_shared>>
        %dma_wait3A_254 = arith.constant 0 : i32
        %dma_wait3A_255 = arith.constant 0 : i32
        %dma_wait3A_256 = tpu.memref_slice %arg6[%dma_wait3A_254, %dma_wait3A_255] : memref<224x128xf32, #tpu.memory_space<hbm>> -> memref<208x128xf32, #tpu.memory_space<hbm>>
        tpu.wait_dma2 semaphore(%run_scoped3A_246 : memref<!tpu.dma_semaphore, #tpu.memory_space<semaphore_mem>>) src(%dma_wait3A_256 : memref<208x128xf32, #tpu.memory_space<hbm>>) dst(%dma_wait3A_253 : memref<208x128xf32, #tpu.memory_space<vmem_shared>>)
        tpu.yield
      }) : () -> ()
    } else {
    }
    %eq3A_62 = arith.constant 15 : i32
    %eq3A_63 = arith.cmpi eq, %arg1, %eq3A_62 : i32
    %convert_element_type3A_64 = arith.extui %eq3A_63 : i1 to i32
    %cond3A_65 = arith.constant 0 : i32
    %cond3A_66 = arith.cmpi ne, %convert_element_type3A_64, %cond3A_65 : i32
    scf.if %cond3A_66 {
      "tpu.region"() ({
        %run_scoped3A_246 = tpu.sem_alloc : memref<!tpu.dma_semaphore, #tpu.memory_space<semaphore_mem>>
        %dma_start3A_247 = arith.constant 0 : i32
        %dma_start3A_248 = tpu.memref_slice %arg14[%mul3A_0, %dma_start3A_247] : memref<3344x128xf32, #tpu.memory_space<vmem_shared>> -> memref<224x128xf32, #tpu.memory_space<vmem_shared>>
        %dma_start3A_249 = arith.constant 0 : i32
        %dma_start3A_250 = arith.constant 0 : i32
        %dma_start3A_251 = tpu.memref_slice %arg6[%dma_start3A_249, %dma_start3A_250] : memref<224x128xf32, #tpu.memory_space<hbm>> -> memref<224x128xf32, #tpu.memory_space<hbm>>
        tpu.enqueue_dma source(%dma_start3A_251 : memref<224x128xf32, #tpu.memory_space<hbm>>) target(%dma_start3A_248 : memref<224x128xf32, #tpu.memory_space<vmem_shared>>) target_semaphore(%run_scoped3A_246 : memref<!tpu.dma_semaphore, #tpu.memory_space<semaphore_mem>>)
        %dma_wait3A_252 = arith.constant 0 : i32
        %dma_wait3A_253 = tpu.memref_slice %arg14[%mul3A_0, %dma_wait3A_252] : memref<3344x128xf32, #tpu.memory_space<vmem_shared>> -> memref<224x128xf32, #tpu.memory_space<vmem_shared>>
        %dma_wait3A_254 = arith.constant 0 : i32
        %dma_wait3A_255 = arith.constant 0 : i32
        %dma_wait3A_256 = tpu.memref_slice %arg6[%dma_wait3A_254, %dma_wait3A_255] : memref<224x128xf32, #tpu.memory_space<hbm>> -> memref<224x128xf32, #tpu.memory_space<hbm>>
        tpu.wait_dma2 semaphore(%run_scoped3A_246 : memref<!tpu.dma_semaphore, #tpu.memory_space<semaphore_mem>>) src(%dma_wait3A_256 : memref<224x128xf32, #tpu.memory_space<hbm>>) dst(%dma_wait3A_253 : memref<224x128xf32, #tpu.memory_space<vmem_shared>>)
        tpu.yield
      }) : () -> ()
    } else {
    }
    %barrier3A_67 = arith.constant 0 : index
    tpu.barrier barrier_id(%barrier3A_67)
    %dma_start3A_68 = arith.constant 0 : i32
    %dma_start3A_69 = arith.constant 0 : i32
    %dma_start3A_70 = tpu.memref_slice %arg10[%dma_start3A_68, %dma_start3A_69] : memref<125x80xi32, #tpu.memory_space<vmem>> -> memref<1x80xi32, #tpu.memory_space<vmem>>
    %dma_start3A_71 = tpu.memref_squeeze %dma_start3A_70 : memref<1x80xi32, #tpu.memory_space<vmem>> -> memref<80xi32, #tpu.memory_space<vmem>>
    %dma_start3A_72 = arith.constant 0 : i32
    %dma_start3A_73 = arith.constant 0 : i32
    %dma_start3A_74 = tpu.memref_slice %arg2[%dma_start3A_72, %dma_start3A_73] : memref<20000x128xf32, #tpu.memory_space<hbm>> -> memref<20000x128xf32, #tpu.memory_space<hbm>>
    tpu.enqueue_indirect_dma source(%dma_start3A_74 : memref<20000x128xf32, #tpu.memory_space<hbm>>) target(%arg12 : memref<80x128xf32, #tpu.memory_space<vmem>>) offsets(%dma_start3A_71 : memref<80xi32, #tpu.memory_space<vmem>>) semaphore(%arg15 : memref<!tpu.dma_semaphore, #tpu.memory_space<semaphore_mem>>)
    %scan3A_75 = arith.constant 0 : i32
    %scan3A_76 = arith.constant 0 : i32
    %scan3A_77 = arith.constant 62 : i32
    %scan3A_78 = arith.addi %scan3A_76, %scan3A_77 : i32
    %scan3A_79 = arith.constant 1 : i32
    scf.for %scan3A_246 = %scan3A_76 to %scan3A_78 step %scan3A_79  : i32 {
      %mul3A_247 = arith.constant 2 : i32
      %mul3A_248 = arith.muli %mul3A_247, %scan3A_246 : i32
      %add3A_249 = arith.constant 1 : i32
      %add3A_250 = arith.addi %mul3A_248, %add3A_249 : i32
      %dma_start3A_251 = arith.constant 0 : i32
      %dma_start3A_252 = tpu.memref_slice %arg10[%add3A_250, %dma_start3A_251] : memref<125x80xi32, #tpu.memory_space<vmem>> -> memref<1x80xi32, #tpu.memory_space<vmem>>
      %dma_start3A_253 = tpu.memref_squeeze %dma_start3A_252 : memref<1x80xi32, #tpu.memory_space<vmem>> -> memref<80xi32, #tpu.memory_space<vmem>>
      %dma_start3A_254 = arith.constant 0 : i32
      %dma_start3A_255 = arith.constant 0 : i32
      %dma_start3A_256 = tpu.memref_slice %arg2[%dma_start3A_254, %dma_start3A_255] : memref<20000x128xf32, #tpu.memory_space<hbm>> -> memref<20000x128xf32, #tpu.memory_space<hbm>>
      tpu.enqueue_indirect_dma source(%dma_start3A_256 : memref<20000x128xf32, #tpu.memory_space<hbm>>) target(%arg13 : memref<80x128xf32, #tpu.memory_space<vmem>>) offsets(%dma_start3A_253 : memref<80xi32, #tpu.memory_space<vmem>>) semaphore(%arg16 : memref<!tpu.dma_semaphore, #tpu.memory_space<semaphore_mem>>)
      %dma_wait3A_257 = arith.constant 0 : i32
      %dma_wait3A_258 = arith.constant 0 : i32
      %dma_wait3A_259 = tpu.memref_slice %arg2[%dma_wait3A_257, %dma_wait3A_258] : memref<20000x128xf32, #tpu.memory_space<hbm>> -> memref<80x128xf32, #tpu.memory_space<hbm>>
      %dma_wait3A_260 = arith.constant 0 : i32
      %dma_wait3A_261 = arith.constant 0 : i32
      %dma_wait3A_262 = tpu.memref_slice %arg2[%dma_wait3A_260, %dma_wait3A_261] : memref<20000x128xf32, #tpu.memory_space<hbm>> -> memref<80x128xf32, #tpu.memory_space<hbm>>
      tpu.wait_dma2 semaphore(%arg15 : memref<!tpu.dma_semaphore, #tpu.memory_space<semaphore_mem>>) src(%dma_wait3A_262 : memref<80x128xf32, #tpu.memory_space<hbm>>) dst(%arg12 : memref<80x128xf32, #tpu.memory_space<vmem>>)
      "tpu.region"() ({
        %run_scoped3A_279 = tpu.sem_alloc : memref<!tpu.dma_semaphore, #tpu.memory_space<semaphore_mem>>
        %dma_start3A_280 = arith.constant 0 : i32
        %dma_start3A_281 = tpu.memref_slice %arg11[%mul3A_248, %dma_start3A_280] : memref<125x80xi32, #tpu.memory_space<vmem>> -> memref<1x80xi32, #tpu.memory_space<vmem>>
        %dma_start3A_282 = tpu.memref_squeeze %dma_start3A_281 : memref<1x80xi32, #tpu.memory_space<vmem>> -> memref<80xi32, #tpu.memory_space<vmem>>
        %dma_start3A_283 = arith.constant 0 : i32
        %dma_start3A_284 = arith.constant 0 : i32
        %dma_start3A_285 = tpu.memref_slice %arg14[%dma_start3A_283, %dma_start3A_284] : memref<3344x128xf32, #tpu.memory_space<vmem_shared>> -> memref<3344x128xf32, #tpu.memory_space<vmem_shared>>
        tpu.enqueue_indirect_dma source(%arg12 : memref<80x128xf32, #tpu.memory_space<vmem>>) target(%dma_start3A_285 : memref<3344x128xf32, #tpu.memory_space<vmem_shared>>) offsets(%dma_start3A_282 : memref<80xi32, #tpu.memory_space<vmem>>) semaphore(%run_scoped3A_279 : memref<!tpu.dma_semaphore, #tpu.memory_space<semaphore_mem>>) {add = true}
        %dma_wait3A_286 = arith.constant 0 : i32
        %dma_wait3A_287 = tpu.memref_slice %arg11[%mul3A_248, %dma_wait3A_286] : memref<125x80xi32, #tpu.memory_space<vmem>> -> memref<1x80xi32, #tpu.memory_space<vmem>>
        %dma_wait3A_288 = tpu.memref_squeeze %dma_wait3A_287 : memref<1x80xi32, #tpu.memory_space<vmem>> -> memref<80xi32, #tpu.memory_space<vmem>>
        %dma_wait3A_289 = arith.constant 0 : i32
        %dma_wait3A_290 = arith.constant 0 : i32
        %dma_wait3A_291 = tpu.memref_slice %arg14[%dma_wait3A_289, %dma_wait3A_290] : memref<3344x128xf32, #tpu.memory_space<vmem_shared>> -> memref<3344x128xf32, #tpu.memory_space<vmem_shared>>
        tpu.wait_indirect_dma semaphore(%run_scoped3A_279 : memref<!tpu.dma_semaphore, #tpu.memory_space<semaphore_mem>>) src(%arg12 : memref<80x128xf32, #tpu.memory_space<vmem>>) dst(%dma_wait3A_291 : memref<3344x128xf32, #tpu.memory_space<vmem_shared>>)
        tpu.yield
      }) : () -> ()
      %add3A_263 = arith.constant 2 : i32
      %add3A_264 = arith.addi %mul3A_248, %add3A_263 : i32
      %dma_start3A_265 = arith.constant 0 : i32
      %dma_start3A_266 = tpu.memref_slice %arg10[%add3A_264, %dma_start3A_265] : memref<125x80xi32, #tpu.memory_space<vmem>> -> memref<1x80xi32, #tpu.memory_space<vmem>>
      %dma_start3A_267 = tpu.memref_squeeze %dma_start3A_266 : memref<1x80xi32, #tpu.memory_space<vmem>> -> memref<80xi32, #tpu.memory_space<vmem>>
      %dma_start3A_268 = arith.constant 0 : i32
      %dma_start3A_269 = arith.constant 0 : i32
      %dma_start3A_270 = tpu.memref_slice %arg2[%dma_start3A_268, %dma_start3A_269] : memref<20000x128xf32, #tpu.memory_space<hbm>> -> memref<20000x128xf32, #tpu.memory_space<hbm>>
      tpu.enqueue_indirect_dma source(%dma_start3A_270 : memref<20000x128xf32, #tpu.memory_space<hbm>>) target(%arg12 : memref<80x128xf32, #tpu.memory_space<vmem>>) offsets(%dma_start3A_267 : memref<80xi32, #tpu.memory_space<vmem>>) semaphore(%arg15 : memref<!tpu.dma_semaphore, #tpu.memory_space<semaphore_mem>>)
      %dma_wait3A_271 = arith.constant 0 : i32
      %dma_wait3A_272 = arith.constant 0 : i32
      %dma_wait3A_273 = tpu.memref_slice %arg2[%dma_wait3A_271, %dma_wait3A_272] : memref<20000x128xf32, #tpu.memory_space<hbm>> -> memref<80x128xf32, #tpu.memory_space<hbm>>
      %dma_wait3A_274 = arith.constant 0 : i32
      %dma_wait3A_275 = arith.constant 0 : i32
      %dma_wait3A_276 = tpu.memref_slice %arg2[%dma_wait3A_274, %dma_wait3A_275] : memref<20000x128xf32, #tpu.memory_space<hbm>> -> memref<80x128xf32, #tpu.memory_space<hbm>>
      tpu.wait_dma2 semaphore(%arg16 : memref<!tpu.dma_semaphore, #tpu.memory_space<semaphore_mem>>) src(%dma_wait3A_276 : memref<80x128xf32, #tpu.memory_space<hbm>>) dst(%arg13 : memref<80x128xf32, #tpu.memory_space<vmem>>)
      %add3A_277 = arith.constant 1 : i32
      %add3A_278 = arith.addi %mul3A_248, %add3A_277 : i32
      "tpu.region"() ({
        %run_scoped3A_279 = tpu.sem_alloc : memref<!tpu.dma_semaphore, #tpu.memory_space<semaphore_mem>>
        %dma_start3A_280 = arith.constant 0 : i32
        %dma_start3A_281 = tpu.memref_slice %arg11[%add3A_278, %dma_start3A_280] : memref<125x80xi32, #tpu.memory_space<vmem>> -> memref<1x80xi32, #tpu.memory_space<vmem>>
        %dma_start3A_282 = tpu.memref_squeeze %dma_start3A_281 : memref<1x80xi32, #tpu.memory_space<vmem>> -> memref<80xi32, #tpu.memory_space<vmem>>
        %dma_start3A_283 = arith.constant 0 : i32
        %dma_start3A_284 = arith.constant 0 : i32
        %dma_start3A_285 = tpu.memref_slice %arg14[%dma_start3A_283, %dma_start3A_284] : memref<3344x128xf32, #tpu.memory_space<vmem_shared>> -> memref<3344x128xf32, #tpu.memory_space<vmem_shared>>
        tpu.enqueue_indirect_dma source(%arg13 : memref<80x128xf32, #tpu.memory_space<vmem>>) target(%dma_start3A_285 : memref<3344x128xf32, #tpu.memory_space<vmem_shared>>) offsets(%dma_start3A_282 : memref<80xi32, #tpu.memory_space<vmem>>) semaphore(%run_scoped3A_279 : memref<!tpu.dma_semaphore, #tpu.memory_space<semaphore_mem>>) {add = true}
        %dma_wait3A_286 = arith.constant 0 : i32
        %dma_wait3A_287 = tpu.memref_slice %arg11[%add3A_278, %dma_wait3A_286] : memref<125x80xi32, #tpu.memory_space<vmem>> -> memref<1x80xi32, #tpu.memory_space<vmem>>
        %dma_wait3A_288 = tpu.memref_squeeze %dma_wait3A_287 : memref<1x80xi32, #tpu.memory_space<vmem>> -> memref<80xi32, #tpu.memory_space<vmem>>
        %dma_wait3A_289 = arith.constant 0 : i32
        %dma_wait3A_290 = arith.constant 0 : i32
        %dma_wait3A_291 = tpu.memref_slice %arg14[%dma_wait3A_289, %dma_wait3A_290] : memref<3344x128xf32, #tpu.memory_space<vmem_shared>> -> memref<3344x128xf32, #tpu.memory_space<vmem_shared>>
        tpu.wait_indirect_dma semaphore(%run_scoped3A_279 : memref<!tpu.dma_semaphore, #tpu.memory_space<semaphore_mem>>) src(%arg13 : memref<80x128xf32, #tpu.memory_space<vmem>>) dst(%dma_wait3A_291 : memref<3344x128xf32, #tpu.memory_space<vmem_shared>>)
        tpu.yield
      }) : () -> ()
    }
    %scan3A_80 = arith.constant 62 : i32
    %dma_wait3A_81 = arith.constant 0 : i32
    %dma_wait3A_82 = arith.constant 0 : i32
    %dma_wait3A_83 = tpu.memref_slice %arg2[%dma_wait3A_81, %dma_wait3A_82] : memref<20000x128xf32, #tpu.memory_space<hbm>> -> memref<80x128xf32, #tpu.memory_space<hbm>>
    %dma_wait3A_84 = arith.constant 0 : i32
    %dma_wait3A_85 = arith.constant 0 : i32
    %dma_wait3A_86 = tpu.memref_slice %arg2[%dma_wait3A_84, %dma_wait3A_85] : memref<20000x128xf32, #tpu.memory_space<hbm>> -> memref<80x128xf32, #tpu.memory_space<hbm>>
    tpu.wait_dma2 semaphore(%arg15 : memref<!tpu.dma_semaphore, #tpu.memory_space<semaphore_mem>>) src(%dma_wait3A_86 : memref<80x128xf32, #tpu.memory_space<hbm>>) dst(%arg12 : memref<80x128xf32, #tpu.memory_space<vmem>>)
    %run_scoped3A_87 = arith.constant 124 : i32
    "tpu.region"() ({
      %run_scoped3A_246 = tpu.sem_alloc : memref<!tpu.dma_semaphore, #tpu.memory_space<semaphore_mem>>
      %dma_start3A_247 = arith.constant 0 : i32
      %dma_start3A_248 = tpu.memref_slice %arg11[%run_scoped3A_87, %dma_start3A_247] : memref<125x80xi32, #tpu.memory_space<vmem>> -> memref<1x80xi32, #tpu.memory_space<vmem>>
      %dma_start3A_249 = tpu.memref_squeeze %dma_start3A_248 : memref<1x80xi32, #tpu.memory_space<vmem>> -> memref<80xi32, #tpu.memory_space<vmem>>
      %dma_start3A_250 = arith.constant 0 : i32
      %dma_start3A_251 = arith.constant 0 : i32
      %dma_start3A_252 = tpu.memref_slice %arg14[%dma_start3A_250, %dma_start3A_251] : memref<3344x128xf32, #tpu.memory_space<vmem_shared>> -> memref<3344x128xf32, #tpu.memory_space<vmem_shared>>
      tpu.enqueue_indirect_dma source(%arg12 : memref<80x128xf32, #tpu.memory_space<vmem>>) target(%dma_start3A_252 : memref<3344x128xf32, #tpu.memory_space<vmem_shared>>) offsets(%dma_start3A_249 : memref<80xi32, #tpu.memory_space<vmem>>) semaphore(%run_scoped3A_246 : memref<!tpu.dma_semaphore, #tpu.memory_space<semaphore_mem>>) {add = true}
      %dma_wait3A_253 = arith.constant 0 : i32
      %dma_wait3A_254 = tpu.memref_slice %arg11[%run_scoped3A_87, %dma_wait3A_253] : memref<125x80xi32, #tpu.memory_space<vmem>> -> memref<1x80xi32, #tpu.memory_space<vmem>>
      %dma_wait3A_255 = tpu.memref_squeeze %dma_wait3A_254 : memref<1x80xi32, #tpu.memory_space<vmem>> -> memref<80xi32, #tpu.memory_space<vmem>>
      %dma_wait3A_256 = arith.constant 0 : i32
      %dma_wait3A_257 = arith.constant 0 : i32
      %dma_wait3A_258 = tpu.memref_slice %arg14[%dma_wait3A_256, %dma_wait3A_257] : memref<3344x128xf32, #tpu.memory_space<vmem_shared>> -> memref<3344x128xf32, #tpu.memory_space<vmem_shared>>
      tpu.wait_indirect_dma semaphore(%run_scoped3A_246 : memref<!tpu.dma_semaphore, #tpu.memory_space<semaphore_mem>>) src(%arg12 : memref<80x128xf32, #tpu.memory_space<vmem>>) dst(%dma_wait3A_258 : memref<3344x128xf32, #tpu.memory_space<vmem_shared>>)
      tpu.yield
    }) : () -> ()
    %barrier3A_88 = arith.constant 0 : index
    tpu.barrier barrier_id(%barrier3A_88)
    %add3A_89 = arith.constant 3336 : i32
    %add3A_90 = arith.addi %add3A_89, %mul3A_0 : i32
    %eq3A_91 = arith.constant 0 : i32
    %eq3A_92 = arith.cmpi eq, %arg0, %eq3A_91 : i32
    %convert_element_type3A_93 = arith.extui %eq3A_92 : i1 to i32
    %cond3A_94 = arith.constant 0 : i32
    %cond3A_95 = arith.cmpi ne, %convert_element_type3A_93, %cond3A_94 : i32
    scf.if %cond3A_95 {
      %lt3A_246 = arith.constant 15 : i32
      %lt3A_247 = arith.cmpi slt, %arg1, %lt3A_246 : i32
      %convert_element_type3A_248 = arith.extui %lt3A_247 : i1 to i32
      %cond3A_249 = arith.constant 0 : i32
      %cond3A_250 = arith.cmpi ne, %convert_element_type3A_248, %cond3A_249 : i32
      scf.if %cond3A_250 {
        "tpu.region"() ({
          %run_scoped3A_256 = tpu.sem_alloc : memref<!tpu.dma_semaphore, #tpu.memory_space<semaphore_mem>>
          %dma_start3A_257 = arith.constant 0 : i32
          %dma_start3A_258 = tpu.memref_slice %arg7[%add3A_90, %dma_start3A_257] : memref<10000x128xf32, #tpu.memory_space<hbm>> -> memref<208x128xf32, #tpu.memory_space<hbm>>
          %dma_start3A_259 = arith.constant 0 : i32
          %dma_start3A_260 = tpu.memref_slice %arg14[%mul3A_0, %dma_start3A_259] : memref<3344x128xf32, #tpu.memory_space<vmem_shared>> -> memref<208x128xf32, #tpu.memory_space<vmem_shared>>
          tpu.enqueue_dma source(%dma_start3A_260 : memref<208x128xf32, #tpu.memory_space<vmem_shared>>) target(%dma_start3A_258 : memref<208x128xf32, #tpu.memory_space<hbm>>) target_semaphore(%run_scoped3A_256 : memref<!tpu.dma_semaphore, #tpu.memory_space<semaphore_mem>>)
          %dma_wait3A_261 = arith.constant 0 : i32
          %dma_wait3A_262 = tpu.memref_slice %arg7[%add3A_90, %dma_wait3A_261] : memref<10000x128xf32, #tpu.memory_space<hbm>> -> memref<208x128xf32, #tpu.memory_space<hbm>>
          %dma_wait3A_263 = arith.constant 0 : i32
          %dma_wait3A_264 = tpu.memref_slice %arg14[%mul3A_0, %dma_wait3A_263] : memref<3344x128xf32, #tpu.memory_space<vmem_shared>> -> memref<208x128xf32, #tpu.memory_space<vmem_shared>>
          tpu.wait_dma2 semaphore(%run_scoped3A_256 : memref<!tpu.dma_semaphore, #tpu.memory_space<semaphore_mem>>) src(%dma_wait3A_264 : memref<208x128xf32, #tpu.memory_space<vmem_shared>>) dst(%dma_wait3A_262 : memref<208x128xf32, #tpu.memory_space<hbm>>)
          tpu.yield
        }) : () -> ()
      } else {
      }
      %eq3A_251 = arith.constant 15 : i32
      %eq3A_252 = arith.cmpi eq, %arg1, %eq3A_251 : i32
      %convert_element_type3A_253 = arith.extui %eq3A_252 : i1 to i32
      %cond3A_254 = arith.constant 0 : i32
      %cond3A_255 = arith.cmpi ne, %convert_element_type3A_253, %cond3A_254 : i32
      scf.if %cond3A_255 {
        "tpu.region"() ({
          %run_scoped3A_256 = tpu.sem_alloc : memref<!tpu.dma_semaphore, #tpu.memory_space<semaphore_mem>>
          %dma_start3A_257 = arith.constant 0 : i32
          %dma_start3A_258 = tpu.memref_slice %arg7[%add3A_90, %dma_start3A_257] : memref<10000x128xf32, #tpu.memory_space<hbm>> -> memref<216x128xf32, #tpu.memory_space<hbm>>
          %dma_start3A_259 = arith.constant 0 : i32
          %dma_start3A_260 = tpu.memref_slice %arg14[%mul3A_0, %dma_start3A_259] : memref<3344x128xf32, #tpu.memory_space<vmem_shared>> -> memref<216x128xf32, #tpu.memory_space<vmem_shared>>
          tpu.enqueue_dma source(%dma_start3A_260 : memref<216x128xf32, #tpu.memory_space<vmem_shared>>) target(%dma_start3A_258 : memref<216x128xf32, #tpu.memory_space<hbm>>) target_semaphore(%run_scoped3A_256 : memref<!tpu.dma_semaphore, #tpu.memory_space<semaphore_mem>>)
          %dma_wait3A_261 = arith.constant 0 : i32
          %dma_wait3A_262 = tpu.memref_slice %arg7[%add3A_90, %dma_wait3A_261] : memref<10000x128xf32, #tpu.memory_space<hbm>> -> memref<216x128xf32, #tpu.memory_space<hbm>>
          %dma_wait3A_263 = arith.constant 0 : i32
          %dma_wait3A_264 = tpu.memref_slice %arg14[%mul3A_0, %dma_wait3A_263] : memref<3344x128xf32, #tpu.memory_space<vmem_shared>> -> memref<216x128xf32, #tpu.memory_space<vmem_shared>>
          tpu.wait_dma2 semaphore(%run_scoped3A_256 : memref<!tpu.dma_semaphore, #tpu.memory_space<semaphore_mem>>) src(%dma_wait3A_264 : memref<216x128xf32, #tpu.memory_space<vmem_shared>>) dst(%dma_wait3A_262 : memref<216x128xf32, #tpu.memory_space<hbm>>)
          tpu.yield
        }) : () -> ()
      } else {
      }
    } else {
    }
    %eq3A_96 = arith.constant 1 : i32
    %eq3A_97 = arith.cmpi eq, %arg0, %eq3A_96 : i32
    %convert_element_type3A_98 = arith.extui %eq3A_97 : i1 to i32
    %cond3A_99 = arith.constant 0 : i32
    %cond3A_100 = arith.cmpi ne, %convert_element_type3A_98, %cond3A_99 : i32
    scf.if %cond3A_100 {
      %lt3A_246 = arith.constant 15 : i32
      %lt3A_247 = arith.cmpi slt, %arg1, %lt3A_246 : i32
      %convert_element_type3A_248 = arith.extui %lt3A_247 : i1 to i32
      %cond3A_249 = arith.constant 0 : i32
      %cond3A_250 = arith.cmpi ne, %convert_element_type3A_248, %cond3A_249 : i32
      scf.if %cond3A_250 {
        "tpu.region"() ({
          %run_scoped3A_256 = tpu.sem_alloc : memref<!tpu.dma_semaphore, #tpu.memory_space<semaphore_mem>>
          %dma_start3A_257 = arith.constant 0 : i32
          %dma_start3A_258 = tpu.memref_slice %arg8[%add3A_90, %dma_start3A_257] : memref<10000x128xf32, #tpu.memory_space<hbm>> -> memref<208x128xf32, #tpu.memory_space<hbm>>
          %dma_start3A_259 = arith.constant 0 : i32
          %dma_start3A_260 = tpu.memref_slice %arg14[%mul3A_0, %dma_start3A_259] : memref<3344x128xf32, #tpu.memory_space<vmem_shared>> -> memref<208x128xf32, #tpu.memory_space<vmem_shared>>
          tpu.enqueue_dma source(%dma_start3A_260 : memref<208x128xf32, #tpu.memory_space<vmem_shared>>) target(%dma_start3A_258 : memref<208x128xf32, #tpu.memory_space<hbm>>) target_semaphore(%run_scoped3A_256 : memref<!tpu.dma_semaphore, #tpu.memory_space<semaphore_mem>>)
          %dma_wait3A_261 = arith.constant 0 : i32
          %dma_wait3A_262 = tpu.memref_slice %arg8[%add3A_90, %dma_wait3A_261] : memref<10000x128xf32, #tpu.memory_space<hbm>> -> memref<208x128xf32, #tpu.memory_space<hbm>>
          %dma_wait3A_263 = arith.constant 0 : i32
          %dma_wait3A_264 = tpu.memref_slice %arg14[%mul3A_0, %dma_wait3A_263] : memref<3344x128xf32, #tpu.memory_space<vmem_shared>> -> memref<208x128xf32, #tpu.memory_space<vmem_shared>>
          tpu.wait_dma2 semaphore(%run_scoped3A_256 : memref<!tpu.dma_semaphore, #tpu.memory_space<semaphore_mem>>) src(%dma_wait3A_264 : memref<208x128xf32, #tpu.memory_space<vmem_shared>>) dst(%dma_wait3A_262 : memref<208x128xf32, #tpu.memory_space<hbm>>)
          tpu.yield
        }) : () -> ()
      } else {
      }
      %eq3A_251 = arith.constant 15 : i32
      %eq3A_252 = arith.cmpi eq, %arg1, %eq3A_251 : i32
      %convert_element_type3A_253 = arith.extui %eq3A_252 : i1 to i32
      %cond3A_254 = arith.constant 0 : i32
      %cond3A_255 = arith.cmpi ne, %convert_element_type3A_253, %cond3A_254 : i32
      scf.if %cond3A_255 {
        "tpu.region"() ({
          %run_scoped3A_256 = tpu.sem_alloc : memref<!tpu.dma_semaphore, #tpu.memory_space<semaphore_mem>>
          %dma_start3A_257 = arith.constant 0 : i32
          %dma_start3A_258 = tpu.memref_slice %arg8[%add3A_90, %dma_start3A_257] : memref<10000x128xf32, #tpu.memory_space<hbm>> -> memref<216x128xf32, #tpu.memory_space<hbm>>
          %dma_start3A_259 = arith.constant 0 : i32
          %dma_start3A_260 = tpu.memref_slice %arg14[%mul3A_0, %dma_start3A_259] : memref<3344x128xf32, #tpu.memory_space<vmem_shared>> -> memref<216x128xf32, #tpu.memory_space<vmem_shared>>
          tpu.enqueue_dma source(%dma_start3A_260 : memref<216x128xf32, #tpu.memory_space<vmem_shared>>) target(%dma_start3A_258 : memref<216x128xf32, #tpu.memory_space<hbm>>) target_semaphore(%run_scoped3A_256 : memref<!tpu.dma_semaphore, #tpu.memory_space<semaphore_mem>>)
          %dma_wait3A_261 = arith.constant 0 : i32
          %dma_wait3A_262 = tpu.memref_slice %arg8[%add3A_90, %dma_wait3A_261] : memref<10000x128xf32, #tpu.memory_space<hbm>> -> memref<216x128xf32, #tpu.memory_space<hbm>>
          %dma_wait3A_263 = arith.constant 0 : i32
          %dma_wait3A_264 = tpu.memref_slice %arg14[%mul3A_0, %dma_wait3A_263] : memref<3344x128xf32, #tpu.memory_space<vmem_shared>> -> memref<216x128xf32, #tpu.memory_space<vmem_shared>>
          tpu.wait_dma2 semaphore(%run_scoped3A_256 : memref<!tpu.dma_semaphore, #tpu.memory_space<semaphore_mem>>) src(%dma_wait3A_264 : memref<216x128xf32, #tpu.memory_space<vmem_shared>>) dst(%dma_wait3A_262 : memref<216x128xf32, #tpu.memory_space<hbm>>)
          tpu.yield
        }) : () -> ()
      } else {
      }
    } else {
    }
    "tpu.region"() ({
      %run_scoped3A_246 = tpu.sem_alloc : memref<!tpu.dma_semaphore, #tpu.memory_space<semaphore_mem>>
      %dma_start3A_247 = arith.constant 0 : i32
      %dma_start3A_248 = arith.constant 0 : i32
      %dma_start3A_249 = tpu.memref_slice %arg5[%arg1, %dma_start3A_247, %dma_start3A_248] : memref<16x125x80xi32, #tpu.memory_space<hbm>> -> memref<1x125x80xi32, #tpu.memory_space<hbm>>
      %dma_start3A_250 = tpu.memref_squeeze %dma_start3A_249 : memref<1x125x80xi32, #tpu.memory_space<hbm>> -> memref<125x80xi32, #tpu.memory_space<hbm>>
      %dma_start3A_251 = arith.constant 0 : i32
      %dma_start3A_252 = arith.constant 0 : i32
      %dma_start3A_253 = tpu.memref_slice %arg5[%arg1, %dma_start3A_251, %dma_start3A_252] : memref<16x125x80xi32, #tpu.memory_space<hbm>> -> memref<1x125x80xi32, #tpu.memory_space<hbm>>
      %dma_start3A_254 = tpu.memref_squeeze %dma_start3A_253 : memref<1x125x80xi32, #tpu.memory_space<hbm>> -> memref<125x80xi32, #tpu.memory_space<hbm>>
      tpu.enqueue_dma source(%dma_start3A_254 : memref<125x80xi32, #tpu.memory_space<hbm>>) target(%arg11 : memref<125x80xi32, #tpu.memory_space<vmem>>) target_semaphore(%run_scoped3A_246 : memref<!tpu.dma_semaphore, #tpu.memory_space<semaphore_mem>>)
      %dma_wait3A_255 = arith.constant 0 : i32
      %dma_wait3A_256 = arith.constant 0 : i32
      %dma_wait3A_257 = tpu.memref_slice %arg5[%arg1, %dma_wait3A_255, %dma_wait3A_256] : memref<16x125x80xi32, #tpu.memory_space<hbm>> -> memref<1x125x80xi32, #tpu.memory_space<hbm>>
      %dma_wait3A_258 = tpu.memref_squeeze %dma_wait3A_257 : memref<1x125x80xi32, #tpu.memory_space<hbm>> -> memref<125x80xi32, #tpu.memory_space<hbm>>
      %dma_wait3A_259 = arith.constant 0 : i32
      %dma_wait3A_260 = arith.constant 0 : i32
      %dma_wait3A_261 = tpu.memref_slice %arg5[%arg1, %dma_wait3A_259, %dma_wait3A_260] : memref<16x125x80xi32, #tpu.memory_space<hbm>> -> memref<1x125x80xi32, #tpu.memory_space<hbm>>
      %dma_wait3A_262 = tpu.memref_squeeze %dma_wait3A_261 : memref<1x125x80xi32, #tpu.memory_space<hbm>> -> memref<125x80xi32, #tpu.memory_space<hbm>>
      tpu.wait_dma2 semaphore(%run_scoped3A_246 : memref<!tpu.dma_semaphore, #tpu.memory_space<semaphore_mem>>) src(%dma_wait3A_262 : memref<125x80xi32, #tpu.memory_space<hbm>>) dst(%arg11 : memref<125x80xi32, #tpu.memory_space<vmem>>)
      tpu.yield
    }) : () -> ()
    %scan3A_101 = arith.constant 0 : i32
    %scan3A_102 = arith.constant 0 : i32
    %scan3A_103 = arith.constant 125 : i32
    %scan3A_104 = arith.addi %scan3A_102, %scan3A_103 : i32
    %scan3A_105 = arith.constant 1 : i32
    scf.for %scan3A_246 = %scan3A_102 to %scan3A_104 step %scan3A_105  : i32 {
      %get3A = arith.index_cast %scan3A_246 : i32 to index
      %get3A_247 = arith.constant 0 : index
      %get3A_248 = tpu.vector_load %arg11[%get3A, %get3A_247] {strides = array<i32>} : memref<125x80xi32, #tpu.memory_space<vmem>>, vector<1x16xi32>,
      %get3A_249 = vector.shape_cast %get3A_248 : vector<1x16xi32> to vector<16xi32>
      %and3A = arith.constant 7 : i32
      %and3A_250 = vector.broadcast %and3A : i32 to vector<16xi32>
      %and3A_251 = arith.andi %get3A_249, %and3A_250 : vector<16xi32>
      %add3A_252 = arith.constant 3336 : i32
      %add3A_253 = vector.broadcast %add3A_252 : i32 to vector<16xi32>
      %add3A_254 = arith.addi %add3A_253, %and3A_251 : vector<16xi32>
      %ge3A = arith.constant 6672 : i32
      %ge3A_255 = vector.broadcast %ge3A : i32 to vector<16xi32>
      %ge3A_256 = arith.cmpi sge, %get3A_249, %ge3A_255 : vector<16xi32>
      %lt3A_257 = arith.constant 10008 : i32
      %lt3A_258 = vector.broadcast %lt3A_257 : i32 to vector<16xi32>
      %lt3A_259 = arith.cmpi slt, %get3A_249, %lt3A_258 : vector<16xi32>
      %and3A_260 = arith.andi %ge3A_256, %lt3A_259 : vector<16xi1>
      %sub3A = arith.constant 6672 : i32
      %sub3A_261 = vector.broadcast %sub3A : i32 to vector<16xi32>
      %sub3A_262 = arith.subi %get3A_249, %sub3A_261 : vector<16xi32>
      %select_n3A = arith.select %and3A_260, %sub3A_262, %add3A_254 : vector<16xi1>, vector<16xi32>
      %swap3A = arith.index_cast %scan3A_246 : i32 to index
      %swap3A_263 = arith.constant 0 : index
      %swap3A_264 = tpu.vector_load %arg11[%swap3A, %swap3A_263] {strides = array<i32>} : memref<125x80xi32, #tpu.memory_space<vmem>>, vector<1x16xi32>,
      %swap3A_265 = vector.shape_cast %swap3A_264 : vector<1x16xi32> to vector<16xi32>
      %swap3A_266 = vector.shape_cast %select_n3A : vector<16xi32> to vector<1x16xi32>
      tpu.vector_store %arg11[%swap3A, %swap3A_263], %swap3A_266 {strides = array<i32>} : memref<125x80xi32, #tpu.memory_space<vmem>>, vector<1x16xi32>,
      %get3A_267 = arith.index_cast %scan3A_246 : i32 to index
      %get3A_268 = arith.constant 16 : index
      %get3A_269 = tpu.vector_load %arg11[%get3A_267, %get3A_268] {strides = array<i32>} : memref<125x80xi32, #tpu.memory_space<vmem>>, vector<1x16xi32>,
      %get3A_270 = vector.shape_cast %get3A_269 : vector<1x16xi32> to vector<16xi32>
      %and3A_271 = arith.constant 7 : i32
      %and3A_272 = vector.broadcast %and3A_271 : i32 to vector<16xi32>
      %and3A_273 = arith.andi %get3A_270, %and3A_272 : vector<16xi32>
      %add3A_274 = arith.constant 3336 : i32
      %add3A_275 = vector.broadcast %add3A_274 : i32 to vector<16xi32>
      %add3A_276 = arith.addi %add3A_275, %and3A_273 : vector<16xi32>
      %ge3A_277 = arith.constant 6672 : i32
      %ge3A_278 = vector.broadcast %ge3A_277 : i32 to vector<16xi32>
      %ge3A_279 = arith.cmpi sge, %get3A_270, %ge3A_278 : vector<16xi32>
      %lt3A_280 = arith.constant 10008 : i32
      %lt3A_281 = vector.broadcast %lt3A_280 : i32 to vector<16xi32>
      %lt3A_282 = arith.cmpi slt, %get3A_270, %lt3A_281 : vector<16xi32>
      %and3A_283 = arith.andi %ge3A_279, %lt3A_282 : vector<16xi1>
      %sub3A_284 = arith.constant 6672 : i32
      %sub3A_285 = vector.broadcast %sub3A_284 : i32 to vector<16xi32>
      %sub3A_286 = arith.subi %get3A_270, %sub3A_285 : vector<16xi32>
      %select_n3A_287 = arith.select %and3A_283, %sub3A_286, %add3A_276 : vector<16xi1>, vector<16xi32>
      %swap3A_288 = arith.index_cast %scan3A_246 : i32 to index
      %swap3A_289 = arith.constant 16 : index
      %swap3A_290 = tpu.vector_load %arg11[%swap3A_288, %swap3A_289] {strides = array<i32>} : memref<125x80xi32, #tpu.memory_space<vmem>>, vector<1x16xi32>,
      %swap3A_291 = vector.shape_cast %swap3A_290 : vector<1x16xi32> to vector<16xi32>
      %swap3A_292 = vector.shape_cast %select_n3A_287 : vector<16xi32> to vector<1x16xi32>
      tpu.vector_store %arg11[%swap3A_288, %swap3A_289], %swap3A_292 {strides = array<i32>} : memref<125x80xi32, #tpu.memory_space<vmem>>, vector<1x16xi32>,
      %get3A_293 = arith.index_cast %scan3A_246 : i32 to index
      %get3A_294 = arith.constant 32 : index
      %get3A_295 = tpu.vector_load %arg11[%get3A_293, %get3A_294] {strides = array<i32>} : memref<125x80xi32, #tpu.memory_space<vmem>>, vector<1x16xi32>,
      %get3A_296 = vector.shape_cast %get3A_295 : vector<1x16xi32> to vector<16xi32>
      %and3A_297 = arith.constant 7 : i32
      %and3A_298 = vector.broadcast %and3A_297 : i32 to vector<16xi32>
      %and3A_299 = arith.andi %get3A_296, %and3A_298 : vector<16xi32>
      %add3A_300 = arith.constant 3336 : i32
      %add3A_301 = vector.broadcast %add3A_300 : i32 to vector<16xi32>
      %add3A_302 = arith.addi %add3A_301, %and3A_299 : vector<16xi32>
      %ge3A_303 = arith.constant 6672 : i32
      %ge3A_304 = vector.broadcast %ge3A_303 : i32 to vector<16xi32>
      %ge3A_305 = arith.cmpi sge, %get3A_296, %ge3A_304 : vector<16xi32>
      %lt3A_306 = arith.constant 10008 : i32
      %lt3A_307 = vector.broadcast %lt3A_306 : i32 to vector<16xi32>
      %lt3A_308 = arith.cmpi slt, %get3A_296, %lt3A_307 : vector<16xi32>
      %and3A_309 = arith.andi %ge3A_305, %lt3A_308 : vector<16xi1>
      %sub3A_310 = arith.constant 6672 : i32
      %sub3A_311 = vector.broadcast %sub3A_310 : i32 to vector<16xi32>
      %sub3A_312 = arith.subi %get3A_296, %sub3A_311 : vector<16xi32>
      %select_n3A_313 = arith.select %and3A_309, %sub3A_312, %add3A_302 : vector<16xi1>, vector<16xi32>
      %swap3A_314 = arith.index_cast %scan3A_246 : i32 to index
      %swap3A_315 = arith.constant 32 : index
      %swap3A_316 = tpu.vector_load %arg11[%swap3A_314, %swap3A_315] {strides = array<i32>} : memref<125x80xi32, #tpu.memory_space<vmem>>, vector<1x16xi32>,
      %swap3A_317 = vector.shape_cast %swap3A_316 : vector<1x16xi32> to vector<16xi32>
      %swap3A_318 = vector.shape_cast %select_n3A_313 : vector<16xi32> to vector<1x16xi32>
      tpu.vector_store %arg11[%swap3A_314, %swap3A_315], %swap3A_318 {strides = array<i32>} : memref<125x80xi32, #tpu.memory_space<vmem>>, vector<1x16xi32>,
      %get3A_319 = arith.index_cast %scan3A_246 : i32 to index
      %get3A_320 = arith.constant 48 : index
      %get3A_321 = tpu.vector_load %arg11[%get3A_319, %get3A_320] {strides = array<i32>} : memref<125x80xi32, #tpu.memory_space<vmem>>, vector<1x16xi32>,
      %get3A_322 = vector.shape_cast %get3A_321 : vector<1x16xi32> to vector<16xi32>
      %and3A_323 = arith.constant 7 : i32
      %and3A_324 = vector.broadcast %and3A_323 : i32 to vector<16xi32>
      %and3A_325 = arith.andi %get3A_322, %and3A_324 : vector<16xi32>
      %add3A_326 = arith.constant 3336 : i32
      %add3A_327 = vector.broadcast %add3A_326 : i32 to vector<16xi32>
      %add3A_328 = arith.addi %add3A_327, %and3A_325 : vector<16xi32>
      %ge3A_329 = arith.constant 6672 : i32
      %ge3A_330 = vector.broadcast %ge3A_329 : i32 to vector<16xi32>
      %ge3A_331 = arith.cmpi sge, %get3A_322, %ge3A_330 : vector<16xi32>
      %lt3A_332 = arith.constant 10008 : i32
      %lt3A_333 = vector.broadcast %lt3A_332 : i32 to vector<16xi32>
      %lt3A_334 = arith.cmpi slt, %get3A_322, %lt3A_333 : vector<16xi32>
      %and3A_335 = arith.andi %ge3A_331, %lt3A_334 : vector<16xi1>
      %sub3A_336 = arith.constant 6672 : i32
      %sub3A_337 = vector.broadcast %sub3A_336 : i32 to vector<16xi32>
      %sub3A_338 = arith.subi %get3A_322, %sub3A_337 : vector<16xi32>
      %select_n3A_339 = arith.select %and3A_335, %sub3A_338, %add3A_328 : vector<16xi1>, vector<16xi32>
      %swap3A_340 = arith.index_cast %scan3A_246 : i32 to index
      %swap3A_341 = arith.constant 48 : index
      %swap3A_342 = tpu.vector_load %arg11[%swap3A_340, %swap3A_341] {strides = array<i32>} : memref<125x80xi32, #tpu.memory_space<vmem>>, vector<1x16xi32>,
      %swap3A_343 = vector.shape_cast %swap3A_342 : vector<1x16xi32> to vector<16xi32>
      %swap3A_344 = vector.shape_cast %select_n3A_339 : vector<16xi32> to vector<1x16xi32>
      tpu.vector_store %arg11[%swap3A_340, %swap3A_341], %swap3A_344 {strides = array<i32>} : memref<125x80xi32, #tpu.memory_space<vmem>>, vector<1x16xi32>,
      %get3A_345 = arith.index_cast %scan3A_246 : i32 to index
      %get3A_346 = arith.constant 64 : index
      %get3A_347 = tpu.vector_load %arg11[%get3A_345, %get3A_346] {strides = array<i32>} : memref<125x80xi32, #tpu.memory_space<vmem>>, vector<1x16xi32>,
      %get3A_348 = vector.shape_cast %get3A_347 : vector<1x16xi32> to vector<16xi32>
      %and3A_349 = arith.constant 7 : i32
      %and3A_350 = vector.broadcast %and3A_349 : i32 to vector<16xi32>
      %and3A_351 = arith.andi %get3A_348, %and3A_350 : vector<16xi32>
      %add3A_352 = arith.constant 3336 : i32
      %add3A_353 = vector.broadcast %add3A_352 : i32 to vector<16xi32>
      %add3A_354 = arith.addi %add3A_353, %and3A_351 : vector<16xi32>
      %ge3A_355 = arith.constant 6672 : i32
      %ge3A_356 = vector.broadcast %ge3A_355 : i32 to vector<16xi32>
      %ge3A_357 = arith.cmpi sge, %get3A_348, %ge3A_356 : vector<16xi32>
      %lt3A_358 = arith.constant 10008 : i32
      %lt3A_359 = vector.broadcast %lt3A_358 : i32 to vector<16xi32>
      %lt3A_360 = arith.cmpi slt, %get3A_348, %lt3A_359 : vector<16xi32>
      %and3A_361 = arith.andi %ge3A_357, %lt3A_360 : vector<16xi1>
      %sub3A_362 = arith.constant 6672 : i32
      %sub3A_363 = vector.broadcast %sub3A_362 : i32 to vector<16xi32>
      %sub3A_364 = arith.subi %get3A_348, %sub3A_363 : vector<16xi32>
      %select_n3A_365 = arith.select %and3A_361, %sub3A_364, %add3A_354 : vector<16xi1>, vector<16xi32>
      %swap3A_366 = arith.index_cast %scan3A_246 : i32 to index
      %swap3A_367 = arith.constant 64 : index
      %swap3A_368 = tpu.vector_load %arg11[%swap3A_366, %swap3A_367] {strides = array<i32>} : memref<125x80xi32, #tpu.memory_space<vmem>>, vector<1x16xi32>,
      %swap3A_369 = vector.shape_cast %swap3A_368 : vector<1x16xi32> to vector<16xi32>
      %swap3A_370 = vector.shape_cast %select_n3A_365 : vector<16xi32> to vector<1x16xi32>
      tpu.vector_store %arg11[%swap3A_366, %swap3A_367], %swap3A_370 {strides = array<i32>} : memref<125x80xi32, #tpu.memory_space<vmem>>, vector<1x16xi32>,
    }
    %scan3A_106 = arith.constant 125 : i32
    %lt3A_107 = arith.constant 15 : i32
    %lt3A_108 = arith.cmpi slt, %arg1, %lt3A_107 : i32
    %convert_element_type3A_109 = arith.extui %lt3A_108 : i1 to i32
    %cond3A_110 = arith.constant 0 : i32
    %cond3A_111 = arith.cmpi ne, %convert_element_type3A_109, %cond3A_110 : i32
    scf.if %cond3A_111 {
      "tpu.region"() ({
        %run_scoped3A_246 = tpu.sem_alloc : memref<!tpu.dma_semaphore, #tpu.memory_space<semaphore_mem>>
        %dma_start3A_247 = arith.constant 0 : i32
        %dma_start3A_248 = tpu.memref_slice %arg14[%mul3A_0, %dma_start3A_247] : memref<3344x128xf32, #tpu.memory_space<vmem_shared>> -> memref<208x128xf32, #tpu.memory_space<vmem_shared>>
        %dma_start3A_249 = arith.constant 0 : i32
        %dma_start3A_250 = arith.constant 0 : i32
        %dma_start3A_251 = tpu.memref_slice %arg6[%dma_start3A_249, %dma_start3A_250] : memref<224x128xf32, #tpu.memory_space<hbm>> -> memref<208x128xf32, #tpu.memory_space<hbm>>
        tpu.enqueue_dma source(%dma_start3A_251 : memref<208x128xf32, #tpu.memory_space<hbm>>) target(%dma_start3A_248 : memref<208x128xf32, #tpu.memory_space<vmem_shared>>) target_semaphore(%run_scoped3A_246 : memref<!tpu.dma_semaphore, #tpu.memory_space<semaphore_mem>>)
        %dma_wait3A_252 = arith.constant 0 : i32
        %dma_wait3A_253 = tpu.memref_slice %arg14[%mul3A_0, %dma_wait3A_252] : memref<3344x128xf32, #tpu.memory_space<vmem_shared>> -> memref<208x128xf32, #tpu.memory_space<vmem_shared>>
        %dma_wait3A_254 = arith.constant 0 : i32
        %dma_wait3A_255 = arith.constant 0 : i32
        %dma_wait3A_256 = tpu.memref_slice %arg6[%dma_wait3A_254, %dma_wait3A_255] : memref<224x128xf32, #tpu.memory_space<hbm>> -> memref<208x128xf32, #tpu.memory_space<hbm>>
        tpu.wait_dma2 semaphore(%run_scoped3A_246 : memref<!tpu.dma_semaphore, #tpu.memory_space<semaphore_mem>>) src(%dma_wait3A_256 : memref<208x128xf32, #tpu.memory_space<hbm>>) dst(%dma_wait3A_253 : memref<208x128xf32, #tpu.memory_space<vmem_shared>>)
        tpu.yield
      }) : () -> ()
    } else {
    }
    %eq3A_112 = arith.constant 15 : i32
    %eq3A_113 = arith.cmpi eq, %arg1, %eq3A_112 : i32
    %convert_element_type3A_114 = arith.extui %eq3A_113 : i1 to i32
    %cond3A_115 = arith.constant 0 : i32
    %cond3A_116 = arith.cmpi ne, %convert_element_type3A_114, %cond3A_115 : i32
    scf.if %cond3A_116 {
      "tpu.region"() ({
        %run_scoped3A_246 = tpu.sem_alloc : memref<!tpu.dma_semaphore, #tpu.memory_space<semaphore_mem>>
        %dma_start3A_247 = arith.constant 0 : i32
        %dma_start3A_248 = tpu.memref_slice %arg14[%mul3A_0, %dma_start3A_247] : memref<3344x128xf32, #tpu.memory_space<vmem_shared>> -> memref<224x128xf32, #tpu.memory_space<vmem_shared>>
        %dma_start3A_249 = arith.constant 0 : i32
        %dma_start3A_250 = arith.constant 0 : i32
        %dma_start3A_251 = tpu.memref_slice %arg6[%dma_start3A_249, %dma_start3A_250] : memref<224x128xf32, #tpu.memory_space<hbm>> -> memref<224x128xf32, #tpu.memory_space<hbm>>
        tpu.enqueue_dma source(%dma_start3A_251 : memref<224x128xf32, #tpu.memory_space<hbm>>) target(%dma_start3A_248 : memref<224x128xf32, #tpu.memory_space<vmem_shared>>) target_semaphore(%run_scoped3A_246 : memref<!tpu.dma_semaphore, #tpu.memory_space<semaphore_mem>>)
        %dma_wait3A_252 = arith.constant 0 : i32
        %dma_wait3A_253 = tpu.memref_slice %arg14[%mul3A_0, %dma_wait3A_252] : memref<3344x128xf32, #tpu.memory_space<vmem_shared>> -> memref<224x128xf32, #tpu.memory_space<vmem_shared>>
        %dma_wait3A_254 = arith.constant 0 : i32
        %dma_wait3A_255 = arith.constant 0 : i32
        %dma_wait3A_256 = tpu.memref_slice %arg6[%dma_wait3A_254, %dma_wait3A_255] : memref<224x128xf32, #tpu.memory_space<hbm>> -> memref<224x128xf32, #tpu.memory_space<hbm>>
        tpu.wait_dma2 semaphore(%run_scoped3A_246 : memref<!tpu.dma_semaphore, #tpu.memory_space<semaphore_mem>>) src(%dma_wait3A_256 : memref<224x128xf32, #tpu.memory_space<hbm>>) dst(%dma_wait3A_253 : memref<224x128xf32, #tpu.memory_space<vmem_shared>>)
        tpu.yield
      }) : () -> ()
    } else {
    }
    %barrier3A_117 = arith.constant 0 : index
    tpu.barrier barrier_id(%barrier3A_117)
    %dma_start3A_118 = arith.constant 0 : i32
    %dma_start3A_119 = arith.constant 0 : i32
    %dma_start3A_120 = tpu.memref_slice %arg10[%dma_start3A_118, %dma_start3A_119] : memref<125x80xi32, #tpu.memory_space<vmem>> -> memref<1x80xi32, #tpu.memory_space<vmem>>
    %dma_start3A_121 = tpu.memref_squeeze %dma_start3A_120 : memref<1x80xi32, #tpu.memory_space<vmem>> -> memref<80xi32, #tpu.memory_space<vmem>>
    %dma_start3A_122 = arith.constant 0 : i32
    %dma_start3A_123 = arith.constant 0 : i32
    %dma_start3A_124 = tpu.memref_slice %arg2[%dma_start3A_122, %dma_start3A_123] : memref<20000x128xf32, #tpu.memory_space<hbm>> -> memref<20000x128xf32, #tpu.memory_space<hbm>>
    tpu.enqueue_indirect_dma source(%dma_start3A_124 : memref<20000x128xf32, #tpu.memory_space<hbm>>) target(%arg12 : memref<80x128xf32, #tpu.memory_space<vmem>>) offsets(%dma_start3A_121 : memref<80xi32, #tpu.memory_space<vmem>>) semaphore(%arg15 : memref<!tpu.dma_semaphore, #tpu.memory_space<semaphore_mem>>)
    %scan3A_125 = arith.constant 0 : i32
    %scan3A_126 = arith.constant 0 : i32
    %scan3A_127 = arith.constant 62 : i32
    %scan3A_128 = arith.addi %scan3A_126, %scan3A_127 : i32
    %scan3A_129 = arith.constant 1 : i32
    scf.for %scan3A_246 = %scan3A_126 to %scan3A_128 step %scan3A_129  : i32 {
      %mul3A_247 = arith.constant 2 : i32
      %mul3A_248 = arith.muli %mul3A_247, %scan3A_246 : i32
      %add3A_249 = arith.constant 1 : i32
      %add3A_250 = arith.addi %mul3A_248, %add3A_249 : i32
      %dma_start3A_251 = arith.constant 0 : i32
      %dma_start3A_252 = tpu.memref_slice %arg10[%add3A_250, %dma_start3A_251] : memref<125x80xi32, #tpu.memory_space<vmem>> -> memref<1x80xi32, #tpu.memory_space<vmem>>
      %dma_start3A_253 = tpu.memref_squeeze %dma_start3A_252 : memref<1x80xi32, #tpu.memory_space<vmem>> -> memref<80xi32, #tpu.memory_space<vmem>>
      %dma_start3A_254 = arith.constant 0 : i32
      %dma_start3A_255 = arith.constant 0 : i32
      %dma_start3A_256 = tpu.memref_slice %arg2[%dma_start3A_254, %dma_start3A_255] : memref<20000x128xf32, #tpu.memory_space<hbm>> -> memref<20000x128xf32, #tpu.memory_space<hbm>>
      tpu.enqueue_indirect_dma source(%dma_start3A_256 : memref<20000x128xf32, #tpu.memory_space<hbm>>) target(%arg13 : memref<80x128xf32, #tpu.memory_space<vmem>>) offsets(%dma_start3A_253 : memref<80xi32, #tpu.memory_space<vmem>>) semaphore(%arg16 : memref<!tpu.dma_semaphore, #tpu.memory_space<semaphore_mem>>)
      %dma_wait3A_257 = arith.constant 0 : i32
      %dma_wait3A_258 = arith.constant 0 : i32
      %dma_wait3A_259 = tpu.memref_slice %arg2[%dma_wait3A_257, %dma_wait3A_258] : memref<20000x128xf32, #tpu.memory_space<hbm>> -> memref<80x128xf32, #tpu.memory_space<hbm>>
      %dma_wait3A_260 = arith.constant 0 : i32
      %dma_wait3A_261 = arith.constant 0 : i32
      %dma_wait3A_262 = tpu.memref_slice %arg2[%dma_wait3A_260, %dma_wait3A_261] : memref<20000x128xf32, #tpu.memory_space<hbm>> -> memref<80x128xf32, #tpu.memory_space<hbm>>
      tpu.wait_dma2 semaphore(%arg15 : memref<!tpu.dma_semaphore, #tpu.memory_space<semaphore_mem>>) src(%dma_wait3A_262 : memref<80x128xf32, #tpu.memory_space<hbm>>) dst(%arg12 : memref<80x128xf32, #tpu.memory_space<vmem>>)
      "tpu.region"() ({
        %run_scoped3A_279 = tpu.sem_alloc : memref<!tpu.dma_semaphore, #tpu.memory_space<semaphore_mem>>
        %dma_start3A_280 = arith.constant 0 : i32
        %dma_start3A_281 = tpu.memref_slice %arg11[%mul3A_248, %dma_start3A_280] : memref<125x80xi32, #tpu.memory_space<vmem>> -> memref<1x80xi32, #tpu.memory_space<vmem>>
        %dma_start3A_282 = tpu.memref_squeeze %dma_start3A_281 : memref<1x80xi32, #tpu.memory_space<vmem>> -> memref<80xi32, #tpu.memory_space<vmem>>
        %dma_start3A_283 = arith.constant 0 : i32
        %dma_start3A_284 = arith.constant 0 : i32
        %dma_start3A_285 = tpu.memref_slice %arg14[%dma_start3A_283, %dma_start3A_284] : memref<3344x128xf32, #tpu.memory_space<vmem_shared>> -> memref<3344x128xf32, #tpu.memory_space<vmem_shared>>
        tpu.enqueue_indirect_dma source(%arg12 : memref<80x128xf32, #tpu.memory_space<vmem>>) target(%dma_start3A_285 : memref<3344x128xf32, #tpu.memory_space<vmem_shared>>) offsets(%dma_start3A_282 : memref<80xi32, #tpu.memory_space<vmem>>) semaphore(%run_scoped3A_279 : memref<!tpu.dma_semaphore, #tpu.memory_space<semaphore_mem>>) {add = true}
        %dma_wait3A_286 = arith.constant 0 : i32
        %dma_wait3A_287 = tpu.memref_slice %arg11[%mul3A_248, %dma_wait3A_286] : memref<125x80xi32, #tpu.memory_space<vmem>> -> memref<1x80xi32, #tpu.memory_space<vmem>>
        %dma_wait3A_288 = tpu.memref_squeeze %dma_wait3A_287 : memref<1x80xi32, #tpu.memory_space<vmem>> -> memref<80xi32, #tpu.memory_space<vmem>>
        %dma_wait3A_289 = arith.constant 0 : i32
        %dma_wait3A_290 = arith.constant 0 : i32
        %dma_wait3A_291 = tpu.memref_slice %arg14[%dma_wait3A_289, %dma_wait3A_290] : memref<3344x128xf32, #tpu.memory_space<vmem_shared>> -> memref<3344x128xf32, #tpu.memory_space<vmem_shared>>
        tpu.wait_indirect_dma semaphore(%run_scoped3A_279 : memref<!tpu.dma_semaphore, #tpu.memory_space<semaphore_mem>>) src(%arg12 : memref<80x128xf32, #tpu.memory_space<vmem>>) dst(%dma_wait3A_291 : memref<3344x128xf32, #tpu.memory_space<vmem_shared>>)
        tpu.yield
      }) : () -> ()
      %add3A_263 = arith.constant 2 : i32
      %add3A_264 = arith.addi %mul3A_248, %add3A_263 : i32
      %dma_start3A_265 = arith.constant 0 : i32
      %dma_start3A_266 = tpu.memref_slice %arg10[%add3A_264, %dma_start3A_265] : memref<125x80xi32, #tpu.memory_space<vmem>> -> memref<1x80xi32, #tpu.memory_space<vmem>>
      %dma_start3A_267 = tpu.memref_squeeze %dma_start3A_266 : memref<1x80xi32, #tpu.memory_space<vmem>> -> memref<80xi32, #tpu.memory_space<vmem>>
      %dma_start3A_268 = arith.constant 0 : i32
      %dma_start3A_269 = arith.constant 0 : i32
      %dma_start3A_270 = tpu.memref_slice %arg2[%dma_start3A_268, %dma_start3A_269] : memref<20000x128xf32, #tpu.memory_space<hbm>> -> memref<20000x128xf32, #tpu.memory_space<hbm>>
      tpu.enqueue_indirect_dma source(%dma_start3A_270 : memref<20000x128xf32, #tpu.memory_space<hbm>>) target(%arg12 : memref<80x128xf32, #tpu.memory_space<vmem>>) offsets(%dma_start3A_267 : memref<80xi32, #tpu.memory_space<vmem>>) semaphore(%arg15 : memref<!tpu.dma_semaphore, #tpu.memory_space<semaphore_mem>>)
      %dma_wait3A_271 = arith.constant 0 : i32
      %dma_wait3A_272 = arith.constant 0 : i32
      %dma_wait3A_273 = tpu.memref_slice %arg2[%dma_wait3A_271, %dma_wait3A_272] : memref<20000x128xf32, #tpu.memory_space<hbm>> -> memref<80x128xf32, #tpu.memory_space<hbm>>
      %dma_wait3A_274 = arith.constant 0 : i32
      %dma_wait3A_275 = arith.constant 0 : i32
      %dma_wait3A_276 = tpu.memref_slice %arg2[%dma_wait3A_274, %dma_wait3A_275] : memref<20000x128xf32, #tpu.memory_space<hbm>> -> memref<80x128xf32, #tpu.memory_space<hbm>>
      tpu.wait_dma2 semaphore(%arg16 : memref<!tpu.dma_semaphore, #tpu.memory_space<semaphore_mem>>) src(%dma_wait3A_276 : memref<80x128xf32, #tpu.memory_space<hbm>>) dst(%arg13 : memref<80x128xf32, #tpu.memory_space<vmem>>)
      %add3A_277 = arith.constant 1 : i32
      %add3A_278 = arith.addi %mul3A_248, %add3A_277 : i32
      "tpu.region"() ({
        %run_scoped3A_279 = tpu.sem_alloc : memref<!tpu.dma_semaphore, #tpu.memory_space<semaphore_mem>>
        %dma_start3A_280 = arith.constant 0 : i32
        %dma_start3A_281 = tpu.memref_slice %arg11[%add3A_278, %dma_start3A_280] : memref<125x80xi32, #tpu.memory_space<vmem>> -> memref<1x80xi32, #tpu.memory_space<vmem>>
        %dma_start3A_282 = tpu.memref_squeeze %dma_start3A_281 : memref<1x80xi32, #tpu.memory_space<vmem>> -> memref<80xi32, #tpu.memory_space<vmem>>
        %dma_start3A_283 = arith.constant 0 : i32
        %dma_start3A_284 = arith.constant 0 : i32
        %dma_start3A_285 = tpu.memref_slice %arg14[%dma_start3A_283, %dma_start3A_284] : memref<3344x128xf32, #tpu.memory_space<vmem_shared>> -> memref<3344x128xf32, #tpu.memory_space<vmem_shared>>
        tpu.enqueue_indirect_dma source(%arg13 : memref<80x128xf32, #tpu.memory_space<vmem>>) target(%dma_start3A_285 : memref<3344x128xf32, #tpu.memory_space<vmem_shared>>) offsets(%dma_start3A_282 : memref<80xi32, #tpu.memory_space<vmem>>) semaphore(%run_scoped3A_279 : memref<!tpu.dma_semaphore, #tpu.memory_space<semaphore_mem>>) {add = true}
        %dma_wait3A_286 = arith.constant 0 : i32
        %dma_wait3A_287 = tpu.memref_slice %arg11[%add3A_278, %dma_wait3A_286] : memref<125x80xi32, #tpu.memory_space<vmem>> -> memref<1x80xi32, #tpu.memory_space<vmem>>
        %dma_wait3A_288 = tpu.memref_squeeze %dma_wait3A_287 : memref<1x80xi32, #tpu.memory_space<vmem>> -> memref<80xi32, #tpu.memory_space<vmem>>
        %dma_wait3A_289 = arith.constant 0 : i32
        %dma_wait3A_290 = arith.constant 0 : i32
        %dma_wait3A_291 = tpu.memref_slice %arg14[%dma_wait3A_289, %dma_wait3A_290] : memref<3344x128xf32, #tpu.memory_space<vmem_shared>> -> memref<3344x128xf32, #tpu.memory_space<vmem_shared>>
        tpu.wait_indirect_dma semaphore(%run_scoped3A_279 : memref<!tpu.dma_semaphore, #tpu.memory_space<semaphore_mem>>) src(%arg13 : memref<80x128xf32, #tpu.memory_space<vmem>>) dst(%dma_wait3A_291 : memref<3344x128xf32, #tpu.memory_space<vmem_shared>>)
        tpu.yield
      }) : () -> ()
    }
    %scan3A_130 = arith.constant 62 : i32
    %dma_wait3A_131 = arith.constant 0 : i32
    %dma_wait3A_132 = arith.constant 0 : i32
    %dma_wait3A_133 = tpu.memref_slice %arg2[%dma_wait3A_131, %dma_wait3A_132] : memref<20000x128xf32, #tpu.memory_space<hbm>> -> memref<80x128xf32, #tpu.memory_space<hbm>>
    %dma_wait3A_134 = arith.constant 0 : i32
    %dma_wait3A_135 = arith.constant 0 : i32
    %dma_wait3A_136 = tpu.memref_slice %arg2[%dma_wait3A_134, %dma_wait3A_135] : memref<20000x128xf32, #tpu.memory_space<hbm>> -> memref<80x128xf32, #tpu.memory_space<hbm>>
    tpu.wait_dma2 semaphore(%arg15 : memref<!tpu.dma_semaphore, #tpu.memory_space<semaphore_mem>>) src(%dma_wait3A_136 : memref<80x128xf32, #tpu.memory_space<hbm>>) dst(%arg12 : memref<80x128xf32, #tpu.memory_space<vmem>>)
    %run_scoped3A_137 = arith.constant 124 : i32
    "tpu.region"() ({
      %run_scoped3A_246 = tpu.sem_alloc : memref<!tpu.dma_semaphore, #tpu.memory_space<semaphore_mem>>
      %dma_start3A_247 = arith.constant 0 : i32
      %dma_start3A_248 = tpu.memref_slice %arg11[%run_scoped3A_137, %dma_start3A_247] : memref<125x80xi32, #tpu.memory_space<vmem>> -> memref<1x80xi32, #tpu.memory_space<vmem>>
      %dma_start3A_249 = tpu.memref_squeeze %dma_start3A_248 : memref<1x80xi32, #tpu.memory_space<vmem>> -> memref<80xi32, #tpu.memory_space<vmem>>
      %dma_start3A_250 = arith.constant 0 : i32
      %dma_start3A_251 = arith.constant 0 : i32
      %dma_start3A_252 = tpu.memref_slice %arg14[%dma_start3A_250, %dma_start3A_251] : memref<3344x128xf32, #tpu.memory_space<vmem_shared>> -> memref<3344x128xf32, #tpu.memory_space<vmem_shared>>
      tpu.enqueue_indirect_dma source(%arg12 : memref<80x128xf32, #tpu.memory_space<vmem>>) target(%dma_start3A_252 : memref<3344x128xf32, #tpu.memory_space<vmem_shared>>) offsets(%dma_start3A_249 : memref<80xi32, #tpu.memory_space<vmem>>) semaphore(%run_scoped3A_246 : memref<!tpu.dma_semaphore, #tpu.memory_space<semaphore_mem>>) {add = true}
      %dma_wait3A_253 = arith.constant 0 : i32
      %dma_wait3A_254 = tpu.memref_slice %arg11[%run_scoped3A_137, %dma_wait3A_253] : memref<125x80xi32, #tpu.memory_space<vmem>> -> memref<1x80xi32, #tpu.memory_space<vmem>>
      %dma_wait3A_255 = tpu.memref_squeeze %dma_wait3A_254 : memref<1x80xi32, #tpu.memory_space<vmem>> -> memref<80xi32, #tpu.memory_space<vmem>>
      %dma_wait3A_256 = arith.constant 0 : i32
      %dma_wait3A_257 = arith.constant 0 : i32
      %dma_wait3A_258 = tpu.memref_slice %arg14[%dma_wait3A_256, %dma_wait3A_257] : memref<3344x128xf32, #tpu.memory_space<vmem_shared>> -> memref<3344x128xf32, #tpu.memory_space<vmem_shared>>
      tpu.wait_indirect_dma semaphore(%run_scoped3A_246 : memref<!tpu.dma_semaphore, #tpu.memory_space<semaphore_mem>>) src(%arg12 : memref<80x128xf32, #tpu.memory_space<vmem>>) dst(%dma_wait3A_258 : memref<3344x128xf32, #tpu.memory_space<vmem_shared>>)
      tpu.yield
    }) : () -> ()
    %barrier3A_138 = arith.constant 0 : index
    tpu.barrier barrier_id(%barrier3A_138)
    %add3A_139 = arith.constant 6672 : i32
    %add3A_140 = arith.addi %add3A_139, %mul3A_0 : i32
    %eq3A_141 = arith.constant 0 : i32
    %eq3A_142 = arith.cmpi eq, %arg0, %eq3A_141 : i32
    %convert_element_type3A_143 = arith.extui %eq3A_142 : i1 to i32
    %cond3A_144 = arith.constant 0 : i32
    %cond3A_145 = arith.cmpi ne, %convert_element_type3A_143, %cond3A_144 : i32
    scf.if %cond3A_145 {
      %lt3A_246 = arith.constant 15 : i32
      %lt3A_247 = arith.cmpi slt, %arg1, %lt3A_246 : i32
      %convert_element_type3A_248 = arith.extui %lt3A_247 : i1 to i32
      %cond3A_249 = arith.constant 0 : i32
      %cond3A_250 = arith.cmpi ne, %convert_element_type3A_248, %cond3A_249 : i32
      scf.if %cond3A_250 {
        "tpu.region"() ({
          %run_scoped3A_256 = tpu.sem_alloc : memref<!tpu.dma_semaphore, #tpu.memory_space<semaphore_mem>>
          %dma_start3A_257 = arith.constant 0 : i32
          %dma_start3A_258 = tpu.memref_slice %arg7[%add3A_140, %dma_start3A_257] : memref<10000x128xf32, #tpu.memory_space<hbm>> -> memref<208x128xf32, #tpu.memory_space<hbm>>
          %dma_start3A_259 = arith.constant 0 : i32
          %dma_start3A_260 = tpu.memref_slice %arg14[%mul3A_0, %dma_start3A_259] : memref<3344x128xf32, #tpu.memory_space<vmem_shared>> -> memref<208x128xf32, #tpu.memory_space<vmem_shared>>
          tpu.enqueue_dma source(%dma_start3A_260 : memref<208x128xf32, #tpu.memory_space<vmem_shared>>) target(%dma_start3A_258 : memref<208x128xf32, #tpu.memory_space<hbm>>) target_semaphore(%run_scoped3A_256 : memref<!tpu.dma_semaphore, #tpu.memory_space<semaphore_mem>>)
          %dma_wait3A_261 = arith.constant 0 : i32
          %dma_wait3A_262 = tpu.memref_slice %arg7[%add3A_140, %dma_wait3A_261] : memref<10000x128xf32, #tpu.memory_space<hbm>> -> memref<208x128xf32, #tpu.memory_space<hbm>>
          %dma_wait3A_263 = arith.constant 0 : i32
          %dma_wait3A_264 = tpu.memref_slice %arg14[%mul3A_0, %dma_wait3A_263] : memref<3344x128xf32, #tpu.memory_space<vmem_shared>> -> memref<208x128xf32, #tpu.memory_space<vmem_shared>>
          tpu.wait_dma2 semaphore(%run_scoped3A_256 : memref<!tpu.dma_semaphore, #tpu.memory_space<semaphore_mem>>) src(%dma_wait3A_264 : memref<208x128xf32, #tpu.memory_space<vmem_shared>>) dst(%dma_wait3A_262 : memref<208x128xf32, #tpu.memory_space<hbm>>)
          tpu.yield
        }) : () -> ()
      } else {
      }
      %eq3A_251 = arith.constant 15 : i32
      %eq3A_252 = arith.cmpi eq, %arg1, %eq3A_251 : i32
      %convert_element_type3A_253 = arith.extui %eq3A_252 : i1 to i32
      %cond3A_254 = arith.constant 0 : i32
      %cond3A_255 = arith.cmpi ne, %convert_element_type3A_253, %cond3A_254 : i32
      scf.if %cond3A_255 {
        "tpu.region"() ({
          %run_scoped3A_256 = tpu.sem_alloc : memref<!tpu.dma_semaphore, #tpu.memory_space<semaphore_mem>>
          %dma_start3A_257 = arith.constant 0 : i32
          %dma_start3A_258 = tpu.memref_slice %arg7[%add3A_140, %dma_start3A_257] : memref<10000x128xf32, #tpu.memory_space<hbm>> -> memref<208x128xf32, #tpu.memory_space<hbm>>
          %dma_start3A_259 = arith.constant 0 : i32
          %dma_start3A_260 = tpu.memref_slice %arg14[%mul3A_0, %dma_start3A_259] : memref<3344x128xf32, #tpu.memory_space<vmem_shared>> -> memref<208x128xf32, #tpu.memory_space<vmem_shared>>
          tpu.enqueue_dma source(%dma_start3A_260 : memref<208x128xf32, #tpu.memory_space<vmem_shared>>) target(%dma_start3A_258 : memref<208x128xf32, #tpu.memory_space<hbm>>) target_semaphore(%run_scoped3A_256 : memref<!tpu.dma_semaphore, #tpu.memory_space<semaphore_mem>>)
          %dma_wait3A_261 = arith.constant 0 : i32
          %dma_wait3A_262 = tpu.memref_slice %arg7[%add3A_140, %dma_wait3A_261] : memref<10000x128xf32, #tpu.memory_space<hbm>> -> memref<208x128xf32, #tpu.memory_space<hbm>>
          %dma_wait3A_263 = arith.constant 0 : i32
          %dma_wait3A_264 = tpu.memref_slice %arg14[%mul3A_0, %dma_wait3A_263] : memref<3344x128xf32, #tpu.memory_space<vmem_shared>> -> memref<208x128xf32, #tpu.memory_space<vmem_shared>>
          tpu.wait_dma2 semaphore(%run_scoped3A_256 : memref<!tpu.dma_semaphore, #tpu.memory_space<semaphore_mem>>) src(%dma_wait3A_264 : memref<208x128xf32, #tpu.memory_space<vmem_shared>>) dst(%dma_wait3A_262 : memref<208x128xf32, #tpu.memory_space<hbm>>)
          tpu.yield
        }) : () -> ()
      } else {
      }
    } else {
    }
    %eq3A_146 = arith.constant 1 : i32
    %eq3A_147 = arith.cmpi eq, %arg0, %eq3A_146 : i32
    %convert_element_type3A_148 = arith.extui %eq3A_147 : i1 to i32
    %cond3A_149 = arith.constant 0 : i32
    %cond3A_150 = arith.cmpi ne, %convert_element_type3A_148, %cond3A_149 : i32
    scf.if %cond3A_150 {
      %lt3A_246 = arith.constant 15 : i32
      %lt3A_247 = arith.cmpi slt, %arg1, %lt3A_246 : i32
      %convert_element_type3A_248 = arith.extui %lt3A_247 : i1 to i32
      %cond3A_249 = arith.constant 0 : i32
      %cond3A_250 = arith.cmpi ne, %convert_element_type3A_248, %cond3A_249 : i32
      scf.if %cond3A_250 {
        "tpu.region"() ({
          %run_scoped3A_256 = tpu.sem_alloc : memref<!tpu.dma_semaphore, #tpu.memory_space<semaphore_mem>>
          %dma_start3A_257 = arith.constant 0 : i32
          %dma_start3A_258 = tpu.memref_slice %arg8[%add3A_140, %dma_start3A_257] : memref<10000x128xf32, #tpu.memory_space<hbm>> -> memref<208x128xf32, #tpu.memory_space<hbm>>
          %dma_start3A_259 = arith.constant 0 : i32
          %dma_start3A_260 = tpu.memref_slice %arg14[%mul3A_0, %dma_start3A_259] : memref<3344x128xf32, #tpu.memory_space<vmem_shared>> -> memref<208x128xf32, #tpu.memory_space<vmem_shared>>
          tpu.enqueue_dma source(%dma_start3A_260 : memref<208x128xf32, #tpu.memory_space<vmem_shared>>) target(%dma_start3A_258 : memref<208x128xf32, #tpu.memory_space<hbm>>) target_semaphore(%run_scoped3A_256 : memref<!tpu.dma_semaphore, #tpu.memory_space<semaphore_mem>>)
          %dma_wait3A_261 = arith.constant 0 : i32
          %dma_wait3A_262 = tpu.memref_slice %arg8[%add3A_140, %dma_wait3A_261] : memref<10000x128xf32, #tpu.memory_space<hbm>> -> memref<208x128xf32, #tpu.memory_space<hbm>>
          %dma_wait3A_263 = arith.constant 0 : i32
          %dma_wait3A_264 = tpu.memref_slice %arg14[%mul3A_0, %dma_wait3A_263] : memref<3344x128xf32, #tpu.memory_space<vmem_shared>> -> memref<208x128xf32, #tpu.memory_space<vmem_shared>>
          tpu.wait_dma2 semaphore(%run_scoped3A_256 : memref<!tpu.dma_semaphore, #tpu.memory_space<semaphore_mem>>) src(%dma_wait3A_264 : memref<208x128xf32, #tpu.memory_space<vmem_shared>>) dst(%dma_wait3A_262 : memref<208x128xf32, #tpu.memory_space<hbm>>)
          tpu.yield
        }) : () -> ()
      } else {
      }
      %eq3A_251 = arith.constant 15 : i32
      %eq3A_252 = arith.cmpi eq, %arg1, %eq3A_251 : i32
      %convert_element_type3A_253 = arith.extui %eq3A_252 : i1 to i32
      %cond3A_254 = arith.constant 0 : i32
      %cond3A_255 = arith.cmpi ne, %convert_element_type3A_253, %cond3A_254 : i32
      scf.if %cond3A_255 {
        "tpu.region"() ({
          %run_scoped3A_256 = tpu.sem_alloc : memref<!tpu.dma_semaphore, #tpu.memory_space<semaphore_mem>>
          %dma_start3A_257 = arith.constant 0 : i32
          %dma_start3A_258 = tpu.memref_slice %arg8[%add3A_140, %dma_start3A_257] : memref<10000x128xf32, #tpu.memory_space<hbm>> -> memref<208x128xf32, #tpu.memory_space<hbm>>
          %dma_start3A_259 = arith.constant 0 : i32
          %dma_start3A_260 = tpu.memref_slice %arg14[%mul3A_0, %dma_start3A_259] : memref<3344x128xf32, #tpu.memory_space<vmem_shared>> -> memref<208x128xf32, #tpu.memory_space<vmem_shared>>
          tpu.enqueue_dma source(%dma_start3A_260 : memref<208x128xf32, #tpu.memory_space<vmem_shared>>) target(%dma_start3A_258 : memref<208x128xf32, #tpu.memory_space<hbm>>) target_semaphore(%run_scoped3A_256 : memref<!tpu.dma_semaphore, #tpu.memory_space<semaphore_mem>>)
          %dma_wait3A_261 = arith.constant 0 : i32
          %dma_wait3A_262 = tpu.memref_slice %arg8[%add3A_140, %dma_wait3A_261] : memref<10000x128xf32, #tpu.memory_space<hbm>> -> memref<208x128xf32, #tpu.memory_space<hbm>>
          %dma_wait3A_263 = arith.constant 0 : i32
          %dma_wait3A_264 = tpu.memref_slice %arg14[%mul3A_0, %dma_wait3A_263] : memref<3344x128xf32, #tpu.memory_space<vmem_shared>> -> memref<208x128xf32, #tpu.memory_space<vmem_shared>>
          tpu.wait_dma2 semaphore(%run_scoped3A_256 : memref<!tpu.dma_semaphore, #tpu.memory_space<semaphore_mem>>) src(%dma_wait3A_264 : memref<208x128xf32, #tpu.memory_space<vmem_shared>>) dst(%dma_wait3A_262 : memref<208x128xf32, #tpu.memory_space<hbm>>)
          tpu.yield
        }) : () -> ()
      } else {
      }
    } else {
    }
    %scan3A_151 = arith.constant 0 : i32
    %scan3A_152 = arith.constant 0 : i32
    %scan3A_153 = arith.constant 80 : i32
    %scan3A_154 = arith.addi %scan3A_152, %scan3A_153 : i32
    %scan3A_155 = arith.constant 1 : i32
    scf.for %scan3A_246 = %scan3A_152 to %scan3A_154 step %scan3A_155  : i32 {
      %broadcast_in_dim3A = arith.constant 1.000000e+00 : f32
      %broadcast_in_dim3A_247 = vector.broadcast %broadcast_in_dim3A : f32 to vector<16xf32>
      %swap3A = arith.index_cast %scan3A_246 : i32 to index
      %swap3A_248 = arith.constant 0 : index
      %swap3A_249 = tpu.vector_load %arg12[%swap3A, %swap3A_248] {strides = array<i32>} : memref<80x128xf32, #tpu.memory_space<vmem>>, vector<1x16xf32>,
      %swap3A_250 = vector.shape_cast %swap3A_249 : vector<1x16xf32> to vector<16xf32>
      %swap3A_251 = vector.shape_cast %broadcast_in_dim3A_247 : vector<16xf32> to vector<1x16xf32>
      tpu.vector_store %arg12[%swap3A, %swap3A_248], %swap3A_251 {strides = array<i32>} : memref<80x128xf32, #tpu.memory_space<vmem>>, vector<1x16xf32>,
      %broadcast_in_dim3A_252 = arith.constant 1.000000e+00 : f32
      %broadcast_in_dim3A_253 = vector.broadcast %broadcast_in_dim3A_252 : f32 to vector<16xf32>
      %swap3A_254 = arith.index_cast %scan3A_246 : i32 to index
      %swap3A_255 = arith.constant 16 : index
      %swap3A_256 = tpu.vector_load %arg12[%swap3A_254, %swap3A_255] {strides = array<i32>} : memref<80x128xf32, #tpu.memory_space<vmem>>, vector<1x16xf32>,
      %swap3A_257 = vector.shape_cast %swap3A_256 : vector<1x16xf32> to vector<16xf32>
      %swap3A_258 = vector.shape_cast %broadcast_in_dim3A_253 : vector<16xf32> to vector<1x16xf32>
      tpu.vector_store %arg12[%swap3A_254, %swap3A_255], %swap3A_258 {strides = array<i32>} : memref<80x128xf32, #tpu.memory_space<vmem>>, vector<1x16xf32>,
      %broadcast_in_dim3A_259 = arith.constant 1.000000e+00 : f32
      %broadcast_in_dim3A_260 = vector.broadcast %broadcast_in_dim3A_259 : f32 to vector<16xf32>
      %swap3A_261 = arith.index_cast %scan3A_246 : i32 to index
      %swap3A_262 = arith.constant 32 : index
      %swap3A_263 = tpu.vector_load %arg12[%swap3A_261, %swap3A_262] {strides = array<i32>} : memref<80x128xf32, #tpu.memory_space<vmem>>, vector<1x16xf32>,
      %swap3A_264 = vector.shape_cast %swap3A_263 : vector<1x16xf32> to vector<16xf32>
      %swap3A_265 = vector.shape_cast %broadcast_in_dim3A_260 : vector<16xf32> to vector<1x16xf32>
      tpu.vector_store %arg12[%swap3A_261, %swap3A_262], %swap3A_265 {strides = array<i32>} : memref<80x128xf32, #tpu.memory_space<vmem>>, vector<1x16xf32>,
      %broadcast_in_dim3A_266 = arith.constant 1.000000e+00 : f32
      %broadcast_in_dim3A_267 = vector.broadcast %broadcast_in_dim3A_266 : f32 to vector<16xf32>
      %swap3A_268 = arith.index_cast %scan3A_246 : i32 to index
      %swap3A_269 = arith.constant 48 : index
      %swap3A_270 = tpu.vector_load %arg12[%swap3A_268, %swap3A_269] {strides = array<i32>} : memref<80x128xf32, #tpu.memory_space<vmem>>, vector<1x16xf32>,
      %swap3A_271 = vector.shape_cast %swap3A_270 : vector<1x16xf32> to vector<16xf32>
      %swap3A_272 = vector.shape_cast %broadcast_in_dim3A_267 : vector<16xf32> to vector<1x16xf32>
      tpu.vector_store %arg12[%swap3A_268, %swap3A_269], %swap3A_272 {strides = array<i32>} : memref<80x128xf32, #tpu.memory_space<vmem>>, vector<1x16xf32>,
      %broadcast_in_dim3A_273 = arith.constant 1.000000e+00 : f32
      %broadcast_in_dim3A_274 = vector.broadcast %broadcast_in_dim3A_273 : f32 to vector<16xf32>
      %swap3A_275 = arith.index_cast %scan3A_246 : i32 to index
      %swap3A_276 = arith.constant 64 : index
      %swap3A_277 = tpu.vector_load %arg12[%swap3A_275, %swap3A_276] {strides = array<i32>} : memref<80x128xf32, #tpu.memory_space<vmem>>, vector<1x16xf32>,
      %swap3A_278 = vector.shape_cast %swap3A_277 : vector<1x16xf32> to vector<16xf32>
      %swap3A_279 = vector.shape_cast %broadcast_in_dim3A_274 : vector<16xf32> to vector<1x16xf32>
      tpu.vector_store %arg12[%swap3A_275, %swap3A_276], %swap3A_279 {strides = array<i32>} : memref<80x128xf32, #tpu.memory_space<vmem>>, vector<1x16xf32>,
      %broadcast_in_dim3A_280 = arith.constant 1.000000e+00 : f32
      %broadcast_in_dim3A_281 = vector.broadcast %broadcast_in_dim3A_280 : f32 to vector<16xf32>
      %swap3A_282 = arith.index_cast %scan3A_246 : i32 to index
      %swap3A_283 = arith.constant 80 : index
      %swap3A_284 = tpu.vector_load %arg12[%swap3A_282, %swap3A_283] {strides = array<i32>} : memref<80x128xf32, #tpu.memory_space<vmem>>, vector<1x16xf32>,
      %swap3A_285 = vector.shape_cast %swap3A_284 : vector<1x16xf32> to vector<16xf32>
      %swap3A_286 = vector.shape_cast %broadcast_in_dim3A_281 : vector<16xf32> to vector<1x16xf32>
      tpu.vector_store %arg12[%swap3A_282, %swap3A_283], %swap3A_286 {strides = array<i32>} : memref<80x128xf32, #tpu.memory_space<vmem>>, vector<1x16xf32>,
      %broadcast_in_dim3A_287 = arith.constant 1.000000e+00 : f32
      %broadcast_in_dim3A_288 = vector.broadcast %broadcast_in_dim3A_287 : f32 to vector<16xf32>
      %swap3A_289 = arith.index_cast %scan3A_246 : i32 to index
      %swap3A_290 = arith.constant 96 : index
      %swap3A_291 = tpu.vector_load %arg12[%swap3A_289, %swap3A_290] {strides = array<i32>} : memref<80x128xf32, #tpu.memory_space<vmem>>, vector<1x16xf32>,
      %swap3A_292 = vector.shape_cast %swap3A_291 : vector<1x16xf32> to vector<16xf32>
      %swap3A_293 = vector.shape_cast %broadcast_in_dim3A_288 : vector<16xf32> to vector<1x16xf32>
      tpu.vector_store %arg12[%swap3A_289, %swap3A_290], %swap3A_293 {strides = array<i32>} : memref<80x128xf32, #tpu.memory_space<vmem>>, vector<1x16xf32>,
      %broadcast_in_dim3A_294 = arith.constant 1.000000e+00 : f32
      %broadcast_in_dim3A_295 = vector.broadcast %broadcast_in_dim3A_294 : f32 to vector<16xf32>
      %swap3A_296 = arith.index_cast %scan3A_246 : i32 to index
      %swap3A_297 = arith.constant 112 : index
      %swap3A_298 = tpu.vector_load %arg12[%swap3A_296, %swap3A_297] {strides = array<i32>} : memref<80x128xf32, #tpu.memory_space<vmem>>, vector<1x16xf32>,
      %swap3A_299 = vector.shape_cast %swap3A_298 : vector<1x16xf32> to vector<16xf32>
      %swap3A_300 = vector.shape_cast %broadcast_in_dim3A_295 : vector<16xf32> to vector<1x16xf32>
      tpu.vector_store %arg12[%swap3A_296, %swap3A_297], %swap3A_300 {strides = array<i32>} : memref<80x128xf32, #tpu.memory_space<vmem>>, vector<1x16xf32>,
    }
    %scan3A_156 = arith.constant 80 : i32
    %mul3A_157 = arith.constant 2 : i32
    %mul3A_158 = arith.muli %arg0, %mul3A_157 : i32
    %add3A_159 = arith.constant 0 : i32
    %add3A_160 = arith.addi %mul3A_158, %add3A_159 : i32
    %min3A = arith.constant 2 : i32
    %min3A_161 = arith.minsi %add3A_160, %min3A : i32
    %mul3A_162 = arith.constant 3336 : i32
    %mul3A_163 = arith.muli %min3A_161, %mul3A_162 : i32
    "tpu.region"() ({
      %run_scoped3A_246 = tpu.sem_alloc : memref<!tpu.dma_semaphore, #tpu.memory_space<semaphore_mem>>
      %dma_start3A_247 = arith.constant 0 : i32
      %dma_start3A_248 = arith.constant 0 : i32
      %dma_start3A_249 = tpu.memref_slice %arg5[%arg1, %dma_start3A_247, %dma_start3A_248] : memref<16x125x80xi32, #tpu.memory_space<hbm>> -> memref<1x125x80xi32, #tpu.memory_space<hbm>>
      %dma_start3A_250 = tpu.memref_squeeze %dma_start3A_249 : memref<1x125x80xi32, #tpu.memory_space<hbm>> -> memref<125x80xi32, #tpu.memory_space<hbm>>
      %dma_start3A_251 = arith.constant 0 : i32
      %dma_start3A_252 = arith.constant 0 : i32
      %dma_start3A_253 = tpu.memref_slice %arg5[%arg1, %dma_start3A_251, %dma_start3A_252] : memref<16x125x80xi32, #tpu.memory_space<hbm>> -> memref<1x125x80xi32, #tpu.memory_space<hbm>>
      %dma_start3A_254 = tpu.memref_squeeze %dma_start3A_253 : memref<1x125x80xi32, #tpu.memory_space<hbm>> -> memref<125x80xi32, #tpu.memory_space<hbm>>
      tpu.enqueue_dma source(%dma_start3A_254 : memref<125x80xi32, #tpu.memory_space<hbm>>) target(%arg11 : memref<125x80xi32, #tpu.memory_space<vmem>>) target_semaphore(%run_scoped3A_246 : memref<!tpu.dma_semaphore, #tpu.memory_space<semaphore_mem>>)
      %dma_wait3A_255 = arith.constant 0 : i32
      %dma_wait3A_256 = arith.constant 0 : i32
      %dma_wait3A_257 = tpu.memref_slice %arg5[%arg1, %dma_wait3A_255, %dma_wait3A_256] : memref<16x125x80xi32, #tpu.memory_space<hbm>> -> memref<1x125x80xi32, #tpu.memory_space<hbm>>
      %dma_wait3A_258 = tpu.memref_squeeze %dma_wait3A_257 : memref<1x125x80xi32, #tpu.memory_space<hbm>> -> memref<125x80xi32, #tpu.memory_space<hbm>>
      %dma_wait3A_259 = arith.constant 0 : i32
      %dma_wait3A_260 = arith.constant 0 : i32
      %dma_wait3A_261 = tpu.memref_slice %arg5[%arg1, %dma_wait3A_259, %dma_wait3A_260] : memref<16x125x80xi32, #tpu.memory_space<hbm>> -> memref<1x125x80xi32, #tpu.memory_space<hbm>>
      %dma_wait3A_262 = tpu.memref_squeeze %dma_wait3A_261 : memref<1x125x80xi32, #tpu.memory_space<hbm>> -> memref<125x80xi32, #tpu.memory_space<hbm>>
      tpu.wait_dma2 semaphore(%run_scoped3A_246 : memref<!tpu.dma_semaphore, #tpu.memory_space<semaphore_mem>>) src(%dma_wait3A_262 : memref<125x80xi32, #tpu.memory_space<hbm>>) dst(%arg11 : memref<125x80xi32, #tpu.memory_space<vmem>>)
      tpu.yield
    }) : () -> ()
    %scan3A_164 = arith.constant 0 : i32
    %scan3A_165 = arith.constant 0 : i32
    %scan3A_166 = arith.constant 125 : i32
    %scan3A_167 = arith.addi %scan3A_165, %scan3A_166 : i32
    %scan3A_168 = arith.constant 1 : i32
    scf.for %scan3A_246 = %scan3A_165 to %scan3A_167 step %scan3A_168  : i32 {
      %get3A = arith.index_cast %scan3A_246 : i32 to index
      %get3A_247 = arith.constant 0 : index
      %get3A_248 = tpu.vector_load %arg11[%get3A, %get3A_247] {strides = array<i32>} : memref<125x80xi32, #tpu.memory_space<vmem>>, vector<1x16xi32>,
      %get3A_249 = vector.shape_cast %get3A_248 : vector<1x16xi32> to vector<16xi32>
      %and3A = arith.constant 7 : i32
      %and3A_250 = vector.broadcast %and3A : i32 to vector<16xi32>
      %and3A_251 = arith.andi %get3A_249, %and3A_250 : vector<16xi32>
      %add3A_252 = arith.constant 3336 : i32
      %add3A_253 = vector.broadcast %add3A_252 : i32 to vector<16xi32>
      %add3A_254 = arith.addi %add3A_253, %and3A_251 : vector<16xi32>
      %ge3A = vector.broadcast %mul3A_163 : i32 to vector<16xi32>
      %ge3A_255 = arith.cmpi sge, %get3A_249, %ge3A : vector<16xi32>
      %add3A_256 = arith.constant 3336 : i32
      %add3A_257 = arith.addi %mul3A_163, %add3A_256 : i32
      %lt3A_258 = vector.broadcast %add3A_257 : i32 to vector<16xi32>
      %lt3A_259 = arith.cmpi slt, %get3A_249, %lt3A_258 : vector<16xi32>
      %and3A_260 = arith.andi %ge3A_255, %lt3A_259 : vector<16xi1>
      %sub3A = vector.broadcast %mul3A_163 : i32 to vector<16xi32>
      %sub3A_261 = arith.subi %get3A_249, %sub3A : vector<16xi32>
      %select_n3A = arith.select %and3A_260, %sub3A_261, %add3A_254 : vector<16xi1>, vector<16xi32>
      %swap3A = arith.index_cast %scan3A_246 : i32 to index
      %swap3A_262 = arith.constant 0 : index
      %swap3A_263 = tpu.vector_load %arg11[%swap3A, %swap3A_262] {strides = array<i32>} : memref<125x80xi32, #tpu.memory_space<vmem>>, vector<1x16xi32>,
      %swap3A_264 = vector.shape_cast %swap3A_263 : vector<1x16xi32> to vector<16xi32>
      %swap3A_265 = vector.shape_cast %select_n3A : vector<16xi32> to vector<1x16xi32>
      tpu.vector_store %arg11[%swap3A, %swap3A_262], %swap3A_265 {strides = array<i32>} : memref<125x80xi32, #tpu.memory_space<vmem>>, vector<1x16xi32>,
      %get3A_266 = arith.index_cast %scan3A_246 : i32 to index
      %get3A_267 = arith.constant 16 : index
      %get3A_268 = tpu.vector_load %arg11[%get3A_266, %get3A_267] {strides = array<i32>} : memref<125x80xi32, #tpu.memory_space<vmem>>, vector<1x16xi32>,
      %get3A_269 = vector.shape_cast %get3A_268 : vector<1x16xi32> to vector<16xi32>
      %and3A_270 = arith.constant 7 : i32
      %and3A_271 = vector.broadcast %and3A_270 : i32 to vector<16xi32>
      %and3A_272 = arith.andi %get3A_269, %and3A_271 : vector<16xi32>
      %add3A_273 = arith.constant 3336 : i32
      %add3A_274 = vector.broadcast %add3A_273 : i32 to vector<16xi32>
      %add3A_275 = arith.addi %add3A_274, %and3A_272 : vector<16xi32>
      %ge3A_276 = vector.broadcast %mul3A_163 : i32 to vector<16xi32>
      %ge3A_277 = arith.cmpi sge, %get3A_269, %ge3A_276 : vector<16xi32>
      %add3A_278 = arith.constant 3336 : i32
      %add3A_279 = arith.addi %mul3A_163, %add3A_278 : i32
      %lt3A_280 = vector.broadcast %add3A_279 : i32 to vector<16xi32>
      %lt3A_281 = arith.cmpi slt, %get3A_269, %lt3A_280 : vector<16xi32>
      %and3A_282 = arith.andi %ge3A_277, %lt3A_281 : vector<16xi1>
      %sub3A_283 = vector.broadcast %mul3A_163 : i32 to vector<16xi32>
      %sub3A_284 = arith.subi %get3A_269, %sub3A_283 : vector<16xi32>
      %select_n3A_285 = arith.select %and3A_282, %sub3A_284, %add3A_275 : vector<16xi1>, vector<16xi32>
      %swap3A_286 = arith.index_cast %scan3A_246 : i32 to index
      %swap3A_287 = arith.constant 16 : index
      %swap3A_288 = tpu.vector_load %arg11[%swap3A_286, %swap3A_287] {strides = array<i32>} : memref<125x80xi32, #tpu.memory_space<vmem>>, vector<1x16xi32>,
      %swap3A_289 = vector.shape_cast %swap3A_288 : vector<1x16xi32> to vector<16xi32>
      %swap3A_290 = vector.shape_cast %select_n3A_285 : vector<16xi32> to vector<1x16xi32>
      tpu.vector_store %arg11[%swap3A_286, %swap3A_287], %swap3A_290 {strides = array<i32>} : memref<125x80xi32, #tpu.memory_space<vmem>>, vector<1x16xi32>,
      %get3A_291 = arith.index_cast %scan3A_246 : i32 to index
      %get3A_292 = arith.constant 32 : index
      %get3A_293 = tpu.vector_load %arg11[%get3A_291, %get3A_292] {strides = array<i32>} : memref<125x80xi32, #tpu.memory_space<vmem>>, vector<1x16xi32>,
      %get3A_294 = vector.shape_cast %get3A_293 : vector<1x16xi32> to vector<16xi32>
      %and3A_295 = arith.constant 7 : i32
      %and3A_296 = vector.broadcast %and3A_295 : i32 to vector<16xi32>
      %and3A_297 = arith.andi %get3A_294, %and3A_296 : vector<16xi32>
      %add3A_298 = arith.constant 3336 : i32
      %add3A_299 = vector.broadcast %add3A_298 : i32 to vector<16xi32>
      %add3A_300 = arith.addi %add3A_299, %and3A_297 : vector<16xi32>
      %ge3A_301 = vector.broadcast %mul3A_163 : i32 to vector<16xi32>
      %ge3A_302 = arith.cmpi sge, %get3A_294, %ge3A_301 : vector<16xi32>
      %add3A_303 = arith.constant 3336 : i32
      %add3A_304 = arith.addi %mul3A_163, %add3A_303 : i32
      %lt3A_305 = vector.broadcast %add3A_304 : i32 to vector<16xi32>
      %lt3A_306 = arith.cmpi slt, %get3A_294, %lt3A_305 : vector<16xi32>
      %and3A_307 = arith.andi %ge3A_302, %lt3A_306 : vector<16xi1>
      %sub3A_308 = vector.broadcast %mul3A_163 : i32 to vector<16xi32>
      %sub3A_309 = arith.subi %get3A_294, %sub3A_308 : vector<16xi32>
      %select_n3A_310 = arith.select %and3A_307, %sub3A_309, %add3A_300 : vector<16xi1>, vector<16xi32>
      %swap3A_311 = arith.index_cast %scan3A_246 : i32 to index
      %swap3A_312 = arith.constant 32 : index
      %swap3A_313 = tpu.vector_load %arg11[%swap3A_311, %swap3A_312] {strides = array<i32>} : memref<125x80xi32, #tpu.memory_space<vmem>>, vector<1x16xi32>,
      %swap3A_314 = vector.shape_cast %swap3A_313 : vector<1x16xi32> to vector<16xi32>
      %swap3A_315 = vector.shape_cast %select_n3A_310 : vector<16xi32> to vector<1x16xi32>
      tpu.vector_store %arg11[%swap3A_311, %swap3A_312], %swap3A_315 {strides = array<i32>} : memref<125x80xi32, #tpu.memory_space<vmem>>, vector<1x16xi32>,
      %get3A_316 = arith.index_cast %scan3A_246 : i32 to index
      %get3A_317 = arith.constant 48 : index
      %get3A_318 = tpu.vector_load %arg11[%get3A_316, %get3A_317] {strides = array<i32>} : memref<125x80xi32, #tpu.memory_space<vmem>>, vector<1x16xi32>,
      %get3A_319 = vector.shape_cast %get3A_318 : vector<1x16xi32> to vector<16xi32>
      %and3A_320 = arith.constant 7 : i32
      %and3A_321 = vector.broadcast %and3A_320 : i32 to vector<16xi32>
      %and3A_322 = arith.andi %get3A_319, %and3A_321 : vector<16xi32>
      %add3A_323 = arith.constant 3336 : i32
      %add3A_324 = vector.broadcast %add3A_323 : i32 to vector<16xi32>
      %add3A_325 = arith.addi %add3A_324, %and3A_322 : vector<16xi32>
      %ge3A_326 = vector.broadcast %mul3A_163 : i32 to vector<16xi32>
      %ge3A_327 = arith.cmpi sge, %get3A_319, %ge3A_326 : vector<16xi32>
      %add3A_328 = arith.constant 3336 : i32
      %add3A_329 = arith.addi %mul3A_163, %add3A_328 : i32
      %lt3A_330 = vector.broadcast %add3A_329 : i32 to vector<16xi32>
      %lt3A_331 = arith.cmpi slt, %get3A_319, %lt3A_330 : vector<16xi32>
      %and3A_332 = arith.andi %ge3A_327, %lt3A_331 : vector<16xi1>
      %sub3A_333 = vector.broadcast %mul3A_163 : i32 to vector<16xi32>
      %sub3A_334 = arith.subi %get3A_319, %sub3A_333 : vector<16xi32>
      %select_n3A_335 = arith.select %and3A_332, %sub3A_334, %add3A_325 : vector<16xi1>, vector<16xi32>
      %swap3A_336 = arith.index_cast %scan3A_246 : i32 to index
      %swap3A_337 = arith.constant 48 : index
      %swap3A_338 = tpu.vector_load %arg11[%swap3A_336, %swap3A_337] {strides = array<i32>} : memref<125x80xi32, #tpu.memory_space<vmem>>, vector<1x16xi32>,
      %swap3A_339 = vector.shape_cast %swap3A_338 : vector<1x16xi32> to vector<16xi32>
      %swap3A_340 = vector.shape_cast %select_n3A_335 : vector<16xi32> to vector<1x16xi32>
      tpu.vector_store %arg11[%swap3A_336, %swap3A_337], %swap3A_340 {strides = array<i32>} : memref<125x80xi32, #tpu.memory_space<vmem>>, vector<1x16xi32>,
      %get3A_341 = arith.index_cast %scan3A_246 : i32 to index
      %get3A_342 = arith.constant 64 : index
      %get3A_343 = tpu.vector_load %arg11[%get3A_341, %get3A_342] {strides = array<i32>} : memref<125x80xi32, #tpu.memory_space<vmem>>, vector<1x16xi32>,
      %get3A_344 = vector.shape_cast %get3A_343 : vector<1x16xi32> to vector<16xi32>
      %and3A_345 = arith.constant 7 : i32
      %and3A_346 = vector.broadcast %and3A_345 : i32 to vector<16xi32>
      %and3A_347 = arith.andi %get3A_344, %and3A_346 : vector<16xi32>
      %add3A_348 = arith.constant 3336 : i32
      %add3A_349 = vector.broadcast %add3A_348 : i32 to vector<16xi32>
      %add3A_350 = arith.addi %add3A_349, %and3A_347 : vector<16xi32>
      %ge3A_351 = vector.broadcast %mul3A_163 : i32 to vector<16xi32>
      %ge3A_352 = arith.cmpi sge, %get3A_344, %ge3A_351 : vector<16xi32>
      %add3A_353 = arith.constant 3336 : i32
      %add3A_354 = arith.addi %mul3A_163, %add3A_353 : i32
      %lt3A_355 = vector.broadcast %add3A_354 : i32 to vector<16xi32>
      %lt3A_356 = arith.cmpi slt, %get3A_344, %lt3A_355 : vector<16xi32>
      %and3A_357 = arith.andi %ge3A_352, %lt3A_356 : vector<16xi1>
      %sub3A_358 = vector.broadcast %mul3A_163 : i32 to vector<16xi32>
      %sub3A_359 = arith.subi %get3A_344, %sub3A_358 : vector<16xi32>
      %select_n3A_360 = arith.select %and3A_357, %sub3A_359, %add3A_350 : vector<16xi1>, vector<16xi32>
      %swap3A_361 = arith.index_cast %scan3A_246 : i32 to index
      %swap3A_362 = arith.constant 64 : index
      %swap3A_363 = tpu.vector_load %arg11[%swap3A_361, %swap3A_362] {strides = array<i32>} : memref<125x80xi32, #tpu.memory_space<vmem>>, vector<1x16xi32>,
      %swap3A_364 = vector.shape_cast %swap3A_363 : vector<1x16xi32> to vector<16xi32>
      %swap3A_365 = vector.shape_cast %select_n3A_360 : vector<16xi32> to vector<1x16xi32>
      tpu.vector_store %arg11[%swap3A_361, %swap3A_362], %swap3A_365 {strides = array<i32>} : memref<125x80xi32, #tpu.memory_space<vmem>>, vector<1x16xi32>,
    }
    %scan3A_169 = arith.constant 125 : i32
    %lt3A_170 = arith.constant 15 : i32
    %lt3A_171 = arith.cmpi slt, %arg1, %lt3A_170 : i32
    %convert_element_type3A_172 = arith.extui %lt3A_171 : i1 to i32
    %cond3A_173 = arith.constant 0 : i32
    %cond3A_174 = arith.cmpi ne, %convert_element_type3A_172, %cond3A_173 : i32
    scf.if %cond3A_174 {
      "tpu.region"() ({
        %run_scoped3A_246 = tpu.sem_alloc : memref<!tpu.dma_semaphore, #tpu.memory_space<semaphore_mem>>
        %dma_start3A_247 = arith.constant 0 : i32
        %dma_start3A_248 = tpu.memref_slice %arg14[%mul3A_0, %dma_start3A_247] : memref<3344x128xf32, #tpu.memory_space<vmem_shared>> -> memref<208x128xf32, #tpu.memory_space<vmem_shared>>
        %dma_start3A_249 = arith.constant 0 : i32
        %dma_start3A_250 = arith.constant 0 : i32
        %dma_start3A_251 = tpu.memref_slice %arg6[%dma_start3A_249, %dma_start3A_250] : memref<224x128xf32, #tpu.memory_space<hbm>> -> memref<208x128xf32, #tpu.memory_space<hbm>>
        tpu.enqueue_dma source(%dma_start3A_251 : memref<208x128xf32, #tpu.memory_space<hbm>>) target(%dma_start3A_248 : memref<208x128xf32, #tpu.memory_space<vmem_shared>>) target_semaphore(%run_scoped3A_246 : memref<!tpu.dma_semaphore, #tpu.memory_space<semaphore_mem>>)
        %dma_wait3A_252 = arith.constant 0 : i32
        %dma_wait3A_253 = tpu.memref_slice %arg14[%mul3A_0, %dma_wait3A_252] : memref<3344x128xf32, #tpu.memory_space<vmem_shared>> -> memref<208x128xf32, #tpu.memory_space<vmem_shared>>
        %dma_wait3A_254 = arith.constant 0 : i32
        %dma_wait3A_255 = arith.constant 0 : i32
        %dma_wait3A_256 = tpu.memref_slice %arg6[%dma_wait3A_254, %dma_wait3A_255] : memref<224x128xf32, #tpu.memory_space<hbm>> -> memref<208x128xf32, #tpu.memory_space<hbm>>
        tpu.wait_dma2 semaphore(%run_scoped3A_246 : memref<!tpu.dma_semaphore, #tpu.memory_space<semaphore_mem>>) src(%dma_wait3A_256 : memref<208x128xf32, #tpu.memory_space<hbm>>) dst(%dma_wait3A_253 : memref<208x128xf32, #tpu.memory_space<vmem_shared>>)
        tpu.yield
      }) : () -> ()
    } else {
    }
    %eq3A_175 = arith.constant 15 : i32
    %eq3A_176 = arith.cmpi eq, %arg1, %eq3A_175 : i32
    %convert_element_type3A_177 = arith.extui %eq3A_176 : i1 to i32
    %cond3A_178 = arith.constant 0 : i32
    %cond3A_179 = arith.cmpi ne, %convert_element_type3A_177, %cond3A_178 : i32
    scf.if %cond3A_179 {
      "tpu.region"() ({
        %run_scoped3A_246 = tpu.sem_alloc : memref<!tpu.dma_semaphore, #tpu.memory_space<semaphore_mem>>
        %dma_start3A_247 = arith.constant 0 : i32
        %dma_start3A_248 = tpu.memref_slice %arg14[%mul3A_0, %dma_start3A_247] : memref<3344x128xf32, #tpu.memory_space<vmem_shared>> -> memref<224x128xf32, #tpu.memory_space<vmem_shared>>
        %dma_start3A_249 = arith.constant 0 : i32
        %dma_start3A_250 = arith.constant 0 : i32
        %dma_start3A_251 = tpu.memref_slice %arg6[%dma_start3A_249, %dma_start3A_250] : memref<224x128xf32, #tpu.memory_space<hbm>> -> memref<224x128xf32, #tpu.memory_space<hbm>>
        tpu.enqueue_dma source(%dma_start3A_251 : memref<224x128xf32, #tpu.memory_space<hbm>>) target(%dma_start3A_248 : memref<224x128xf32, #tpu.memory_space<vmem_shared>>) target_semaphore(%run_scoped3A_246 : memref<!tpu.dma_semaphore, #tpu.memory_space<semaphore_mem>>)
        %dma_wait3A_252 = arith.constant 0 : i32
        %dma_wait3A_253 = tpu.memref_slice %arg14[%mul3A_0, %dma_wait3A_252] : memref<3344x128xf32, #tpu.memory_space<vmem_shared>> -> memref<224x128xf32, #tpu.memory_space<vmem_shared>>
        %dma_wait3A_254 = arith.constant 0 : i32
        %dma_wait3A_255 = arith.constant 0 : i32
        %dma_wait3A_256 = tpu.memref_slice %arg6[%dma_wait3A_254, %dma_wait3A_255] : memref<224x128xf32, #tpu.memory_space<hbm>> -> memref<224x128xf32, #tpu.memory_space<hbm>>
        tpu.wait_dma2 semaphore(%run_scoped3A_246 : memref<!tpu.dma_semaphore, #tpu.memory_space<semaphore_mem>>) src(%dma_wait3A_256 : memref<224x128xf32, #tpu.memory_space<hbm>>) dst(%dma_wait3A_253 : memref<224x128xf32, #tpu.memory_space<vmem_shared>>)
        tpu.yield
      }) : () -> ()
    } else {
    }
    %barrier3A_180 = arith.constant 0 : index
    tpu.barrier barrier_id(%barrier3A_180)
    %scan3A_181 = arith.constant 0 : i32
    %scan3A_182 = arith.constant 0 : i32
    %scan3A_183 = arith.constant 125 : i32
    %scan3A_184 = arith.addi %scan3A_182, %scan3A_183 : i32
    %scan3A_185 = arith.constant 1 : i32
    scf.for %scan3A_246 = %scan3A_182 to %scan3A_184 step %scan3A_185  : i32 {
      "tpu.region"() ({
        %run_scoped3A_247 = tpu.sem_alloc : memref<!tpu.dma_semaphore, #tpu.memory_space<semaphore_mem>>
        %dma_start3A_248 = arith.constant 0 : i32
        %dma_start3A_249 = tpu.memref_slice %arg11[%scan3A_246, %dma_start3A_248] : memref<125x80xi32, #tpu.memory_space<vmem>> -> memref<1x80xi32, #tpu.memory_space<vmem>>
        %dma_start3A_250 = tpu.memref_squeeze %dma_start3A_249 : memref<1x80xi32, #tpu.memory_space<vmem>> -> memref<80xi32, #tpu.memory_space<vmem>>
        %dma_start3A_251 = arith.constant 0 : i32
        %dma_start3A_252 = arith.constant 0 : i32
        %dma_start3A_253 = tpu.memref_slice %arg14[%dma_start3A_251, %dma_start3A_252] : memref<3344x128xf32, #tpu.memory_space<vmem_shared>> -> memref<3344x128xf32, #tpu.memory_space<vmem_shared>>
        tpu.enqueue_indirect_dma source(%arg12 : memref<80x128xf32, #tpu.memory_space<vmem>>) target(%dma_start3A_253 : memref<3344x128xf32, #tpu.memory_space<vmem_shared>>) offsets(%dma_start3A_250 : memref<80xi32, #tpu.memory_space<vmem>>) semaphore(%run_scoped3A_247 : memref<!tpu.dma_semaphore, #tpu.memory_space<semaphore_mem>>) {add = true}
        %dma_wait3A_254 = arith.constant 0 : i32
        %dma_wait3A_255 = tpu.memref_slice %arg11[%scan3A_246, %dma_wait3A_254] : memref<125x80xi32, #tpu.memory_space<vmem>> -> memref<1x80xi32, #tpu.memory_space<vmem>>
        %dma_wait3A_256 = tpu.memref_squeeze %dma_wait3A_255 : memref<1x80xi32, #tpu.memory_space<vmem>> -> memref<80xi32, #tpu.memory_space<vmem>>
        %dma_wait3A_257 = arith.constant 0 : i32
        %dma_wait3A_258 = arith.constant 0 : i32
        %dma_wait3A_259 = tpu.memref_slice %arg14[%dma_wait3A_257, %dma_wait3A_258] : memref<3344x128xf32, #tpu.memory_space<vmem_shared>> -> memref<3344x128xf32, #tpu.memory_space<vmem_shared>>
        tpu.wait_indirect_dma semaphore(%run_scoped3A_247 : memref<!tpu.dma_semaphore, #tpu.memory_space<semaphore_mem>>) src(%arg12 : memref<80x128xf32, #tpu.memory_space<vmem>>) dst(%dma_wait3A_259 : memref<3344x128xf32, #tpu.memory_space<vmem_shared>>)
        tpu.yield
      }) : () -> ()
    }
    %scan3A_186 = arith.constant 125 : i32
    %barrier3A_187 = arith.constant 0 : index
    tpu.barrier barrier_id(%barrier3A_187)
    %mul3A_188 = arith.constant 3336 : i32
    %mul3A_189 = arith.muli %min3A_161, %mul3A_188 : i32
    %add3A_190 = arith.addi %mul3A_189, %mul3A_0 : i32
    %lt3A_191 = arith.constant 15 : i32
    %lt3A_192 = arith.cmpi slt, %arg1, %lt3A_191 : i32
    %convert_element_type3A_193 = arith.extui %lt3A_192 : i1 to i32
    %cond3A_194 = arith.constant 0 : i32
    %cond3A_195 = arith.cmpi ne, %convert_element_type3A_193, %cond3A_194 : i32
    scf.if %cond3A_195 {
      "tpu.region"() ({
        %run_scoped3A_246 = tpu.sem_alloc : memref<!tpu.dma_semaphore, #tpu.memory_space<semaphore_mem>>
        %dma_start3A_247 = arith.constant 0 : i32
        %dma_start3A_248 = tpu.memref_slice %arg9[%add3A_190, %dma_start3A_247] : memref<10008x128xf32, #tpu.memory_space<hbm>> -> memref<208x128xf32, #tpu.memory_space<hbm>>
        %dma_start3A_249 = arith.constant 0 : i32
        %dma_start3A_250 = tpu.memref_slice %arg14[%mul3A_0, %dma_start3A_249] : memref<3344x128xf32, #tpu.memory_space<vmem_shared>> -> memref<208x128xf32, #tpu.memory_space<vmem_shared>>
        tpu.enqueue_dma source(%dma_start3A_250 : memref<208x128xf32, #tpu.memory_space<vmem_shared>>) target(%dma_start3A_248 : memref<208x128xf32, #tpu.memory_space<hbm>>) target_semaphore(%run_scoped3A_246 : memref<!tpu.dma_semaphore, #tpu.memory_space<semaphore_mem>>)
        %dma_wait3A_251 = arith.constant 0 : i32
        %dma_wait3A_252 = tpu.memref_slice %arg9[%add3A_190, %dma_wait3A_251] : memref<10008x128xf32, #tpu.memory_space<hbm>> -> memref<208x128xf32, #tpu.memory_space<hbm>>
        %dma_wait3A_253 = arith.constant 0 : i32
        %dma_wait3A_254 = tpu.memref_slice %arg14[%mul3A_0, %dma_wait3A_253] : memref<3344x128xf32, #tpu.memory_space<vmem_shared>> -> memref<208x128xf32, #tpu.memory_space<vmem_shared>>
        tpu.wait_dma2 semaphore(%run_scoped3A_246 : memref<!tpu.dma_semaphore, #tpu.memory_space<semaphore_mem>>) src(%dma_wait3A_254 : memref<208x128xf32, #tpu.memory_space<vmem_shared>>) dst(%dma_wait3A_252 : memref<208x128xf32, #tpu.memory_space<hbm>>)
        tpu.yield
      }) : () -> ()
    } else {
    }
    %eq3A_196 = arith.constant 15 : i32
    %eq3A_197 = arith.cmpi eq, %arg1, %eq3A_196 : i32
    %convert_element_type3A_198 = arith.extui %eq3A_197 : i1 to i32
    %cond3A_199 = arith.constant 0 : i32
    %cond3A_200 = arith.cmpi ne, %convert_element_type3A_198, %cond3A_199 : i32
    scf.if %cond3A_200 {
      "tpu.region"() ({
        %run_scoped3A_246 = tpu.sem_alloc : memref<!tpu.dma_semaphore, #tpu.memory_space<semaphore_mem>>
        %dma_start3A_247 = arith.constant 0 : i32
        %dma_start3A_248 = tpu.memref_slice %arg9[%add3A_190, %dma_start3A_247] : memref<10008x128xf32, #tpu.memory_space<hbm>> -> memref<216x128xf32, #tpu.memory_space<hbm>>
        %dma_start3A_249 = arith.constant 0 : i32
        %dma_start3A_250 = tpu.memref_slice %arg14[%mul3A_0, %dma_start3A_249] : memref<3344x128xf32, #tpu.memory_space<vmem_shared>> -> memref<216x128xf32, #tpu.memory_space<vmem_shared>>
        tpu.enqueue_dma source(%dma_start3A_250 : memref<216x128xf32, #tpu.memory_space<vmem_shared>>) target(%dma_start3A_248 : memref<216x128xf32, #tpu.memory_space<hbm>>) target_semaphore(%run_scoped3A_246 : memref<!tpu.dma_semaphore, #tpu.memory_space<semaphore_mem>>)
        %dma_wait3A_251 = arith.constant 0 : i32
        %dma_wait3A_252 = tpu.memref_slice %arg9[%add3A_190, %dma_wait3A_251] : memref<10008x128xf32, #tpu.memory_space<hbm>> -> memref<216x128xf32, #tpu.memory_space<hbm>>
        %dma_wait3A_253 = arith.constant 0 : i32
        %dma_wait3A_254 = tpu.memref_slice %arg14[%mul3A_0, %dma_wait3A_253] : memref<3344x128xf32, #tpu.memory_space<vmem_shared>> -> memref<216x128xf32, #tpu.memory_space<vmem_shared>>
        tpu.wait_dma2 semaphore(%run_scoped3A_246 : memref<!tpu.dma_semaphore, #tpu.memory_space<semaphore_mem>>) src(%dma_wait3A_254 : memref<216x128xf32, #tpu.memory_space<vmem_shared>>) dst(%dma_wait3A_252 : memref<216x128xf32, #tpu.memory_space<hbm>>)
        tpu.yield
      }) : () -> ()
    } else {
    }
    %mul3A_201 = arith.constant 2 : i32
    %mul3A_202 = arith.muli %arg0, %mul3A_201 : i32
    %add3A_203 = arith.constant 1 : i32
    %add3A_204 = arith.addi %mul3A_202, %add3A_203 : i32
    %min3A_205 = arith.constant 2 : i32
    %min3A_206 = arith.minsi %add3A_204, %min3A_205 : i32
    %mul3A_207 = arith.constant 3336 : i32
    %mul3A_208 = arith.muli %min3A_206, %mul3A_207 : i32
    "tpu.region"() ({
      %run_scoped3A_246 = tpu.sem_alloc : memref<!tpu.dma_semaphore, #tpu.memory_space<semaphore_mem>>
      %dma_start3A_247 = arith.constant 0 : i32
      %dma_start3A_248 = arith.constant 0 : i32
      %dma_start3A_249 = tpu.memref_slice %arg5[%arg1, %dma_start3A_247, %dma_start3A_248] : memref<16x125x80xi32, #tpu.memory_space<hbm>> -> memref<1x125x80xi32, #tpu.memory_space<hbm>>
      %dma_start3A_250 = tpu.memref_squeeze %dma_start3A_249 : memref<1x125x80xi32, #tpu.memory_space<hbm>> -> memref<125x80xi32, #tpu.memory_space<hbm>>
      %dma_start3A_251 = arith.constant 0 : i32
      %dma_start3A_252 = arith.constant 0 : i32
      %dma_start3A_253 = tpu.memref_slice %arg5[%arg1, %dma_start3A_251, %dma_start3A_252] : memref<16x125x80xi32, #tpu.memory_space<hbm>> -> memref<1x125x80xi32, #tpu.memory_space<hbm>>
      %dma_start3A_254 = tpu.memref_squeeze %dma_start3A_253 : memref<1x125x80xi32, #tpu.memory_space<hbm>> -> memref<125x80xi32, #tpu.memory_space<hbm>>
      tpu.enqueue_dma source(%dma_start3A_254 : memref<125x80xi32, #tpu.memory_space<hbm>>) target(%arg11 : memref<125x80xi32, #tpu.memory_space<vmem>>) target_semaphore(%run_scoped3A_246 : memref<!tpu.dma_semaphore, #tpu.memory_space<semaphore_mem>>)
      %dma_wait3A_255 = arith.constant 0 : i32
      %dma_wait3A_256 = arith.constant 0 : i32
      %dma_wait3A_257 = tpu.memref_slice %arg5[%arg1, %dma_wait3A_255, %dma_wait3A_256] : memref<16x125x80xi32, #tpu.memory_space<hbm>> -> memref<1x125x80xi32, #tpu.memory_space<hbm>>
      %dma_wait3A_258 = tpu.memref_squeeze %dma_wait3A_257 : memref<1x125x80xi32, #tpu.memory_space<hbm>> -> memref<125x80xi32, #tpu.memory_space<hbm>>
      %dma_wait3A_259 = arith.constant 0 : i32
      %dma_wait3A_260 = arith.constant 0 : i32
      %dma_wait3A_261 = tpu.memref_slice %arg5[%arg1, %dma_wait3A_259, %dma_wait3A_260] : memref<16x125x80xi32, #tpu.memory_space<hbm>> -> memref<1x125x80xi32, #tpu.memory_space<hbm>>
      %dma_wait3A_262 = tpu.memref_squeeze %dma_wait3A_261 : memref<1x125x80xi32, #tpu.memory_space<hbm>> -> memref<125x80xi32, #tpu.memory_space<hbm>>
      tpu.wait_dma2 semaphore(%run_scoped3A_246 : memref<!tpu.dma_semaphore, #tpu.memory_space<semaphore_mem>>) src(%dma_wait3A_262 : memref<125x80xi32, #tpu.memory_space<hbm>>) dst(%arg11 : memref<125x80xi32, #tpu.memory_space<vmem>>)
      tpu.yield
    }) : () -> ()
    %scan3A_209 = arith.constant 0 : i32
    %scan3A_210 = arith.constant 0 : i32
    %scan3A_211 = arith.constant 125 : i32
    %scan3A_212 = arith.addi %scan3A_210, %scan3A_211 : i32
    %scan3A_213 = arith.constant 1 : i32
    scf.for %scan3A_246 = %scan3A_210 to %scan3A_212 step %scan3A_213  : i32 {
      %get3A = arith.index_cast %scan3A_246 : i32 to index
      %get3A_247 = arith.constant 0 : index
      %get3A_248 = tpu.vector_load %arg11[%get3A, %get3A_247] {strides = array<i32>} : memref<125x80xi32, #tpu.memory_space<vmem>>, vector<1x16xi32>,
      %get3A_249 = vector.shape_cast %get3A_248 : vector<1x16xi32> to vector<16xi32>
      %and3A = arith.constant 7 : i32
      %and3A_250 = vector.broadcast %and3A : i32 to vector<16xi32>
      %and3A_251 = arith.andi %get3A_249, %and3A_250 : vector<16xi32>
      %add3A_252 = arith.constant 3336 : i32
      %add3A_253 = vector.broadcast %add3A_252 : i32 to vector<16xi32>
      %add3A_254 = arith.addi %add3A_253, %and3A_251 : vector<16xi32>
      %ge3A = vector.broadcast %mul3A_208 : i32 to vector<16xi32>
      %ge3A_255 = arith.cmpi sge, %get3A_249, %ge3A : vector<16xi32>
      %add3A_256 = arith.constant 3336 : i32
      %add3A_257 = arith.addi %mul3A_208, %add3A_256 : i32
      %lt3A_258 = vector.broadcast %add3A_257 : i32 to vector<16xi32>
      %lt3A_259 = arith.cmpi slt, %get3A_249, %lt3A_258 : vector<16xi32>
      %and3A_260 = arith.andi %ge3A_255, %lt3A_259 : vector<16xi1>
      %sub3A = vector.broadcast %mul3A_208 : i32 to vector<16xi32>
      %sub3A_261 = arith.subi %get3A_249, %sub3A : vector<16xi32>
      %select_n3A = arith.select %and3A_260, %sub3A_261, %add3A_254 : vector<16xi1>, vector<16xi32>
      %swap3A = arith.index_cast %scan3A_246 : i32 to index
      %swap3A_262 = arith.constant 0 : index
      %swap3A_263 = tpu.vector_load %arg11[%swap3A, %swap3A_262] {strides = array<i32>} : memref<125x80xi32, #tpu.memory_space<vmem>>, vector<1x16xi32>,
      %swap3A_264 = vector.shape_cast %swap3A_263 : vector<1x16xi32> to vector<16xi32>
      %swap3A_265 = vector.shape_cast %select_n3A : vector<16xi32> to vector<1x16xi32>
      tpu.vector_store %arg11[%swap3A, %swap3A_262], %swap3A_265 {strides = array<i32>} : memref<125x80xi32, #tpu.memory_space<vmem>>, vector<1x16xi32>,
      %get3A_266 = arith.index_cast %scan3A_246 : i32 to index
      %get3A_267 = arith.constant 16 : index
      %get3A_268 = tpu.vector_load %arg11[%get3A_266, %get3A_267] {strides = array<i32>} : memref<125x80xi32, #tpu.memory_space<vmem>>, vector<1x16xi32>,
      %get3A_269 = vector.shape_cast %get3A_268 : vector<1x16xi32> to vector<16xi32>
      %and3A_270 = arith.constant 7 : i32
      %and3A_271 = vector.broadcast %and3A_270 : i32 to vector<16xi32>
      %and3A_272 = arith.andi %get3A_269, %and3A_271 : vector<16xi32>
      %add3A_273 = arith.constant 3336 : i32
      %add3A_274 = vector.broadcast %add3A_273 : i32 to vector<16xi32>
      %add3A_275 = arith.addi %add3A_274, %and3A_272 : vector<16xi32>
      %ge3A_276 = vector.broadcast %mul3A_208 : i32 to vector<16xi32>
      %ge3A_277 = arith.cmpi sge, %get3A_269, %ge3A_276 : vector<16xi32>
      %add3A_278 = arith.constant 3336 : i32
      %add3A_279 = arith.addi %mul3A_208, %add3A_278 : i32
      %lt3A_280 = vector.broadcast %add3A_279 : i32 to vector<16xi32>
      %lt3A_281 = arith.cmpi slt, %get3A_269, %lt3A_280 : vector<16xi32>
      %and3A_282 = arith.andi %ge3A_277, %lt3A_281 : vector<16xi1>
      %sub3A_283 = vector.broadcast %mul3A_208 : i32 to vector<16xi32>
      %sub3A_284 = arith.subi %get3A_269, %sub3A_283 : vector<16xi32>
      %select_n3A_285 = arith.select %and3A_282, %sub3A_284, %add3A_275 : vector<16xi1>, vector<16xi32>
      %swap3A_286 = arith.index_cast %scan3A_246 : i32 to index
      %swap3A_287 = arith.constant 16 : index
      %swap3A_288 = tpu.vector_load %arg11[%swap3A_286, %swap3A_287] {strides = array<i32>} : memref<125x80xi32, #tpu.memory_space<vmem>>, vector<1x16xi32>,
      %swap3A_289 = vector.shape_cast %swap3A_288 : vector<1x16xi32> to vector<16xi32>
      %swap3A_290 = vector.shape_cast %select_n3A_285 : vector<16xi32> to vector<1x16xi32>
      tpu.vector_store %arg11[%swap3A_286, %swap3A_287], %swap3A_290 {strides = array<i32>} : memref<125x80xi32, #tpu.memory_space<vmem>>, vector<1x16xi32>,
      %get3A_291 = arith.index_cast %scan3A_246 : i32 to index
      %get3A_292 = arith.constant 32 : index
      %get3A_293 = tpu.vector_load %arg11[%get3A_291, %get3A_292] {strides = array<i32>} : memref<125x80xi32, #tpu.memory_space<vmem>>, vector<1x16xi32>,
      %get3A_294 = vector.shape_cast %get3A_293 : vector<1x16xi32> to vector<16xi32>
      %and3A_295 = arith.constant 7 : i32
      %and3A_296 = vector.broadcast %and3A_295 : i32 to vector<16xi32>
      %and3A_297 = arith.andi %get3A_294, %and3A_296 : vector<16xi32>
      %add3A_298 = arith.constant 3336 : i32
      %add3A_299 = vector.broadcast %add3A_298 : i32 to vector<16xi32>
      %add3A_300 = arith.addi %add3A_299, %and3A_297 : vector<16xi32>
      %ge3A_301 = vector.broadcast %mul3A_208 : i32 to vector<16xi32>
      %ge3A_302 = arith.cmpi sge, %get3A_294, %ge3A_301 : vector<16xi32>
      %add3A_303 = arith.constant 3336 : i32
      %add3A_304 = arith.addi %mul3A_208, %add3A_303 : i32
      %lt3A_305 = vector.broadcast %add3A_304 : i32 to vector<16xi32>
      %lt3A_306 = arith.cmpi slt, %get3A_294, %lt3A_305 : vector<16xi32>
      %and3A_307 = arith.andi %ge3A_302, %lt3A_306 : vector<16xi1>
      %sub3A_308 = vector.broadcast %mul3A_208 : i32 to vector<16xi32>
      %sub3A_309 = arith.subi %get3A_294, %sub3A_308 : vector<16xi32>
      %select_n3A_310 = arith.select %and3A_307, %sub3A_309, %add3A_300 : vector<16xi1>, vector<16xi32>
      %swap3A_311 = arith.index_cast %scan3A_246 : i32 to index
      %swap3A_312 = arith.constant 32 : index
      %swap3A_313 = tpu.vector_load %arg11[%swap3A_311, %swap3A_312] {strides = array<i32>} : memref<125x80xi32, #tpu.memory_space<vmem>>, vector<1x16xi32>,
      %swap3A_314 = vector.shape_cast %swap3A_313 : vector<1x16xi32> to vector<16xi32>
      %swap3A_315 = vector.shape_cast %select_n3A_310 : vector<16xi32> to vector<1x16xi32>
      tpu.vector_store %arg11[%swap3A_311, %swap3A_312], %swap3A_315 {strides = array<i32>} : memref<125x80xi32, #tpu.memory_space<vmem>>, vector<1x16xi32>,
      %get3A_316 = arith.index_cast %scan3A_246 : i32 to index
      %get3A_317 = arith.constant 48 : index
      %get3A_318 = tpu.vector_load %arg11[%get3A_316, %get3A_317] {strides = array<i32>} : memref<125x80xi32, #tpu.memory_space<vmem>>, vector<1x16xi32>,
      %get3A_319 = vector.shape_cast %get3A_318 : vector<1x16xi32> to vector<16xi32>
      %and3A_320 = arith.constant 7 : i32
      %and3A_321 = vector.broadcast %and3A_320 : i32 to vector<16xi32>
      %and3A_322 = arith.andi %get3A_319, %and3A_321 : vector<16xi32>
      %add3A_323 = arith.constant 3336 : i32
      %add3A_324 = vector.broadcast %add3A_323 : i32 to vector<16xi32>
      %add3A_325 = arith.addi %add3A_324, %and3A_322 : vector<16xi32>
      %ge3A_326 = vector.broadcast %mul3A_208 : i32 to vector<16xi32>
      %ge3A_327 = arith.cmpi sge, %get3A_319, %ge3A_326 : vector<16xi32>
      %add3A_328 = arith.constant 3336 : i32
      %add3A_329 = arith.addi %mul3A_208, %add3A_328 : i32
      %lt3A_330 = vector.broadcast %add3A_329 : i32 to vector<16xi32>
      %lt3A_331 = arith.cmpi slt, %get3A_319, %lt3A_330 : vector<16xi32>
      %and3A_332 = arith.andi %ge3A_327, %lt3A_331 : vector<16xi1>
      %sub3A_333 = vector.broadcast %mul3A_208 : i32 to vector<16xi32>
      %sub3A_334 = arith.subi %get3A_319, %sub3A_333 : vector<16xi32>
      %select_n3A_335 = arith.select %and3A_332, %sub3A_334, %add3A_325 : vector<16xi1>, vector<16xi32>
      %swap3A_336 = arith.index_cast %scan3A_246 : i32 to index
      %swap3A_337 = arith.constant 48 : index
      %swap3A_338 = tpu.vector_load %arg11[%swap3A_336, %swap3A_337] {strides = array<i32>} : memref<125x80xi32, #tpu.memory_space<vmem>>, vector<1x16xi32>,
      %swap3A_339 = vector.shape_cast %swap3A_338 : vector<1x16xi32> to vector<16xi32>
      %swap3A_340 = vector.shape_cast %select_n3A_335 : vector<16xi32> to vector<1x16xi32>
      tpu.vector_store %arg11[%swap3A_336, %swap3A_337], %swap3A_340 {strides = array<i32>} : memref<125x80xi32, #tpu.memory_space<vmem>>, vector<1x16xi32>,
      %get3A_341 = arith.index_cast %scan3A_246 : i32 to index
      %get3A_342 = arith.constant 64 : index
      %get3A_343 = tpu.vector_load %arg11[%get3A_341, %get3A_342] {strides = array<i32>} : memref<125x80xi32, #tpu.memory_space<vmem>>, vector<1x16xi32>,
      %get3A_344 = vector.shape_cast %get3A_343 : vector<1x16xi32> to vector<16xi32>
      %and3A_345 = arith.constant 7 : i32
      %and3A_346 = vector.broadcast %and3A_345 : i32 to vector<16xi32>
      %and3A_347 = arith.andi %get3A_344, %and3A_346 : vector<16xi32>
      %add3A_348 = arith.constant 3336 : i32
      %add3A_349 = vector.broadcast %add3A_348 : i32 to vector<16xi32>
      %add3A_350 = arith.addi %add3A_349, %and3A_347 : vector<16xi32>
      %ge3A_351 = vector.broadcast %mul3A_208 : i32 to vector<16xi32>
      %ge3A_352 = arith.cmpi sge, %get3A_344, %ge3A_351 : vector<16xi32>
      %add3A_353 = arith.constant 3336 : i32
      %add3A_354 = arith.addi %mul3A_208, %add3A_353 : i32
      %lt3A_355 = vector.broadcast %add3A_354 : i32 to vector<16xi32>
      %lt3A_356 = arith.cmpi slt, %get3A_344, %lt3A_355 : vector<16xi32>
      %and3A_357 = arith.andi %ge3A_352, %lt3A_356 : vector<16xi1>
      %sub3A_358 = vector.broadcast %mul3A_208 : i32 to vector<16xi32>
      %sub3A_359 = arith.subi %get3A_344, %sub3A_358 : vector<16xi32>
      %select_n3A_360 = arith.select %and3A_357, %sub3A_359, %add3A_350 : vector<16xi1>, vector<16xi32>
      %swap3A_361 = arith.index_cast %scan3A_246 : i32 to index
      %swap3A_362 = arith.constant 64 : index
      %swap3A_363 = tpu.vector_load %arg11[%swap3A_361, %swap3A_362] {strides = array<i32>} : memref<125x80xi32, #tpu.memory_space<vmem>>, vector<1x16xi32>,
      %swap3A_364 = vector.shape_cast %swap3A_363 : vector<1x16xi32> to vector<16xi32>
      %swap3A_365 = vector.shape_cast %select_n3A_360 : vector<16xi32> to vector<1x16xi32>
      tpu.vector_store %arg11[%swap3A_361, %swap3A_362], %swap3A_365 {strides = array<i32>} : memref<125x80xi32, #tpu.memory_space<vmem>>, vector<1x16xi32>,
    }
    %scan3A_214 = arith.constant 125 : i32
    %lt3A_215 = arith.constant 15 : i32
    %lt3A_216 = arith.cmpi slt, %arg1, %lt3A_215 : i32
    %convert_element_type3A_217 = arith.extui %lt3A_216 : i1 to i32
    %cond3A_218 = arith.constant 0 : i32
    %cond3A_219 = arith.cmpi ne, %convert_element_type3A_217, %cond3A_218 : i32
    scf.if %cond3A_219 {
      "tpu.region"() ({
        %run_scoped3A_246 = tpu.sem_alloc : memref<!tpu.dma_semaphore, #tpu.memory_space<semaphore_mem>>
        %dma_start3A_247 = arith.constant 0 : i32
        %dma_start3A_248 = tpu.memref_slice %arg14[%mul3A_0, %dma_start3A_247] : memref<3344x128xf32, #tpu.memory_space<vmem_shared>> -> memref<208x128xf32, #tpu.memory_space<vmem_shared>>
        %dma_start3A_249 = arith.constant 0 : i32
        %dma_start3A_250 = arith.constant 0 : i32
        %dma_start3A_251 = tpu.memref_slice %arg6[%dma_start3A_249, %dma_start3A_250] : memref<224x128xf32, #tpu.memory_space<hbm>> -> memref<208x128xf32, #tpu.memory_space<hbm>>
        tpu.enqueue_dma source(%dma_start3A_251 : memref<208x128xf32, #tpu.memory_space<hbm>>) target(%dma_start3A_248 : memref<208x128xf32, #tpu.memory_space<vmem_shared>>) target_semaphore(%run_scoped3A_246 : memref<!tpu.dma_semaphore, #tpu.memory_space<semaphore_mem>>)
        %dma_wait3A_252 = arith.constant 0 : i32
        %dma_wait3A_253 = tpu.memref_slice %arg14[%mul3A_0, %dma_wait3A_252] : memref<3344x128xf32, #tpu.memory_space<vmem_shared>> -> memref<208x128xf32, #tpu.memory_space<vmem_shared>>
        %dma_wait3A_254 = arith.constant 0 : i32
        %dma_wait3A_255 = arith.constant 0 : i32
        %dma_wait3A_256 = tpu.memref_slice %arg6[%dma_wait3A_254, %dma_wait3A_255] : memref<224x128xf32, #tpu.memory_space<hbm>> -> memref<208x128xf32, #tpu.memory_space<hbm>>
        tpu.wait_dma2 semaphore(%run_scoped3A_246 : memref<!tpu.dma_semaphore, #tpu.memory_space<semaphore_mem>>) src(%dma_wait3A_256 : memref<208x128xf32, #tpu.memory_space<hbm>>) dst(%dma_wait3A_253 : memref<208x128xf32, #tpu.memory_space<vmem_shared>>)
        tpu.yield
      }) : () -> ()
    } else {
    }
    %eq3A_220 = arith.constant 15 : i32
    %eq3A_221 = arith.cmpi eq, %arg1, %eq3A_220 : i32
    %convert_element_type3A_222 = arith.extui %eq3A_221 : i1 to i32
    %cond3A_223 = arith.constant 0 : i32
    %cond3A_224 = arith.cmpi ne, %convert_element_type3A_222, %cond3A_223 : i32
    scf.if %cond3A_224 {
      "tpu.region"() ({
        %run_scoped3A_246 = tpu.sem_alloc : memref<!tpu.dma_semaphore, #tpu.memory_space<semaphore_mem>>
        %dma_start3A_247 = arith.constant 0 : i32
        %dma_start3A_248 = tpu.memref_slice %arg14[%mul3A_0, %dma_start3A_247] : memref<3344x128xf32, #tpu.memory_space<vmem_shared>> -> memref<224x128xf32, #tpu.memory_space<vmem_shared>>
        %dma_start3A_249 = arith.constant 0 : i32
        %dma_start3A_250 = arith.constant 0 : i32
        %dma_start3A_251 = tpu.memref_slice %arg6[%dma_start3A_249, %dma_start3A_250] : memref<224x128xf32, #tpu.memory_space<hbm>> -> memref<224x128xf32, #tpu.memory_space<hbm>>
        tpu.enqueue_dma source(%dma_start3A_251 : memref<224x128xf32, #tpu.memory_space<hbm>>) target(%dma_start3A_248 : memref<224x128xf32, #tpu.memory_space<vmem_shared>>) target_semaphore(%run_scoped3A_246 : memref<!tpu.dma_semaphore, #tpu.memory_space<semaphore_mem>>)
        %dma_wait3A_252 = arith.constant 0 : i32
        %dma_wait3A_253 = tpu.memref_slice %arg14[%mul3A_0, %dma_wait3A_252] : memref<3344x128xf32, #tpu.memory_space<vmem_shared>> -> memref<224x128xf32, #tpu.memory_space<vmem_shared>>
        %dma_wait3A_254 = arith.constant 0 : i32
        %dma_wait3A_255 = arith.constant 0 : i32
        %dma_wait3A_256 = tpu.memref_slice %arg6[%dma_wait3A_254, %dma_wait3A_255] : memref<224x128xf32, #tpu.memory_space<hbm>> -> memref<224x128xf32, #tpu.memory_space<hbm>>
        tpu.wait_dma2 semaphore(%run_scoped3A_246 : memref<!tpu.dma_semaphore, #tpu.memory_space<semaphore_mem>>) src(%dma_wait3A_256 : memref<224x128xf32, #tpu.memory_space<hbm>>) dst(%dma_wait3A_253 : memref<224x128xf32, #tpu.memory_space<vmem_shared>>)
        tpu.yield
      }) : () -> ()
    } else {
    }
    %barrier3A_225 = arith.constant 0 : index
    tpu.barrier barrier_id(%barrier3A_225)
    %scan3A_226 = arith.constant 0 : i32
    %scan3A_227 = arith.constant 0 : i32
    %scan3A_228 = arith.constant 125 : i32
    %scan3A_229 = arith.addi %scan3A_227, %scan3A_228 : i32
    %scan3A_230 = arith.constant 1 : i32
    scf.for %scan3A_246 = %scan3A_227 to %scan3A_229 step %scan3A_230  : i32 {
      "tpu.region"() ({
        %run_scoped3A_247 = tpu.sem_alloc : memref<!tpu.dma_semaphore, #tpu.memory_space<semaphore_mem>>
        %dma_start3A_248 = arith.constant 0 : i32
        %dma_start3A_249 = tpu.memref_slice %arg11[%scan3A_246, %dma_start3A_248] : memref<125x80xi32, #tpu.memory_space<vmem>> -> memref<1x80xi32, #tpu.memory_space<vmem>>
        %dma_start3A_250 = tpu.memref_squeeze %dma_start3A_249 : memref<1x80xi32, #tpu.memory_space<vmem>> -> memref<80xi32, #tpu.memory_space<vmem>>
        %dma_start3A_251 = arith.constant 0 : i32
        %dma_start3A_252 = arith.constant 0 : i32
        %dma_start3A_253 = tpu.memref_slice %arg14[%dma_start3A_251, %dma_start3A_252] : memref<3344x128xf32, #tpu.memory_space<vmem_shared>> -> memref<3344x128xf32, #tpu.memory_space<vmem_shared>>
        tpu.enqueue_indirect_dma source(%arg12 : memref<80x128xf32, #tpu.memory_space<vmem>>) target(%dma_start3A_253 : memref<3344x128xf32, #tpu.memory_space<vmem_shared>>) offsets(%dma_start3A_250 : memref<80xi32, #tpu.memory_space<vmem>>) semaphore(%run_scoped3A_247 : memref<!tpu.dma_semaphore, #tpu.memory_space<semaphore_mem>>) {add = true}
        %dma_wait3A_254 = arith.constant 0 : i32
        %dma_wait3A_255 = tpu.memref_slice %arg11[%scan3A_246, %dma_wait3A_254] : memref<125x80xi32, #tpu.memory_space<vmem>> -> memref<1x80xi32, #tpu.memory_space<vmem>>
        %dma_wait3A_256 = tpu.memref_squeeze %dma_wait3A_255 : memref<1x80xi32, #tpu.memory_space<vmem>> -> memref<80xi32, #tpu.memory_space<vmem>>
        %dma_wait3A_257 = arith.constant 0 : i32
        %dma_wait3A_258 = arith.constant 0 : i32
        %dma_wait3A_259 = tpu.memref_slice %arg14[%dma_wait3A_257, %dma_wait3A_258] : memref<3344x128xf32, #tpu.memory_space<vmem_shared>> -> memref<3344x128xf32, #tpu.memory_space<vmem_shared>>
        tpu.wait_indirect_dma semaphore(%run_scoped3A_247 : memref<!tpu.dma_semaphore, #tpu.memory_space<semaphore_mem>>) src(%arg12 : memref<80x128xf32, #tpu.memory_space<vmem>>) dst(%dma_wait3A_259 : memref<3344x128xf32, #tpu.memory_space<vmem_shared>>)
        tpu.yield
      }) : () -> ()
    }
    %scan3A_231 = arith.constant 125 : i32
    %barrier3A_232 = arith.constant 0 : index
    tpu.barrier barrier_id(%barrier3A_232)
    %mul3A_233 = arith.constant 3336 : i32
    %mul3A_234 = arith.muli %min3A_206, %mul3A_233 : i32
    %add3A_235 = arith.addi %mul3A_234, %mul3A_0 : i32
    %lt3A_236 = arith.constant 15 : i32
    %lt3A_237 = arith.cmpi slt, %arg1, %lt3A_236 : i32
    %convert_element_type3A_238 = arith.extui %lt3A_237 : i1 to i32
    %cond3A_239 = arith.constant 0 : i32
    %cond3A_240 = arith.cmpi ne, %convert_element_type3A_238, %cond3A_239 : i32
    scf.if %cond3A_240 {
      "tpu.region"() ({
        %run_scoped3A_246 = tpu.sem_alloc : memref<!tpu.dma_semaphore, #tpu.memory_space<semaphore_mem>>
        %dma_start3A_247 = arith.constant 0 : i32
        %dma_start3A_248 = tpu.memref_slice %arg9[%add3A_235, %dma_start3A_247] : memref<10008x128xf32, #tpu.memory_space<hbm>> -> memref<208x128xf32, #tpu.memory_space<hbm>>
        %dma_start3A_249 = arith.constant 0 : i32
        %dma_start3A_250 = tpu.memref_slice %arg14[%mul3A_0, %dma_start3A_249] : memref<3344x128xf32, #tpu.memory_space<vmem_shared>> -> memref<208x128xf32, #tpu.memory_space<vmem_shared>>
        tpu.enqueue_dma source(%dma_start3A_250 : memref<208x128xf32, #tpu.memory_space<vmem_shared>>) target(%dma_start3A_248 : memref<208x128xf32, #tpu.memory_space<hbm>>) target_semaphore(%run_scoped3A_246 : memref<!tpu.dma_semaphore, #tpu.memory_space<semaphore_mem>>)
        %dma_wait3A_251 = arith.constant 0 : i32
        %dma_wait3A_252 = tpu.memref_slice %arg9[%add3A_235, %dma_wait3A_251] : memref<10008x128xf32, #tpu.memory_space<hbm>> -> memref<208x128xf32, #tpu.memory_space<hbm>>
        %dma_wait3A_253 = arith.constant 0 : i32
        %dma_wait3A_254 = tpu.memref_slice %arg14[%mul3A_0, %dma_wait3A_253] : memref<3344x128xf32, #tpu.memory_space<vmem_shared>> -> memref<208x128xf32, #tpu.memory_space<vmem_shared>>
        tpu.wait_dma2 semaphore(%run_scoped3A_246 : memref<!tpu.dma_semaphore, #tpu.memory_space<semaphore_mem>>) src(%dma_wait3A_254 : memref<208x128xf32, #tpu.memory_space<vmem_shared>>) dst(%dma_wait3A_252 : memref<208x128xf32, #tpu.memory_space<hbm>>)
        tpu.yield
      }) : () -> ()
    } else {
    }
    %eq3A_241 = arith.constant 15 : i32
    %eq3A_242 = arith.cmpi eq, %arg1, %eq3A_241 : i32
    %convert_element_type3A_243 = arith.extui %eq3A_242 : i1 to i32
    %cond3A_244 = arith.constant 0 : i32
    %cond3A_245 = arith.cmpi ne, %convert_element_type3A_243, %cond3A_244 : i32
    scf.if %cond3A_245 {
      "tpu.region"() ({
        %run_scoped3A_246 = tpu.sem_alloc : memref<!tpu.dma_semaphore, #tpu.memory_space<semaphore_mem>>
        %dma_start3A_247 = arith.constant 0 : i32
        %dma_start3A_248 = tpu.memref_slice %arg9[%add3A_235, %dma_start3A_247] : memref<10008x128xf32, #tpu.memory_space<hbm>> -> memref<216x128xf32, #tpu.memory_space<hbm>>
        %dma_start3A_249 = arith.constant 0 : i32
        %dma_start3A_250 = tpu.memref_slice %arg14[%mul3A_0, %dma_start3A_249] : memref<3344x128xf32, #tpu.memory_space<vmem_shared>> -> memref<216x128xf32, #tpu.memory_space<vmem_shared>>
        tpu.enqueue_dma source(%dma_start3A_250 : memref<216x128xf32, #tpu.memory_space<vmem_shared>>) target(%dma_start3A_248 : memref<216x128xf32, #tpu.memory_space<hbm>>) target_semaphore(%run_scoped3A_246 : memref<!tpu.dma_semaphore, #tpu.memory_space<semaphore_mem>>)
        %dma_wait3A_251 = arith.constant 0 : i32
        %dma_wait3A_252 = tpu.memref_slice %arg9[%add3A_235, %dma_wait3A_251] : memref<10008x128xf32, #tpu.memory_space<hbm>> -> memref<216x128xf32, #tpu.memory_space<hbm>>
        %dma_wait3A_253 = arith.constant 0 : i32
        %dma_wait3A_254 = tpu.memref_slice %arg14[%mul3A_0, %dma_wait3A_253] : memref<3344x128xf32, #tpu.memory_space<vmem_shared>> -> memref<216x128xf32, #tpu.memory_space<vmem_shared>>
        tpu.wait_dma2 semaphore(%run_scoped3A_246 : memref<!tpu.dma_semaphore, #tpu.memory_space<semaphore_mem>>) src(%dma_wait3A_254 : memref<216x128xf32, #tpu.memory_space<vmem_shared>>) dst(%dma_wait3A_252 : memref<216x128xf32, #tpu.memory_space<hbm>>)
        tpu.yield
      }) : () -> ()
    } else {
    }
    return
  }
}

module attributes {stable_mosaic.version = 14 : i64} {
  func.func @body(%arg0: i32, %arg1: memref<2000x256xf32, #tpu.memory_space<vmem>>, %arg2: memref<256x256xf32, #tpu.memory_space<vmem>>, %arg3: memref<256x256xf32, #tpu.memory_space<vmem>>, %arg4: memref<1x256xf32, #tpu.memory_space<vmem>>, %arg5: memref<2000x256xf32, #tpu.memory_space<vmem>>, %arg6: memref<2000x256xf32, #tpu.memory_space<vmem>>) attributes {dimension_semantics = [#tpu.dimension_semantics<arbitrary>], iteration_bounds = array<i64: 5>, scalar_prefetch = 0 : i64, scratch_operands = 0 : i64, tpu.core_type = #tpu.core_type<tc>, window_params = [{transform_indices = @transform_0, window_bounds = array<i64: 2000, 256>}, {pipeline_mode = #tpu.pipeline_mode<synchronous>, transform_indices = @transform_1, window_bounds = array<i64: 256, 256>}, {pipeline_mode = #tpu.pipeline_mode<synchronous>, transform_indices = @transform_2, window_bounds = array<i64: 256, 256>}, {pipeline_mode = #tpu.pipeline_mode<synchronous>, transform_indices = @transform_3, window_bounds = array<i64: 1, 256>}, {transform_indices = @transform_4, window_bounds = array<i64: 2000, 256>}, {transform_indices = @transform_5, window_bounds = array<i64: 2000, 256>}]} {
    %get3A = arith.constant 0 : index
    %get3A_0 = arith.constant 0 : index
    %get3A_1 = vector.load %arg1[%get3A, %get3A_0] : memref<2000x256xf32, #tpu.memory_space<vmem>>, vector<2000x256xf32>
    %get3A_2 = arith.constant 0 : index
    %get3A_3 = arith.constant 0 : index
    %get3A_4 = vector.load %arg2[%get3A_2, %get3A_3] : memref<256x256xf32, #tpu.memory_space<vmem>>, vector<256x256xf32>
    %dot_general3A = arith.constant dense<0.000000e+00> : vector<2000x256xf32>
    %dot_general3A_5 = tpu.matmul %get3A_1, %get3A_4, %dot_general3A {dimension_numbers = #tpu.dot_dimension_numbers<[1], [1], [0], [0], [0, 0, 1, 0], [], []>, transpose_lhs_hint = false} : vector<2000x256xf32>, vector<256x256xf32>, vector<2000x256xf32> -> vector<2000x256xf32>
    %swap3A = arith.constant 0 : index
    %swap3A_6 = arith.constant 0 : index
    %swap3A_7 = vector.load %arg5[%swap3A, %swap3A_6] : memref<2000x256xf32, #tpu.memory_space<vmem>>, vector<2000x256xf32>
    tpu.vector_store %arg5[%swap3A, %swap3A_6], %dot_general3A_5 {strides = array<i32>} : memref<2000x256xf32, #tpu.memory_space<vmem>>, vector<2000x256xf32>,
    %get3A_8 = arith.constant 0 : index
    %get3A_9 = arith.constant 0 : index
    %get3A_10 = vector.load %arg3[%get3A_8, %get3A_9] : memref<256x256xf32, #tpu.memory_space<vmem>>, vector<256x256xf32>
    %dot_general3A_11 = arith.constant dense<0.000000e+00> : vector<2000x256xf32>
    %dot_general3A_12 = tpu.matmul %get3A_1, %get3A_10, %dot_general3A_11 {dimension_numbers = #tpu.dot_dimension_numbers<[1], [1], [0], [0], [0, 0, 1, 0], [], []>, transpose_lhs_hint = false} : vector<2000x256xf32>, vector<256x256xf32>, vector<2000x256xf32> -> vector<2000x256xf32>
    %get3A_13 = arith.constant 0 : index
    %get3A_14 = arith.constant 0 : index
    %get3A_15 = vector.load %arg4[%get3A_13, %get3A_14] : memref<1x256xf32, #tpu.memory_space<vmem>>, vector<1x256xf32>
    %add3A = vector.broadcast %get3A_15 : vector<1x256xf32> to vector<2000x256xf32>
    %add3A_16 = arith.addf %dot_general3A_12, %add3A : vector<2000x256xf32>
    %swap3A_17 = arith.constant 0 : index
    %swap3A_18 = arith.constant 0 : index
    %swap3A_19 = vector.load %arg6[%swap3A_17, %swap3A_18] : memref<2000x256xf32, #tpu.memory_space<vmem>>, vector<2000x256xf32>
    tpu.vector_store %arg6[%swap3A_17, %swap3A_18], %add3A_16 {strides = array<i32>} : memref<2000x256xf32, #tpu.memory_space<vmem>>, vector<2000x256xf32>,
    return
  }
  func.func @transform_0(%arg0: i32) -> (i32, i32) {
    %c0_i32 = arith.constant 0 : i32
    %c0_i32_0 = arith.constant 0 : i32
    return %arg0, %c0_i32 : i32, i32
  }
  func.func @transform_1(%arg0: i32) -> (i32, i32) {
    %c0_i32 = arith.constant 0 : i32
    %c0_i32_0 = arith.constant 0 : i32
    %c0_i32_1 = arith.constant 0 : i32
    return %c0_i32, %c0_i32_0 : i32, i32
  }
  func.func @transform_2(%arg0: i32) -> (i32, i32) {
    %c0_i32 = arith.constant 0 : i32
    %c0_i32_0 = arith.constant 0 : i32
    %c0_i32_1 = arith.constant 0 : i32
    return %c0_i32, %c0_i32_0 : i32, i32
  }
  func.func @transform_3(%arg0: i32) -> (i32, i32) {
    %c0_i32 = arith.constant 0 : i32
    %c0_i32_0 = arith.constant 0 : i32
    %c0_i32_1 = arith.constant 0 : i32
    return %c0_i32, %c0_i32_0 : i32, i32
  }
  func.func @transform_4(%arg0: i32) -> (i32, i32) {
    %c0_i32 = arith.constant 0 : i32
    %c0_i32_0 = arith.constant 0 : i32
    return %arg0, %c0_i32 : i32, i32
  }
  func.func @transform_5(%arg0: i32) -> (i32, i32) {
    %c0_i32 = arith.constant 0 : i32
    %c0_i32_0 = arith.constant 0 : i32
    return %arg0, %c0_i32 : i32, i32
  }
}

module attributes {stable_mosaic.version = 14 : i64} {
  func.func @body(%arg0: i32, %arg1: memref<2000x256xf32, #tpu.memory_space<vmem>>, %arg2: memref<2000x128xf32, #tpu.memory_space<vmem>>, %arg3: memref<2000x128xf32, #tpu.memory_space<vmem>>, %arg4: memref<2000x128xf32, #tpu.memory_space<vmem>>, %arg5: memref<256x256xf32, #tpu.memory_space<vmem>>, %arg6: memref<256x256xf32, #tpu.memory_space<vmem>>, %arg7: memref<1x256xf32, #tpu.memory_space<vmem>>, %arg8: memref<2000x256xf32, #tpu.memory_space<vmem>>, %arg9: memref<2000x256xf32, #tpu.memory_space<vmem>>) attributes {dimension_semantics = [#tpu.dimension_semantics<arbitrary>], iteration_bounds = array<i64: 5>, scalar_prefetch = 0 : i64, scratch_operands = 0 : i64, tpu.core_type = #tpu.core_type<tc>, window_params = [{transform_indices = @transform_0, window_bounds = array<i64: 2000, 256>}, {transform_indices = @transform_1, window_bounds = array<i64: 2000, 128>}, {transform_indices = @transform_2, window_bounds = array<i64: 2000, 128>}, {transform_indices = @transform_3, window_bounds = array<i64: 2000, 128>}, {pipeline_mode = #tpu.pipeline_mode<synchronous>, transform_indices = @transform_4, window_bounds = array<i64: 256, 256>}, {pipeline_mode = #tpu.pipeline_mode<synchronous>, transform_indices = @transform_5, window_bounds = array<i64: 256, 256>}, {pipeline_mode = #tpu.pipeline_mode<synchronous>, transform_indices = @transform_6, window_bounds = array<i64: 1, 256>}, {transform_indices = @transform_7, window_bounds = array<i64: 2000, 256>}, {transform_indices = @transform_8, window_bounds = array<i64: 2000, 256>}]} {
    %get3A = arith.constant 0 : index
    %get3A_0 = arith.constant 0 : index
    %get3A_1 = vector.load %arg1[%get3A, %get3A_0] : memref<2000x256xf32, #tpu.memory_space<vmem>>, vector<2000x256xf32>
    %get3A_2 = arith.constant 0 : index
    %get3A_3 = arith.constant 0 : index
    %get3A_4 = vector.load %arg2[%get3A_2, %get3A_3] : memref<2000x128xf32, #tpu.memory_space<vmem>>, vector<2000x128xf32>
    %get3A_5 = arith.constant 0 : index
    %get3A_6 = arith.constant 0 : index
    %get3A_7 = vector.load %arg3[%get3A_5, %get3A_6] : memref<2000x128xf32, #tpu.memory_space<vmem>>, vector<2000x128xf32>
    %get3A_8 = arith.constant 0 : index
    %get3A_9 = arith.constant 0 : index
    %get3A_10 = vector.load %arg4[%get3A_8, %get3A_9] : memref<2000x128xf32, #tpu.memory_space<vmem>>, vector<2000x128xf32>
    %concatenate3A = tpu.concatenate %get3A_4, %get3A_7 in 1 : vector<2000x128xf32>, vector<2000x128xf32> -> vector<2000x256xf32>
    %slice3A = vector.extract_strided_slice %get3A_10 {offsets = [0, 0], sizes = [2000, 1], strides = [1, 1]} : vector<2000x128xf32> to vector<2000x1xf32>
    %max3A = arith.constant 1.000000e+00 : f32
    %max3A_11 = vector.broadcast %max3A : f32 to vector<2000x1xf32>
    %max3A_12 = arith.maximumf %slice3A, %max3A_11 : vector<2000x1xf32>
    %div3A = vector.broadcast %max3A_12 : vector<2000x1xf32> to vector<2000x256xf32>
    %div3A_13 = arith.divf %concatenate3A, %div3A : vector<2000x256xf32>
    %add3A = arith.addf %get3A_1, %div3A_13 : vector<2000x256xf32>
    %mul3A = arith.mulf %add3A, %add3A : vector<2000x256xf32>
    %reduce_sum3A = arith.constant dense<0.000000e+00> : vector<2000xf32>
    %reduce_sum3A_14 = vector.multi_reduction <add>, %mul3A, %reduce_sum3A [1] : vector<2000x256xf32> to vector<2000xf32>
    %broadcast_in_dim3A = vector.shape_cast %reduce_sum3A_14 : vector<2000xf32> to vector<2000x1xf32>
    %sqrt3A = math.sqrt %broadcast_in_dim3A : vector<2000x1xf32>
    %max3A_15 = arith.constant 9.99999996E-13 : f32
    %max3A_16 = vector.broadcast %max3A_15 : f32 to vector<2000x1xf32>
    %max3A_17 = arith.maximumf %sqrt3A, %max3A_16 : vector<2000x1xf32>
    %div3A_18 = vector.broadcast %max3A_17 : vector<2000x1xf32> to vector<2000x256xf32>
    %div3A_19 = arith.divf %add3A, %div3A_18 : vector<2000x256xf32>
    %max3A_20 = arith.constant 0.000000e+00 : f32
    %max3A_21 = vector.broadcast %max3A_20 : f32 to vector<2000x256xf32>
    %max3A_22 = arith.maximumf %div3A_19, %max3A_21 : vector<2000x256xf32>
    %get3A_23 = arith.constant 0 : index
    %get3A_24 = arith.constant 0 : index
    %get3A_25 = vector.load %arg5[%get3A_23, %get3A_24] : memref<256x256xf32, #tpu.memory_space<vmem>>, vector<256x256xf32>
    %dot_general3A = arith.constant dense<0.000000e+00> : vector<2000x256xf32>
    %dot_general3A_26 = tpu.matmul %max3A_22, %get3A_25, %dot_general3A {dimension_numbers = #tpu.dot_dimension_numbers<[1], [1], [0], [0], [0, 0, 1, 0], [], []>, transpose_lhs_hint = false} : vector<2000x256xf32>, vector<256x256xf32>, vector<2000x256xf32> -> vector<2000x256xf32>
    %swap3A = arith.constant 0 : index
    %swap3A_27 = arith.constant 0 : index
    %swap3A_28 = vector.load %arg8[%swap3A, %swap3A_27] : memref<2000x256xf32, #tpu.memory_space<vmem>>, vector<2000x256xf32>
    tpu.vector_store %arg8[%swap3A, %swap3A_27], %dot_general3A_26 {strides = array<i32>} : memref<2000x256xf32, #tpu.memory_space<vmem>>, vector<2000x256xf32>,
    %get3A_29 = arith.constant 0 : index
    %get3A_30 = arith.constant 0 : index
    %get3A_31 = vector.load %arg6[%get3A_29, %get3A_30] : memref<256x256xf32, #tpu.memory_space<vmem>>, vector<256x256xf32>
    %dot_general3A_32 = arith.constant dense<0.000000e+00> : vector<2000x256xf32>
    %dot_general3A_33 = tpu.matmul %max3A_22, %get3A_31, %dot_general3A_32 {dimension_numbers = #tpu.dot_dimension_numbers<[1], [1], [0], [0], [0, 0, 1, 0], [], []>, transpose_lhs_hint = false} : vector<2000x256xf32>, vector<256x256xf32>, vector<2000x256xf32> -> vector<2000x256xf32>
    %get3A_34 = arith.constant 0 : index
    %get3A_35 = arith.constant 0 : index
    %get3A_36 = vector.load %arg7[%get3A_34, %get3A_35] : memref<1x256xf32, #tpu.memory_space<vmem>>, vector<1x256xf32>
    %add3A_37 = vector.broadcast %get3A_36 : vector<1x256xf32> to vector<2000x256xf32>
    %add3A_38 = arith.addf %dot_general3A_33, %add3A_37 : vector<2000x256xf32>
    %swap3A_39 = arith.constant 0 : index
    %swap3A_40 = arith.constant 0 : index
    %swap3A_41 = vector.load %arg9[%swap3A_39, %swap3A_40] : memref<2000x256xf32, #tpu.memory_space<vmem>>, vector<2000x256xf32>
    tpu.vector_store %arg9[%swap3A_39, %swap3A_40], %add3A_38 {strides = array<i32>} : memref<2000x256xf32, #tpu.memory_space<vmem>>, vector<2000x256xf32>,
    return
  }
  func.func @transform_0(%arg0: i32) -> (i32, i32) {
    %c0_i32 = arith.constant 0 : i32
    %c0_i32_0 = arith.constant 0 : i32
    return %arg0, %c0_i32 : i32, i32
  }
  func.func @transform_1(%arg0: i32) -> (i32, i32) {
    %c0_i32 = arith.constant 0 : i32
    %c0_i32_0 = arith.constant 0 : i32
    return %arg0, %c0_i32 : i32, i32
  }
  func.func @transform_2(%arg0: i32) -> (i32, i32) {
    %c0_i32 = arith.constant 0 : i32
    %c0_i32_0 = arith.constant 0 : i32
    return %arg0, %c0_i32 : i32, i32
  }
  func.func @transform_3(%arg0: i32) -> (i32, i32) {
    %c0_i32 = arith.constant 0 : i32
    %c0_i32_0 = arith.constant 0 : i32
    return %arg0, %c0_i32 : i32, i32
  }
  func.func @transform_4(%arg0: i32) -> (i32, i32) {
    %c0_i32 = arith.constant 0 : i32
    %c0_i32_0 = arith.constant 0 : i32
    %c0_i32_1 = arith.constant 0 : i32
    return %c0_i32, %c0_i32_0 : i32, i32
  }
  func.func @transform_5(%arg0: i32) -> (i32, i32) {
    %c0_i32 = arith.constant 0 : i32
    %c0_i32_0 = arith.constant 0 : i32
    %c0_i32_1 = arith.constant 0 : i32
    return %c0_i32, %c0_i32_0 : i32, i32
  }
  func.func @transform_6(%arg0: i32) -> (i32, i32) {
    %c0_i32 = arith.constant 0 : i32
    %c0_i32_0 = arith.constant 0 : i32
    %c0_i32_1 = arith.constant 0 : i32
    return %c0_i32, %c0_i32_0 : i32, i32
  }
  func.func @transform_7(%arg0: i32) -> (i32, i32) {
    %c0_i32 = arith.constant 0 : i32
    %c0_i32_0 = arith.constant 0 : i32
    return %arg0, %c0_i32 : i32, i32
  }
  func.func @transform_8(%arg0: i32) -> (i32, i32) {
    %c0_i32 = arith.constant 0 : i32
    %c0_i32_0 = arith.constant 0 : i32
    return %arg0, %c0_i32 : i32, i32
  }
}

module attributes {stable_mosaic.version = 14 : i64} {
  func.func @body(%arg0: i32, %arg1: memref<2000x256xf32, #tpu.memory_space<vmem>>, %arg2: memref<2000x128xf32, #tpu.memory_space<vmem>>, %arg3: memref<2000x128xf32, #tpu.memory_space<vmem>>, %arg4: memref<2000x128xf32, #tpu.memory_space<vmem>>, %arg5: memref<2000x256xf32, #tpu.memory_space<vmem>>) attributes {dimension_semantics = [#tpu.dimension_semantics<arbitrary>], iteration_bounds = array<i64: 5>, scalar_prefetch = 0 : i64, scratch_operands = 0 : i64, tpu.core_type = #tpu.core_type<tc>, window_params = [{transform_indices = @transform_0, window_bounds = array<i64: 2000, 256>}, {transform_indices = @transform_1, window_bounds = array<i64: 2000, 128>}, {transform_indices = @transform_2, window_bounds = array<i64: 2000, 128>}, {transform_indices = @transform_3, window_bounds = array<i64: 2000, 128>}, {transform_indices = @transform_4, window_bounds = array<i64: 2000, 256>}]} {
    %get3A = arith.constant 0 : index
    %get3A_0 = arith.constant 0 : index
    %get3A_1 = vector.load %arg1[%get3A, %get3A_0] : memref<2000x256xf32, #tpu.memory_space<vmem>>, vector<2000x256xf32>
    %get3A_2 = arith.constant 0 : index
    %get3A_3 = arith.constant 0 : index
    %get3A_4 = vector.load %arg2[%get3A_2, %get3A_3] : memref<2000x128xf32, #tpu.memory_space<vmem>>, vector<2000x128xf32>
    %get3A_5 = arith.constant 0 : index
    %get3A_6 = arith.constant 0 : index
    %get3A_7 = vector.load %arg3[%get3A_5, %get3A_6] : memref<2000x128xf32, #tpu.memory_space<vmem>>, vector<2000x128xf32>
    %get3A_8 = arith.constant 0 : index
    %get3A_9 = arith.constant 0 : index
    %get3A_10 = vector.load %arg4[%get3A_8, %get3A_9] : memref<2000x128xf32, #tpu.memory_space<vmem>>, vector<2000x128xf32>
    %concatenate3A = tpu.concatenate %get3A_4, %get3A_7 in 1 : vector<2000x128xf32>, vector<2000x128xf32> -> vector<2000x256xf32>
    %slice3A = vector.extract_strided_slice %get3A_10 {offsets = [0, 0], sizes = [2000, 1], strides = [1, 1]} : vector<2000x128xf32> to vector<2000x1xf32>
    %max3A = arith.constant 1.000000e+00 : f32
    %max3A_11 = vector.broadcast %max3A : f32 to vector<2000x1xf32>
    %max3A_12 = arith.maximumf %slice3A, %max3A_11 : vector<2000x1xf32>
    %div3A = vector.broadcast %max3A_12 : vector<2000x1xf32> to vector<2000x256xf32>
    %div3A_13 = arith.divf %concatenate3A, %div3A : vector<2000x256xf32>
    %add3A = arith.addf %get3A_1, %div3A_13 : vector<2000x256xf32>
    %mul3A = arith.mulf %add3A, %add3A : vector<2000x256xf32>
    %reduce_sum3A = arith.constant dense<0.000000e+00> : vector<2000xf32>
    %reduce_sum3A_14 = vector.multi_reduction <add>, %mul3A, %reduce_sum3A [1] : vector<2000x256xf32> to vector<2000xf32>
    %broadcast_in_dim3A = vector.shape_cast %reduce_sum3A_14 : vector<2000xf32> to vector<2000x1xf32>
    %sqrt3A = math.sqrt %broadcast_in_dim3A : vector<2000x1xf32>
    %max3A_15 = arith.constant 9.99999996E-13 : f32
    %max3A_16 = vector.broadcast %max3A_15 : f32 to vector<2000x1xf32>
    %max3A_17 = arith.maximumf %sqrt3A, %max3A_16 : vector<2000x1xf32>
    %div3A_18 = vector.broadcast %max3A_17 : vector<2000x1xf32> to vector<2000x256xf32>
    %div3A_19 = arith.divf %add3A, %div3A_18 : vector<2000x256xf32>
    %swap3A = arith.constant 0 : index
    %swap3A_20 = arith.constant 0 : index
    %swap3A_21 = vector.load %arg5[%swap3A, %swap3A_20] : memref<2000x256xf32, #tpu.memory_space<vmem>>, vector<2000x256xf32>
    tpu.vector_store %arg5[%swap3A, %swap3A_20], %div3A_19 {strides = array<i32>} : memref<2000x256xf32, #tpu.memory_space<vmem>>, vector<2000x256xf32>,
    return
  }
  func.func @transform_0(%arg0: i32) -> (i32, i32) {
    %c0_i32 = arith.constant 0 : i32
    %c0_i32_0 = arith.constant 0 : i32
    return %arg0, %c0_i32 : i32, i32
  }
  func.func @transform_1(%arg0: i32) -> (i32, i32) {
    %c0_i32 = arith.constant 0 : i32
    %c0_i32_0 = arith.constant 0 : i32
    return %arg0, %c0_i32 : i32, i32
  }
  func.func @transform_2(%arg0: i32) -> (i32, i32) {
    %c0_i32 = arith.constant 0 : i32
    %c0_i32_0 = arith.constant 0 : i32
    return %arg0, %c0_i32 : i32, i32
  }
  func.func @transform_3(%arg0: i32) -> (i32, i32) {
    %c0_i32 = arith.constant 0 : i32
    %c0_i32_0 = arith.constant 0 : i32
    return %arg0, %c0_i32 : i32, i32
  }
  func.func @transform_4(%arg0: i32) -> (i32, i32) {
    %c0_i32 = arith.constant 0 : i32
    %c0_i32_0 = arith.constant 0 : i32
    return %arg0, %c0_i32 : i32, i32
  }
}

</mosaic_0001>

<sc_bundles>
// kernel: kernel.10.cloned.1.call-start
scs
__scs_entry_jumppad:
0x0: {  	(pc) =	sbr.rel $0x88, $3  }
0x1: {  	(tag) =	ssettag $0x0;
	lr =	simm.s32 $0x1  }
0x2: {  	[smem:$0x3F99] =	sst lr;
	_ =	strace $0xD0000000  }
0x3: {  	_ = 	snop  }
0x4: {  	_ = 	snop  }
0x5: {  	_ = 	snop  }
0x6: {  	_ = 	snop  }
0x7: {  	_ = 	snop  }
__scs_overlays_trampoline_lowered:
0x8: {  	[smem:$0x3FA8] =	sst s0  }
0x9: {  	[smem:$0x3FA9] =	sst s1  }
0xa: {  	[smem:$0x3FAA] =	sst s2  }
0xb: {  	[smem:$0x3FAB] =	sst s3  }
0xc: {  	[smem:$0x3FAC] =	sst s4  }
0xd: {  	[smem:$0x3FAD] =	sst s5  }
0xe: {  	[smem:$0x3FAE] =	sst s6  }
0xf: {  	[smem:$0x3FAF] =	sst s7  }
0x10: {  	[smem:$0x3FB0] =	sst s8  }
0x11: {  	[smem:$0x3FB1] =	sst s9;
	s0 =	simm.s32 @!p0 $0x0  }
0x12: {  	s1 =	sld [smem:$0x3F97];
	s0 =	simm.s32 @p0 $0x1  }
0x13: {  	[smem:$0x3FB2] =	sst s0;
	s0 =	simm.s32 @!p1 $0x0  }
0x14: {  	s2 =	sld [smem:$0x3F96];
	s0 =	simm.s32 @p1 $0x1  }
0x15: {  	[smem:$0x3FB3] =	sst s0;
	s0 =	simm.s32 @!p2 $0x0  }
0x16: {  	s3 =	sld [smem:$0x3FDB];
	s0 =	simm.s32 @p2 $0x1  }
0x17: {  	s4 =	simm.s32 $0x1BF5;
	[smem:$0x3FB5] =	sst s0  }
0x18: {  	s0 =	sld [smem:$0x3F98];
	_ =	swait.ge [sflag:s4], $0x0  }
0x19: {  	s7 =	sld [smem:$0x3F99]  }
0x1a: {  	s8 =	sadd.s32 $0xFFFFE003, lr  }
0x1b: {  	s9 =	sadd.s32 $0xFFFFFEF7, lr;
	s5 =	simm.s32 $0xFFFFFFFF;
	p2 =	slt.u32 s8, $0xFFFFF086  }
0x1c: {  	p1 =	slt.u32 s9, $0xF7A;
	s5 =	simm.s32 @!p2 $0x0  }
0x1d: {  	s5 =	simm.s32 @p1 $0x1;
	p0 =	seq.s32 s7, s2  }
0x1e: {  	s7 =	smul.u32 @!p0 $0xF7A, s2;
	p2 =	seq.s32 @!p0 s5, $0x0  }
0x1f: {  	s9 =	smul.u32 $0xF7A, s1;
	s8 =	simm.s32 @!p0 $0x1BF5;
	p2 =	por !p2, p0  }
0x20: {  	[sflag:s8] =	ssyncset.s32 @!p0 $0xFFFFF086;
	s6 =	sadd.s32 @!p0 s3, s7;
	s7 =	simm.s32 @!p0 $0x108  }
0x21: {  	s3 =	sadd.s32 s3, s9;
	s6 =	sadd.s32 @!p0 $0x88, s6;
	s7 =	simm.s32 @p2 $0x1082  }
0x22: {  	[simem:s7], [sflag:s8] =	dma.local @!p0 [hbm:s6], $0xF7A  }
0x23: {  	s9 =	sor.u32 $0xD0000000, s2;
	s6 =	simm.s32 $0x108;
	_ =	swait.ge @!p0 [sflag:s8], $0x0  }
0x24: {  	s3 =	sadd.s32 $0x88, s3;
	s6 =	simm.s32 @!p1 $0x1082;
	[sflag:s4] =	ssyncset.s32 $0xFFFFF086  }
0x25: {  	[simem:s6], [sflag:s4] =	dma.local [hbm:s3], $0xF7A  }
0x26: {  	[smem:$0x3F99] =	sst s1;
	(tag) =	ssettag s2;
	_ =	strace s9  }
0x27: {  	s1 =	sld [smem:$0x3FA9]  }
0x28: {  	s2 =	sld [smem:$0x3FAA]  }
0x29: {  	s4 =	sld [smem:$0x3FAC]  }
0x2a: {  	p0 =	seq.s32 s5, $0x0;
	s5 =	sld [smem:$0x3FAD]  }
0x2b: {  	s6 =	sld [smem:$0x3FAE]  }
0x2c: {  	s7 =	sld [smem:$0x3FAF]  }
0x2d: {  	s3 =	simm.s32 $0x108;
	s8 =	sld [smem:$0x3FB0]  }
0x2e: {  	s3 =	simm.s32 @!p0 $0x1082;
	s9 =	sld [smem:$0x3FB1]  }
0x2f: {  	lr =	sadd.s32 s0, s3;
	s0 =	sld [smem:$0x3FA8]  }
0x30: {  	s3 =	sld [smem:$0x3FAB]  }
0x31: {  	[smem:$0x3FB4] =	sst s10  }
0x32: {  	s10 =	sld [smem:$0x3FB2];
	_ =	sdelay $0x3  }
0x33: {  	p0 =	seq.s32 s10, $0x1;
	s10 =	sld [smem:$0x3FB4];
	_ =	sdelay $0x3  }
0x34: {  	[smem:$0x3FB4] =	sst s10  }
0x35: {  	s10 =	sld [smem:$0x3FB3];
	_ =	sdelay $0x3  }
0x36: {  	p1 =	seq.s32 s10, $0x1;
	s10 =	sld [smem:$0x3FB4];
	_ =	sdelay $0x3  }
0x37: {  	[smem:$0x3FB4] =	sst s10  }
0x38: {  	s10 =	sld [smem:$0x3FB5]  }
0x39: {  	_ = 	snop;
	(pc) =	sbr.ind lr, $3  }
0x3a: {  	_ = 	snop  }
0x3b: {  	_ = 	snop  }
0x3c: {  	p2 =	seq.s32 s10, $0x1;
	s10 =	sld [smem:$0x3FB4]  }
0x3d: {  	_ =	shalt  }
0x3e: {  	_ =	shalt  }
0x3f: {  	_ =	shalt  }
0x40: {  	_ =	shalt  }
0x41: {  	_ =	shalt  }
0x42: {  	_ =	shalt  }
0x43: {  	_ =	shalt  }
0x44: {  	_ =	shalt  }
0x45: {  	_ =	shalt  }
0x46: {  	_ =	shalt  }
0x47: {  	_ =	shalt  }
0x48: {  	_ =	shalt  }
0x49: {  	_ =	shalt  }
0x4a: {  	_ =	shalt  }
0x4b: {  	_ =	shalt  }
0x4c: {  	_ =	shalt  }
0x4d: {  	_ =	shalt  }
0x4e: {  	_ =	shalt  }
0x4f: {  	_ =	shalt  }
0x50: {  	_ =	shalt  }
0x51: {  	_ =	shalt  }
0x52: {  	_ =	shalt  }
0x53: {  	_ =	shalt  }
0x54: {  	_ =	shalt  }
0x55: {  	_ =	shalt  }
0x56: {  	_ =	shalt  }
0x57: {  	_ =	shalt  }
0x58: {  	_ =	shalt  }
0x59: {  	_ =	shalt  }
0x5a: {  	_ =	shalt  }
0x5b: {  	_ =	shalt  }
0x5c: {  	_ =	shalt  }
0x5d: {  	_ =	shalt  }
0x5e: {  	_ =	shalt  }
0x5f: {  	_ =	shalt  }
0x60: {  	_ =	shalt  }
0x61: {  	_ =	shalt  }
0x62: {  	_ =	shalt  }
0x63: {  	_ =	shalt  }
0x64: {  	_ =	shalt  }
0x65: {  	_ =	shalt  }
0x66: {  	_ =	shalt  }
0x67: {  	_ =	shalt  }
0x68: {  	_ =	shalt  }
0x69: {  	_ =	shalt  }
0x6a: {  	_ =	shalt  }
0x6b: {  	_ =	shalt  }
0x6c: {  	_ =	shalt  }
0x6d: {  	_ =	shalt  }
0x6e: {  	_ =	shalt  }
0x6f: {  	_ =	shalt  }
0x70: {  	_ =	shalt  }
0x71: {  	_ =	shalt  }
0x72: {  	_ =	shalt  }
0x73: {  	_ =	shalt  }
0x74: {  	_ =	shalt  }
0x75: {  	_ =	shalt  }
0x76: {  	_ =	shalt  }
0x77: {  	_ =	shalt  }
0x78: {  	_ =	shalt  }
0x79: {  	_ =	shalt  }
0x7a: {  	_ =	shalt  }
0x7b: {  	_ =	shalt  }
0x7c: {  	_ =	shalt  }
0x7d: {  	_ =	shalt  }
0x7e: {  	_ =	shalt  }
0x7f: {  	_ =	shalt  }
0x80: {  	_ =	shalt  }
0x81: {  	_ =	shalt  }
0x82: {  	_ =	shalt  }
0x83: {  	_ =	shalt  }
0x84: {  	_ =	shalt  }
0x85: {  	_ =	shalt  }
0x86: {  	_ =	shalt  }
0x87: {  	_ =	shalt  }
.Lfunc_end0:
.L_simem_size_0:
called_computation.1_lowered:
.L_overlay_start_0:
0x88: {  	s2 =	sld [smem:$0x3FD9]  }
0x89: {  	s3 =	sld [smem:$0x3FFE];
	_ =	sdelay $0x1  }
0x8a: {  	s1 =	srdreg.scid  }
0x8b: {  	s0 =	sand.u32 $0x1, s1  }
0x8c: {  	s17 =	sshll.u32 s0, $0xA;
	s2 =	sadd.s32 s3, s2  }
0x8d: {  	s2 =	sadd.s32 s2, s17  }
0x8e: {  	[smem:$0x3FC0] =	sst s2  }
0x8f: {  	_ = 	snop  }
0x90: {  	s2 =	sld [smem:$0x3FD0];
	(tm) =	ssettm $0x1  }
0x91: {  	s18 =	sld [smem:$0x3FFB];
	_ =	sdelay $0x3  }
0x92: {  	_ =	strace s18  }
0x93: {  	s3 =	sld [smem:$0x3FFC];
	_ =	sdelay $0x3  }
0x94: {  	_ =	strace s3  }
0x95: {  	s3 =	sld [smem:$0x3FFD];
	_ =	sdelay $0x3  }
0x96: {  	_ =	strace s3  }
0x97: {  	_ =	strace $0x8FFFFFFF  }
0x98: {  	s19 =	sld [smem:$0x3FDB];
	_ =	sdelay $0x1  }
0x99: {  	s4 =	simm.s32 $_scs_section_size  }
0x9a: {  	s5 =	simm.s32 $_size__tile_overlayer_lowered;
	s6 =	simm.s32 $_tile_overlayer_lowered  }
0x9b: {  	s22 =	simm.s32 $0x1BFF;
	s21 =	sshll.u32 s6, $0x1;
	s3 =	sadd.s32 s4, s19  }
0x9c: {  	s7 =	simm.s32 $0x0;
	s20 =	sshll.u32 s5, $0x1;
	s5 =	sadd.s32 s21, s3  }
0x9d: {  	[timem:s7], [sflag:s22] =	dma.local [hbm:s5], s20  }
0x9e: {  	_ =	swait.ge [sflag:s22], s20  }
0x9f: {  	s4 =	ssub.s32 $0x0, s20;
	[sflag:s22] =	ssyncset.done $0x0  }
0xa0: {  	[sflag:s22] =	ssyncadd.s32 s4;
	_ =	sdelay $0x1  }
0xa1: {  	s23 =	simm.s32 $0x1B8B  }
0xa2: {  	_ =	swait.ge [sflag:s23], $0x1  }
0xa3: {  	[sflag:s23] =	ssyncset.done $0x0  }
0xa4: {  	s25 =	simm.s32 $0x1B8E;
	s24 =	sld [smem:$0x3FFE];
	[sflag:s23] =	ssyncadd.s32 $0xFFFFFFFF  }
0xa5: {  	s26 =	simm.s32 $execute0_lowered;
	[smem:$0x3FD2] =	sst s25  }
0xa6: {  	s5 =	sshll.u32 s26, $0x1;
	_ =	strace $0x80000049;
	[dreg:$0x1] =	wrdreg $0xFFFFFFFF  }
0xa7: {  	s28 =	simm.s32 $_size_execute0_lowered;
	s3 =	sadd.s32 s3, s5;
	[dreg:$0x0] =	wrdreg $0x0  }
0xa8: {  	s5 =	sshll.u32 s28, $0x1;
	[dreg:$0x2] =	wrdreg s3  }
0xa9: {  	[dreg:$0x3] =	wrdreg s5  }
0xaa: {  	[dreg:$0x4] =	wrdreg $0xC0  }
0xab: {  	_ =	task [dreg:s7], $0x5FFFF  }
0xac: {  	[dreg:$0x1] =	wrdreg $0xFFFFFFFF  }
0xad: {  	[dreg:$0x0] =	wrdreg $0x60  }
0xae: {  	[dreg:$0x2] =	wrdreg s2  }
0xaf: {  	[dreg:$0x3] =	wrdreg s24  }
0xb0: {  	[dreg:$0x4] =	wrdreg $0xD0000  }
0xb1: {  	[dreg:$0x5] =	wrdreg $0x9  }
0xb2: {  	_ =	task.clear_ibuf [dreg:s7], $0x6FFFF;
	_ =	strace $0x90000049  }
0xb3: {  	s29 =	simm.s32 $0x9;
	_ =	strace $0x8000004B  }
0xb4: {  	_ =	swait.ge [sflag:s29], $0x1  }
0xb5: {  	[sflag:s29] =	ssyncadd.s32 $0xFFFFFFFF  }
0xb6: {  	_ =	strace $0x9000004B  }
0xb7: {  	_ =	sfence  }
0xb8: {  	s30 =	sld [smem:$0x0];
	_ =	sdelay $0x2  }
0xb9: {  	s31 =	sshll.u32 s1, $0xD;
	s1 =	sshrl.u32 s1, $0x2  }
0xba: {  	s3 =	sand.u32 $0x4000, s31;
	s1 =	sadd.s32 s1, s30  }
0xbb: {  	s0 =	sor.u32 s3, s0;
	s1 =	sshll.u32 s1, $0x11  }
0xbc: {  	s0 =	sor.u32 s1, s0  }
0xbd: {  	s0 =	sadd.s32 $0x8F2B, s0  }
0xbe: {  	[sflag:s0] =	ssyncadd.remote.s32 $0x1  }
0xbf: {  	_ =	sfence.sel $0xFFFF  }
0xc0: {  	[dreg:$0x0] =	wrdreg $0xFFFFFFFF;
	(pc) =	sbr.abs _section_cstart, $3  }
0xc1: {  	[dreg:$0x1] =	wrdreg $0xFFFFFFFF  }
0xc2: {  	_ =	task.clear_ibuf [dreg:s7], $0x2FFFF;
	_ =	strace $0x9FFFFFFF  }
0xc3: {  	(tm) =	ssettm $0x7FFFFFFF  }
tec
execute0_lowered:
.L_overlay_start_1:
0x0: {  	(tag) =	ssettag $0x1  }
0x1: {  	s1 =	rddreg [dreg:$0x0]  }
0x2: {  	s0 =	rddreg [dreg:$0x1]  }
0x3: {  	s3 =	rddreg [dreg:$0x2]  }
0x4: {  	s4 =	simm.s32 $0x0;
	s2 =	stileid.u32;
	s5 =	srdreg.scid  }
0x5: {  	s28 =	simm.s32 $0xA800;
	s29 =	simm.s32 $0x1;
	s30 =	simm.s32 $0x2  }
0x6: {  	s31 =	simm.s32 $0x7E00;
	[smem:$0x7FF] =	sst s4;
	s18 =	sshll.u32 s2, $0xB  }
0x7: {  	s9 =	sand.u32 $0x1, s5;
	s5 =	sadd.s32 $0x69000, s0;
	s7 =	smul.u32 $0x1A000, s2  }
0x8: {  	s10 =	sadd.s32 $0x1AE00, s0;
	s11 =	sadd.s32 $0xDF400, s0;
	s19 =	sadd.s32 $0xEB700, s0  }
0x9: {  	s21 =	sadd.s32 $0x27100, s0;
	_ =	strace $0x8000004A;
	[dreg:$0x5] =	wrdreg s19  }
0xa: {  	s13 =	smul.u32 $0xD00, s2;
	s23 =	sadd.s32 $0xF8780, s0;
	[dreg:$0x7] =	wrdreg s21  }
0xb: {  	s24 =	sadd.s32 $0x34180, s0;
	s25 =	sadd.s32 $0x105800, s0;
	[dreg:$0x9] =	wrdreg s23  }
0xc: {  	s4 =	sadd.s32 s18, s0;
	s6 =	ssub.s32 $0x2, s9;
	[dreg:$0xb] =	wrdreg s24  }
0xd: {  	p0 =	seq.s32 s9, $0x0;
	[dreg:$0xd] =	wrdreg s25;
	s0 =	sadd.s32 $0x41200, s0  }
0xe: {  	s23 =	simm.s32 $0x3;
	p4 =	sne.s32 s9, $0x0;
	s24 =	simm.s32 $0x4000  }
0xf: {  	s25 =	simm.s32 $0x50;
	s8 =	sshrl.u32 s6, $0x1;
	s7 =	sshrl.u32 s7, $0x2  }
0x10: {  	s14 =	sadd.s32 s11, s13;
	s20 =	sadd.s32 s10, s13;
	s22 =	sadd.s32 $0xD080, s13  }
0x11: {  	s13 =	sadd.s32 $0x1A100, s13;
	[dreg:$0xf] =	wrdreg s0;
	p2 =	seq.s32 @p4 s2, $0xF  }
0x12: {  	p5 =	seq.s32 @!p4 s2, $0xF;
	s0 =	simm.s32 $0x0;
	s12 =	ssub.s32 s6, s8  }
0x13: {  	s6 =	sadd.s32 $0x2E00, s4;
	s7 =	sadd.s32 s7, s3;
	[dreg:$0x4] =	wrdreg s14  }
0x14: {  	s8 =	sadd.s32 $0x61800, s3;
	[dreg:$0x6] =	wrdreg s20;
	s15 =	sadd.s32 s11, s22  }
0x15: {  	s14 =	sadd.s32 s10, s22;
	s11 =	sadd.s32 s11, s13;
	[dreg:$0x8] =	wrdreg s15  }
0x16: {  	s10 =	sadd.s32 s10, s13;
	p1 =	por !p2, !p4;
	[dreg:$0xa] =	wrdreg s14  }
0x17: {  	p2 =	por p2, !p4;
	p3 =	por !p5, p4;
	[dreg:$0xc] =	wrdreg s11  }
0x18: {  	[dreg:$0xe] =	wrdreg s10;
	s10 =	simm.s32 $0xAE00;
	s26 =	smax.u32 s12, $0x1  }
0x19: {  	p4 =	por p5, p4;
	[dreg:$0x10] =	wrdreg s26;
	s10 =	simm.s32 @!p0 $0x12E00  }
0x1a: {  	p0 =	seq.s32 s2, $0xF;
	s26 =	simm.s32 $0x8000;
	s22 =	sadd.s32 s10, s4  }
.LBB2_1:
0x1b: {  	s4 =	simm.s32 $0x0  }
0x1c: {  	[tilespmem:s4], [sflag:$0x3] =	stream.linear.gather [hbm4b:s22+s4], $0x3E80, $0x38;
	[tilespmem:$0x13880] =	vst v63  }
0x1d: {  	_ =	swait.ge [sflag:s23], $0x3E80  }
0x1e: {  	[sflag:s23] =	ssyncset.done $0x0  }
0x1f: {  	[sflag:s23] =	ssyncadd.s32 $0xFFFFC180  }
0x20: {  	[tilespmem:s24], [sflag:$0x3] =	stream.linear.gather [hbm4b:s6+s4], $0x3E80, $0x38;
	[tilespmem:$0x13880] =	vst v63  }
0x21: {  	_ =	swait.ge [sflag:s23], $0x3E80  }
0x22: {  	[sflag:s23] =	ssyncset.done $0x0  }
0x23: {  	s4 =	simm.s32 $0x0;
	[sflag:s23] =	ssyncadd.s32 $0xFFFFC180  }
0x24: {  	v6 =	vld [tilespmem:s4+$0x4040]  }
0x25: {  	v3 =	vld [tilespmem:s4+$0x4030]  }
0x26: {  	v2 =	vld [tilespmem:s4+$0x4000];
	_ =	sdelay $0x2  }
0x27: {  	v0 =	vld [tilespmem:s4+$0x4010];
	v1 =	vand.u32 $0x7, v6;
	vm1 =	vlt.u32 v6, $0xD08  }
0x28: {  	v5 =	vand.u32 $0x7, v3;
	vm0 =	vlt.u32 v3, $0xD08;
	v7 =	vor.u32 $0xD08, v1;
	v1 =	vld [tilespmem:s4+$0x4020]  }
0x29: {  	s10 =	simm.s32 $0x200;
	s9 =	simm.s32 $0x400;
	v4 =	vand.u32 $0x7, v2;
	v5 =	vor.u32 $0xD08, v5;
	v6 =	vsel vm1, v6, v7  }
.LBB2_2:
0x2a: {  	p5 =	sne.s32 s9, $0xF800  }
0x2b: {  	s11 =	sshra.s32 s10, $0x2;
	v4 =	vor.u32 $0xD08, v4;
	vm1 =	vlt.u32 v2, $0xD08;
	v3 =	vsel vm0, v3, v5;
	[tilespmem:s4+$0x4040] =	vst v6;
	s10 =	smov.u32 s9;
	s9 =	sadd.s32 $0x200, s9  }
0x2c: {  	v6 =	vld [tilespmem:s11+$0x4040];
	v2 =	vsel vm1, v2, v4;
	v4 =	vand.u32 $0x7, v0;
	vm0 =	vlt.u32 v0, $0xD08;
	[tilespmem:s4+$0x4030] =	vst v3  }
0x2d: {  	v3 =	vld [tilespmem:s11+$0x4030];
	[tilespmem:s4+$0x4000] =	vst v2;
	v4 =	vor.u32 $0xD08, v4;
	v5 =	vand.u32 $0x7, v1  }
0x2e: {  	v2 =	vld [tilespmem:s11+$0x4000];
	v0 =	vsel vm0, v0, v4;
	v4 =	vor.u32 $0xD08, v5;
	vm0 =	vlt.u32 v1, $0xD08  }
.Ltmp0:
0x2f: {  	[tilespmem:s4+$0x4010] =	vst v0;
	v1 =	vsel vm0, v1, v4;
	(pc) =	sbr.rel @p5 .LBB2_2-.Ltmp0, $4  }
0x30: {  	v0 =	vld [tilespmem:s11+$0x4010];
	[tilespmem:s4+$0x4020] =	vst v1;
	s4 =	smov.u32 s11  }
0x31: {  	v1 =	vld [tilespmem:s4+$0x4020];
	v4 =	vand.u32 $0x7, v6;
	vm1 =	vlt.u32 v6, $0xD08  }
0x32: {  	v5 =	vand.u32 $0x7, v3;
	vm0 =	vlt.u32 v3, $0xD08;
	v7 =	vor.u32 $0xD08, v4  }
0x33: {  	v4 =	vand.u32 $0x7, v2;
	v5 =	vor.u32 $0xD08, v5;
	v6 =	vsel vm1, v6, v7  }
0x34: {  	s9 =	sshra.s32 s10, $0x2;
	[tilespmem:s4+$0x4040] =	vst v6;
	v3 =	vsel vm0, v3, v5;
	v4 =	vor.u32 $0xD08, v4;
	vm9 =	vlt.u32 v2, $0xD08  }
0x35: {  	v48 =	vld [tilespmem:s9+$0x4040];
	[tilespmem:s4+$0x4030] =	vst v3;
	v2 =	vsel vm9, v2, v4;
	v49 =	vand.u32 $0x7, v0  }
0x36: {  	vm10 =	vlt.u32 v0, $0xD08;
	v50 =	vld [tilespmem:s9+$0x4030];
	[tilespmem:s4+$0x4000] =	vst v2;
	v51 =	vor.u32 $0xD08, v49;
	v52 =	vand.u32 $0x7, v1  }
0x37: {  	vm11 =	vlt.u32 v1, $0xD08;
	v6 =	vld [tilespmem:s9+$0x4000];
	v0 =	vsel vm10, v0, v51;
	v53 =	vor.u32 $0xD08, v52  }
0x38: {  	[tilespmem:s4+$0x4010] =	vst v0;
	v54 =	vsel vm11, v1, v53  }
0x39: {  	v55 =	vld [tilespmem:s9+$0x4010];
	[tilespmem:s4+$0x4020] =	vst v54  }
0x3a: {  	v0 =	vld [tilespmem:s9+$0x4020];
	v56 =	vand.u32 $0x7, v48  }
0x3b: {  	vm12 =	vlt.u32 v48, $0xD08;
	v57 =	vand.u32 $0x7, v50;
	vm1 =	vlt.u32 v50, $0xD08  }
0x3c: {  	v2 =	vor.u32 $0xD08, v56;
	v7 =	vand.u32 $0x7, v6;
	v3 =	vor.u32 $0xD08, v57  }
0x3d: {  	v2 =	vsel vm12, v48, v2;
	vm13 =	vlt.u32 v6, $0xD08;
	v58 =	vor.u32 $0xD08, v7  }
0x3e: {  	v3 =	vsel vm1, v50, v3;
	[tilespmem:s9+$0x4040] =	vst v2;
	v59 =	vsel vm13, v6, v58;
	v60 =	vand.u32 $0x7, v55  }
0x3f: {  	vm14 =	vlt.u32 v55, $0xD08;
	[tilespmem:s9+$0x4030] =	vst v3;
	v61 =	vor.u32 $0xD08, v60;
	v62 =	vand.u32 $0x7, v0  }
0x40: {  	[tilespmem:s9+$0x4000] =	vst v59;
	vm15 =	vlt.u32 v0, $0xD08;
	v1 =	vsel vm14, v55, v61;
	v63 =	vor.u32 $0xD08, v62  }
0x41: {  	[tilespmem:s9+$0x4010] =	vst v1;
	v0 =	vsel vm15, v0, v63  }
0x42: {  	s4 =	sshrl.u32 @p0 s8, $0x3;
	[tilespmem:s9+$0x4020] =	vst v0;
	s9 =	simm.s32 @p0 $0x1FC3  }
0x43: {  	[spmem:s4], [sflag:s9] =	dma.local @p0 [hbm:s5], $0xE00  }
0x44: {  	s9 =	simm.s32 @p0 $0x3  }
0x45: {  	_ =	swait.ge @p0 [sflag:s9], $0xE00  }
0x46: {  	s10 =	sshll.u32 @!p0 s2, $0x6;
	s11 =	simm.s32 @!p0 $0x3;
	[sflag:s9] =	ssyncset.done @p0 $0x0  }
0x47: {  	[sflag:s9] =	ssyncadd.s32 @p0 $0xFFFFF200;
	s9 =	sor.u32 @!p0 $0x1C03, s10;
	s10 =	sshrl.u32 @!p0 s7, $0x3  }
0x48: {  	[spmem:s10], [sflag:s9] =	dma.local @!p0 [hbm:s5], $0xD00  }
0x49: {  	_ =	swait.ge @!p0 [sflag:s11], $0xD00  }
0x4a: {  	[sflag:s11] =	ssyncset.done @!p0 $0x0  }
0x4b: {  	[sflag:s11] =	ssyncadd.s32 @!p0 $0xFFFFF300  }
0x4c: {  	s17 =	simm.s32 $0x0;
	[bflag:$0x0] =	sbarrier.arrive $0xFFFF  }
0x4d: {  	[tilespmem:s26], [sflag:$0x1] =	stream.indirect.gather [hbm4b:s1+s25], $0x80, s17, s25, $0xb8;
	[tilespmem:$0x13880] =	vst v63  }
0x4e: {  	s18 =	simm.s32 $0x80  }
0x4f: {  	[tilespmem:s28], [sflag:$0x2] =	stream.indirect.gather [hbm4b:s1+s25], $0x80, s18, s25, $0xb8;
	[tilespmem:$0x13880] =	vst v63  }
0x50: {  	_ =	swait.ge [sflag:s29], $0x2800  }
0x51: {  	[sflag:s29] =	ssyncset.done $0x0  }
0x52: {  	s19 =	simm.s32 $0x4000;
	[sflag:s29] =	ssyncadd.s32 $0xFFFFD800  }
0x53: {  	[spmem:s3] =	stream.indirect.scatter.add.f32 [tilespmem:s26], [sflag:$0x3], $0x80, s19, s25, $0xb8;
	[tilespmem:$0x13880] =	vst v63  }
0x54: {  	_ =	swait.ge [sflag:s23], $0x2800  }
0x55: {  	[sflag:s23] =	ssyncset.done $0x0  }
0x56: {  	s20 =	simm.s32 $0x100;
	[sflag:s23] =	ssyncadd.s32 $0xFFFFD800  }
0x57: {  	[tilespmem:s26], [sflag:$0x1] =	stream.indirect.gather [hbm4b:s1+s25], $0x80, s20, s25, $0xb8;
	[tilespmem:$0x13880] =	vst v63  }
0x58: {  	_ =	swait.ge [sflag:s30], $0x2800  }
0x59: {  	[sflag:s30] =	ssyncset.done $0x0  }
0x5a: {  	s21 =	simm.s32 $0x4080;
	[sflag:s30] =	ssyncadd.s32 $0xFFFFD800  }
0x5b: {  	[spmem:s3] =	stream.indirect.scatter.add.f32 [tilespmem:s28], [sflag:$0x3], $0x80, s21, s25, $0xb8;
	[tilespmem:$0x13880] =	vst v63  }
0x5c: {  	_ =	swait.ge [sflag:s23], $0x2800  }
0x5d: {  	s12 =	simm.s32 $0x800;
	s11 =	simm.s32 $0x100;
	[sflag:s23] =	ssyncset.done $0x0  }
.LBB2_4:
0x5e: {  	s13 =	sadd.s32 $0x80, s11  }
0x5f: {  	[sflag:s23] =	ssyncadd.s32 $0xFFFFD800;
	s14 =	smov.u32 s12;
	s15 =	sadd.s32 $0x400, s12  }
0x60: {  	[tilespmem:s28], [sflag:$0x2] =	stream.indirect.gather [hbm4b:s1+s25], $0x80, s13, s25, $0xb8;
	[tilespmem:$0x13880] =	vst v63  }
0x61: {  	p5 =	sne.s32 s12, $0xF400;
	_ =	swait.ge [sflag:s29], $0x2800  }
0x62: {  	[sflag:s29] =	ssyncset.done $0x0  }
0x63: {  	s12 =	sadd.s32 $0x4000, s11;
	[sflag:s29] =	ssyncadd.s32 $0xFFFFD800  }
0x64: {  	[spmem:s3] =	stream.indirect.scatter.add.f32 [tilespmem:s26], [sflag:$0x3], $0x80, s12, s25, $0xb8;
	[tilespmem:$0x13880] =	vst v63  }
0x65: {  	_ =	swait.ge [sflag:s23], $0x2800  }
0x66: {  	[sflag:s23] =	ssyncset.done $0x0  }
0x67: {  	s12 =	sadd.s32 $0x100, s11;
	[sflag:s23] =	ssyncadd.s32 $0xFFFFD800  }
0x68: {  	[tilespmem:s26], [sflag:$0x1] =	stream.indirect.gather [hbm4b:s1+s25], $0x80, s12, s25, $0xb8;
	[tilespmem:$0x13880] =	vst v63  }
0x69: {  	_ =	swait.ge [sflag:s30], $0x2800  }
.Ltmp1:
0x6a: {  	[sflag:s30] =	ssyncset.done $0x0;
	(pc) =	sbr.rel @p5 .LBB2_4-.Ltmp1, $4  }
0x6b: {  	s11 =	sadd.s32 $0x4080, s11;
	[sflag:s30] =	ssyncadd.s32 $0xFFFFD800  }
0x6c: {  	[spmem:s3] =	stream.indirect.scatter.add.f32 [tilespmem:s28], [sflag:$0x3], $0x80, s11, s25, $0xb8;
	[tilespmem:$0x13880] =	vst v63  }
0x6d: {  	_ =	swait.ge [sflag:s23], $0x2800  }
0x6e: {  	s12 =	smov.u32 s15;
	s11 =	sshra.s32 s14, $0x2;
	[sflag:s23] =	ssyncset.done $0x0  }
0x6f: {  	s12 =	sadd.s32 $0x80, s11;
	[sflag:s23] =	ssyncadd.s32 $0xFFFFD800  }
0x70: {  	[tilespmem:s28], [sflag:$0x2] =	stream.indirect.gather [hbm4b:s1+s25], $0x80, s12, s25, $0xb8;
	[tilespmem:$0x13880] =	vst v63  }
0x71: {  	_ =	swait.ge [sflag:s29], $0x2800  }
0x72: {  	[sflag:s29] =	ssyncset.done $0x0  }
0x73: {  	s18 =	sadd.s32 $0x4000, s11;
	[sflag:s29] =	ssyncadd.s32 $0xFFFFD800  }
0x74: {  	[spmem:s3] =	stream.indirect.scatter.add.f32 [tilespmem:s26], [sflag:$0x3], $0x80, s18, s25, $0xb8;
	[tilespmem:$0x13880] =	vst v63  }
0x75: {  	_ =	swait.ge [sflag:s23], $0x2800  }
0x76: {  	[sflag:s23] =	ssyncset.done $0x0  }
0x77: {  	s19 =	sadd.s32 $0x100, s11;
	[sflag:s23] =	ssyncadd.s32 $0xFFFFD800  }
0x78: {  	[tilespmem:s26], [sflag:$0x1] =	stream.indirect.gather [hbm4b:s1+s25], $0x80, s19, s25, $0xb8;
	[tilespmem:$0x13880] =	vst v63  }
0x79: {  	_ =	swait.ge [sflag:s30], $0x2800  }
0x7a: {  	[sflag:s30] =	ssyncset.done $0x0  }
0x7b: {  	s20 =	sadd.s32 $0x4080, s11;
	[sflag:s30] =	ssyncadd.s32 $0xFFFFD800  }
0x7c: {  	[spmem:s3] =	stream.indirect.scatter.add.f32 [tilespmem:s28], [sflag:$0x3], $0x80, s20, s25, $0xb8;
	[tilespmem:$0x13880] =	vst v63  }
0x7d: {  	_ =	swait.ge [sflag:s23], $0x2800  }
0x7e: {  	[sflag:s23] =	ssyncset.done $0x0  }
0x7f: {  	[sflag:s23] =	ssyncadd.s32 $0xFFFFD800  }
0x80: {  	_ =	swait.ge [sflag:s29], $0x2800  }
0x81: {  	[sflag:s29] =	ssyncset.done $0x0  }
0x82: {  	[sflag:s29] =	ssyncadd.s32 $0xFFFFD800  }
0x83: {  	[spmem:s3] =	stream.indirect.scatter.add.f32 [tilespmem:s26], [sflag:$0x3], $0x80, s31, s25, $0xb8;
	[tilespmem:$0x13880] =	vst v63  }
0x84: {  	_ =	swait.ge [sflag:s23], $0x2800  }
0x85: {  	[sflag:s23] =	ssyncset.done $0x0  }
0x86: {  	[sflag:s23] =	ssyncadd.s32 $0xFFFFD800  }
0x87: {  	[bflag:$0x0] =	sbarrier.arrive $0xFFFF  }
0x88: {  	s11 =	sshrl.u32 @!p1 s8, $0x3;
	s12 =	simm.s32 @!p1 $0x1FC3;
	s13 =	rddreg [dreg:$0x5]  }
0x89: {  	[hbm:s13], [sflag:s12] =	dma.local @!p1 [spmem:s11], $0xD80  }
0x8a: {  	s12 =	simm.s32 @!p1 $0x3  }
0x8b: {  	_ =	swait.ge @!p1 [sflag:s12], $0xD80  }
0x8c: {  	s13 =	sshll.u32 @!p2 s2, $0x6;
	[sflag:s12] =	ssyncset.done @!p1 $0x0;
	s14 =	rddreg [dreg:$0x4]  }
0x8d: {  	[sflag:s12] =	ssyncadd.s32 @!p1 $0xFFFFF280;
	s12 =	sor.u32 @!p2 $0x1C03, s13;
	s13 =	sshrl.u32 @!p2 s7, $0x3  }
0x8e: {  	[hbm:s14], [sflag:s12] =	dma.local @!p2 [spmem:s13], $0xD00  }
0x8f: {  	s14 =	simm.s32 @!p2 $0x3  }
0x90: {  	_ =	swait.ge @!p2 [sflag:s14], $0xD00  }
0x91: {  	s15 =	simm.s32 @!p3 $0x1FC3;
	[sflag:s14] =	ssyncset.done @!p2 $0x0  }
0x92: {  	s16 =	rddreg [dreg:$0x7];
	[sflag:s14] =	ssyncadd.s32 @!p2 $0xFFFFF300;
	s14 =	sshrl.u32 @!p3 s8, $0x3  }
0x93: {  	[hbm:s16], [sflag:s15] =	dma.local @!p3 [spmem:s14], $0xD80  }
0x94: {  	s15 =	simm.s32 @!p3 $0x3  }
0x95: {  	_ =	swait.ge @!p3 [sflag:s15], $0xD80  }
0x96: {  	s16 =	sshll.u32 @!p4 s2, $0x6;
	[sflag:s15] =	ssyncset.done @!p3 $0x0;
	s17 =	rddreg [dreg:$0x6]  }
0x97: {  	[sflag:s15] =	ssyncadd.s32 @!p3 $0xFFFFF280;
	s15 =	sor.u32 @!p4 $0x1C03, s16;
	s16 =	sshrl.u32 @!p4 s7, $0x3  }
0x98: {  	[hbm:s17], [sflag:s15] =	dma.local @!p4 [spmem:s16], $0xD00  }
0x99: {  	s17 =	simm.s32 @!p4 $0x3  }
0x9a: {  	_ =	swait.ge @!p4 [sflag:s17], $0xD00  }
0x9b: {  	[sflag:s17] =	ssyncset.done @!p4 $0x0  }
0x9c: {  	s21 =	simm.s32 $0x0;
	[sflag:s17] =	ssyncadd.s32 @!p4 $0xFFFFF300  }
0x9d: {  	[tilespmem:s24], [sflag:$0x3] =	stream.linear.gather [hbm4b:s6+s21], $0x3E80, $0x38;
	[tilespmem:$0x13880] =	vst v63  }
0x9e: {  	_ =	swait.ge [sflag:s23], $0x3E80  }
0x9f: {  	[sflag:s23] =	ssyncset.done $0x0  }
0xa0: {  	s18 =	simm.s32 $0x0;
	[sflag:s23] =	ssyncadd.s32 $0xFFFFC180  }
0xa1: {  	v0 =	vld [tilespmem:s18+$0x4000];
	_ =	sdelay $0x1  }
0xa2: {  	v1 =	vld [tilespmem:s18+$0x4030];
	_ =	sdelay $0x1  }
0xa3: {  	v2 =	vld [tilespmem:s18+$0x4020]  }
0xa4: {  	v3 =	vand.u32 $0x7, v0;
	v0 =	vadd.s32 $0xFFFFF2F8, v0  }
0xa5: {  	v4 =	vld [tilespmem:s18+$0x4040];
	v3 =	vor.u32 $0xD08, v3;
	vm0 =	vlt.u32 v0, $0xD08  }
0xa6: {  	v5 =	vand.u32 $0x7, v1;
	v1 =	vadd.s32 $0xFFFFF2F8, v1;
	v0 =	vsel vm0, v0, v3;
	v3 =	vld [tilespmem:s18+$0x4010]  }
0xa7: {  	s17 =	simm.s32 $0x80;
	v5 =	vor.u32 $0xD08, v5;
	vm0 =	vlt.u32 v1, $0xD08;
	[tilespmem:s18+$0x4000] =	vst v0  }
0xa8: {  	v0 =	vand.u32 $0x7, v2;
	v2 =	vadd.s32 $0xFFFFF2F8, v2;
	v1 =	vsel vm0, v1, v5;
	v5 =	vld [tilespmem:s17+$0x4000]  }
0xa9: {  	vm0 =	vlt.u32 v2, $0xD08;
	[tilespmem:s18+$0x4030] =	vst v1;
	v1 =	vor.u32 $0xD08, v0  }
0xaa: {  	v6 =	vand.u32 $0x7, v4;
	v4 =	vadd.s32 $0xFFFFF2F8, v4;
	v0 =	vld [tilespmem:s17+$0x4030];
	v1 =	vsel vm0, v2, v1  }
0xab: {  	v2 =	vor.u32 $0xD08, v6;
	vm0 =	vlt.u32 v4, $0xD08;
	[tilespmem:s18+$0x4020] =	vst v1;
	v6 =	vadd.s32 $0xFFFFF2F8, v3  }
0xac: {  	v2 =	vsel vm0, v4, v2;
	v7 =	vand.u32 $0x7, v3;
	v1 =	vld [tilespmem:s17+$0x4020];
	vm1 =	vlt.u32 v6, $0xD08  }
0xad: {  	[tilespmem:s18+$0x4040] =	vst v2;
	v2 =	vand.u32 $0x7, v5;
	v3 =	vadd.s32 $0xFFFFF2F8, v5;
	v5 =	vor.u32 $0xD08, v7  }
0xae: {  	s19 =	simm.s32 $0x400;
	v4 =	vor.u32 $0xD08, v2;
	vm0 =	vlt.u32 v3, $0xD08;
	v2 =	vld [tilespmem:s17+$0x4040];
	v5 =	vsel vm1, v6, v5  }
.LBB2_6:
0xaf: {  	s20 =	sshra.s32 s19, $0x2;
	p5 =	sne.s32 s19, $0xF800;
	s19 =	sadd.s32 $0x200, s19;
	v6 =	vand.u32 $0x7, v0;
	v0 =	vadd.s32 $0xFFFFF2F8, v0;
	[tilespmem:s18+$0x4010] =	vst v5  }
0xb0: {  	v3 =	vsel vm0, v3, v4;
	s18 =	smov.u32 s17;
	v4 =	vld [tilespmem:s17+$0x4010];
	v5 =	vor.u32 $0xD08, v6;
	vm0 =	vlt.u32 v0, $0xD08;
	s17 =	smov.u32 s20  }
0xb1: {  	[tilespmem:s18+$0x4000] =	vst v3;
	v3 =	vand.u32 $0x7, v1;
	v1 =	vadd.s32 $0xFFFFF2F8, v1;
	v0 =	vsel vm0, v0, v5  }
0xb2: {  	v5 =	vld [tilespmem:s17+$0x4000];
	vm0 =	vlt.u32 v1, $0xD08;
	[tilespmem:s18+$0x4030] =	vst v0  }
0xb3: {  	v3 =	vor.u32 $0xD08, v3;
	v0 =	vld [tilespmem:s17+$0x4030];
	v6 =	vand.u32 $0x7, v2;
	v2 =	vadd.s32 $0xFFFFF2F8, v2  }
.Ltmp2:
0xb4: {  	v1 =	vsel vm0, v1, v3;
	v3 =	vor.u32 $0xD08, v6;
	vm0 =	vlt.u32 v2, $0xD08;
	(pc) =	sbr.rel @p5 .LBB2_6-.Ltmp2, $4  }
0xb5: {  	v6 =	vand.u32 $0x7, v4;
	v7 =	vadd.s32 $0xFFFFF2F8, v4;
	[tilespmem:s18+$0x4020] =	vst v1;
	v2 =	vsel vm0, v2, v3  }
0xb6: {  	v1 =	vld [tilespmem:s17+$0x4020];
	vm1 =	vlt.u32 v7, $0xD08;
	[tilespmem:s18+$0x4040] =	vst v2  }
0xb7: {  	v2 =	vand.u32 $0x7, v5;
	v3 =	vadd.s32 $0xFFFFF2F8, v5;
	v5 =	vor.u32 $0xD08, v6  }
0xb8: {  	v4 =	vor.u32 $0xD08, v2;
	vm0 =	vlt.u32 v3, $0xD08;
	v2 =	vld [tilespmem:s17+$0x4040];
	v5 =	vsel vm1, v7, v5  }
0xb9: {  	[tilespmem:s18+$0x4010] =	vst v5  }
0xba: {  	v52 =	vand.u32 $0x7, v0;
	v53 =	vadd.s32 $0xFFFFF2F8, v0;
	v6 =	vld [tilespmem:s17+$0x4010]  }
0xbb: {  	v3 =	vsel vm0, v3, v4;
	v54 =	vor.u32 $0xD08, v52;
	vm12 =	vlt.u32 v53, $0xD08  }
0xbc: {  	v55 =	vand.u32 $0x7, v1;
	v56 =	vadd.s32 $0xFFFFF2F8, v1;
	v0 =	vsel vm12, v53, v54  }
0xbd: {  	vm13 =	vlt.u32 v56, $0xD08;
	v57 =	vor.u32 $0xD08, v55;
	v58 =	vand.u32 $0x7, v2  }
0xbe: {  	[tilespmem:s17+$0x4000] =	vst v3;
	v59 =	vadd.s32 $0xFFFFF2F8, v2;
	v1 =	vsel vm13, v56, v57;
	v60 =	vor.u32 $0xD08, v58  }
0xbf: {  	[tilespmem:s17+$0x4030] =	vst v0;
	vm14 =	vlt.u32 v59, $0xD08;
	v61 =	vand.u32 $0x7, v6;
	v62 =	vadd.s32 $0xFFFFF2F8, v6  }
0xc0: {  	[tilespmem:s17+$0x4020] =	vst v1;
	v63 =	vsel vm14, v59, v60;
	vm15 =	vlt.u32 v62, $0xD08;
	v0 =	vor.u32 $0xD08, v61  }
0xc1: {  	[tilespmem:s17+$0x4040] =	vst v63;
	v0 =	vsel vm15, v62, v0  }
0xc2: {  	[tilespmem:s17+$0x4010] =	vst v0;
	s17 =	simm.s32 @p0 $0x1FC3  }
0xc3: {  	[spmem:s4], [sflag:s17] =	dma.local @p0 [hbm:s5], $0xE00  }
0xc4: {  	s17 =	simm.s32 @p0 $0x3  }
0xc5: {  	_ =	swait.ge @p0 [sflag:s17], $0xE00  }
0xc6: {  	[sflag:s17] =	ssyncset.done @p0 $0x0  }
0xc7: {  	[sflag:s17] =	ssyncadd.s32 @p0 $0xFFFFF200;
	s17 =	simm.s32 @!p0 $0x3  }
0xc8: {  	[spmem:s10], [sflag:s9] =	dma.local @!p0 [hbm:s5], $0xD00  }
0xc9: {  	_ =	swait.ge @!p0 [sflag:s17], $0xD00  }
0xca: {  	[sflag:s17] =	ssyncset.done @!p0 $0x0  }
0xcb: {  	[sflag:s17] =	ssyncadd.s32 @!p0 $0xFFFFF300  }
0xcc: {  	s21 =	simm.s32 $0x0;
	[bflag:$0x0] =	sbarrier.arrive $0xFFFF  }
0xcd: {  	[tilespmem:s26], [sflag:$0x1] =	stream.indirect.gather [hbm4b:s1+s25], $0x80, s21, s25, $0xb8;
	[tilespmem:$0x13880] =	vst v63  }
0xce: {  	s18 =	simm.s32 $0x80  }
0xcf: {  	[tilespmem:s28], [sflag:$0x2] =	stream.indirect.gather [hbm4b:s1+s25], $0x80, s18, s25, $0xb8;
	[tilespmem:$0x13880] =	vst v63  }
0xd0: {  	_ =	swait.ge [sflag:s29], $0x2800  }
0xd1: {  	[sflag:s29] =	ssyncset.done $0x0  }
0xd2: {  	s19 =	simm.s32 $0x4000;
	[sflag:s29] =	ssyncadd.s32 $0xFFFFD800  }
0xd3: {  	[spmem:s3] =	stream.indirect.scatter.add.f32 [tilespmem:s26], [sflag:$0x3], $0x80, s19, s25, $0xb8;
	[tilespmem:$0x13880] =	vst v63  }
0xd4: {  	_ =	swait.ge [sflag:s23], $0x2800  }
0xd5: {  	[sflag:s23] =	ssyncset.done $0x0  }
0xd6: {  	s20 =	simm.s32 $0x100;
	[sflag:s23] =	ssyncadd.s32 $0xFFFFD800  }
0xd7: {  	[tilespmem:s26], [sflag:$0x1] =	stream.indirect.gather [hbm4b:s1+s25], $0x80, s20, s25, $0xb8;
	[tilespmem:$0x13880] =	vst v63  }
0xd8: {  	_ =	swait.ge [sflag:s30], $0x2800  }
0xd9: {  	[sflag:s30] =	ssyncset.done $0x0  }
0xda: {  	s21 =	simm.s32 $0x4080;
	[sflag:s30] =	ssyncadd.s32 $0xFFFFD800  }
0xdb: {  	[spmem:s3] =	stream.indirect.scatter.add.f32 [tilespmem:s28], [sflag:$0x3], $0x80, s21, s25, $0xb8;
	[tilespmem:$0x13880] =	vst v63  }
0xdc: {  	_ =	swait.ge [sflag:s23], $0x2800  }
0xdd: {  	s17 =	simm.s32 $0x100;
	s18 =	simm.s32 $0x800;
	[sflag:s23] =	ssyncset.done $0x0  }
.LBB2_8:
0xde: {  	s19 =	sadd.s32 $0x80, s17  }
0xdf: {  	[sflag:s23] =	ssyncadd.s32 $0xFFFFD800;
	s20 =	smov.u32 s18;
	s21 =	sadd.s32 $0x400, s18  }
0xe0: {  	[tilespmem:s28], [sflag:$0x2] =	stream.indirect.gather [hbm4b:s1+s25], $0x80, s19, s25, $0xb8;
	[tilespmem:$0x13880] =	vst v63  }
0xe1: {  	p5 =	sne.s32 s18, $0xF400;
	_ =	swait.ge [sflag:s29], $0x2800  }
0xe2: {  	[sflag:s29] =	ssyncset.done $0x0  }
0xe3: {  	s18 =	sadd.s32 $0x4000, s17;
	[sflag:s29] =	ssyncadd.s32 $0xFFFFD800  }
0xe4: {  	[spmem:s3] =	stream.indirect.scatter.add.f32 [tilespmem:s26], [sflag:$0x3], $0x80, s18, s25, $0xb8;
	[tilespmem:$0x13880] =	vst v63  }
0xe5: {  	_ =	swait.ge [sflag:s23], $0x2800  }
0xe6: {  	[sflag:s23] =	ssyncset.done $0x0  }
0xe7: {  	s18 =	sadd.s32 $0x100, s17;
	[sflag:s23] =	ssyncadd.s32 $0xFFFFD800  }
0xe8: {  	[tilespmem:s26], [sflag:$0x1] =	stream.indirect.gather [hbm4b:s1+s25], $0x80, s18, s25, $0xb8;
	[tilespmem:$0x13880] =	vst v63  }
0xe9: {  	_ =	swait.ge [sflag:s30], $0x2800  }
.Ltmp3:
0xea: {  	[sflag:s30] =	ssyncset.done $0x0;
	(pc) =	sbr.rel @p5 .LBB2_8-.Ltmp3, $4  }
0xeb: {  	s17 =	sadd.s32 $0x4080, s17;
	[sflag:s30] =	ssyncadd.s32 $0xFFFFD800  }
0xec: {  	[spmem:s3] =	stream.indirect.scatter.add.f32 [tilespmem:s28], [sflag:$0x3], $0x80, s17, s25, $0xb8;
	[tilespmem:$0x13880] =	vst v63  }
0xed: {  	_ =	swait.ge [sflag:s23], $0x2800  }
0xee: {  	s18 =	smov.u32 s21;
	s17 =	sshra.s32 s20, $0x2;
	[sflag:s23] =	ssyncset.done $0x0  }
0xef: {  	s18 =	sadd.s32 $0x80, s17;
	[sflag:s23] =	ssyncadd.s32 $0xFFFFD800  }
0xf0: {  	[tilespmem:s28], [sflag:$0x2] =	stream.indirect.gather [hbm4b:s1+s25], $0x80, s18, s25, $0xb8;
	[tilespmem:$0x13880] =	vst v63  }
0xf1: {  	_ =	swait.ge [sflag:s29], $0x2800  }
0xf2: {  	[sflag:s29] =	ssyncset.done $0x0  }
0xf3: {  	s21 =	sadd.s32 $0x4000, s17;
	[sflag:s29] =	ssyncadd.s32 $0xFFFFD800  }
0xf4: {  	[spmem:s3] =	stream.indirect.scatter.add.f32 [tilespmem:s26], [sflag:$0x3], $0x80, s21, s25, $0xb8;
	[tilespmem:$0x13880] =	vst v63  }
0xf5: {  	_ =	swait.ge [sflag:s23], $0x2800  }
0xf6: {  	[sflag:s23] =	ssyncset.done $0x0  }
0xf7: {  	s19 =	sadd.s32 $0x100, s17;
	[sflag:s23] =	ssyncadd.s32 $0xFFFFD800  }
0xf8: {  	[tilespmem:s26], [sflag:$0x1] =	stream.indirect.gather [hbm4b:s1+s25], $0x80, s19, s25, $0xb8;
	[tilespmem:$0x13880] =	vst v63  }
0xf9: {  	_ =	swait.ge [sflag:s30], $0x2800  }
0xfa: {  	[sflag:s30] =	ssyncset.done $0x0  }
0xfb: {  	s20 =	sadd.s32 $0x4080, s17;
	[sflag:s30] =	ssyncadd.s32 $0xFFFFD800  }
0xfc: {  	[spmem:s3] =	stream.indirect.scatter.add.f32 [tilespmem:s28], [sflag:$0x3], $0x80, s20, s25, $0xb8;
	[tilespmem:$0x13880] =	vst v63  }
0xfd: {  	_ =	swait.ge [sflag:s23], $0x2800  }
0xfe: {  	[sflag:s23] =	ssyncset.done $0x0  }
0xff: {  	[sflag:s23] =	ssyncadd.s32 $0xFFFFD800  }
0x100: {  	_ =	swait.ge [sflag:s29], $0x2800  }
0x101: {  	[sflag:s29] =	ssyncset.done $0x0  }
0x102: {  	[sflag:s29] =	ssyncadd.s32 $0xFFFFD800  }
0x103: {  	[spmem:s3] =	stream.indirect.scatter.add.f32 [tilespmem:s26], [sflag:$0x3], $0x80, s31, s25, $0xb8;
	[tilespmem:$0x13880] =	vst v63  }
0x104: {  	_ =	swait.ge [sflag:s23], $0x2800  }
0x105: {  	[sflag:s23] =	ssyncset.done $0x0  }
0x106: {  	[sflag:s23] =	ssyncadd.s32 $0xFFFFD800  }
0x107: {  	[bflag:$0x0] =	sbarrier.arrive $0xFFFF  }
0x108: {  	s17 =	simm.s32 @!p1 $0x1FC3;
	s18 =	rddreg [dreg:$0x9]  }
0x109: {  	[hbm:s18], [sflag:s17] =	dma.local @!p1 [spmem:s11], $0xD80  }
0x10a: {  	s17 =	simm.s32 @!p1 $0x3  }
0x10b: {  	_ =	swait.ge @!p1 [sflag:s17], $0xD80  }
0x10c: {  	[sflag:s17] =	ssyncset.done @!p1 $0x0  }
0x10d: {  	[sflag:s17] =	ssyncadd.s32 @!p1 $0xFFFFF280;
	s17 =	rddreg [dreg:$0x8]  }
0x10e: {  	[hbm:s17], [sflag:s12] =	dma.local @!p2 [spmem:s13], $0xD00  }
0x10f: {  	s17 =	simm.s32 @!p2 $0x3  }
0x110: {  	_ =	swait.ge @!p2 [sflag:s17], $0xD00  }
0x111: {  	[sflag:s17] =	ssyncset.done @!p2 $0x0  }
0x112: {  	s18 =	rddreg [dreg:$0xb];
	[sflag:s17] =	ssyncadd.s32 @!p2 $0xFFFFF300;
	s17 =	simm.s32 @!p3 $0x1FC3  }
0x113: {  	[hbm:s18], [sflag:s17] =	dma.local @!p3 [spmem:s14], $0xD80  }
0x114: {  	s17 =	simm.s32 @!p3 $0x3  }
0x115: {  	_ =	swait.ge @!p3 [sflag:s17], $0xD80  }
0x116: {  	[sflag:s17] =	ssyncset.done @!p3 $0x0  }
0x117: {  	[sflag:s17] =	ssyncadd.s32 @!p3 $0xFFFFF280;
	s17 =	rddreg [dreg:$0xa]  }
0x118: {  	[hbm:s17], [sflag:s15] =	dma.local @!p4 [spmem:s16], $0xD00  }
0x119: {  	s17 =	simm.s32 @!p4 $0x3  }
0x11a: {  	_ =	swait.ge @!p4 [sflag:s17], $0xD00  }
0x11b: {  	[sflag:s17] =	ssyncset.done @!p4 $0x0  }
0x11c: {  	s21 =	simm.s32 $0x0;
	[sflag:s17] =	ssyncadd.s32 @!p4 $0xFFFFF300  }
0x11d: {  	[tilespmem:s24], [sflag:$0x3] =	stream.linear.gather [hbm4b:s6+s21], $0x3E80, $0x38;
	[tilespmem:$0x13880] =	vst v63  }
0x11e: {  	_ =	swait.ge [sflag:s23], $0x3E80  }
0x11f: {  	[sflag:s23] =	ssyncset.done $0x0  }
0x120: {  	s18 =	simm.s32 $0x0;
	[sflag:s23] =	ssyncadd.s32 $0xFFFFC180  }
0x121: {  	v0 =	vld [tilespmem:s18+$0x4000];
	_ =	sdelay $0x1  }
0x122: {  	v1 =	vld [tilespmem:s18+$0x4030];
	_ =	sdelay $0x1  }
0x123: {  	v2 =	vld [tilespmem:s18+$0x4020]  }
0x124: {  	v3 =	vand.u32 $0x7, v0;
	v0 =	vadd.s32 $0xFFFFE5F0, v0  }
0x125: {  	v4 =	vld [tilespmem:s18+$0x4040];
	v3 =	vor.u32 $0xD08, v3;
	vm0 =	vlt.u32 v0, $0xD08  }
0x126: {  	v5 =	vand.u32 $0x7, v1;
	v1 =	vadd.s32 $0xFFFFE5F0, v1;
	v0 =	vsel vm0, v0, v3;
	v3 =	vld [tilespmem:s18+$0x4010]  }
0x127: {  	s17 =	simm.s32 $0x80;
	v5 =	vor.u32 $0xD08, v5;
	vm0 =	vlt.u32 v1, $0xD08;
	[tilespmem:s18+$0x4000] =	vst v0  }
0x128: {  	v0 =	vand.u32 $0x7, v2;
	v2 =	vadd.s32 $0xFFFFE5F0, v2;
	v1 =	vsel vm0, v1, v5;
	v5 =	vld [tilespmem:s17+$0x4000]  }
0x129: {  	vm0 =	vlt.u32 v2, $0xD08;
	[tilespmem:s18+$0x4030] =	vst v1;
	v1 =	vor.u32 $0xD08, v0  }
0x12a: {  	v6 =	vand.u32 $0x7, v4;
	v4 =	vadd.s32 $0xFFFFE5F0, v4;
	v0 =	vld [tilespmem:s17+$0x4030];
	v1 =	vsel vm0, v2, v1  }
0x12b: {  	v2 =	vor.u32 $0xD08, v6;
	vm0 =	vlt.u32 v4, $0xD08;
	[tilespmem:s18+$0x4020] =	vst v1;
	v6 =	vadd.s32 $0xFFFFE5F0, v3  }
0x12c: {  	v2 =	vsel vm0, v4, v2;
	v7 =	vand.u32 $0x7, v3;
	v1 =	vld [tilespmem:s17+$0x4020];
	vm1 =	vlt.u32 v6, $0xD08  }
0x12d: {  	[tilespmem:s18+$0x4040] =	vst v2;
	v2 =	vand.u32 $0x7, v5;
	v3 =	vadd.s32 $0xFFFFE5F0, v5;
	v5 =	vor.u32 $0xD08, v7  }
0x12e: {  	s19 =	simm.s32 $0x400;
	v4 =	vor.u32 $0xD08, v2;
	vm0 =	vlt.u32 v3, $0xD08;
	v2 =	vld [tilespmem:s17+$0x4040];
	v5 =	vsel vm1, v6, v5  }
.LBB2_10:
0x12f: {  	s20 =	sshra.s32 s19, $0x2;
	p5 =	sne.s32 s19, $0xF800;
	s19 =	sadd.s32 $0x200, s19;
	v6 =	vand.u32 $0x7, v0;
	v0 =	vadd.s32 $0xFFFFE5F0, v0;
	[tilespmem:s18+$0x4010] =	vst v5  }
0x130: {  	v3 =	vsel vm0, v3, v4;
	s18 =	smov.u32 s17;
	v4 =	vld [tilespmem:s17+$0x4010];
	v5 =	vor.u32 $0xD08, v6;
	vm0 =	vlt.u32 v0, $0xD08;
	s17 =	smov.u32 s20  }
0x131: {  	[tilespmem:s18+$0x4000] =	vst v3;
	v3 =	vand.u32 $0x7, v1;
	v1 =	vadd.s32 $0xFFFFE5F0, v1;
	v0 =	vsel vm0, v0, v5  }
0x132: {  	v5 =	vld [tilespmem:s17+$0x4000];
	vm0 =	vlt.u32 v1, $0xD08;
	[tilespmem:s18+$0x4030] =	vst v0  }
0x133: {  	v3 =	vor.u32 $0xD08, v3;
	v0 =	vld [tilespmem:s17+$0x4030];
	v6 =	vand.u32 $0x7, v2;
	v2 =	vadd.s32 $0xFFFFE5F0, v2  }
.Ltmp4:
0x134: {  	v1 =	vsel vm0, v1, v3;
	v3 =	vor.u32 $0xD08, v6;
	vm0 =	vlt.u32 v2, $0xD08;
	(pc) =	sbr.rel @p5 .LBB2_10-.Ltmp4, $4  }
0x135: {  	v6 =	vand.u32 $0x7, v4;
	v7 =	vadd.s32 $0xFFFFE5F0, v4;
	[tilespmem:s18+$0x4020] =	vst v1;
	v2 =	vsel vm0, v2, v3  }
0x136: {  	v1 =	vld [tilespmem:s17+$0x4020];
	vm1 =	vlt.u32 v7, $0xD08;
	[tilespmem:s18+$0x4040] =	vst v2  }
0x137: {  	v2 =	vand.u32 $0x7, v5;
	v3 =	vadd.s32 $0xFFFFE5F0, v5;
	v5 =	vor.u32 $0xD08, v6  }
0x138: {  	v4 =	vor.u32 $0xD08, v2;
	vm0 =	vlt.u32 v3, $0xD08;
	v2 =	vld [tilespmem:s17+$0x4040];
	v5 =	vsel vm1, v7, v5  }
0x139: {  	[tilespmem:s18+$0x4010] =	vst v5  }
0x13a: {  	v52 =	vand.u32 $0x7, v0;
	v53 =	vadd.s32 $0xFFFFE5F0, v0;
	v6 =	vld [tilespmem:s17+$0x4010]  }
0x13b: {  	v3 =	vsel vm0, v3, v4;
	v54 =	vor.u32 $0xD08, v52;
	vm12 =	vlt.u32 v53, $0xD08  }
0x13c: {  	v55 =	vand.u32 $0x7, v1;
	v56 =	vadd.s32 $0xFFFFE5F0, v1;
	v0 =	vsel vm12, v53, v54  }
0x13d: {  	vm13 =	vlt.u32 v56, $0xD08;
	v57 =	vor.u32 $0xD08, v55;
	v58 =	vand.u32 $0x7, v2  }
0x13e: {  	[tilespmem:s17+$0x4000] =	vst v3;
	v59 =	vadd.s32 $0xFFFFE5F0, v2;
	v1 =	vsel vm13, v56, v57;
	v60 =	vor.u32 $0xD08, v58  }
0x13f: {  	[tilespmem:s17+$0x4030] =	vst v0;
	vm14 =	vlt.u32 v59, $0xD08;
	v61 =	vand.u32 $0x7, v6;
	v62 =	vadd.s32 $0xFFFFE5F0, v6  }
0x140: {  	[tilespmem:s17+$0x4020] =	vst v1;
	v63 =	vsel vm14, v59, v60;
	vm15 =	vlt.u32 v62, $0xD08;
	v0 =	vor.u32 $0xD08, v61  }
0x141: {  	[tilespmem:s17+$0x4040] =	vst v63;
	v0 =	vsel vm15, v62, v0  }
0x142: {  	[tilespmem:s17+$0x4010] =	vst v0;
	s17 =	simm.s32 @p0 $0x1FC3  }
0x143: {  	[spmem:s4], [sflag:s17] =	dma.local @p0 [hbm:s5], $0xE00  }
0x144: {  	s4 =	simm.s32 @p0 $0x3  }
0x145: {  	_ =	swait.ge @p0 [sflag:s4], $0xE00  }
0x146: {  	[sflag:s4] =	ssyncset.done @p0 $0x0  }
0x147: {  	[sflag:s4] =	ssyncadd.s32 @p0 $0xFFFFF200;
	s4 =	simm.s32 @!p0 $0x3  }
0x148: {  	[spmem:s10], [sflag:s9] =	dma.local @!p0 [hbm:s5], $0xD00  }
0x149: {  	_ =	swait.ge @!p0 [sflag:s4], $0xD00  }
0x14a: {  	[sflag:s4] =	ssyncset.done @!p0 $0x0  }
0x14b: {  	[sflag:s4] =	ssyncadd.s32 @!p0 $0xFFFFF300  }
0x14c: {  	s17 =	simm.s32 $0x0;
	[bflag:$0x0] =	sbarrier.arrive $0xFFFF  }
0x14d: {  	[tilespmem:s26], [sflag:$0x1] =	stream.indirect.gather [hbm4b:s1+s25], $0x80, s17, s25, $0xb8;
	[tilespmem:$0x13880] =	vst v63  }
0x14e: {  	s18 =	simm.s32 $0x80  }
0x14f: {  	[tilespmem:s28], [sflag:$0x2] =	stream.indirect.gather [hbm4b:s1+s25], $0x80, s18, s25, $0xb8;
	[tilespmem:$0x13880] =	vst v63  }
0x150: {  	_ =	swait.ge [sflag:s29], $0x2800  }
0x151: {  	[sflag:s29] =	ssyncset.done $0x0  }
0x152: {  	s19 =	simm.s32 $0x4000;
	[sflag:s29] =	ssyncadd.s32 $0xFFFFD800  }
0x153: {  	[spmem:s3] =	stream.indirect.scatter.add.f32 [tilespmem:s26], [sflag:$0x3], $0x80, s19, s25, $0xb8;
	[tilespmem:$0x13880] =	vst v63  }
0x154: {  	_ =	swait.ge [sflag:s23], $0x2800  }
0x155: {  	[sflag:s23] =	ssyncset.done $0x0  }
0x156: {  	s20 =	simm.s32 $0x100;
	[sflag:s23] =	ssyncadd.s32 $0xFFFFD800  }
0x157: {  	[tilespmem:s26], [sflag:$0x1] =	stream.indirect.gather [hbm4b:s1+s25], $0x80, s20, s25, $0xb8;
	[tilespmem:$0x13880] =	vst v63  }
0x158: {  	_ =	swait.ge [sflag:s30], $0x2800  }
0x159: {  	[sflag:s30] =	ssyncset.done $0x0  }
0x15a: {  	s21 =	simm.s32 $0x4080;
	[sflag:s30] =	ssyncadd.s32 $0xFFFFD800  }
0x15b: {  	[spmem:s3] =	stream.indirect.scatter.add.f32 [tilespmem:s28], [sflag:$0x3], $0x80, s21, s25, $0xb8;
	[tilespmem:$0x13880] =	vst v63  }
0x15c: {  	_ =	swait.ge [sflag:s23], $0x2800  }
0x15d: {  	s9 =	simm.s32 $0x800;
	s4 =	simm.s32 $0x100;
	[sflag:s23] =	ssyncset.done $0x0  }
.LBB2_12:
0x15e: {  	s10 =	sadd.s32 $0x80, s4  }
0x15f: {  	[sflag:s23] =	ssyncadd.s32 $0xFFFFD800;
	s17 =	smov.u32 s9;
	s18 =	sadd.s32 $0x400, s9  }
0x160: {  	[tilespmem:s28], [sflag:$0x2] =	stream.indirect.gather [hbm4b:s1+s25], $0x80, s10, s25, $0xb8;
	[tilespmem:$0x13880] =	vst v63  }
0x161: {  	p5 =	sne.s32 s9, $0xF400;
	_ =	swait.ge [sflag:s29], $0x2800  }
0x162: {  	[sflag:s29] =	ssyncset.done $0x0  }
0x163: {  	s9 =	sadd.s32 $0x4000, s4;
	[sflag:s29] =	ssyncadd.s32 $0xFFFFD800  }
0x164: {  	[spmem:s3] =	stream.indirect.scatter.add.f32 [tilespmem:s26], [sflag:$0x3], $0x80, s9, s25, $0xb8;
	[tilespmem:$0x13880] =	vst v63  }
0x165: {  	_ =	swait.ge [sflag:s23], $0x2800  }
0x166: {  	[sflag:s23] =	ssyncset.done $0x0  }
0x167: {  	s9 =	sadd.s32 $0x100, s4;
	[sflag:s23] =	ssyncadd.s32 $0xFFFFD800  }
0x168: {  	[tilespmem:s26], [sflag:$0x1] =	stream.indirect.gather [hbm4b:s1+s25], $0x80, s9, s25, $0xb8;
	[tilespmem:$0x13880] =	vst v63  }
0x169: {  	_ =	swait.ge [sflag:s30], $0x2800  }
.Ltmp5:
0x16a: {  	[sflag:s30] =	ssyncset.done $0x0;
	(pc) =	sbr.rel @p5 .LBB2_12-.Ltmp5, $4  }
0x16b: {  	s4 =	sadd.s32 $0x4080, s4;
	[sflag:s30] =	ssyncadd.s32 $0xFFFFD800  }
0x16c: {  	[spmem:s3] =	stream.indirect.scatter.add.f32 [tilespmem:s28], [sflag:$0x3], $0x80, s4, s25, $0xb8;
	[tilespmem:$0x13880] =	vst v63  }
0x16d: {  	_ =	swait.ge [sflag:s23], $0x2800  }
0x16e: {  	s9 =	smov.u32 s18;
	s4 =	sshra.s32 s17, $0x2;
	[sflag:s23] =	ssyncset.done $0x0  }
0x16f: {  	s9 =	sadd.s32 $0x80, s4;
	[sflag:s23] =	ssyncadd.s32 $0xFFFFD800  }
0x170: {  	[tilespmem:s28], [sflag:$0x2] =	stream.indirect.gather [hbm4b:s1+s25], $0x80, s9, s25, $0xb8;
	[tilespmem:$0x13880] =	vst v63  }
0x171: {  	_ =	swait.ge [sflag:s29], $0x2800  }
0x172: {  	[sflag:s29] =	ssyncset.done $0x0  }
0x173: {  	s18 =	sadd.s32 $0x4000, s4;
	[sflag:s29] =	ssyncadd.s32 $0xFFFFD800  }
0x174: {  	[spmem:s3] =	stream.indirect.scatter.add.f32 [tilespmem:s26], [sflag:$0x3], $0x80, s18, s25, $0xb8;
	[tilespmem:$0x13880] =	vst v63  }
0x175: {  	_ =	swait.ge [sflag:s23], $0x2800  }
0x176: {  	[sflag:s23] =	ssyncset.done $0x0  }
0x177: {  	s19 =	sadd.s32 $0x100, s4;
	[sflag:s23] =	ssyncadd.s32 $0xFFFFD800  }
0x178: {  	[tilespmem:s26], [sflag:$0x1] =	stream.indirect.gather [hbm4b:s1+s25], $0x80, s19, s25, $0xb8;
	[tilespmem:$0x13880] =	vst v63  }
0x179: {  	_ =	swait.ge [sflag:s30], $0x2800  }
0x17a: {  	[sflag:s30] =	ssyncset.done $0x0  }
0x17b: {  	s20 =	sadd.s32 $0x4080, s4;
	[sflag:s30] =	ssyncadd.s32 $0xFFFFD800  }
0x17c: {  	[spmem:s3] =	stream.indirect.scatter.add.f32 [tilespmem:s28], [sflag:$0x3], $0x80, s20, s25, $0xb8;
	[tilespmem:$0x13880] =	vst v63  }
0x17d: {  	_ =	swait.ge [sflag:s23], $0x2800  }
0x17e: {  	[sflag:s23] =	ssyncset.done $0x0  }
0x17f: {  	[sflag:s23] =	ssyncadd.s32 $0xFFFFD800  }
0x180: {  	_ =	swait.ge [sflag:s29], $0x2800  }
0x181: {  	[sflag:s29] =	ssyncset.done $0x0  }
0x182: {  	[sflag:s29] =	ssyncadd.s32 $0xFFFFD800  }
0x183: {  	[spmem:s3] =	stream.indirect.scatter.add.f32 [tilespmem:s26], [sflag:$0x3], $0x80, s31, s25, $0xb8;
	[tilespmem:$0x13880] =	vst v63  }
0x184: {  	_ =	swait.ge [sflag:s23], $0x2800  }
0x185: {  	[sflag:s23] =	ssyncset.done $0x0  }
0x186: {  	[sflag:s23] =	ssyncadd.s32 $0xFFFFD800  }
0x187: {  	[bflag:$0x0] =	sbarrier.arrive $0xFFFF  }
0x188: {  	s4 =	simm.s32 @!p1 $0x1FC3;
	s9 =	rddreg [dreg:$0xd]  }
0x189: {  	[hbm:s9], [sflag:s4] =	dma.local @!p1 [spmem:s11], $0xD00  }
0x18a: {  	s4 =	rddreg [dreg:$0xc]  }
0x18b: {  	[hbm:s4], [sflag:s12] =	dma.local @!p2 [spmem:s13], $0xD00  }
0x18c: {  	s4 =	simm.s32 @!p3 $0x1FC3;
	s9 =	rddreg [dreg:$0xf]  }
0x18d: {  	[hbm:s9], [sflag:s4] =	dma.local @!p3 [spmem:s14], $0xD00  }
0x18e: {  	s4 =	rddreg [dreg:$0xe]  }
0x18f: {  	[hbm:s4], [sflag:s15] =	dma.local @!p4 [spmem:s16], $0xD00  }
0x190: {  	_ =	swait.ge [sflag:s23], $0xD00  }
0x191: {  	s0 =	sadd.s32 $0x1, s0;
	s21 =	rddreg [dreg:$0x10]  }
0x192: {  	p5 =	sne.s32 s0, s21  }
.Ltmp6:
0x193: {  	_ = 	snop;
	(pc) =	sbr.rel @p5 .LBB2_1-.Ltmp6, $3  }
0x194: {  	_ =	sdelay $0x1  }
0x195: {  	[sflag:s23] =	ssyncset.done $0x0  }
0x196: {  	[sflag:s23] =	ssyncadd.s32 $0xFFFFF300  }
0x197: {  	_ =	sfence.sel $0x180000  }
0x198: {  	[bflag:$0x0] =	sbarrier.arrive $0xFFFF  }
0x199: {  	_ =	strace $0x9000004A  }
0x19a: {  	[bflag:$0x2] =	sbarrier.arrive $0xFFFF  }
0x19b: {  	p0 =	sne.s32 s2, $0x0;
	s0 =	rddreg [dreg:$0x3]  }
0x19c: {  	s0 =	sadd.s32 @!p0 $0x100000, s0  }
0x19d: {  	[sflag:s0] =	ssyncadd.tile.s32 @!p0 $0x1;
	_ =	shalt  }
.Lfunc_end2:
_tile_overlayer_lowered:
.L_overlay_start_2:
0x19e: {  	(tag) =	ssettag $0x2  }
0x19f: {  	s0 =	rddreg [dreg:$0x0];
	s2 =	stileid.u32  }
0x1a0: {  	s1 =	rddreg [dreg:$0x1];
	p0 =	sne.s32 s2, $0x0  }
0x1a1: {  	s3 =	rddreg [dreg:$0x2];
	[bflag:$0x3] =	sbarrier.arrive $0xFFFF;
	s2 =	simm.s32 @!p0 $0x1C03  }
0x1a2: {  	[timem:s3], [sflag:s2] =	dma.local @!p0 [hbm:s0], s1  }
0x1a3: {  	s0 =	simm.s32 @!p0 $0x3  }
0x1a4: {  	_ =	swait.ge @!p0 [sflag:s0], s1  }
0x1a5: {  	s1 =	ssub.s32 @!p0 $0x0, s1;
	[sflag:s0] =	ssyncset.done @!p0 $0x0  }
0x1a6: {  	[sflag:s0] =	ssyncadd.s32 @!p0 s1  }
0x1a7: {  	[bflag:$0x3] =	sbarrier.arrive $0xFFFF  }
0x1a8: {  	_ =	shalt  }

// kernel: kernel.7.cloned.1.call-start
scs
__scs_entry_jumppad:
0x0: {  	(pc) =	sbr.rel $0x88, $3  }
0x1: {  	(tag) =	ssettag $0x0;
	lr =	simm.s32 $0x1  }
0x2: {  	[smem:$0x3F99] =	sst lr;
	_ =	strace $0xD0000000  }
0x3: {  	_ = 	snop  }
0x4: {  	_ = 	snop  }
0x5: {  	_ = 	snop  }
0x6: {  	_ = 	snop  }
0x7: {  	_ = 	snop  }
__scs_overlays_trampoline_lowered:
0x8: {  	[smem:$0x3FA8] =	sst s0  }
0x9: {  	[smem:$0x3FA9] =	sst s1  }
0xa: {  	[smem:$0x3FAA] =	sst s2  }
0xb: {  	[smem:$0x3FAB] =	sst s3  }
0xc: {  	[smem:$0x3FAC] =	sst s4  }
0xd: {  	[smem:$0x3FAD] =	sst s5  }
0xe: {  	[smem:$0x3FAE] =	sst s6  }
0xf: {  	[smem:$0x3FAF] =	sst s7  }
0x10: {  	[smem:$0x3FB0] =	sst s8  }
0x11: {  	[smem:$0x3FB1] =	sst s9;
	s0 =	simm.s32 @!p0 $0x0  }
0x12: {  	s1 =	sld [smem:$0x3F97];
	s0 =	simm.s32 @p0 $0x1  }
0x13: {  	[smem:$0x3FB2] =	sst s0;
	s0 =	simm.s32 @!p1 $0x0  }
0x14: {  	s2 =	sld [smem:$0x3F96];
	s0 =	simm.s32 @p1 $0x1  }
0x15: {  	[smem:$0x3FB3] =	sst s0;
	s0 =	simm.s32 @!p2 $0x0  }
0x16: {  	s3 =	sld [smem:$0x3FDB];
	s0 =	simm.s32 @p2 $0x1  }
0x17: {  	s4 =	simm.s32 $0x1BF5;
	[smem:$0x3FB5] =	sst s0  }
0x18: {  	s0 =	sld [smem:$0x3F98];
	_ =	swait.ge [sflag:s4], $0x0  }
0x19: {  	s7 =	sld [smem:$0x3F99]  }
0x1a: {  	s8 =	sadd.s32 $0xFFFFE003, lr  }
0x1b: {  	s9 =	sadd.s32 $0xFFFFFEF7, lr;
	s5 =	simm.s32 $0xFFFFFFFF;
	p2 =	slt.u32 s8, $0xFFFFF086  }
0x1c: {  	p1 =	slt.u32 s9, $0xF7A;
	s5 =	simm.s32 @!p2 $0x0  }
0x1d: {  	s5 =	simm.s32 @p1 $0x1;
	p0 =	seq.s32 s7, s2  }
0x1e: {  	s7 =	smul.u32 @!p0 $0xF7A, s2;
	p2 =	seq.s32 @!p0 s5, $0x0  }
0x1f: {  	s9 =	smul.u32 $0xF7A, s1;
	s8 =	simm.s32 @!p0 $0x1BF5;
	p2 =	por !p2, p0  }
0x20: {  	[sflag:s8] =	ssyncset.s32 @!p0 $0xFFFFF086;
	s6 =	sadd.s32 @!p0 s3, s7;
	s7 =	simm.s32 @!p0 $0x108  }
0x21: {  	s3 =	sadd.s32 s3, s9;
	s6 =	sadd.s32 @!p0 $0x88, s6;
	s7 =	simm.s32 @p2 $0x1082  }
0x22: {  	[simem:s7], [sflag:s8] =	dma.local @!p0 [hbm:s6], $0xF7A  }
0x23: {  	s9 =	sor.u32 $0xD0000000, s2;
	s6 =	simm.s32 $0x108;
	_ =	swait.ge @!p0 [sflag:s8], $0x0  }
0x24: {  	s3 =	sadd.s32 $0x88, s3;
	s6 =	simm.s32 @!p1 $0x1082;
	[sflag:s4] =	ssyncset.s32 $0xFFFFF086  }
0x25: {  	[simem:s6], [sflag:s4] =	dma.local [hbm:s3], $0xF7A  }
0x26: {  	[smem:$0x3F99] =	sst s1;
	(tag) =	ssettag s2;
	_ =	strace s9  }
0x27: {  	s1 =	sld [smem:$0x3FA9]  }
0x28: {  	s2 =	sld [smem:$0x3FAA]  }
0x29: {  	s4 =	sld [smem:$0x3FAC]  }
0x2a: {  	p0 =	seq.s32 s5, $0x0;
	s5 =	sld [smem:$0x3FAD]  }
0x2b: {  	s6 =	sld [smem:$0x3FAE]  }
0x2c: {  	s7 =	sld [smem:$0x3FAF]  }
0x2d: {  	s3 =	simm.s32 $0x108;
	s8 =	sld [smem:$0x3FB0]  }
0x2e: {  	s3 =	simm.s32 @!p0 $0x1082;
	s9 =	sld [smem:$0x3FB1]  }
0x2f: {  	lr =	sadd.s32 s0, s3;
	s0 =	sld [smem:$0x3FA8]  }
0x30: {  	s3 =	sld [smem:$0x3FAB]  }
0x31: {  	[smem:$0x3FB4] =	sst s10  }
0x32: {  	s10 =	sld [smem:$0x3FB2];
	_ =	sdelay $0x3  }
0x33: {  	p0 =	seq.s32 s10, $0x1;
	s10 =	sld [smem:$0x3FB4];
	_ =	sdelay $0x3  }
0x34: {  	[smem:$0x3FB4] =	sst s10  }
0x35: {  	s10 =	sld [smem:$0x3FB3];
	_ =	sdelay $0x3  }
0x36: {  	p1 =	seq.s32 s10, $0x1;
	s10 =	sld [smem:$0x3FB4];
	_ =	sdelay $0x3  }
0x37: {  	[smem:$0x3FB4] =	sst s10  }
0x38: {  	s10 =	sld [smem:$0x3FB5]  }
0x39: {  	_ = 	snop;
	(pc) =	sbr.ind lr, $3  }
0x3a: {  	_ = 	snop  }
0x3b: {  	_ = 	snop  }
0x3c: {  	p2 =	seq.s32 s10, $0x1;
	s10 =	sld [smem:$0x3FB4]  }
0x3d: {  	_ =	shalt  }
0x3e: {  	_ =	shalt  }
0x3f: {  	_ =	shalt  }
0x40: {  	_ =	shalt  }
0x41: {  	_ =	shalt  }
0x42: {  	_ =	shalt  }
0x43: {  	_ =	shalt  }
0x44: {  	_ =	shalt  }
0x45: {  	_ =	shalt  }
0x46: {  	_ =	shalt  }
0x47: {  	_ =	shalt  }
0x48: {  	_ =	shalt  }
0x49: {  	_ =	shalt  }
0x4a: {  	_ =	shalt  }
0x4b: {  	_ =	shalt  }
0x4c: {  	_ =	shalt  }
0x4d: {  	_ =	shalt  }
0x4e: {  	_ =	shalt  }
0x4f: {  	_ =	shalt  }
0x50: {  	_ =	shalt  }
0x51: {  	_ =	shalt  }
0x52: {  	_ =	shalt  }
0x53: {  	_ =	shalt  }
0x54: {  	_ =	shalt  }
0x55: {  	_ =	shalt  }
0x56: {  	_ =	shalt  }
0x57: {  	_ =	shalt  }
0x58: {  	_ =	shalt  }
0x59: {  	_ =	shalt  }
0x5a: {  	_ =	shalt  }
0x5b: {  	_ =	shalt  }
0x5c: {  	_ =	shalt  }
0x5d: {  	_ =	shalt  }
0x5e: {  	_ =	shalt  }
0x5f: {  	_ =	shalt  }
0x60: {  	_ =	shalt  }
0x61: {  	_ =	shalt  }
0x62: {  	_ =	shalt  }
0x63: {  	_ =	shalt  }
0x64: {  	_ =	shalt  }
0x65: {  	_ =	shalt  }
0x66: {  	_ =	shalt  }
0x67: {  	_ =	shalt  }
0x68: {  	_ =	shalt  }
0x69: {  	_ =	shalt  }
0x6a: {  	_ =	shalt  }
0x6b: {  	_ =	shalt  }
0x6c: {  	_ =	shalt  }
0x6d: {  	_ =	shalt  }
0x6e: {  	_ =	shalt  }
0x6f: {  	_ =	shalt  }
0x70: {  	_ =	shalt  }
0x71: {  	_ =	shalt  }
0x72: {  	_ =	shalt  }
0x73: {  	_ =	shalt  }
0x74: {  	_ =	shalt  }
0x75: {  	_ =	shalt  }
0x76: {  	_ =	shalt  }
0x77: {  	_ =	shalt  }
0x78: {  	_ =	shalt  }
0x79: {  	_ =	shalt  }
0x7a: {  	_ =	shalt  }
0x7b: {  	_ =	shalt  }
0x7c: {  	_ =	shalt  }
0x7d: {  	_ =	shalt  }
0x7e: {  	_ =	shalt  }
0x7f: {  	_ =	shalt  }
0x80: {  	_ =	shalt  }
0x81: {  	_ =	shalt  }
0x82: {  	_ =	shalt  }
0x83: {  	_ =	shalt  }
0x84: {  	_ =	shalt  }
0x85: {  	_ =	shalt  }
0x86: {  	_ =	shalt  }
0x87: {  	_ =	shalt  }
.Lfunc_end0:
.L_simem_size_0:
called_computation_lowered:
.L_overlay_start_0:
0x88: {  	s2 =	sld [smem:$0x3FD9]  }
0x89: {  	s3 =	sld [smem:$0x3FFE];
	_ =	sdelay $0x1  }
0x8a: {  	s1 =	srdreg.scid  }
0x8b: {  	s0 =	sand.u32 $0x1, s1  }
0x8c: {  	s16 =	sshll.u32 s0, $0xA;
	s2 =	sadd.s32 s3, s2  }
0x8d: {  	s2 =	sadd.s32 s2, s16  }
0x8e: {  	[smem:$0x3FC0] =	sst s2  }
0x8f: {  	_ = 	snop  }
0x90: {  	(tm) =	ssettm $0x1  }
0x91: {  	s17 =	sld [smem:$0x3FFB];
	_ =	sdelay $0x3  }
0x92: {  	_ =	strace s17  }
0x93: {  	s2 =	sld [smem:$0x3FFC];
	_ =	sdelay $0x3  }
0x94: {  	_ =	strace s2  }
0x95: {  	s2 =	sld [smem:$0x3FFD];
	_ =	sdelay $0x3  }
0x96: {  	_ =	strace s2  }
0x97: {  	_ =	strace $0x8FFFFFFF  }
0x98: {  	s18 =	sld [smem:$0x3FDB];
	_ =	sdelay $0x1  }
0x99: {  	s19 =	simm.s32 $_scs_section_size  }
0x9a: {  	s4 =	simm.s32 $_size__tile_overlayer_lowered;
	s5 =	simm.s32 $_tile_overlayer_lowered  }
0x9b: {  	s22 =	simm.s32 $0x1BFF;
	s21 =	sshll.u32 s5, $0x1;
	s2 =	sadd.s32 s19, s18  }
0x9c: {  	s6 =	simm.s32 $0x0;
	s20 =	sshll.u32 s4, $0x1;
	s4 =	sadd.s32 s21, s2  }
0x9d: {  	[timem:s6], [sflag:s22] =	dma.local [hbm:s4], s20  }
0x9e: {  	_ =	swait.ge [sflag:s22], s20  }
0x9f: {  	s3 =	ssub.s32 $0x0, s20;
	[sflag:s22] =	ssyncset.done $0x0  }
0xa0: {  	[sflag:s22] =	ssyncadd.s32 s3;
	_ =	sdelay $0x1  }
0xa1: {  	s23 =	simm.s32 $0x1B8B  }
0xa2: {  	_ =	swait.ge [sflag:s23], $0x1  }
0xa3: {  	[sflag:s23] =	ssyncset.done $0x0  }
0xa4: {  	s25 =	simm.s32 $0x1B8E;
	s24 =	sld [smem:$0x3FFE];
	[sflag:s23] =	ssyncadd.s32 $0xFFFFFFFF  }
0xa5: {  	s26 =	simm.s32 $execute0_lowered;
	[smem:$0x3FD2] =	sst s25  }
0xa6: {  	s4 =	sshll.u32 s26, $0x1;
	_ =	strace $0x80000046;
	[dreg:$0x1] =	wrdreg $0xFFFFFFFF  }
0xa7: {  	s28 =	simm.s32 $_size_execute0_lowered;
	s2 =	sadd.s32 s2, s4;
	[dreg:$0x0] =	wrdreg $0x0  }
0xa8: {  	s4 =	sshll.u32 s28, $0x1;
	[dreg:$0x2] =	wrdreg s2  }
0xa9: {  	[dreg:$0x3] =	wrdreg s4  }
0xaa: {  	[dreg:$0x4] =	wrdreg $0xC0  }
0xab: {  	_ =	task [dreg:s6], $0x5FFFF  }
0xac: {  	[dreg:$0x1] =	wrdreg $0xFFFFFFFF  }
0xad: {  	[dreg:$0x0] =	wrdreg $0x60  }
0xae: {  	[dreg:$0x2] =	wrdreg s24  }
0xaf: {  	[dreg:$0x3] =	wrdreg $0xD0000  }
0xb0: {  	[dreg:$0x4] =	wrdreg $0x9  }
0xb1: {  	_ =	task.clear_ibuf [dreg:s6], $0x5FFFF;
	_ =	strace $0x90000046  }
0xb2: {  	s29 =	simm.s32 $0x9;
	_ =	strace $0x80000048  }
0xb3: {  	_ =	swait.ge [sflag:s29], $0x1  }
0xb4: {  	[sflag:s29] =	ssyncadd.s32 $0xFFFFFFFF  }
0xb5: {  	_ =	strace $0x90000048  }
0xb6: {  	_ =	sfence  }
0xb7: {  	s30 =	sld [smem:$0x0];
	_ =	sdelay $0x2  }
0xb8: {  	s31 =	sshll.u32 s1, $0xD;
	s1 =	sshrl.u32 s1, $0x2  }
0xb9: {  	s3 =	sand.u32 $0x4000, s31;
	s1 =	sadd.s32 s1, s30  }
0xba: {  	s0 =	sor.u32 s3, s0;
	s1 =	sshll.u32 s1, $0x11  }
0xbb: {  	s0 =	sor.u32 s1, s0  }
0xbc: {  	s0 =	sadd.s32 $0x8F2B, s0  }
0xbd: {  	[sflag:s0] =	ssyncadd.remote.s32 $0x1  }
0xbe: {  	_ =	sfence.sel $0xFFFF  }
0xbf: {  	[dreg:$0x0] =	wrdreg $0xFFFFFFFF;
	(pc) =	sbr.abs _section_cstart, $3  }
0xc0: {  	[dreg:$0x1] =	wrdreg $0xFFFFFFFF  }
0xc1: {  	_ =	task.clear_ibuf [dreg:s6], $0x2FFFF;
	_ =	strace $0x9FFFFFFF  }
0xc2: {  	(tm) =	ssettm $0x7FFFFFFF  }
0xc3: {  	_ =	shalt  }
tec
execute0_lowered:
.L_overlay_start_1:
0x0: {  	(tag) =	ssettag $0x1  }
0x1: {  	s0 =	rddreg [dreg:$0x0]  }
0x2: {  	s2 =	rddreg [dreg:$0x1]  }
0x3: {  	s1 =	simm.s32 $0x0;
	s6 =	srdreg.scid;
	s28 =	simm.s32 $0x50  }
0x4: {  	s29 =	simm.s32 $0x8000;
	s30 =	simm.s32 $0xA800;
	s31 =	simm.s32 $0x1  }
0x5: {  	[smem:$0x7FF] =	sst s1;
	s1 =	stileid.u32;
	s4 =	sadd.s32 $0x1AE00, s0  }
0x6: {  	s5 =	sadd.s32 $0x69000, s0;
	s8 =	sadd.s32 $0x69E00, s0;
	s9 =	sand.u32 $0x1, s6  }
0x7: {  	s10 =	sadd.s32 $0x91000, s0;
	s11 =	sadd.s32 $0xB8200, s0;
	s21 =	sadd.s32 $0x9D300, s0  }
0x8: {  	s23 =	sadd.s32 $0x76100, s0;
	s19 =	sadd.s32 $0x83180, s0;
	s7 =	smul.u32 $0x1A000, s1  }
0x9: {  	s20 =	sadd.s32 $0xB7400, s0;
	_ =	strace $0x80000047;
	s13 =	smul.u32 $0xD0, s1  }
0xa: {  	s3 =	sshll.u32 s1, $0xB;
	s14 =	smul.u32 $0xD00, s1;
	[dreg:$0x4] =	wrdreg s21  }
0xb: {  	s6 =	ssub.s32 $0x2, s9;
	[dreg:$0x6] =	wrdreg s23;
	s16 =	sshllo.u32 s9, $0x1  }
0xc: {  	p0 =	seq.s32 s9, $0x0;
	s18 =	smul.u32 $0x1A10, s9;
	[dreg:$0xd] =	wrdreg s19  }
0xd: {  	p4 =	sne.s32 s9, $0x0;
	[dreg:$0xe] =	wrdreg s20;
	s3 =	sadd.s32 s3, s0  }
0xe: {  	s12 =	sshrl.u32 s6, $0x1;
	s16 =	smin.u32 s16, $0x2;
	p2 =	seq.s32 @p4 s1, $0xF  }
0xf: {  	p5 =	seq.s32 @!p4 s1, $0xF;
	s12 =	ssub.s32 s6, s12;
	s7 =	sshrl.u32 s7, $0x2  }
0x10: {  	s6 =	sadd.s32 $0x2E00, s3;
	s15 =	sadd.s32 s10, s14;
	s22 =	sadd.s32 s8, s14  }
0x11: {  	s24 =	sadd.s32 $0xD080, s14;
	s14 =	sadd.s32 $0x1A100, s14;
	s25 =	sadd.s32 s13, s18  }
0x12: {  	p1 =	por !p2, !p4;
	p2 =	por p2, !p4;
	[dreg:$0x3] =	wrdreg s15  }
0x13: {  	p3 =	por !p5, p4;
	[dreg:$0x5] =	wrdreg s22;
	s17 =	sadd.s32 s10, s24  }
0x14: {  	p4 =	por p5, p4;
	s15 =	sadd.s32 s8, s24;
	[dreg:$0x7] =	wrdreg s17  }
0x15: {  	s7 =	sadd.s32 s7, s2;
	s10 =	sadd.s32 s10, s14;
	[dreg:$0x8] =	wrdreg s15  }
0x16: {  	s8 =	sadd.s32 s8, s14;
	s14 =	sadd.s32 $0xAA380, s0;
	[dreg:$0x9] =	wrdreg s10  }
0x17: {  	s0 =	sadd.s32 $0x90200, s0;
	s21 =	smax.u32 s12, $0x1;
	[dreg:$0xa] =	wrdreg s8  }
0x18: {  	s24 =	sadd.s32 $0x61800, s2;
	s22 =	sadd.s32 $0xD08, s18;
	[dreg:$0xb] =	wrdreg s14  }
0x19: {  	s15 =	smul.u32 $0xD08, s16;
	s8 =	sshll.u32 s25, $0x4;
	[dreg:$0xf] =	wrdreg s0  }
0x1a: {  	[dreg:$0x10] =	wrdreg s21;
	s25 =	simm.s32 $0x3;
	s0 =	simm.s32 $0x2  }
0x1b: {  	s16 =	sadd.s32 s11, s8;
	s26 =	sadd.s32 s13, s15;
	s13 =	simm.s32 $0xAE00  }
0x1c: {  	s8 =	simm.s32 $0x0;
	s23 =	sadd.s32 $0xD08, s15;
	s13 =	simm.s32 @!p0 $0x12E00  }
0x1d: {  	v4 =	vimm.f32 $1.000000000e+00;
	v0 =	vmov s18;
	s10 =	sshll.u32 s26, $0x4;
	p0 =	seq.s32 s1, $0xF;
	s3 =	sadd.s32 s13, s3  }
0x1e: {  	v1 =	vmov s22;
	v2 =	vmov s15;
	s26 =	simm.s32 $0x4000;
	v3 =	vmov s23;
	s17 =	sadd.s32 s11, s10;
	[dreg:$0xc] =	wrdreg s3  }
.LBB2_1:
0x1f: {  	s3 =	simm.s32 $0x0;
	s9 =	rddreg [dreg:$0xc]  }
0x20: {  	[tilespmem:s3], [sflag:$0x3] =	stream.linear.gather [hbm4b:s9+s3], $0x3E80, $0x38;
	[tilespmem:$0x13880] =	vst v63  }
0x21: {  	_ =	swait.ge [sflag:s25], $0x3E80  }
0x22: {  	[sflag:s25] =	ssyncset.done $0x0  }
0x23: {  	[sflag:s25] =	ssyncadd.s32 $0xFFFFC180  }
0x24: {  	[tilespmem:s26], [sflag:$0x3] =	stream.linear.gather [hbm4b:s6+s3], $0x3E80, $0x38;
	[tilespmem:$0x13880] =	vst v63  }
0x25: {  	_ =	swait.ge [sflag:s25], $0x3E80  }
0x26: {  	[sflag:s25] =	ssyncset.done $0x0  }
0x27: {  	s9 =	simm.s32 $0x0;
	[sflag:s25] =	ssyncadd.s32 $0xFFFFC180  }
0x28: {  	v11 =	vld [tilespmem:s9+$0x4040]  }
0x29: {  	v8 =	vld [tilespmem:s9+$0x4030]  }
0x2a: {  	v7 =	vld [tilespmem:s9+$0x4000];
	_ =	sdelay $0x2  }
0x2b: {  	v5 =	vld [tilespmem:s9+$0x4010];
	v6 =	vand.u32 $0x7, v11;
	vm1 =	vlt.u32 v11, $0xD08  }
0x2c: {  	v10 =	vand.u32 $0x7, v8;
	vm0 =	vlt.u32 v8, $0xD08;
	v12 =	vor.u32 $0xD08, v6;
	v6 =	vld [tilespmem:s9+$0x4020]  }
0x2d: {  	s11 =	simm.s32 $0x200;
	s10 =	simm.s32 $0x400;
	v9 =	vand.u32 $0x7, v7;
	v10 =	vor.u32 $0xD08, v10;
	v11 =	vsel vm1, v11, v12  }
.LBB2_2:
0x2e: {  	p5 =	sne.s32 s10, $0xF800  }
0x2f: {  	s12 =	sshra.s32 s11, $0x2;
	v9 =	vor.u32 $0xD08, v9;
	vm1 =	vlt.u32 v7, $0xD08;
	v8 =	vsel vm0, v8, v10;
	[tilespmem:s9+$0x4040] =	vst v11;
	s11 =	smov.u32 s10;
	s10 =	sadd.s32 $0x200, s10  }
0x30: {  	v11 =	vld [tilespmem:s12+$0x4040];
	v7 =	vsel vm1, v7, v9;
	v9 =	vand.u32 $0x7, v5;
	vm0 =	vlt.u32 v5, $0xD08;
	[tilespmem:s9+$0x4030] =	vst v8  }
0x31: {  	v8 =	vld [tilespmem:s12+$0x4030];
	[tilespmem:s9+$0x4000] =	vst v7;
	v9 =	vor.u32 $0xD08, v9;
	v10 =	vand.u32 $0x7, v6  }
0x32: {  	v7 =	vld [tilespmem:s12+$0x4000];
	v5 =	vsel vm0, v5, v9;
	v9 =	vor.u32 $0xD08, v10;
	vm0 =	vlt.u32 v6, $0xD08  }
.Ltmp0:
0x33: {  	[tilespmem:s9+$0x4010] =	vst v5;
	v6 =	vsel vm0, v6, v9;
	(pc) =	sbr.rel @p5 .LBB2_2-.Ltmp0, $4  }
0x34: {  	v5 =	vld [tilespmem:s12+$0x4010];
	[tilespmem:s9+$0x4020] =	vst v6;
	s9 =	smov.u32 s12  }
0x35: {  	v6 =	vld [tilespmem:s9+$0x4020];
	v9 =	vand.u32 $0x7, v11;
	vm1 =	vlt.u32 v11, $0xD08  }
0x36: {  	v10 =	vand.u32 $0x7, v8;
	vm0 =	vlt.u32 v8, $0xD08;
	v12 =	vor.u32 $0xD08, v9  }
0x37: {  	v9 =	vand.u32 $0x7, v7;
	v10 =	vor.u32 $0xD08, v10;
	v11 =	vsel vm1, v11, v12  }
0x38: {  	s10 =	sshra.s32 s11, $0x2;
	[tilespmem:s9+$0x4040] =	vst v11;
	v8 =	vsel vm0, v8, v10;
	v9 =	vor.u32 $0xD08, v9;
	vm9 =	vlt.u32 v7, $0xD08  }
0x39: {  	v55 =	vld [tilespmem:s10+$0x4040];
	[tilespmem:s9+$0x4030] =	vst v8;
	v7 =	vsel vm9, v7, v9;
	v56 =	vand.u32 $0x7, v5  }
0x3a: {  	vm10 =	vlt.u32 v5, $0xD08;
	v57 =	vld [tilespmem:s10+$0x4030];
	[tilespmem:s9+$0x4000] =	vst v7;
	v7 =	vor.u32 $0xD08, v56;
	v58 =	vand.u32 $0x7, v6  }
0x3b: {  	vm11 =	vlt.u32 v6, $0xD08;
	v11 =	vld [tilespmem:s10+$0x4000];
	v5 =	vsel vm10, v5, v7;
	v7 =	vor.u32 $0xD08, v58  }
0x3c: {  	[tilespmem:s9+$0x4010] =	vst v5;
	v5 =	vsel vm11, v6, v7  }
0x3d: {  	v6 =	vld [tilespmem:s10+$0x4010];
	[tilespmem:s9+$0x4020] =	vst v5  }
0x3e: {  	v5 =	vld [tilespmem:s10+$0x4020];
	v7 =	vand.u32 $0x7, v55  }
0x3f: {  	vm12 =	vlt.u32 v55, $0xD08;
	v59 =	vand.u32 $0x7, v57;
	vm1 =	vlt.u32 v57, $0xD08  }
0x40: {  	v7 =	vor.u32 $0xD08, v7;
	v12 =	vand.u32 $0x7, v11;
	v8 =	vor.u32 $0xD08, v59  }
0x41: {  	v7 =	vsel vm12, v55, v7;
	vm13 =	vlt.u32 v11, $0xD08;
	v60 =	vor.u32 $0xD08, v12  }
0x42: {  	v8 =	vsel vm1, v57, v8;
	[tilespmem:s10+$0x4040] =	vst v7;
	v7 =	vsel vm13, v11, v60;
	v61 =	vand.u32 $0x7, v6  }
0x43: {  	vm14 =	vlt.u32 v6, $0xD08;
	[tilespmem:s10+$0x4030] =	vst v8;
	v62 =	vor.u32 $0xD08, v61;
	v63 =	vand.u32 $0x7, v5  }
0x44: {  	[tilespmem:s10+$0x4000] =	vst v7;
	vm15 =	vlt.u32 v5, $0xD08;
	v6 =	vsel vm14, v6, v62;
	v7 =	vor.u32 $0xD08, v63  }
0x45: {  	[tilespmem:s10+$0x4010] =	vst v6;
	v5 =	vsel vm15, v5, v7  }
0x46: {  	s9 =	sshrl.u32 @p0 s24, $0x3;
	[tilespmem:s10+$0x4020] =	vst v5;
	s10 =	simm.s32 @p0 $0x1FC3  }
0x47: {  	[spmem:s9], [sflag:s10] =	dma.local @p0 [hbm:s5], $0xE00  }
0x48: {  	s10 =	simm.s32 @p0 $0x3  }
0x49: {  	_ =	swait.ge @p0 [sflag:s10], $0xE00  }
0x4a: {  	s11 =	sshll.u32 @!p0 s1, $0x6;
	s12 =	simm.s32 @!p0 $0x3;
	[sflag:s10] =	ssyncset.done @p0 $0x0  }
0x4b: {  	[sflag:s10] =	ssyncadd.s32 @p0 $0xFFFFF200;
	s10 =	sor.u32 @!p0 $0x1C03, s11;
	s11 =	sshrl.u32 @!p0 s7, $0x3  }
0x4c: {  	[spmem:s11], [sflag:s10] =	dma.local @!p0 [hbm:s5], $0xD00  }
0x4d: {  	_ =	swait.ge @!p0 [sflag:s12], $0xD00  }
0x4e: {  	[sflag:s12] =	ssyncset.done @!p0 $0x0  }
0x4f: {  	[sflag:s12] =	ssyncadd.s32 @!p0 $0xFFFFF300  }
0x50: {  	s19 =	simm.s32 $0x0;
	[bflag:$0x0] =	sbarrier.arrive $0xFFFF  }
0x51: {  	[tilespmem:s29], [sflag:$0x1] =	stream.indirect.gather [hbm4b:s4+s28], $0x80, s19, s28, $0xb8;
	[tilespmem:$0x13880] =	vst v63  }
0x52: {  	s20 =	simm.s32 $0x80  }
0x53: {  	[tilespmem:s30], [sflag:$0x2] =	stream.indirect.gather [hbm4b:s4+s28], $0x80, s20, s28, $0xb8;
	[tilespmem:$0x13880] =	vst v63  }
0x54: {  	_ =	swait.ge [sflag:s31], $0x2800  }
0x55: {  	[sflag:s31] =	ssyncset.done $0x0  }
0x56: {  	s21 =	simm.s32 $0x4000;
	[sflag:s31] =	ssyncadd.s32 $0xFFFFD800  }
0x57: {  	[spmem:s2] =	stream.indirect.scatter.add.f32 [tilespmem:s29], [sflag:$0x3], $0x80, s21, s28, $0xb8;
	[tilespmem:$0x13880] =	vst v63  }
0x58: {  	_ =	swait.ge [sflag:s25], $0x2800  }
0x59: {  	[sflag:s25] =	ssyncset.done $0x0  }
0x5a: {  	s22 =	simm.s32 $0x100;
	[sflag:s25] =	ssyncadd.s32 $0xFFFFD800  }
0x5b: {  	[tilespmem:s29], [sflag:$0x1] =	stream.indirect.gather [hbm4b:s4+s28], $0x80, s22, s28, $0xb8;
	[tilespmem:$0x13880] =	vst v63  }
0x5c: {  	_ =	swait.ge [sflag:s0], $0x2800  }
0x5d: {  	[sflag:s0] =	ssyncset.done $0x0  }
0x5e: {  	s23 =	simm.s32 $0x4080;
	[sflag:s0] =	ssyncadd.s32 $0xFFFFD800  }
0x5f: {  	[spmem:s2] =	stream.indirect.scatter.add.f32 [tilespmem:s30], [sflag:$0x3], $0x80, s23, s28, $0xb8;
	[tilespmem:$0x13880] =	vst v63  }
0x60: {  	_ =	swait.ge [sflag:s25], $0x2800  }
0x61: {  	s13 =	simm.s32 $0x800;
	s12 =	simm.s32 $0x100;
	[sflag:s25] =	ssyncset.done $0x0  }
.LBB2_4:
0x62: {  	s14 =	sadd.s32 $0x80, s12  }
0x63: {  	[sflag:s25] =	ssyncadd.s32 $0xFFFFD800;
	s15 =	smov.u32 s13;
	s18 =	sadd.s32 $0x400, s13  }
0x64: {  	[tilespmem:s30], [sflag:$0x2] =	stream.indirect.gather [hbm4b:s4+s28], $0x80, s14, s28, $0xb8;
	[tilespmem:$0x13880] =	vst v63  }
0x65: {  	p5 =	sne.s32 s13, $0xF400;
	_ =	swait.ge [sflag:s31], $0x2800  }
0x66: {  	[sflag:s31] =	ssyncset.done $0x0  }
0x67: {  	s13 =	sadd.s32 $0x4000, s12;
	[sflag:s31] =	ssyncadd.s32 $0xFFFFD800  }
0x68: {  	[spmem:s2] =	stream.indirect.scatter.add.f32 [tilespmem:s29], [sflag:$0x3], $0x80, s13, s28, $0xb8;
	[tilespmem:$0x13880] =	vst v63  }
0x69: {  	_ =	swait.ge [sflag:s25], $0x2800  }
0x6a: {  	[sflag:s25] =	ssyncset.done $0x0  }
0x6b: {  	s13 =	sadd.s32 $0x100, s12;
	[sflag:s25] =	ssyncadd.s32 $0xFFFFD800  }
0x6c: {  	[tilespmem:s29], [sflag:$0x1] =	stream.indirect.gather [hbm4b:s4+s28], $0x80, s13, s28, $0xb8;
	[tilespmem:$0x13880] =	vst v63  }
0x6d: {  	_ =	swait.ge [sflag:s0], $0x2800  }
.Ltmp1:
0x6e: {  	[sflag:s0] =	ssyncset.done $0x0;
	(pc) =	sbr.rel @p5 .LBB2_4-.Ltmp1, $4  }
0x6f: {  	s12 =	sadd.s32 $0x4080, s12;
	[sflag:s0] =	ssyncadd.s32 $0xFFFFD800  }
0x70: {  	[spmem:s2] =	stream.indirect.scatter.add.f32 [tilespmem:s30], [sflag:$0x3], $0x80, s12, s28, $0xb8;
	[tilespmem:$0x13880] =	vst v63  }
0x71: {  	_ =	swait.ge [sflag:s25], $0x2800  }
0x72: {  	s13 =	smov.u32 s18;
	s12 =	sshra.s32 s15, $0x2;
	[sflag:s25] =	ssyncset.done $0x0  }
0x73: {  	s13 =	sadd.s32 $0x80, s12;
	[sflag:s25] =	ssyncadd.s32 $0xFFFFD800  }
0x74: {  	[tilespmem:s30], [sflag:$0x2] =	stream.indirect.gather [hbm4b:s4+s28], $0x80, s13, s28, $0xb8;
	[tilespmem:$0x13880] =	vst v63  }
0x75: {  	_ =	swait.ge [sflag:s31], $0x2800  }
0x76: {  	[sflag:s31] =	ssyncset.done $0x0  }
0x77: {  	s20 =	sadd.s32 $0x4000, s12;
	[sflag:s31] =	ssyncadd.s32 $0xFFFFD800  }
0x78: {  	[spmem:s2] =	stream.indirect.scatter.add.f32 [tilespmem:s29], [sflag:$0x3], $0x80, s20, s28, $0xb8;
	[tilespmem:$0x13880] =	vst v63  }
0x79: {  	_ =	swait.ge [sflag:s25], $0x2800  }
0x7a: {  	[sflag:s25] =	ssyncset.done $0x0  }
0x7b: {  	s21 =	sadd.s32 $0x100, s12;
	[sflag:s25] =	ssyncadd.s32 $0xFFFFD800  }
0x7c: {  	[tilespmem:s29], [sflag:$0x1] =	stream.indirect.gather [hbm4b:s4+s28], $0x80, s21, s28, $0xb8;
	[tilespmem:$0x13880] =	vst v63  }
0x7d: {  	_ =	swait.ge [sflag:s0], $0x2800  }
0x7e: {  	[sflag:s0] =	ssyncset.done $0x0  }
0x7f: {  	s22 =	sadd.s32 $0x4080, s12;
	[sflag:s0] =	ssyncadd.s32 $0xFFFFD800  }
0x80: {  	[spmem:s2] =	stream.indirect.scatter.add.f32 [tilespmem:s30], [sflag:$0x3], $0x80, s22, s28, $0xb8;
	[tilespmem:$0x13880] =	vst v63  }
0x81: {  	_ =	swait.ge [sflag:s25], $0x2800  }
0x82: {  	[sflag:s25] =	ssyncset.done $0x0  }
0x83: {  	[sflag:s25] =	ssyncadd.s32 $0xFFFFD800  }
0x84: {  	_ =	swait.ge [sflag:s31], $0x2800  }
0x85: {  	[sflag:s31] =	ssyncset.done $0x0  }
0x86: {  	s3 =	simm.s32 $0x7E00;
	[sflag:s31] =	ssyncadd.s32 $0xFFFFD800  }
0x87: {  	[spmem:s2] =	stream.indirect.scatter.add.f32 [tilespmem:s29], [sflag:$0x3], $0x80, s3, s28, $0xb8;
	[tilespmem:$0x13880] =	vst v63  }
0x88: {  	_ =	swait.ge [sflag:s25], $0x2800  }
0x89: {  	[sflag:s25] =	ssyncset.done $0x0  }
0x8a: {  	[sflag:s25] =	ssyncadd.s32 $0xFFFFD800  }
0x8b: {  	[bflag:$0x0] =	sbarrier.arrive $0xFFFF  }
0x8c: {  	s12 =	sshrl.u32 @!p1 s24, $0x3;
	s13 =	simm.s32 @!p1 $0x1FC3;
	s3 =	rddreg [dreg:$0x4]  }
0x8d: {  	[hbm:s3], [sflag:s13] =	dma.local @!p1 [spmem:s12], $0xD80  }
0x8e: {  	s13 =	simm.s32 @!p1 $0x3  }
0x8f: {  	s14 =	sshll.u32 @!p2 s1, $0x6;
	_ =	swait.ge @!p1 [sflag:s13], $0xD80  }
0x90: {  	s15 =	simm.s32 @!p2 $0x3;
	[sflag:s13] =	ssyncset.done @!p1 $0x0;
	s3 =	rddreg [dreg:$0x3]  }
0x91: {  	[sflag:s13] =	ssyncadd.s32 @!p1 $0xFFFFF280;
	s13 =	sor.u32 @!p2 $0x1C03, s14;
	s14 =	sshrl.u32 @!p2 s7, $0x3  }
0x92: {  	[hbm:s3], [sflag:s13] =	dma.local @!p2 [spmem:s14], $0xD00  }
0x93: {  	_ =	swait.ge @!p2 [sflag:s15], $0xD00  }
0x94: {  	s18 =	simm.s32 @!p3 $0x1FC3;
	[sflag:s15] =	ssyncset.done @!p2 $0x0  }
0x95: {  	s3 =	rddreg [dreg:$0x6];
	[sflag:s15] =	ssyncadd.s32 @!p2 $0xFFFFF300;
	s15 =	sshrl.u32 @!p3 s24, $0x3  }
0x96: {  	[hbm:s3], [sflag:s18] =	dma.local @!p3 [spmem:s15], $0xD80  }
0x97: {  	s18 =	simm.s32 @!p3 $0x3  }
0x98: {  	s19 =	sshll.u32 @!p4 s1, $0x6;
	_ =	swait.ge @!p3 [sflag:s18], $0xD80  }
0x99: {  	s20 =	simm.s32 @!p4 $0x3;
	[sflag:s18] =	ssyncset.done @!p3 $0x0;
	s3 =	rddreg [dreg:$0x5]  }
0x9a: {  	[sflag:s18] =	ssyncadd.s32 @!p3 $0xFFFFF280;
	s18 =	sor.u32 @!p4 $0x1C03, s19;
	s19 =	sshrl.u32 @!p4 s7, $0x3  }
0x9b: {  	[hbm:s3], [sflag:s18] =	dma.local @!p4 [spmem:s19], $0xD00  }
0x9c: {  	_ =	swait.ge @!p4 [sflag:s20], $0xD00  }
0x9d: {  	[sflag:s20] =	ssyncset.done @!p4 $0x0  }
0x9e: {  	s23 =	simm.s32 $0x0;
	[sflag:s20] =	ssyncadd.s32 @!p4 $0xFFFFF300  }
0x9f: {  	[tilespmem:s26], [sflag:$0x3] =	stream.linear.gather [hbm4b:s6+s23], $0x3E80, $0x38;
	[tilespmem:$0x13880] =	vst v63  }
0xa0: {  	_ =	swait.ge [sflag:s25], $0x3E80  }
0xa1: {  	[sflag:s25] =	ssyncset.done $0x0  }
0xa2: {  	s21 =	simm.s32 $0x0;
	[sflag:s25] =	ssyncadd.s32 $0xFFFFC180  }
0xa3: {  	v5 =	vld [tilespmem:s21+$0x4000];
	_ =	sdelay $0x1  }
0xa4: {  	v6 =	vld [tilespmem:s21+$0x4030];
	_ =	sdelay $0x1  }
0xa5: {  	v7 =	vld [tilespmem:s21+$0x4020]  }
0xa6: {  	v8 =	vand.u32 $0x7, v5;
	v5 =	vadd.s32 $0xFFFFF2F8, v5  }
0xa7: {  	v9 =	vld [tilespmem:s21+$0x4040];
	v8 =	vor.u32 $0xD08, v8;
	vm0 =	vlt.u32 v5, $0xD08  }
0xa8: {  	v10 =	vand.u32 $0x7, v6;
	v6 =	vadd.s32 $0xFFFFF2F8, v6;
	v5 =	vsel vm0, v5, v8;
	v8 =	vld [tilespmem:s21+$0x4010]  }
0xa9: {  	s20 =	simm.s32 $0x80;
	v10 =	vor.u32 $0xD08, v10;
	vm0 =	vlt.u32 v6, $0xD08;
	[tilespmem:s21+$0x4000] =	vst v5  }
0xaa: {  	v5 =	vand.u32 $0x7, v7;
	v7 =	vadd.s32 $0xFFFFF2F8, v7;
	v6 =	vsel vm0, v6, v10;
	v10 =	vld [tilespmem:s20+$0x4000]  }
0xab: {  	vm0 =	vlt.u32 v7, $0xD08;
	[tilespmem:s21+$0x4030] =	vst v6;
	v6 =	vor.u32 $0xD08, v5  }
0xac: {  	v11 =	vand.u32 $0x7, v9;
	v9 =	vadd.s32 $0xFFFFF2F8, v9;
	v5 =	vld [tilespmem:s20+$0x4030];
	v6 =	vsel vm0, v7, v6  }
0xad: {  	v7 =	vor.u32 $0xD08, v11;
	vm0 =	vlt.u32 v9, $0xD08;
	[tilespmem:s21+$0x4020] =	vst v6;
	v11 =	vadd.s32 $0xFFFFF2F8, v8  }
0xae: {  	v7 =	vsel vm0, v9, v7;
	v12 =	vand.u32 $0x7, v8;
	v6 =	vld [tilespmem:s20+$0x4020];
	vm1 =	vlt.u32 v11, $0xD08  }
0xaf: {  	[tilespmem:s21+$0x4040] =	vst v7;
	v7 =	vand.u32 $0x7, v10;
	v8 =	vadd.s32 $0xFFFFF2F8, v10;
	v10 =	vor.u32 $0xD08, v12  }
0xb0: {  	s22 =	simm.s32 $0x400;
	v9 =	vor.u32 $0xD08, v7;
	vm0 =	vlt.u32 v8, $0xD08;
	v7 =	vld [tilespmem:s20+$0x4040];
	v10 =	vsel vm1, v11, v10  }
.LBB2_6:
0xb1: {  	s23 =	sshra.s32 s22, $0x2;
	p5 =	sne.s32 s22, $0xF800;
	s22 =	sadd.s32 $0x200, s22;
	v11 =	vand.u32 $0x7, v5;
	v5 =	vadd.s32 $0xFFFFF2F8, v5;
	[tilespmem:s21+$0x4010] =	vst v10  }
0xb2: {  	v8 =	vsel vm0, v8, v9;
	s21 =	smov.u32 s20;
	v9 =	vld [tilespmem:s20+$0x4010];
	v10 =	vor.u32 $0xD08, v11;
	vm0 =	vlt.u32 v5, $0xD08;
	s20 =	smov.u32 s23  }
0xb3: {  	[tilespmem:s21+$0x4000] =	vst v8;
	v8 =	vand.u32 $0x7, v6;
	v6 =	vadd.s32 $0xFFFFF2F8, v6;
	v5 =	vsel vm0, v5, v10  }
0xb4: {  	v10 =	vld [tilespmem:s20+$0x4000];
	vm0 =	vlt.u32 v6, $0xD08;
	[tilespmem:s21+$0x4030] =	vst v5  }
0xb5: {  	v8 =	vor.u32 $0xD08, v8;
	v5 =	vld [tilespmem:s20+$0x4030];
	v11 =	vand.u32 $0x7, v7;
	v7 =	vadd.s32 $0xFFFFF2F8, v7  }
.Ltmp2:
0xb6: {  	v6 =	vsel vm0, v6, v8;
	v8 =	vor.u32 $0xD08, v11;
	vm0 =	vlt.u32 v7, $0xD08;
	(pc) =	sbr.rel @p5 .LBB2_6-.Ltmp2, $4  }
0xb7: {  	v11 =	vand.u32 $0x7, v9;
	v12 =	vadd.s32 $0xFFFFF2F8, v9;
	[tilespmem:s21+$0x4020] =	vst v6;
	v7 =	vsel vm0, v7, v8  }
0xb8: {  	v6 =	vld [tilespmem:s20+$0x4020];
	vm1 =	vlt.u32 v12, $0xD08;
	[tilespmem:s21+$0x4040] =	vst v7  }
0xb9: {  	v7 =	vand.u32 $0x7, v10;
	v8 =	vadd.s32 $0xFFFFF2F8, v10;
	v10 =	vor.u32 $0xD08, v11  }
0xba: {  	v9 =	vor.u32 $0xD08, v7;
	vm0 =	vlt.u32 v8, $0xD08;
	v7 =	vld [tilespmem:s20+$0x4040];
	v10 =	vsel vm1, v12, v10  }
0xbb: {  	[tilespmem:s21+$0x4010] =	vst v10  }
0xbc: {  	v57 =	vand.u32 $0x7, v5;
	v5 =	vadd.s32 $0xFFFFF2F8, v5;
	v11 =	vld [tilespmem:s20+$0x4010]  }
0xbd: {  	v8 =	vsel vm0, v8, v9;
	v58 =	vor.u32 $0xD08, v57;
	vm12 =	vlt.u32 v5, $0xD08  }
0xbe: {  	v59 =	vand.u32 $0x7, v6;
	v6 =	vadd.s32 $0xFFFFF2F8, v6;
	v5 =	vsel vm12, v5, v58  }
0xbf: {  	vm13 =	vlt.u32 v6, $0xD08;
	v60 =	vor.u32 $0xD08, v59;
	v61 =	vand.u32 $0x7, v7  }
0xc0: {  	[tilespmem:s20+$0x4000] =	vst v8;
	v7 =	vadd.s32 $0xFFFFF2F8, v7;
	v6 =	vsel vm13, v6, v60;
	v62 =	vor.u32 $0xD08, v61  }
0xc1: {  	[tilespmem:s20+$0x4030] =	vst v5;
	vm14 =	vlt.u32 v7, $0xD08;
	v5 =	vand.u32 $0x7, v11;
	v63 =	vadd.s32 $0xFFFFF2F8, v11  }
0xc2: {  	[tilespmem:s20+$0x4020] =	vst v6;
	v6 =	vsel vm14, v7, v62;
	vm15 =	vlt.u32 v63, $0xD08;
	v5 =	vor.u32 $0xD08, v5  }
0xc3: {  	[tilespmem:s20+$0x4040] =	vst v6;
	v5 =	vsel vm15, v63, v5  }
0xc4: {  	[tilespmem:s20+$0x4010] =	vst v5;
	s20 =	simm.s32 @p0 $0x1FC3  }
0xc5: {  	[spmem:s9], [sflag:s20] =	dma.local @p0 [hbm:s5], $0xE00  }
0xc6: {  	s20 =	simm.s32 @p0 $0x3  }
0xc7: {  	_ =	swait.ge @p0 [sflag:s20], $0xE00  }
0xc8: {  	[sflag:s20] =	ssyncset.done @p0 $0x0  }
0xc9: {  	[sflag:s20] =	ssyncadd.s32 @p0 $0xFFFFF200;
	s20 =	simm.s32 @!p0 $0x3  }
0xca: {  	[spmem:s11], [sflag:s10] =	dma.local @!p0 [hbm:s5], $0xD00  }
0xcb: {  	_ =	swait.ge @!p0 [sflag:s20], $0xD00  }
0xcc: {  	[sflag:s20] =	ssyncset.done @!p0 $0x0  }
0xcd: {  	[sflag:s20] =	ssyncadd.s32 @!p0 $0xFFFFF300  }
0xce: {  	s23 =	simm.s32 $0x0;
	[bflag:$0x0] =	sbarrier.arrive $0xFFFF  }
0xcf: {  	[tilespmem:s29], [sflag:$0x1] =	stream.indirect.gather [hbm4b:s4+s28], $0x80, s23, s28, $0xb8;
	[tilespmem:$0x13880] =	vst v63  }
0xd0: {  	s3 =	simm.s32 $0x80  }
0xd1: {  	[tilespmem:s30], [sflag:$0x2] =	stream.indirect.gather [hbm4b:s4+s28], $0x80, s3, s28, $0xb8;
	[tilespmem:$0x13880] =	vst v63  }
0xd2: {  	_ =	swait.ge [sflag:s31], $0x2800  }
0xd3: {  	[sflag:s31] =	ssyncset.done $0x0  }
0xd4: {  	s21 =	simm.s32 $0x4000;
	[sflag:s31] =	ssyncadd.s32 $0xFFFFD800  }
0xd5: {  	[spmem:s2] =	stream.indirect.scatter.add.f32 [tilespmem:s29], [sflag:$0x3], $0x80, s21, s28, $0xb8;
	[tilespmem:$0x13880] =	vst v63  }
0xd6: {  	_ =	swait.ge [sflag:s25], $0x2800  }
0xd7: {  	[sflag:s25] =	ssyncset.done $0x0  }
0xd8: {  	s22 =	simm.s32 $0x100;
	[sflag:s25] =	ssyncadd.s32 $0xFFFFD800  }
0xd9: {  	[tilespmem:s29], [sflag:$0x1] =	stream.indirect.gather [hbm4b:s4+s28], $0x80, s22, s28, $0xb8;
	[tilespmem:$0x13880] =	vst v63  }
0xda: {  	_ =	swait.ge [sflag:s0], $0x2800  }
0xdb: {  	[sflag:s0] =	ssyncset.done $0x0  }
0xdc: {  	s23 =	simm.s32 $0x4080;
	[sflag:s0] =	ssyncadd.s32 $0xFFFFD800  }
0xdd: {  	[spmem:s2] =	stream.indirect.scatter.add.f32 [tilespmem:s30], [sflag:$0x3], $0x80, s23, s28, $0xb8;
	[tilespmem:$0x13880] =	vst v63  }
0xde: {  	_ =	swait.ge [sflag:s25], $0x2800  }
0xdf: {  	s20 =	simm.s32 $0x100;
	s21 =	simm.s32 $0x800;
	[sflag:s25] =	ssyncset.done $0x0  }
.LBB2_8:
0xe0: {  	s22 =	sadd.s32 $0x80, s20  }
0xe1: {  	[sflag:s25] =	ssyncadd.s32 $0xFFFFD800;
	s23 =	smov.u32 s21;
	s3 =	sadd.s32 $0x400, s21  }
0xe2: {  	[tilespmem:s30], [sflag:$0x2] =	stream.indirect.gather [hbm4b:s4+s28], $0x80, s22, s28, $0xb8;
	[tilespmem:$0x13880] =	vst v63  }
0xe3: {  	p5 =	sne.s32 s21, $0xF400;
	_ =	swait.ge [sflag:s31], $0x2800  }
0xe4: {  	[sflag:s31] =	ssyncset.done $0x0  }
0xe5: {  	s21 =	sadd.s32 $0x4000, s20;
	[sflag:s31] =	ssyncadd.s32 $0xFFFFD800  }
0xe6: {  	[spmem:s2] =	stream.indirect.scatter.add.f32 [tilespmem:s29], [sflag:$0x3], $0x80, s21, s28, $0xb8;
	[tilespmem:$0x13880] =	vst v63  }
0xe7: {  	_ =	swait.ge [sflag:s25], $0x2800  }
0xe8: {  	[sflag:s25] =	ssyncset.done $0x0  }
0xe9: {  	s21 =	sadd.s32 $0x100, s20;
	[sflag:s25] =	ssyncadd.s32 $0xFFFFD800  }
0xea: {  	[tilespmem:s29], [sflag:$0x1] =	stream.indirect.gather [hbm4b:s4+s28], $0x80, s21, s28, $0xb8;
	[tilespmem:$0x13880] =	vst v63  }
0xeb: {  	_ =	swait.ge [sflag:s0], $0x2800  }
.Ltmp3:
0xec: {  	[sflag:s0] =	ssyncset.done $0x0;
	(pc) =	sbr.rel @p5 .LBB2_8-.Ltmp3, $4  }
0xed: {  	s20 =	sadd.s32 $0x4080, s20;
	[sflag:s0] =	ssyncadd.s32 $0xFFFFD800  }
0xee: {  	[spmem:s2] =	stream.indirect.scatter.add.f32 [tilespmem:s30], [sflag:$0x3], $0x80, s20, s28, $0xb8;
	[tilespmem:$0x13880] =	vst v63  }
0xef: {  	_ =	swait.ge [sflag:s25], $0x2800  }
0xf0: {  	s21 =	smov.u32 s3;
	s20 =	sshra.s32 s23, $0x2;
	[sflag:s25] =	ssyncset.done $0x0  }
0xf1: {  	s3 =	sadd.s32 $0x80, s20;
	[sflag:s25] =	ssyncadd.s32 $0xFFFFD800  }
0xf2: {  	[tilespmem:s30], [sflag:$0x2] =	stream.indirect.gather [hbm4b:s4+s28], $0x80, s3, s28, $0xb8;
	[tilespmem:$0x13880] =	vst v63  }
0xf3: {  	_ =	swait.ge [sflag:s31], $0x2800  }
0xf4: {  	[sflag:s31] =	ssyncset.done $0x0  }
0xf5: {  	s22 =	sadd.s32 $0x4000, s20;
	[sflag:s31] =	ssyncadd.s32 $0xFFFFD800  }
0xf6: {  	[spmem:s2] =	stream.indirect.scatter.add.f32 [tilespmem:s29], [sflag:$0x3], $0x80, s22, s28, $0xb8;
	[tilespmem:$0x13880] =	vst v63  }
0xf7: {  	_ =	swait.ge [sflag:s25], $0x2800  }
0xf8: {  	[sflag:s25] =	ssyncset.done $0x0  }
0xf9: {  	s23 =	sadd.s32 $0x100, s20;
	[sflag:s25] =	ssyncadd.s32 $0xFFFFD800  }
0xfa: {  	[tilespmem:s29], [sflag:$0x1] =	stream.indirect.gather [hbm4b:s4+s28], $0x80, s23, s28, $0xb8;
	[tilespmem:$0x13880] =	vst v63  }
0xfb: {  	_ =	swait.ge [sflag:s0], $0x2800  }
0xfc: {  	[sflag:s0] =	ssyncset.done $0x0  }
0xfd: {  	s21 =	sadd.s32 $0x4080, s20;
	[sflag:s0] =	ssyncadd.s32 $0xFFFFD800  }
0xfe: {  	[spmem:s2] =	stream.indirect.scatter.add.f32 [tilespmem:s30], [sflag:$0x3], $0x80, s21, s28, $0xb8;
	[tilespmem:$0x13880] =	vst v63  }
0xff: {  	_ =	swait.ge [sflag:s25], $0x2800  }
0x100: {  	[sflag:s25] =	ssyncset.done $0x0  }
0x101: {  	[sflag:s25] =	ssyncadd.s32 $0xFFFFD800  }
0x102: {  	_ =	swait.ge [sflag:s31], $0x2800  }
0x103: {  	[sflag:s31] =	ssyncset.done $0x0  }
0x104: {  	s22 =	simm.s32 $0x7E00;
	[sflag:s31] =	ssyncadd.s32 $0xFFFFD800  }
0x105: {  	[spmem:s2] =	stream.indirect.scatter.add.f32 [tilespmem:s29], [sflag:$0x3], $0x80, s22, s28, $0xb8;
	[tilespmem:$0x13880] =	vst v63  }
0x106: {  	_ =	swait.ge [sflag:s25], $0x2800  }
0x107: {  	[sflag:s25] =	ssyncset.done $0x0  }
0x108: {  	[sflag:s25] =	ssyncadd.s32 $0xFFFFD800  }
0x109: {  	[bflag:$0x0] =	sbarrier.arrive $0xFFFF  }
0x10a: {  	s3 =	simm.s32 @!p1 $0x1FC3;
	s20 =	rddreg [dreg:$0xb]  }
0x10b: {  	[hbm:s20], [sflag:s3] =	dma.local @!p1 [spmem:s12], $0xD80  }
0x10c: {  	s3 =	simm.s32 @!p1 $0x3  }
0x10d: {  	_ =	swait.ge @!p1 [sflag:s3], $0xD80  }
0x10e: {  	[sflag:s3] =	ssyncset.done @!p1 $0x0  }
0x10f: {  	[sflag:s3] =	ssyncadd.s32 @!p1 $0xFFFFF280;
	s3 =	rddreg [dreg:$0x7]  }
0x110: {  	[hbm:s3], [sflag:s13] =	dma.local @!p2 [spmem:s14], $0xD00  }
0x111: {  	s3 =	simm.s32 @!p2 $0x3  }
0x112: {  	_ =	swait.ge @!p2 [sflag:s3], $0xD00  }
0x113: {  	[sflag:s3] =	ssyncset.done @!p2 $0x0  }
0x114: {  	s20 =	rddreg [dreg:$0xd];
	[sflag:s3] =	ssyncadd.s32 @!p2 $0xFFFFF300;
	s3 =	simm.s32 @!p3 $0x1FC3  }
0x115: {  	[hbm:s20], [sflag:s3] =	dma.local @!p3 [spmem:s15], $0xD80  }
0x116: {  	s3 =	simm.s32 @!p3 $0x3  }
0x117: {  	_ =	swait.ge @!p3 [sflag:s3], $0xD80  }
0x118: {  	[sflag:s3] =	ssyncset.done @!p3 $0x0  }
0x119: {  	[sflag:s3] =	ssyncadd.s32 @!p3 $0xFFFFF280;
	s3 =	rddreg [dreg:$0x8]  }
0x11a: {  	[hbm:s3], [sflag:s18] =	dma.local @!p4 [spmem:s19], $0xD00  }
0x11b: {  	s3 =	simm.s32 @!p4 $0x3  }
0x11c: {  	_ =	swait.ge @!p4 [sflag:s3], $0xD00  }
0x11d: {  	[sflag:s3] =	ssyncset.done @!p4 $0x0  }
0x11e: {  	s23 =	simm.s32 $0x0;
	[sflag:s3] =	ssyncadd.s32 @!p4 $0xFFFFF300  }
0x11f: {  	[tilespmem:s26], [sflag:$0x3] =	stream.linear.gather [hbm4b:s6+s23], $0x3E80, $0x38;
	[tilespmem:$0x13880] =	vst v63  }
0x120: {  	_ =	swait.ge [sflag:s25], $0x3E80  }
0x121: {  	[sflag:s25] =	ssyncset.done $0x0  }
0x122: {  	s21 =	simm.s32 $0x0;
	[sflag:s25] =	ssyncadd.s32 $0xFFFFC180  }
0x123: {  	v5 =	vld [tilespmem:s21+$0x4000];
	_ =	sdelay $0x1  }
0x124: {  	v6 =	vld [tilespmem:s21+$0x4030];
	_ =	sdelay $0x1  }
0x125: {  	v7 =	vld [tilespmem:s21+$0x4020]  }
0x126: {  	v8 =	vand.u32 $0x7, v5;
	v5 =	vadd.s32 $0xFFFFE5F0, v5  }
0x127: {  	v9 =	vld [tilespmem:s21+$0x4040];
	v8 =	vor.u32 $0xD08, v8;
	vm0 =	vlt.u32 v5, $0xD08  }
0x128: {  	v10 =	vand.u32 $0x7, v6;
	v6 =	vadd.s32 $0xFFFFE5F0, v6;
	v5 =	vsel vm0, v5, v8;
	v8 =	vld [tilespmem:s21+$0x4010]  }
0x129: {  	s20 =	simm.s32 $0x80;
	v10 =	vor.u32 $0xD08, v10;
	vm0 =	vlt.u32 v6, $0xD08;
	[tilespmem:s21+$0x4000] =	vst v5  }
0x12a: {  	v5 =	vand.u32 $0x7, v7;
	v7 =	vadd.s32 $0xFFFFE5F0, v7;
	v6 =	vsel vm0, v6, v10;
	v10 =	vld [tilespmem:s20+$0x4000]  }
0x12b: {  	vm0 =	vlt.u32 v7, $0xD08;
	[tilespmem:s21+$0x4030] =	vst v6;
	v6 =	vor.u32 $0xD08, v5  }
0x12c: {  	v11 =	vand.u32 $0x7, v9;
	v9 =	vadd.s32 $0xFFFFE5F0, v9;
	v5 =	vld [tilespmem:s20+$0x4030];
	v6 =	vsel vm0, v7, v6  }
0x12d: {  	v7 =	vor.u32 $0xD08, v11;
	vm0 =	vlt.u32 v9, $0xD08;
	[tilespmem:s21+$0x4020] =	vst v6;
	v11 =	vadd.s32 $0xFFFFE5F0, v8  }
0x12e: {  	v7 =	vsel vm0, v9, v7;
	v12 =	vand.u32 $0x7, v8;
	v6 =	vld [tilespmem:s20+$0x4020];
	vm1 =	vlt.u32 v11, $0xD08  }
0x12f: {  	[tilespmem:s21+$0x4040] =	vst v7;
	v7 =	vand.u32 $0x7, v10;
	v8 =	vadd.s32 $0xFFFFE5F0, v10;
	v10 =	vor.u32 $0xD08, v12  }
0x130: {  	s22 =	simm.s32 $0x400;
	v9 =	vor.u32 $0xD08, v7;
	vm0 =	vlt.u32 v8, $0xD08;
	v7 =	vld [tilespmem:s20+$0x4040];
	v10 =	vsel vm1, v11, v10  }
.LBB2_10:
0x131: {  	s3 =	sshra.s32 s22, $0x2;
	p5 =	sne.s32 s22, $0xF800;
	s22 =	sadd.s32 $0x200, s22;
	v11 =	vand.u32 $0x7, v5;
	v5 =	vadd.s32 $0xFFFFE5F0, v5;
	[tilespmem:s21+$0x4010] =	vst v10  }
0x132: {  	v8 =	vsel vm0, v8, v9;
	s21 =	smov.u32 s20;
	v9 =	vld [tilespmem:s20+$0x4010];
	v10 =	vor.u32 $0xD08, v11;
	vm0 =	vlt.u32 v5, $0xD08;
	s20 =	smov.u32 s3  }
0x133: {  	[tilespmem:s21+$0x4000] =	vst v8;
	v8 =	vand.u32 $0x7, v6;
	v6 =	vadd.s32 $0xFFFFE5F0, v6;
	v5 =	vsel vm0, v5, v10  }
0x134: {  	v10 =	vld [tilespmem:s20+$0x4000];
	vm0 =	vlt.u32 v6, $0xD08;
	[tilespmem:s21+$0x4030] =	vst v5  }
0x135: {  	v8 =	vor.u32 $0xD08, v8;
	v5 =	vld [tilespmem:s20+$0x4030];
	v11 =	vand.u32 $0x7, v7;
	v7 =	vadd.s32 $0xFFFFE5F0, v7  }
.Ltmp4:
0x136: {  	v6 =	vsel vm0, v6, v8;
	v8 =	vor.u32 $0xD08, v11;
	vm0 =	vlt.u32 v7, $0xD08;
	(pc) =	sbr.rel @p5 .LBB2_10-.Ltmp4, $4  }
0x137: {  	v11 =	vand.u32 $0x7, v9;
	v12 =	vadd.s32 $0xFFFFE5F0, v9;
	[tilespmem:s21+$0x4020] =	vst v6;
	v7 =	vsel vm0, v7, v8  }
0x138: {  	v6 =	vld [tilespmem:s20+$0x4020];
	vm1 =	vlt.u32 v12, $0xD08;
	[tilespmem:s21+$0x4040] =	vst v7  }
0x139: {  	v7 =	vand.u32 $0x7, v10;
	v8 =	vadd.s32 $0xFFFFE5F0, v10;
	v10 =	vor.u32 $0xD08, v11  }
0x13a: {  	v9 =	vor.u32 $0xD08, v7;
	vm0 =	vlt.u32 v8, $0xD08;
	v7 =	vld [tilespmem:s20+$0x4040];
	v10 =	vsel vm1, v12, v10  }
0x13b: {  	[tilespmem:s21+$0x4010] =	vst v10  }
0x13c: {  	v57 =	vand.u32 $0x7, v5;
	v5 =	vadd.s32 $0xFFFFE5F0, v5;
	v11 =	vld [tilespmem:s20+$0x4010]  }
0x13d: {  	v8 =	vsel vm0, v8, v9;
	v58 =	vor.u32 $0xD08, v57;
	vm12 =	vlt.u32 v5, $0xD08  }
0x13e: {  	v59 =	vand.u32 $0x7, v6;
	v6 =	vadd.s32 $0xFFFFE5F0, v6;
	v5 =	vsel vm12, v5, v58  }
0x13f: {  	vm13 =	vlt.u32 v6, $0xD08;
	v60 =	vor.u32 $0xD08, v59;
	v61 =	vand.u32 $0x7, v7  }
0x140: {  	[tilespmem:s20+$0x4000] =	vst v8;
	v7 =	vadd.s32 $0xFFFFE5F0, v7;
	v6 =	vsel vm13, v6, v60;
	v62 =	vor.u32 $0xD08, v61  }
0x141: {  	[tilespmem:s20+$0x4030] =	vst v5;
	vm14 =	vlt.u32 v7, $0xD08;
	v5 =	vand.u32 $0x7, v11;
	v63 =	vadd.s32 $0xFFFFE5F0, v11  }
0x142: {  	[tilespmem:s20+$0x4020] =	vst v6;
	v6 =	vsel vm14, v7, v62;
	vm15 =	vlt.u32 v63, $0xD08;
	v5 =	vor.u32 $0xD08, v5  }
0x143: {  	[tilespmem:s20+$0x4040] =	vst v6;
	v5 =	vsel vm15, v63, v5  }
0x144: {  	s3 =	simm.s32 @p0 $0x1FC3;
	[tilespmem:s20+$0x4010] =	vst v5  }
0x145: {  	[spmem:s9], [sflag:s3] =	dma.local @p0 [hbm:s5], $0xE00  }
0x146: {  	s3 =	simm.s32 @p0 $0x3  }
0x147: {  	_ =	swait.ge @p0 [sflag:s3], $0xE00  }
0x148: {  	[sflag:s3] =	ssyncset.done @p0 $0x0  }
0x149: {  	[sflag:s3] =	ssyncadd.s32 @p0 $0xFFFFF200;
	s3 =	simm.s32 @!p0 $0x3  }
0x14a: {  	[spmem:s11], [sflag:s10] =	dma.local @!p0 [hbm:s5], $0xD00  }
0x14b: {  	_ =	swait.ge @!p0 [sflag:s3], $0xD00  }
0x14c: {  	[sflag:s3] =	ssyncset.done @!p0 $0x0  }
0x14d: {  	[sflag:s3] =	ssyncadd.s32 @!p0 $0xFFFFF300  }
0x14e: {  	s23 =	simm.s32 $0x0;
	[bflag:$0x0] =	sbarrier.arrive $0xFFFF  }
0x14f: {  	[tilespmem:s29], [sflag:$0x1] =	stream.indirect.gather [hbm4b:s4+s28], $0x80, s23, s28, $0xb8;
	[tilespmem:$0x13880] =	vst v63  }
0x150: {  	s20 =	simm.s32 $0x80  }
0x151: {  	[tilespmem:s30], [sflag:$0x2] =	stream.indirect.gather [hbm4b:s4+s28], $0x80, s20, s28, $0xb8;
	[tilespmem:$0x13880] =	vst v63  }
0x152: {  	_ =	swait.ge [sflag:s31], $0x2800  }
0x153: {  	[sflag:s31] =	ssyncset.done $0x0  }
0x154: {  	s21 =	simm.s32 $0x4000;
	[sflag:s31] =	ssyncadd.s32 $0xFFFFD800  }
0x155: {  	[spmem:s2] =	stream.indirect.scatter.add.f32 [tilespmem:s29], [sflag:$0x3], $0x80, s21, s28, $0xb8;
	[tilespmem:$0x13880] =	vst v63  }
0x156: {  	_ =	swait.ge [sflag:s25], $0x2800  }
0x157: {  	[sflag:s25] =	ssyncset.done $0x0  }
0x158: {  	s22 =	simm.s32 $0x100;
	[sflag:s25] =	ssyncadd.s32 $0xFFFFD800  }
0x159: {  	[tilespmem:s29], [sflag:$0x1] =	stream.indirect.gather [hbm4b:s4+s28], $0x80, s22, s28, $0xb8;
	[tilespmem:$0x13880] =	vst v63  }
0x15a: {  	_ =	swait.ge [sflag:s0], $0x2800  }
0x15b: {  	[sflag:s0] =	ssyncset.done $0x0  }
0x15c: {  	s23 =	simm.s32 $0x4080;
	[sflag:s0] =	ssyncadd.s32 $0xFFFFD800  }
0x15d: {  	[spmem:s2] =	stream.indirect.scatter.add.f32 [tilespmem:s30], [sflag:$0x3], $0x80, s23, s28, $0xb8;
	[tilespmem:$0x13880] =	vst v63  }
0x15e: {  	_ =	swait.ge [sflag:s25], $0x2800  }
0x15f: {  	s20 =	simm.s32 $0x100;
	s21 =	simm.s32 $0x800;
	[sflag:s25] =	ssyncset.done $0x0  }
.LBB2_12:
0x160: {  	s3 =	sadd.s32 $0x80, s20  }
0x161: {  	[sflag:s25] =	ssyncadd.s32 $0xFFFFD800;
	s22 =	smov.u32 s21;
	s23 =	sadd.s32 $0x400, s21  }
0x162: {  	[tilespmem:s30], [sflag:$0x2] =	stream.indirect.gather [hbm4b:s4+s28], $0x80, s3, s28, $0xb8;
	[tilespmem:$0x13880] =	vst v63  }
0x163: {  	p5 =	sne.s32 s21, $0xF400;
	_ =	swait.ge [sflag:s31], $0x2800  }
0x164: {  	[sflag:s31] =	ssyncset.done $0x0  }
0x165: {  	s3 =	sadd.s32 $0x4000, s20;
	[sflag:s31] =	ssyncadd.s32 $0xFFFFD800  }
0x166: {  	[spmem:s2] =	stream.indirect.scatter.add.f32 [tilespmem:s29], [sflag:$0x3], $0x80, s3, s28, $0xb8;
	[tilespmem:$0x13880] =	vst v63  }
0x167: {  	_ =	swait.ge [sflag:s25], $0x2800  }
0x168: {  	[sflag:s25] =	ssyncset.done $0x0  }
0x169: {  	s3 =	sadd.s32 $0x100, s20;
	[sflag:s25] =	ssyncadd.s32 $0xFFFFD800  }
0x16a: {  	[tilespmem:s29], [sflag:$0x1] =	stream.indirect.gather [hbm4b:s4+s28], $0x80, s3, s28, $0xb8;
	[tilespmem:$0x13880] =	vst v63  }
0x16b: {  	_ =	swait.ge [sflag:s0], $0x2800  }
.Ltmp5:
0x16c: {  	[sflag:s0] =	ssyncset.done $0x0;
	(pc) =	sbr.rel @p5 .LBB2_12-.Ltmp5, $4  }
0x16d: {  	s3 =	sadd.s32 $0x4080, s20;
	[sflag:s0] =	ssyncadd.s32 $0xFFFFD800  }
0x16e: {  	[spmem:s2] =	stream.indirect.scatter.add.f32 [tilespmem:s30], [sflag:$0x3], $0x80, s3, s28, $0xb8;
	[tilespmem:$0x13880] =	vst v63  }
0x16f: {  	_ =	swait.ge [sflag:s25], $0x2800  }
0x170: {  	s21 =	smov.u32 s23;
	s20 =	sshra.s32 s22, $0x2;
	[sflag:s25] =	ssyncset.done $0x0  }
0x171: {  	s3 =	sadd.s32 $0x80, s20;
	[sflag:s25] =	ssyncadd.s32 $0xFFFFD800  }
0x172: {  	[tilespmem:s30], [sflag:$0x2] =	stream.indirect.gather [hbm4b:s4+s28], $0x80, s3, s28, $0xb8;
	[tilespmem:$0x13880] =	vst v63  }
0x173: {  	_ =	swait.ge [sflag:s31], $0x2800  }
0x174: {  	[sflag:s31] =	ssyncset.done $0x0  }
0x175: {  	s23 =	sadd.s32 $0x4000, s20;
	[sflag:s31] =	ssyncadd.s32 $0xFFFFD800  }
0x176: {  	[spmem:s2] =	stream.indirect.scatter.add.f32 [tilespmem:s29], [sflag:$0x3], $0x80, s23, s28, $0xb8;
	[tilespmem:$0x13880] =	vst v63  }
0x177: {  	_ =	swait.ge [sflag:s25], $0x2800  }
0x178: {  	[sflag:s25] =	ssyncset.done $0x0  }
0x179: {  	s21 =	sadd.s32 $0x100, s20;
	[sflag:s25] =	ssyncadd.s32 $0xFFFFD800  }
0x17a: {  	[tilespmem:s29], [sflag:$0x1] =	stream.indirect.gather [hbm4b:s4+s28], $0x80, s21, s28, $0xb8;
	[tilespmem:$0x13880] =	vst v63  }
0x17b: {  	_ =	swait.ge [sflag:s0], $0x2800  }
0x17c: {  	[sflag:s0] =	ssyncset.done $0x0  }
0x17d: {  	s22 =	sadd.s32 $0x4080, s20;
	[sflag:s0] =	ssyncadd.s32 $0xFFFFD800  }
0x17e: {  	[spmem:s2] =	stream.indirect.scatter.add.f32 [tilespmem:s30], [sflag:$0x3], $0x80, s22, s28, $0xb8;
	[tilespmem:$0x13880] =	vst v63  }
0x17f: {  	_ =	swait.ge [sflag:s25], $0x2800  }
0x180: {  	[sflag:s25] =	ssyncset.done $0x0  }
0x181: {  	[sflag:s25] =	ssyncadd.s32 $0xFFFFD800  }
0x182: {  	_ =	swait.ge [sflag:s31], $0x2800  }
0x183: {  	[sflag:s31] =	ssyncset.done $0x0  }
0x184: {  	s23 =	simm.s32 $0x7E00;
	[sflag:s31] =	ssyncadd.s32 $0xFFFFD800  }
0x185: {  	[spmem:s2] =	stream.indirect.scatter.add.f32 [tilespmem:s29], [sflag:$0x3], $0x80, s23, s28, $0xb8;
	[tilespmem:$0x13880] =	vst v63  }
0x186: {  	_ =	swait.ge [sflag:s25], $0x2800  }
0x187: {  	[sflag:s25] =	ssyncset.done $0x0  }
0x188: {  	[sflag:s25] =	ssyncadd.s32 $0xFFFFD800  }
0x189: {  	[bflag:$0x0] =	sbarrier.arrive $0xFFFF  }
0x18a: {  	s3 =	simm.s32 @!p1 $0x1FC3;
	s20 =	rddreg [dreg:$0xe]  }
0x18b: {  	[hbm:s20], [sflag:s3] =	dma.local @!p1 [spmem:s12], $0xD00  }
0x18c: {  	s3 =	rddreg [dreg:$0x9]  }
0x18d: {  	[hbm:s3], [sflag:s13] =	dma.local @!p2 [spmem:s14], $0xD00  }
0x18e: {  	s3 =	simm.s32 @!p3 $0x1FC3;
	s12 =	rddreg [dreg:$0xf]  }
0x18f: {  	[hbm:s12], [sflag:s3] =	dma.local @!p3 [spmem:s15], $0xD00  }
0x190: {  	s3 =	rddreg [dreg:$0xa]  }
0x191: {  	[hbm:s3], [sflag:s18] =	dma.local @!p4 [spmem:s19], $0xD00  }
0x192: {  	_ =	swait.ge [sflag:s25], $0xD00  }
0x193: {  	[sflag:s25] =	ssyncset.done $0x0  }
0x194: {  	s13 =	simm.s32 $0x200;
	s12 =	simm.s32 $0x0;
	[sflag:s25] =	ssyncadd.s32 $0xFFFFF300  }
.LBB2_14:
0x195: {  	p5 =	sne.s32 s13, $0x9E00;
	[tilespmem:s12+$0x8070] =	vst v4  }
0x196: {  	[tilespmem:s12+$0x8000] =	vst v4  }
0x197: {  	[tilespmem:s12+$0x8010] =	vst v4  }
.Ltmp6:
0x198: {  	[tilespmem:s12+$0x8020] =	vst v4;
	(pc) =	sbr.rel @p5 .LBB2_14-.Ltmp6, $4  }
0x199: {  	[tilespmem:s12+$0x8030] =	vst v4  }
0x19a: {  	[tilespmem:s12+$0x8040] =	vst v4  }
0x19b: {  	[tilespmem:s12+$0x8050] =	vst v4  }
0x19c: {  	[tilespmem:s12+$0x8060] =	vst v4;
	s12 =	sshra.s32 s13, $0x2;
	s13 =	sadd.s32 $0x200, s13  }
0x19d: {  	[tilespmem:s12+$0x8070] =	vst v4  }
0x19e: {  	[tilespmem:s12+$0x8000] =	vst v4  }
0x19f: {  	[tilespmem:s12+$0x8010] =	vst v4  }
0x1a0: {  	[tilespmem:s12+$0x8020] =	vst v4  }
0x1a1: {  	[tilespmem:s12+$0x8030] =	vst v4  }
0x1a2: {  	[tilespmem:s12+$0x8040] =	vst v4  }
0x1a3: {  	[tilespmem:s12+$0x8050] =	vst v4  }
0x1a4: {  	[tilespmem:s12+$0x8060] =	vst v4;
	s3 =	simm.s32 $0x0  }
0x1a5: {  	[tilespmem:s26], [sflag:$0x3] =	stream.linear.gather [hbm4b:s6+s3], $0x3E80, $0x38;
	[tilespmem:$0x13880] =	vst v63  }
0x1a6: {  	_ =	swait.ge [sflag:s25], $0x3E80  }
0x1a7: {  	[sflag:s25] =	ssyncset.done $0x0  }
0x1a8: {  	s13 =	simm.s32 $0x0;
	[sflag:s25] =	ssyncadd.s32 $0xFFFFC180  }
0x1a9: {  	v5 =	vld [tilespmem:s13+$0x4000];
	_ =	sdelay $0x1  }
0x1aa: {  	v6 =	vld [tilespmem:s13+$0x4040]  }
0x1ab: {  	v8 =	vld [tilespmem:s13+$0x4010];
	_ =	sdelay $0x1  }
0x1ac: {  	v7 =	vand.u32 $0x7, v5;
	vm0 =	vge.s32 v5, v0;
	vm1 =	vlt.s32 v5, v1  }
0x1ad: {  	v5 =	vsub.s32 v5, v0;
	v7 =	vor.u32 $0xD08, v7;
	vm0 =	vmand vm0, vm1  }
0x1ae: {  	v5 =	vsel vm0, v5, v7;
	v7 =	vld [tilespmem:s13+$0x4030]  }
0x1af: {  	v10 =	vsub.s32 v8, v0;
	vm1 =	vge.s32 v6, v0  }
0x1b0: {  	s12 =	simm.s32 $0x80;
	vm0 =	vlt.s32 v6, v1;
	[tilespmem:s13+$0x4000] =	vst v5;
	v5 =	vand.u32 $0x7, v6;
	v6 =	vsub.s32 v6, v0  }
0x1b1: {  	vm0 =	vmand vm1, vm0;
	vm1 =	vlt.s32 v8, v1;
	v9 =	vld [tilespmem:s12+$0x4000];
	v5 =	vor.u32 $0xD08, v5  }
0x1b2: {  	v5 =	vsel vm0, v6, v5;
	v6 =	vand.u32 $0x7, v8;
	vm0 =	vge.s32 v8, v0  }
0x1b3: {  	[tilespmem:s13+$0x4040] =	vst v5;
	v6 =	vor.u32 $0xD08, v6;
	vm0 =	vmand vm0, vm1;
	v5 =	vld [tilespmem:s13+$0x4020];
	v11 =	vand.u32 $0x7, v7  }
0x1b4: {  	vm1 =	vge.s32 v7, v0;
	v8 =	vld [tilespmem:s12+$0x4040];
	vm3 =	vlt.s32 v7, v1;
	v6 =	vsel vm0, v10, v6  }
0x1b5: {  	v7 =	vsub.s32 v7, v0;
	v11 =	vor.u32 $0xD08, v11;
	vm1 =	vmand vm1, vm3  }
0x1b6: {  	v12 =	vand.u32 $0x7, v9;
	vm2 =	vge.s32 v9, v0;
	vm0 =	vlt.s32 v9, v1  }
0x1b7: {  	[tilespmem:s13+$0x4010] =	vst v6;
	v10 =	vsel vm1, v7, v11;
	v9 =	vsub.s32 v9, v0;
	v6 =	vor.u32 $0xD08, v12  }
0x1b8: {  	v7 =	vld [tilespmem:s12+$0x4010];
	vm2 =	vmand vm2, vm0;
	[tilespmem:s13+$0x4030] =	vst v10;
	vm0 =	vge.s32 v5, v0;
	vm1 =	vlt.s32 v5, v1  }
0x1b9: {  	s14 =	simm.s32 $0x400;
	v10 =	vsel vm2, v9, v6;
	v6 =	vld [tilespmem:s12+$0x4030];
	v9 =	vand.u32 $0x7, v5;
	vm2 =	vlt.s32 v8, v1  }
.LBB2_16:
0x1ba: {  	s3 =	sshra.s32 s14, $0x2;
	p5 =	sne.s32 s14, $0xF800;
	s14 =	sadd.s32 $0x200, s14;
	[tilespmem:s12+$0x4000] =	vst v10;
	v10 =	vand.u32 $0x7, v8;
	vm3 =	vge.s32 v8, v0;
	v8 =	vsub.s32 v8, v0  }
0x1bb: {  	vm0 =	vmand vm0, vm1;
	v11 =	vld [tilespmem:s3+$0x4000];
	v10 =	vor.u32 $0xD08, v10;
	vm2 =	vmand vm3, vm2  }
0x1bc: {  	v9 =	vor.u32 $0xD08, v9;
	v5 =	vsub.s32 v5, v0;
	v8 =	vsel vm2, v8, v10  }
0x1bd: {  	v5 =	vsel vm0, v5, v9;
	v10 =	vand.u32 $0x7, v7;
	vm1 =	vge.s32 v7, v0;
	[tilespmem:s12+$0x4040] =	vst v8  }
0x1be: {  	vm0 =	vlt.s32 v7, v1;
	v7 =	vsub.s32 v7, v0;
	v9 =	vand.u32 $0x7, v6;
	[tilespmem:s13+$0x4020] =	vst v5;
	s13 =	smov.u32 s12;
	s12 =	smov.u32 s3  }
0x1bf: {  	v10 =	vor.u32 $0xD08, v10;
	vm0 =	vmand vm1, vm0;
	vm1 =	vge.s32 v6, v0;
	v5 =	vld [tilespmem:s13+$0x4020]  }
0x1c0: {  	v9 =	vor.u32 $0xD08, v9;
	v12 =	vand.u32 $0x7, v11;
	vm2 =	vge.s32 v11, v0;
	v8 =	vld [tilespmem:s12+$0x4040]  }
.Ltmp7:
0x1c1: {  	vm4 =	vlt.s32 v6, v1;
	vm3 =	vlt.s32 v11, v1;
	v12 =	vor.u32 $0xD08, v12;
	(pc) =	sbr.rel @p5 .LBB2_16-.Ltmp7, $4  }
0x1c2: {  	v6 =	vsub.s32 v6, v0;
	v7 =	vsel vm0, v7, v10;
	vm0 =	vmand vm1, vm4  }
0x1c3: {  	v6 =	vsel vm0, v6, v9;
	vm2 =	vmand vm2, vm3;
	[tilespmem:s13+$0x4010] =	vst v7  }
0x1c4: {  	v9 =	vsub.s32 v11, v0;
	v7 =	vld [tilespmem:s12+$0x4010];
	vm0 =	vge.s32 v5, v0;
	vm1 =	vlt.s32 v5, v1;
	[tilespmem:s13+$0x4030] =	vst v6  }
0x1c5: {  	v10 =	vsel vm2, v9, v12;
	v9 =	vand.u32 $0x7, v5;
	v6 =	vld [tilespmem:s12+$0x4030];
	vm2 =	vlt.s32 v8, v1  }
0x1c6: {  	vm3 =	vge.s32 v8, v0;
	v11 =	vand.u32 $0x7, v8;
	v61 =	vsub.s32 v8, v0  }
0x1c7: {  	vm0 =	vmand vm0, vm1;
	vm2 =	vmand vm3, vm2;
	v11 =	vor.u32 $0xD08, v11  }
0x1c8: {  	[tilespmem:s12+$0x4000] =	vst v10;
	v9 =	vor.u32 $0xD08, v9;
	v5 =	vsub.s32 v5, v0;
	v8 =	vsel vm2, v61, v11  }
0x1c9: {  	v5 =	vsel vm0, v5, v9;
	[tilespmem:s12+$0x4040] =	vst v8  }
0x1ca: {  	[tilespmem:s13+$0x4020] =	vst v5  }
0x1cb: {  	vm10 =	vge.s32 v7, v0;
	vm11 =	vlt.s32 v7, v1;
	v5 =	vand.u32 $0x7, v7;
	v62 =	vld [tilespmem:s12+$0x4020]  }
0x1cc: {  	v7 =	vsub.s32 v7, v0;
	v63 =	vand.u32 $0x7, v6;
	vm0 =	vmand vm10, vm11  }
0x1cd: {  	vm12 =	vge.s32 v6, v0;
	vm13 =	vlt.s32 v6, v1;
	v6 =	vsub.s32 v6, v0  }
0x1ce: {  	v5 =	vor.u32 $0xD08, v5;
	v9 =	vor.u32 $0xD08, v63;
	vm1 =	vmand vm12, vm13  }
0x1cf: {  	v5 =	vsel vm0, v7, v5;
	v6 =	vsel vm1, v6, v9  }
0x1d0: {  	vm14 =	vge.s32 v62, v0;
	vm15 =	vlt.s32 v62, v1;
	v7 =	vand.u32 $0x7, v62  }
0x1d1: {  	[tilespmem:s12+$0x4010] =	vst v5;
	vm0 =	vmand vm14, vm15;
	v5 =	vor.u32 $0xD08, v7;
	v7 =	vsub.s32 v62, v0  }
0x1d2: {  	[tilespmem:s12+$0x4030] =	vst v6;
	v5 =	vsel vm0, v7, v5  }
0x1d3: {  	s3 =	simm.s32 @p0 $0x1FC3;
	[tilespmem:s12+$0x4020] =	vst v5  }
0x1d4: {  	[spmem:s9], [sflag:s3] =	dma.local @p0 [hbm:s5], $0xE00  }
0x1d5: {  	s3 =	simm.s32 @p0 $0x3  }
0x1d6: {  	_ =	swait.ge @p0 [sflag:s3], $0xE00  }
0x1d7: {  	[sflag:s3] =	ssyncset.done @p0 $0x0  }
0x1d8: {  	[sflag:s3] =	ssyncadd.s32 @p0 $0xFFFFF200;
	s3 =	simm.s32 @!p0 $0x3  }
0x1d9: {  	[spmem:s11], [sflag:s10] =	dma.local @!p0 [hbm:s5], $0xD00  }
0x1da: {  	_ =	swait.ge @!p0 [sflag:s3], $0xD00  }
0x1db: {  	[sflag:s3] =	ssyncset.done @!p0 $0x0  }
0x1dc: {  	[sflag:s3] =	ssyncadd.s32 @!p0 $0xFFFFF300  }
0x1dd: {  	s23 =	simm.s32 $0x4000;
	[bflag:$0x0] =	sbarrier.arrive $0xFFFF  }
0x1de: {  	[spmem:s2] =	stream.indirect.scatter.add.f32 [tilespmem:s29], [sflag:$0x3], $0x80, s23, s28, $0xb8;
	[tilespmem:$0x13880] =	vst v63  }
0x1df: {  	s12 =	simm.s32 $0x200;
	_ =	swait.ge [sflag:s25], $0x2800  }
.LBB2_18:
0x1e0: {  	s3 =	sshra.s32 s12, $0x2;
	[sflag:s25] =	ssyncset.done $0x0;
	p5 =	sne.s32 s12, $0xF800  }
.Ltmp8:
0x1e1: {  	s3 =	sadd.s32 $0x4000, s3;
	[sflag:s25] =	ssyncadd.s32 $0xFFFFD800;
	(pc) =	sbr.rel @p5 .LBB2_18-.Ltmp8, $3  }
0x1e2: {  	[spmem:s2] =	stream.indirect.scatter.add.f32 [tilespmem:s29], [sflag:$0x3], $0x80, s3, s28, $0xb8;
	[tilespmem:$0x13880] =	vst v63  }
0x1e3: {  	s12 =	sadd.s32 $0x200, s12;
	_ =	sdelay $0x1  }
0x1e4: {  	_ =	swait.ge [sflag:s25], $0x2800  }
0x1e5: {  	[sflag:s25] =	ssyncset.done $0x0  }
0x1e6: {  	[sflag:s25] =	ssyncadd.s32 $0xFFFFD800  }
0x1e7: {  	s3 =	simm.s32 @p0 $0x1FC3;
	[bflag:$0x0] =	sbarrier.arrive $0xFFFF  }
0x1e8: {  	[hbm:s16], [sflag:s3] =	dma.local @p0 [spmem:s9], $0xD80  }
0x1e9: {  	s3 =	simm.s32 @p0 $0x3  }
0x1ea: {  	_ =	swait.ge @p0 [sflag:s3], $0xD80  }
0x1eb: {  	[sflag:s3] =	ssyncset.done @p0 $0x0  }
0x1ec: {  	[sflag:s3] =	ssyncadd.s32 @p0 $0xFFFFF280;
	s3 =	simm.s32 @!p0 $0x3  }
0x1ed: {  	[hbm:s16], [sflag:s10] =	dma.local @!p0 [spmem:s11], $0xD00  }
0x1ee: {  	_ =	swait.ge @!p0 [sflag:s3], $0xD00  }
0x1ef: {  	[sflag:s3] =	ssyncset.done @!p0 $0x0  }
0x1f0: {  	s23 =	simm.s32 $0x0;
	[sflag:s3] =	ssyncadd.s32 @!p0 $0xFFFFF300  }
0x1f1: {  	[tilespmem:s26], [sflag:$0x3] =	stream.linear.gather [hbm4b:s6+s23], $0x3E80, $0x38;
	[tilespmem:$0x13880] =	vst v63  }
0x1f2: {  	_ =	swait.ge [sflag:s25], $0x3E80  }
0x1f3: {  	[sflag:s25] =	ssyncset.done $0x0  }
0x1f4: {  	s13 =	simm.s32 $0x0;
	[sflag:s25] =	ssyncadd.s32 $0xFFFFC180  }
0x1f5: {  	v5 =	vld [tilespmem:s13+$0x4000];
	_ =	sdelay $0x1  }
0x1f6: {  	v6 =	vld [tilespmem:s13+$0x4040]  }
0x1f7: {  	v8 =	vld [tilespmem:s13+$0x4010];
	_ =	sdelay $0x1  }
0x1f8: {  	v7 =	vand.u32 $0x7, v5;
	vm0 =	vge.s32 v5, v2;
	vm1 =	vlt.s32 v5, v3  }
0x1f9: {  	v5 =	vsub.s32 v5, v2;
	v7 =	vor.u32 $0xD08, v7;
	vm0 =	vmand vm0, vm1  }
0x1fa: {  	v5 =	vsel vm0, v5, v7;
	v7 =	vld [tilespmem:s13+$0x4030]  }
0x1fb: {  	v10 =	vsub.s32 v8, v2;
	vm1 =	vge.s32 v6, v2  }
0x1fc: {  	s12 =	simm.s32 $0x80;
	vm0 =	vlt.s32 v6, v3;
	[tilespmem:s13+$0x4000] =	vst v5;
	v5 =	vand.u32 $0x7, v6;
	v6 =	vsub.s32 v6, v2  }
0x1fd: {  	vm0 =	vmand vm1, vm0;
	vm1 =	vlt.s32 v8, v3;
	v9 =	vld [tilespmem:s12+$0x4000];
	v5 =	vor.u32 $0xD08, v5  }
0x1fe: {  	v5 =	vsel vm0, v6, v5;
	v6 =	vand.u32 $0x7, v8;
	vm0 =	vge.s32 v8, v2  }
0x1ff: {  	[tilespmem:s13+$0x4040] =	vst v5;
	v6 =	vor.u32 $0xD08, v6;
	vm0 =	vmand vm0, vm1;
	v5 =	vld [tilespmem:s13+$0x4020];
	v11 =	vand.u32 $0x7, v7  }
0x200: {  	vm1 =	vge.s32 v7, v2;
	v8 =	vld [tilespmem:s12+$0x4040];
	vm3 =	vlt.s32 v7, v3;
	v6 =	vsel vm0, v10, v6  }
0x201: {  	v7 =	vsub.s32 v7, v2;
	v11 =	vor.u32 $0xD08, v11;
	vm1 =	vmand vm1, vm3  }
0x202: {  	v12 =	vand.u32 $0x7, v9;
	vm2 =	vge.s32 v9, v2;
	vm0 =	vlt.s32 v9, v3  }
0x203: {  	[tilespmem:s13+$0x4010] =	vst v6;
	v10 =	vsel vm1, v7, v11;
	v9 =	vsub.s32 v9, v2;
	v6 =	vor.u32 $0xD08, v12  }
0x204: {  	v7 =	vld [tilespmem:s12+$0x4010];
	vm2 =	vmand vm2, vm0;
	[tilespmem:s13+$0x4030] =	vst v10;
	vm0 =	vge.s32 v5, v2;
	vm1 =	vlt.s32 v5, v3  }
0x205: {  	s14 =	simm.s32 $0x400;
	v10 =	vsel vm2, v9, v6;
	v6 =	vld [tilespmem:s12+$0x4030];
	v9 =	vand.u32 $0x7, v5;
	vm2 =	vlt.s32 v8, v3  }
.LBB2_20:
0x206: {  	s3 =	sshra.s32 s14, $0x2;
	p5 =	sne.s32 s14, $0xF800;
	s14 =	sadd.s32 $0x200, s14;
	[tilespmem:s12+$0x4000] =	vst v10;
	v10 =	vand.u32 $0x7, v8;
	vm3 =	vge.s32 v8, v2;
	v8 =	vsub.s32 v8, v2  }
0x207: {  	vm0 =	vmand vm0, vm1;
	v11 =	vld [tilespmem:s3+$0x4000];
	v10 =	vor.u32 $0xD08, v10;
	vm2 =	vmand vm3, vm2  }
0x208: {  	v9 =	vor.u32 $0xD08, v9;
	v5 =	vsub.s32 v5, v2;
	v8 =	vsel vm2, v8, v10  }
0x209: {  	v5 =	vsel vm0, v5, v9;
	v10 =	vand.u32 $0x7, v7;
	vm1 =	vge.s32 v7, v2;
	[tilespmem:s12+$0x4040] =	vst v8  }
0x20a: {  	vm0 =	vlt.s32 v7, v3;
	v7 =	vsub.s32 v7, v2;
	v9 =	vand.u32 $0x7, v6;
	[tilespmem:s13+$0x4020] =	vst v5;
	s13 =	smov.u32 s12;
	s12 =	smov.u32 s3  }
0x20b: {  	v10 =	vor.u32 $0xD08, v10;
	vm0 =	vmand vm1, vm0;
	vm1 =	vge.s32 v6, v2;
	v5 =	vld [tilespmem:s13+$0x4020]  }
0x20c: {  	v9 =	vor.u32 $0xD08, v9;
	v12 =	vand.u32 $0x7, v11;
	vm2 =	vge.s32 v11, v2;
	v8 =	vld [tilespmem:s12+$0x4040]  }
.Ltmp9:
0x20d: {  	vm4 =	vlt.s32 v6, v3;
	vm3 =	vlt.s32 v11, v3;
	v12 =	vor.u32 $0xD08, v12;
	(pc) =	sbr.rel @p5 .LBB2_20-.Ltmp9, $4  }
0x20e: {  	v6 =	vsub.s32 v6, v2;
	v7 =	vsel vm0, v7, v10;
	vm0 =	vmand vm1, vm4  }
0x20f: {  	v6 =	vsel vm0, v6, v9;
	vm2 =	vmand vm2, vm3;
	[tilespmem:s13+$0x4010] =	vst v7  }
0x210: {  	v9 =	vsub.s32 v11, v2;
	v7 =	vld [tilespmem:s12+$0x4010];
	vm0 =	vge.s32 v5, v2;
	vm1 =	vlt.s32 v5, v3;
	[tilespmem:s13+$0x4030] =	vst v6  }
0x211: {  	v10 =	vsel vm2, v9, v12;
	v9 =	vand.u32 $0x7, v5;
	v6 =	vld [tilespmem:s12+$0x4030];
	vm2 =	vlt.s32 v8, v3  }
0x212: {  	vm3 =	vge.s32 v8, v2;
	v11 =	vand.u32 $0x7, v8;
	v61 =	vsub.s32 v8, v2  }
0x213: {  	vm0 =	vmand vm0, vm1;
	vm2 =	vmand vm3, vm2;
	v11 =	vor.u32 $0xD08, v11  }
0x214: {  	[tilespmem:s12+$0x4000] =	vst v10;
	v9 =	vor.u32 $0xD08, v9;
	v5 =	vsub.s32 v5, v2;
	v8 =	vsel vm2, v61, v11  }
0x215: {  	v5 =	vsel vm0, v5, v9;
	[tilespmem:s12+$0x4040] =	vst v8  }
0x216: {  	[tilespmem:s13+$0x4020] =	vst v5  }
0x217: {  	vm10 =	vge.s32 v7, v2;
	vm11 =	vlt.s32 v7, v3;
	v5 =	vand.u32 $0x7, v7;
	v62 =	vld [tilespmem:s12+$0x4020]  }
0x218: {  	v7 =	vsub.s32 v7, v2;
	v63 =	vand.u32 $0x7, v6;
	vm0 =	vmand vm10, vm11  }
0x219: {  	vm12 =	vge.s32 v6, v2;
	vm13 =	vlt.s32 v6, v3;
	v6 =	vsub.s32 v6, v2  }
0x21a: {  	v5 =	vor.u32 $0xD08, v5;
	v9 =	vor.u32 $0xD08, v63;
	vm1 =	vmand vm12, vm13  }
0x21b: {  	v5 =	vsel vm0, v7, v5;
	v6 =	vsel vm1, v6, v9  }
0x21c: {  	vm14 =	vge.s32 v62, v2;
	vm15 =	vlt.s32 v62, v3;
	v7 =	vand.u32 $0x7, v62  }
0x21d: {  	[tilespmem:s12+$0x4010] =	vst v5;
	vm0 =	vmand vm14, vm15;
	v5 =	vor.u32 $0xD08, v7;
	v7 =	vsub.s32 v62, v2  }
0x21e: {  	[tilespmem:s12+$0x4030] =	vst v6;
	v5 =	vsel vm0, v7, v5  }
0x21f: {  	s3 =	simm.s32 @p0 $0x1FC3;
	[tilespmem:s12+$0x4020] =	vst v5  }
0x220: {  	[spmem:s9], [sflag:s3] =	dma.local @p0 [hbm:s5], $0xE00  }
0x221: {  	s3 =	simm.s32 @p0 $0x3  }
0x222: {  	_ =	swait.ge @p0 [sflag:s3], $0xE00  }
0x223: {  	[sflag:s3] =	ssyncset.done @p0 $0x0  }
0x224: {  	[sflag:s3] =	ssyncadd.s32 @p0 $0xFFFFF200;
	s3 =	simm.s32 @!p0 $0x3  }
0x225: {  	[spmem:s11], [sflag:s10] =	dma.local @!p0 [hbm:s5], $0xD00  }
0x226: {  	_ =	swait.ge @!p0 [sflag:s3], $0xD00  }
0x227: {  	[sflag:s3] =	ssyncset.done @!p0 $0x0  }
0x228: {  	[sflag:s3] =	ssyncadd.s32 @!p0 $0xFFFFF300  }
0x229: {  	s23 =	simm.s32 $0x4000;
	[bflag:$0x0] =	sbarrier.arrive $0xFFFF  }
0x22a: {  	[spmem:s2] =	stream.indirect.scatter.add.f32 [tilespmem:s29], [sflag:$0x3], $0x80, s23, s28, $0xb8;
	[tilespmem:$0x13880] =	vst v63  }
0x22b: {  	s12 =	simm.s32 $0x200;
	_ =	swait.ge [sflag:s25], $0x2800  }
.LBB2_22:
0x22c: {  	s3 =	sshra.s32 s12, $0x2;
	[sflag:s25] =	ssyncset.done $0x0;
	p5 =	sne.s32 s12, $0xF800  }
.Ltmp10:
0x22d: {  	s3 =	sadd.s32 $0x4000, s3;
	[sflag:s25] =	ssyncadd.s32 $0xFFFFD800;
	(pc) =	sbr.rel @p5 .LBB2_22-.Ltmp10, $3  }
0x22e: {  	[spmem:s2] =	stream.indirect.scatter.add.f32 [tilespmem:s29], [sflag:$0x3], $0x80, s3, s28, $0xb8;
	[tilespmem:$0x13880] =	vst v63  }
0x22f: {  	s12 =	sadd.s32 $0x200, s12;
	_ =	sdelay $0x1  }
0x230: {  	_ =	swait.ge [sflag:s25], $0x2800  }
0x231: {  	[sflag:s25] =	ssyncset.done $0x0  }
0x232: {  	[sflag:s25] =	ssyncadd.s32 $0xFFFFD800  }
0x233: {  	s3 =	simm.s32 @p0 $0x1FC3;
	[bflag:$0x0] =	sbarrier.arrive $0xFFFF  }
0x234: {  	[hbm:s17], [sflag:s3] =	dma.local @p0 [spmem:s9], $0xD80  }
0x235: {  	s3 =	simm.s32 @p0 $0x3  }
0x236: {  	_ =	swait.ge @p0 [sflag:s3], $0xD80  }
0x237: {  	[sflag:s3] =	ssyncset.done @p0 $0x0  }
0x238: {  	[sflag:s3] =	ssyncadd.s32 @p0 $0xFFFFF280;
	s3 =	simm.s32 @!p0 $0x3  }
0x239: {  	[hbm:s17], [sflag:s10] =	dma.local @!p0 [spmem:s11], $0xD00  }
0x23a: {  	_ =	swait.ge @!p0 [sflag:s3], $0xD00  }
0x23b: {  	s8 =	sadd.s32 $0x1, s8;
	s23 =	rddreg [dreg:$0x10]  }
0x23c: {  	p5 =	sne.s32 s8, s23  }
.Ltmp11:
0x23d: {  	_ = 	snop;
	(pc) =	sbr.rel @p5 .LBB2_1-.Ltmp11, $3  }
0x23e: {  	_ =	sdelay $0x1  }
0x23f: {  	[sflag:s3] =	ssyncset.done @!p0 $0x0  }
0x240: {  	[sflag:s3] =	ssyncadd.s32 @!p0 $0xFFFFF300  }
0x241: {  	_ =	sfence.sel $0x180000  }
0x242: {  	[bflag:$0x0] =	sbarrier.arrive $0xFFFF  }
0x243: {  	_ =	strace $0x90000047  }
0x244: {  	[bflag:$0x2] =	sbarrier.arrive $0xFFFF  }
0x245: {  	p0 =	sne.s32 s1, $0x0;
	s0 =	rddreg [dreg:$0x2]  }
0x246: {  	s0 =	sadd.s32 @!p0 $0x100000, s0  }
0x247: {  	[sflag:s0] =	ssyncadd.tile.s32 @!p0 $0x1;
	_ =	shalt  }
.Lfunc_end2:
_tile_overlayer_lowered:
.L_overlay_start_2:
0x248: {  	(tag) =	ssettag $0x2  }
0x249: {  	s0 =	rddreg [dreg:$0x0];
	s2 =	stileid.u32  }
0x24a: {  	s1 =	rddreg [dreg:$0x1];
	p0 =	sne.s32 s2, $0x0  }
0x24b: {  	s3 =	rddreg [dreg:$0x2];
	[bflag:$0x3] =	sbarrier.arrive $0xFFFF;
	s2 =	simm.s32 @!p0 $0x1C03  }
0x24c: {  	[timem:s3], [sflag:s2] =	dma.local @!p0 [hbm:s0], s1  }
0x24d: {  	s0 =	simm.s32 @!p0 $0x3  }
0x24e: {  	_ =	swait.ge @!p0 [sflag:s0], s1  }
0x24f: {  	s1 =	ssub.s32 @!p0 $0x0, s1;
	[sflag:s0] =	ssyncset.done @!p0 $0x0  }
0x250: {  	[sflag:s0] =	ssyncadd.s32 @!p0 s1  }
0x251: {  	[bflag:$0x3] =	sbarrier.arrive $0xFFFF  }
0x252: {  	_ =	shalt  }

</sc_bundles>
